<compile_context>
chip_gen: v7x
topology: tpu7x:2x2x1
jax: 0.10.2.dev20260603
libtpu: 0.0.44.dev20260713+nightly
codegen_flags: <defaults>
</compile_context>

<pallas_src>
import functools

import jax
import jax.numpy as jnp
from jax import lax
from jax.experimental import pallas as pl
from jax.experimental.pallas import tpu as pltpu
from jax.experimental.pallas import tpu_sc as plsc

N = 10000
E = 320000
H = 128
C = 10
G = 64

NC = 2
NS = 16
K = 120
SUPER = 16
NSUP = 11
CHUNKS = SUPER * NSUP
E_PAD = NS * CHUNKS * K
NBUF = 3
SKEW = 2
ACC_ROWS = 10112
ZROWS = 632

BLK = 1000
NB = N // BLK


def _segsum_body(*refs):
    (xs_hbm, src_hbm, dst_hbm, zeros_hbm, out_hbm) = refs[:5]
    (idxs_v, idxd_v) = refs[5:7]
    rows = refs[7:7 + NBUF]
    acc = refs[7 + NBUF]
    gsem = refs[8 + NBUF:8 + 2 * NBUF]
    ssem = refs[8 + 2 * NBUF:8 + 3 * NBUF]
    c = lax.axis_index("c")
    t = lax.axis_index("s")
    pltpu.sync_copy(zeros_hbm, acc.at[pl.ds(t * ZROWS, ZROWS)])
    plsc.subcore_barrier()

    def superchunk(s, carry):
        pltpu.sync_copy(src_hbm.at[c, t, pl.ds(s * SUPER, SUPER)], idxs_v)
        pltpu.sync_copy(dst_hbm.at[c, t, pl.ds(s * SUPER, SUPER)], idxd_v)
        gd = [None] * NBUF
        sd = [None] * NBUF
        for jj in range(SUPER):
            b = jj % NBUF
            if sd[b] is not None:
                sd[b].wait()
            gd[b] = pltpu.async_copy(xs_hbm.at[idxs_v.at[jj]], rows[b], gsem[b])
            if jj >= SKEW:
                pb = (jj - SKEW) % NBUF
                gd[pb].wait()
                sd[pb] = pltpu.async_copy(rows[pb], acc.at[idxd_v.at[jj - SKEW]],
                                          ssem[pb], add=True)
        for jj in range(SUPER - SKEW, SUPER):
            pb = jj % NBUF
            gd[pb].wait()
            sd[pb] = pltpu.async_copy(rows[pb], acc.at[idxd_v.at[jj]],
                                      ssem[pb], add=True)
        for b in range(NBUF):
            if sd[b] is not None:
                sd[b].wait()
        return carry

    lax.fori_loop(0, NSUP, superchunk, 0)
    plsc.subcore_barrier()
    pltpu.sync_copy(acc.at[pl.ds(t * ZROWS, ZROWS)],
                    out_hbm.at[c, pl.ds(t * ZROWS, ZROWS)])


@functools.cache
def _make_segsum():
    return pl.kernel(
        _segsum_body,
        out_type=jax.ShapeDtypeStruct((NC, ACC_ROWS, H), jnp.float32),
        mesh=plsc.VectorSubcoreMesh(core_axis_name="c", subcore_axis_name="s",
                                    num_cores=NC, num_subcores=NS),
        scratch_types=[
            pltpu.VMEM((SUPER, K), jnp.int32),
            pltpu.VMEM((SUPER, K), jnp.int32),
        ] + [pltpu.VMEM((K, H), jnp.float32)] * NBUF + [
            pltpu.VMEM_SHARED((ACC_ROWS, H), jnp.float32),
        ] + [pltpu.SemaphoreType.DMA] * (2 * NBUF),
    )


def _mlp_body(agg_ref, h_ref, ep_ref, w1_ref, b1_ref, w2_ref, b2_ref,
              h2_ref, s1_ref, s2_ref):
    j = pl.program_id(1)
    out = agg_ref[0] + ep_ref[0] * h_ref[0]
    z = jnp.maximum(jnp.dot(out, w1_ref[0],
                            preferred_element_type=jnp.float32) + b1_ref[0], 0.0)
    z = jnp.maximum(jnp.dot(z, w2_ref[0],
                            preferred_element_type=jnp.float32) + b2_ref[0], 0.0)
    h2_ref[0] = z
    cs = jnp.sum(z, axis=0, keepdims=True)
    cq = jnp.sum(z * z, axis=0, keepdims=True)

    @pl.when(j == 0)
    def _():
        s1_ref[0] = cs
        s2_ref[0] = cq

    @pl.when(j > 0)
    def _():
        s1_ref[0] += cs
        s2_ref[0] += cq


_row = pl.BlockSpec((1, BLK, H), lambda i, j: (i, j, 0))
_per_ens = pl.BlockSpec((1, 1, H), lambda i, j: (i, 0, 0))
_wspec = pl.BlockSpec((1, H, H), lambda i, j: (i, 0, 0))

_mlp_call = pl.pallas_call(
    _mlp_body,
    grid=(NC, NB),
    in_specs=[_row, _row, _per_ens, _wspec, _per_ens, _wspec, _per_ens],
    out_specs=[_row, _per_ens, _per_ens],
    out_shape=[
        jax.ShapeDtypeStruct((NC, N, H), jnp.float32),
        jax.ShapeDtypeStruct((NC, 1, H), jnp.float32),
        jax.ShapeDtypeStruct((NC, 1, H), jnp.float32),
    ],
)


def _norm_body(h2_ref, s1_ref, s2_ref, g_ref, b_ref, o_ref):
    mu = s1_ref[0] * (1.0 / N)
    var = s2_ref[0] * (1.0 / N) - mu * mu
    inv = lax.rsqrt(var + 1e-5)
    o_ref[0] = jnp.maximum((h2_ref[0] - mu) * (inv * g_ref[0]) + b_ref[0], 0.0)


_norm_call = pl.pallas_call(
    _norm_body,
    grid=(NC, NB),
    in_specs=[_row, _per_ens, _per_ens, _per_ens, _per_ens],
    out_specs=_row,
    out_shape=jax.ShapeDtypeStruct((NC, N, H), jnp.float32),
)


def _pool_body(h2_ref, s1_ref, s2_ref, g_ref, b_ref, batch_ref,
               w1_ref, b1_ref, w2_ref, b2_ref, y_ref, pool_acc, cnt_acc):
    j = pl.program_id(1)
    mu = s1_ref[0] * (1.0 / N)
    var = s2_ref[0] * (1.0 / N) - mu * mu
    inv = lax.rsqrt(var + 1e-5)
    h = jnp.maximum((h2_ref[0] - mu) * (inv * g_ref[0]) + b_ref[0], 0.0)
    seg = batch_ref[0, 0, :]
    iota = lax.broadcasted_iota(jnp.int32, (G, BLK), 0)
    onehot = (iota == seg[None, :]).astype(jnp.float32)

    @pl.when(j == 0)
    def _():
        pool_acc[...] = jnp.zeros((G, H), jnp.float32)
        cnt_acc[...] = jnp.zeros((G, H), jnp.float32)

    pool_acc[...] += jnp.dot(onehot, h, preferred_element_type=jnp.float32)
    cnt_acc[...] += jnp.broadcast_to(
        jnp.sum(onehot, axis=1, keepdims=True), (G, H))

    @pl.when(j == NB - 1)
    def _():
        mean = pool_acc[...] / jnp.maximum(cnt_acc[...], 1.0)
        z = jnp.maximum(jnp.dot(mean, w1_ref[0],
                                preferred_element_type=jnp.float32) + b1_ref[0], 0.0)
        y_ref[0] = jnp.dot(z, w2_ref[0],
                           preferred_element_type=jnp.float32) + b2_ref[0]


_pool_call = pl.pallas_call(
    _pool_body,
    grid=(NC, NB),
    in_specs=[
        _row, _per_ens, _per_ens, _per_ens, _per_ens,
        pl.BlockSpec((1, 1, BLK), lambda i, j: (i * NB + j, 0, 0)),
        _wspec, _per_ens,
        pl.BlockSpec((1, H, C), lambda i, j: (i, 0, 0)),
        pl.BlockSpec((1, 1, C), lambda i, j: (i, 0, 0)),
    ],
    out_specs=pl.BlockSpec((1, G, C), lambda i, j: (i, 0, 0)),
    out_shape=jax.ShapeDtypeStruct((NC, G, C), jnp.float32),
    scratch_shapes=[
        pltpu.VMEM((G, H), jnp.float32),
        pltpu.VMEM((G, H), jnp.float32),
    ],
)


def _prep_edges(ei, ens):
    src = jnp.pad(ei[0], (0, E_PAD - E)) + ens * N
    dst = jnp.pad(ei[1], (0, E_PAD - E), constant_values=N)
    return (src.reshape(NS, CHUNKS, K).astype(jnp.int32),
            dst.reshape(NS, CHUNKS, K).astype(jnp.int32))


def _stack_mlp(ps):
    out = {}
    for k in ("W1", "b1", "W2", "b2", "gamma", "beta"):
        out[k] = jnp.stack([p[k] for p in ps])
    out["b1"] = out["b1"].reshape(NC, 1, H)
    out["b2"] = out["b2"].reshape(NC, 1, H)
    out["gamma"] = out["gamma"].reshape(NC, 1, H)
    out["beta"] = out["beta"].reshape(NC, 1, H)
    out["ep"] = jnp.broadcast_to(
        jnp.stack([1.0 + p["eps"] for p in ps]).reshape(NC, 1, 1), (NC, 1, H))
    return out


def kernel(x0, x1, edge_index0, edge_index1, batch0, batch1, params):
    xs = jnp.concatenate([x0, x1], axis=0)
    s0, d0 = _prep_edges(edge_index0, 0)
    s1, d1 = _prep_edges(edge_index1, 1)
    src_idx = jnp.stack([s0, s1])
    dst_idx = jnp.stack([d0, d1])
    zeros = jnp.zeros((ZROWS, H), jnp.float32)
    batch = jnp.stack([batch0, batch1]).reshape(NC * NB, 1, BLK)

    layer_ps = [
        _stack_mlp([params["conv1"][0], params["conv1"][1]]),
        _stack_mlp([params["convs"][0], params["convs"][0]]),
        _stack_mlp([params["convs"][1], params["convs"][1]]),
    ]

    h = xs
    h2 = cs = cq = None
    for l, p in enumerate(layer_ps):
        agg = _make_segsum()(h, src_idx, dst_idx, zeros)
        h2, cs, cq = _mlp_call(agg, h.reshape(NC, N, H), p["ep"],
                               p["W1"], p["b1"], p["W2"], p["b2"])
        if l < 2:
            h = _norm_call(h2, cs, cq, p["gamma"], p["beta"]).reshape(NC * N, H)

    p3 = layer_ps[2]
    lin1W = jnp.stack([params["lin1"][0]["W"], params["lin1"][1]["W"]])
    lin1b = jnp.stack([params["lin1"][0]["b"], params["lin1"][1]["b"]]).reshape(NC, 1, H)
    lin2W = jnp.stack([params["lin2"][0]["W"], params["lin2"][1]["W"]])
    lin2b = jnp.stack([params["lin2"][0]["b"], params["lin2"][1]["b"]]).reshape(NC, 1, C)
    y = _pool_call(h2, cs, cq, p3["gamma"], p3["beta"], batch,
                   lin1W, lin1b, lin2W, lin2b)
    return y

# --- scband reference (transcript-rebuilt; emitter-appended) ---
"""Pipeline reference for scband-mimo-gin-20040317403499 (READ-ONLY COPY).

The authoritative reference and input builder live on the scoring server;
editing this copy changes nothing except your own understanding.
"""

import jax, jax.numpy as jnp
import numpy as np

N = 10000
E = 320000
D_IN = 128
H = 128
C = 10
G = 64
NUM_LAYERS = 3
NUM_ENSEMBLE = 2


def _mlp_params(key, din, h):
    k1, k2 = jax.random.split(key)
    return {
        "W1": jax.random.normal(k1, (din, h), dtype=jnp.float32) * (1.0 / np.sqrt(din)),
        "b1": jnp.zeros((h,), jnp.float32),
        "W2": jax.random.normal(k2, (h, h), dtype=jnp.float32) * (1.0 / np.sqrt(h)),
        "b2": jnp.zeros((h,), jnp.float32),
        "gamma": jnp.ones((h,), jnp.float32),
        "beta": jnp.zeros((h,), jnp.float32),
        "eps": jnp.zeros((), jnp.float32),
    }


def setup_inputs(seed: int = 0):
    key = jax.random.key(seed)
    ks = jax.random.split(key, 20)
    x0 = jax.random.normal(ks[0], (N, D_IN), dtype=jnp.float32)
    x1 = jax.random.normal(ks[1], (N, D_IN), dtype=jnp.float32)
    edge_index0 = jax.random.randint(ks[2], (2, E), 0, N, dtype=jnp.int32)
    edge_index1 = jax.random.randint(ks[3], (2, E), 0, N, dtype=jnp.int32)
    batch0 = jnp.sort(jax.random.randint(ks[4], (N,), 0, G, dtype=jnp.int32))
    batch1 = jnp.sort(jax.random.randint(ks[5], (N,), 0, G, dtype=jnp.int32))
    params = {
        "conv1": [_mlp_params(ks[6 + i], D_IN, H) for i in range(NUM_ENSEMBLE)],
        "convs": [_mlp_params(ks[8 + i], H, H) for i in range(NUM_LAYERS - 1)],
        "lin1": [
            {
                "W": jax.random.normal(ks[10 + i], (H, H), dtype=jnp.float32) * (1.0 / np.sqrt(H)),
                "b": jnp.zeros((H,), jnp.float32),
            }
            for i in range(NUM_ENSEMBLE)
        ],
        "lin2": [
            {
                "W": jax.random.normal(ks[12 + i], (H, C), dtype=jnp.float32) * (1.0 / np.sqrt(H)),
                "b": jnp.zeros((C,), jnp.float32),
            }
            for i in range(NUM_ENSEMBLE)
        ],
    }
    return {
        "x0": x0,
        "x1": x1,
        "edge_index0": edge_index0,
        "edge_index1": edge_index1,
        "batch0": batch0,
        "batch1": batch1,
        "params": params,
    }


def _gin_conv(p, x, src, dst):
    # message + add-aggregate: sum_j x_j over incoming edges
    agg = jax.ops.segment_sum(x[src], dst, num_segments=x.shape[0])
    out = agg + (1.0 + p["eps"]) * x
    # nn = Linear -> ReLU -> Linear -> ReLU -> BatchNorm1d (batch stats)
    h = jax.nn.relu(out @ p["W1"] + p["b1"])
    h = jax.nn.relu(h @ p["W2"] + p["b2"])
    mu = jnp.mean(h, axis=0)
    var = jnp.var(h, axis=0)
    h = (h - mu) / jnp.sqrt(var + 1e-5) * p["gamma"] + p["beta"]
    return h


def _mean_pool(x, batch):
    s = jax.ops.segment_sum(x, batch, num_segments=G)
    cnt = jax.ops.segment_sum(jnp.ones((x.shape[0],), x.dtype), batch, num_segments=G)
    return s / jnp.clip(cnt, 1.0)[:, None]


def reference(x0, x1, edge_index0, edge_index1, batch0, batch1, params):
    ys = []
    for i, (x, ei, b) in enumerate([(x0, edge_index0, batch0), (x1, edge_index1, batch1)]):
        src, dst = ei[0], ei[1]
        h = jax.nn.relu(_gin_conv(params["conv1"][i], x, src, dst))
        for lp in params["convs"]:
            h = jax.nn.relu(_gin_conv(lp, h, src, dst))
        pooled = _mean_pool(h, b)
        z = jax.nn.relu(pooled @ params["lin1"][i]["W"] + params["lin1"][i]["b"])
        # dropout is identity in eval mode
        y = z @ params["lin2"][i]["W"] + params["lin2"][i]["b"]
        ys.append(y)
    return jnp.stack(ys, axis=0)

if __name__ == "__main__":
    import jax
    _d = setup_inputs()
    print(jax.jit(kernel)(*tuple(_d.values())))

</pallas_src>

<mosaic_0001>
#map = affine_map<(d0, d1) -> (0, 0)>
#map1 = affine_map<(d0, d1) -> (0, 0, 0, 0)>
#map2 = affine_map<(d0, d1) -> (0, 0, 0)>
module attributes {stable_mosaic.version = 14 : i64} {
  func.func @_segsum_body(%arg0: i32, %arg1: i32, %arg2: memref<20000x128xf32, #tpu.memory_space<hbm>>, %arg3: memref<2x16x176x120xi32, #tpu.memory_space<hbm>>, %arg4: memref<2x16x176x120xi32, #tpu.memory_space<hbm>>, %arg5: memref<632x128xf32, #tpu.memory_space<hbm>>, %arg6: memref<2x10112x128xf32, #tpu.memory_space<hbm>>, %arg7: memref<16x120xi32, #tpu.memory_space<vmem>>, %arg8: memref<16x120xi32, #tpu.memory_space<vmem>>, %arg9: memref<120x128xf32, #tpu.memory_space<vmem>>, %arg10: memref<120x128xf32, #tpu.memory_space<vmem>>, %arg11: memref<120x128xf32, #tpu.memory_space<vmem>>, %arg12: memref<10112x128xf32, #tpu.memory_space<vmem_shared>>, %arg13: memref<!tpu.dma_semaphore, #tpu.memory_space<semaphore_mem>>, %arg14: memref<!tpu.dma_semaphore, #tpu.memory_space<semaphore_mem>>, %arg15: memref<!tpu.dma_semaphore, #tpu.memory_space<semaphore_mem>>, %arg16: memref<!tpu.dma_semaphore, #tpu.memory_space<semaphore_mem>>, %arg17: memref<!tpu.dma_semaphore, #tpu.memory_space<semaphore_mem>>, %arg18: memref<!tpu.dma_semaphore, #tpu.memory_space<semaphore_mem>>) attributes {dimension_semantics = [#tpu.dimension_semantics<core_parallel>, #tpu.dimension_semantics<subcore_parallel>], iteration_bounds = array<i64: 2, 16>, scalar_prefetch = 0 : i64, scratch_operands = 12 : i64, tpu.core_type = #tpu.core_type<sc_vector_subcore>, window_params = [{transform_indices = #map}, {transform_indices = #map1}, {transform_indices = #map1}, {transform_indices = #map}, {transform_indices = #map2}]} {
    %mul3A = arith.constant 632 : i32
    %mul3A_0 = arith.muli %arg1, %mul3A : i32
    "tpu.region"() ({
      %run_scoped3A = tpu.sem_alloc : memref<!tpu.dma_semaphore, #tpu.memory_space<semaphore_mem>>
      %dma_start3A = arith.constant 0 : i32
      %dma_start3A_11 = tpu.memref_slice %arg12[%mul3A_0, %dma_start3A] : memref<10112x128xf32, #tpu.memory_space<vmem_shared>> -> memref<632x128xf32, #tpu.memory_space<vmem_shared>>
      tpu.enqueue_dma source(%arg5 : memref<632x128xf32, #tpu.memory_space<hbm>>) target(%dma_start3A_11 : memref<632x128xf32, #tpu.memory_space<vmem_shared>>) target_semaphore(%run_scoped3A : memref<!tpu.dma_semaphore, #tpu.memory_space<semaphore_mem>>)
      %dma_wait3A = arith.constant 0 : i32
      %dma_wait3A_12 = tpu.memref_slice %arg12[%mul3A_0, %dma_wait3A] : memref<10112x128xf32, #tpu.memory_space<vmem_shared>> -> memref<632x128xf32, #tpu.memory_space<vmem_shared>>
      tpu.wait_dma2 semaphore(%run_scoped3A : memref<!tpu.dma_semaphore, #tpu.memory_space<semaphore_mem>>) src(%arg5 : memref<632x128xf32, #tpu.memory_space<hbm>>) dst(%dma_wait3A_12 : memref<632x128xf32, #tpu.memory_space<vmem_shared>>)
      tpu.yield
    }) : () -> ()
    %barrier3A = arith.constant 0 : index
    tpu.barrier barrier_id(%barrier3A)
    %scan3A = arith.constant 0 : i32
    %scan3A_1 = arith.constant 0 : i32
    %scan3A_2 = arith.constant 11 : i32
    %scan3A_3 = arith.addi %scan3A_1, %scan3A_2 : i32
    %scan3A_4 = arith.constant 1 : i32
    scf.for %scan3A_11 = %scan3A_1 to %scan3A_3 step %scan3A_4  : i32 {
      %mul3A_12 = arith.constant 16 : i32
      %mul3A_13 = arith.muli %scan3A_11, %mul3A_12 : i32
      "tpu.region"() ({
        %run_scoped3A = tpu.sem_alloc : memref<!tpu.dma_semaphore, #tpu.memory_space<semaphore_mem>>
        %dma_start3A_462 = arith.constant 0 : i32
        %dma_start3A_463 = tpu.memref_slice %arg3[%arg0, %arg1, %mul3A_13, %dma_start3A_462] : memref<2x16x176x120xi32, #tpu.memory_space<hbm>> -> memref<1x1x16x120xi32, #tpu.memory_space<hbm>>
        %dma_start3A_464 = tpu.memref_squeeze %dma_start3A_463 : memref<1x1x16x120xi32, #tpu.memory_space<hbm>> -> memref<16x120xi32, #tpu.memory_space<hbm>>
        %dma_start3A_465 = arith.constant 0 : i32
        %dma_start3A_466 = tpu.memref_slice %arg3[%arg0, %arg1, %mul3A_13, %dma_start3A_465] : memref<2x16x176x120xi32, #tpu.memory_space<hbm>> -> memref<1x1x16x120xi32, #tpu.memory_space<hbm>>
        %dma_start3A_467 = tpu.memref_squeeze %dma_start3A_466 : memref<1x1x16x120xi32, #tpu.memory_space<hbm>> -> memref<16x120xi32, #tpu.memory_space<hbm>>
        tpu.enqueue_dma source(%dma_start3A_467 : memref<16x120xi32, #tpu.memory_space<hbm>>) target(%arg7 : memref<16x120xi32, #tpu.memory_space<vmem>>) target_semaphore(%run_scoped3A : memref<!tpu.dma_semaphore, #tpu.memory_space<semaphore_mem>>)
        %dma_wait3A_468 = arith.constant 0 : i32
        %dma_wait3A_469 = tpu.memref_slice %arg3[%arg0, %arg1, %mul3A_13, %dma_wait3A_468] : memref<2x16x176x120xi32, #tpu.memory_space<hbm>> -> memref<1x1x16x120xi32, #tpu.memory_space<hbm>>
        %dma_wait3A_470 = tpu.memref_squeeze %dma_wait3A_469 : memref<1x1x16x120xi32, #tpu.memory_space<hbm>> -> memref<16x120xi32, #tpu.memory_space<hbm>>
        %dma_wait3A_471 = arith.constant 0 : i32
        %dma_wait3A_472 = tpu.memref_slice %arg3[%arg0, %arg1, %mul3A_13, %dma_wait3A_471] : memref<2x16x176x120xi32, #tpu.memory_space<hbm>> -> memref<1x1x16x120xi32, #tpu.memory_space<hbm>>
        %dma_wait3A_473 = tpu.memref_squeeze %dma_wait3A_472 : memref<1x1x16x120xi32, #tpu.memory_space<hbm>> -> memref<16x120xi32, #tpu.memory_space<hbm>>
        tpu.wait_dma2 semaphore(%run_scoped3A : memref<!tpu.dma_semaphore, #tpu.memory_space<semaphore_mem>>) src(%dma_wait3A_473 : memref<16x120xi32, #tpu.memory_space<hbm>>) dst(%arg7 : memref<16x120xi32, #tpu.memory_space<vmem>>)
        tpu.yield
      }) : () -> ()
      %mul3A_14 = arith.constant 16 : i32
      %mul3A_15 = arith.muli %scan3A_11, %mul3A_14 : i32
      "tpu.region"() ({
        %run_scoped3A = tpu.sem_alloc : memref<!tpu.dma_semaphore, #tpu.memory_space<semaphore_mem>>
        %dma_start3A_462 = arith.constant 0 : i32
        %dma_start3A_463 = tpu.memref_slice %arg4[%arg0, %arg1, %mul3A_15, %dma_start3A_462] : memref<2x16x176x120xi32, #tpu.memory_space<hbm>> -> memref<1x1x16x120xi32, #tpu.memory_space<hbm>>
        %dma_start3A_464 = tpu.memref_squeeze %dma_start3A_463 : memref<1x1x16x120xi32, #tpu.memory_space<hbm>> -> memref<16x120xi32, #tpu.memory_space<hbm>>
        %dma_start3A_465 = arith.constant 0 : i32
        %dma_start3A_466 = tpu.memref_slice %arg4[%arg0, %arg1, %mul3A_15, %dma_start3A_465] : memref<2x16x176x120xi32, #tpu.memory_space<hbm>> -> memref<1x1x16x120xi32, #tpu.memory_space<hbm>>
        %dma_start3A_467 = tpu.memref_squeeze %dma_start3A_466 : memref<1x1x16x120xi32, #tpu.memory_space<hbm>> -> memref<16x120xi32, #tpu.memory_space<hbm>>
        tpu.enqueue_dma source(%dma_start3A_467 : memref<16x120xi32, #tpu.memory_space<hbm>>) target(%arg8 : memref<16x120xi32, #tpu.memory_space<vmem>>) target_semaphore(%run_scoped3A : memref<!tpu.dma_semaphore, #tpu.memory_space<semaphore_mem>>)
        %dma_wait3A_468 = arith.constant 0 : i32
        %dma_wait3A_469 = tpu.memref_slice %arg4[%arg0, %arg1, %mul3A_15, %dma_wait3A_468] : memref<2x16x176x120xi32, #tpu.memory_space<hbm>> -> memref<1x1x16x120xi32, #tpu.memory_space<hbm>>
        %dma_wait3A_470 = tpu.memref_squeeze %dma_wait3A_469 : memref<1x1x16x120xi32, #tpu.memory_space<hbm>> -> memref<16x120xi32, #tpu.memory_space<hbm>>
        %dma_wait3A_471 = arith.constant 0 : i32
        %dma_wait3A_472 = tpu.memref_slice %arg4[%arg0, %arg1, %mul3A_15, %dma_wait3A_471] : memref<2x16x176x120xi32, #tpu.memory_space<hbm>> -> memref<1x1x16x120xi32, #tpu.memory_space<hbm>>
        %dma_wait3A_473 = tpu.memref_squeeze %dma_wait3A_472 : memref<1x1x16x120xi32, #tpu.memory_space<hbm>> -> memref<16x120xi32, #tpu.memory_space<hbm>>
        tpu.wait_dma2 semaphore(%run_scoped3A : memref<!tpu.dma_semaphore, #tpu.memory_space<semaphore_mem>>) src(%dma_wait3A_473 : memref<16x120xi32, #tpu.memory_space<hbm>>) dst(%arg8 : memref<16x120xi32, #tpu.memory_space<vmem>>)
        tpu.yield
      }) : () -> ()
      %dma_start3A = arith.constant 0 : i32
      %dma_start3A_16 = arith.constant 0 : i32
      %dma_start3A_17 = tpu.memref_slice %arg7[%dma_start3A, %dma_start3A_16] : memref<16x120xi32, #tpu.memory_space<vmem>> -> memref<1x120xi32, #tpu.memory_space<vmem>>
      %dma_start3A_18 = tpu.memref_squeeze %dma_start3A_17 : memref<1x120xi32, #tpu.memory_space<vmem>> -> memref<120xi32, #tpu.memory_space<vmem>>
      %dma_start3A_19 = arith.constant 0 : i32
      %dma_start3A_20 = arith.constant 0 : i32
      %dma_start3A_21 = tpu.memref_slice %arg2[%dma_start3A_19, %dma_start3A_20] : memref<20000x128xf32, #tpu.memory_space<hbm>> -> memref<20000x128xf32, #tpu.memory_space<hbm>>
      tpu.enqueue_indirect_dma source(%dma_start3A_21 : memref<20000x128xf32, #tpu.memory_space<hbm>>) target(%arg9 : memref<120x128xf32, #tpu.memory_space<vmem>>) offsets(%dma_start3A_18 : memref<120xi32, #tpu.memory_space<vmem>>) semaphore(%arg13 : memref<!tpu.dma_semaphore, #tpu.memory_space<semaphore_mem>>)
      %dma_start3A_22 = arith.constant 1 : i32
      %dma_start3A_23 = arith.constant 0 : i32
      %dma_start3A_24 = tpu.memref_slice %arg7[%dma_start3A_22, %dma_start3A_23] : memref<16x120xi32, #tpu.memory_space<vmem>> -> memref<1x120xi32, #tpu.memory_space<vmem>>
      %dma_start3A_25 = tpu.memref_squeeze %dma_start3A_24 : memref<1x120xi32, #tpu.memory_space<vmem>> -> memref<120xi32, #tpu.memory_space<vmem>>
      %dma_start3A_26 = arith.constant 0 : i32
      %dma_start3A_27 = arith.constant 0 : i32
      %dma_start3A_28 = tpu.memref_slice %arg2[%dma_start3A_26, %dma_start3A_27] : memref<20000x128xf32, #tpu.memory_space<hbm>> -> memref<20000x128xf32, #tpu.memory_space<hbm>>
      tpu.enqueue_indirect_dma source(%dma_start3A_28 : memref<20000x128xf32, #tpu.memory_space<hbm>>) target(%arg10 : memref<120x128xf32, #tpu.memory_space<vmem>>) offsets(%dma_start3A_25 : memref<120xi32, #tpu.memory_space<vmem>>) semaphore(%arg14 : memref<!tpu.dma_semaphore, #tpu.memory_space<semaphore_mem>>)
      %dma_start3A_29 = arith.constant 2 : i32
      %dma_start3A_30 = arith.constant 0 : i32
      %dma_start3A_31 = tpu.memref_slice %arg7[%dma_start3A_29, %dma_start3A_30] : memref<16x120xi32, #tpu.memory_space<vmem>> -> memref<1x120xi32, #tpu.memory_space<vmem>>
      %dma_start3A_32 = tpu.memref_squeeze %dma_start3A_31 : memref<1x120xi32, #tpu.memory_space<vmem>> -> memref<120xi32, #tpu.memory_space<vmem>>
      %dma_start3A_33 = arith.constant 0 : i32
      %dma_start3A_34 = arith.constant 0 : i32
      %dma_start3A_35 = tpu.memref_slice %arg2[%dma_start3A_33, %dma_start3A_34] : memref<20000x128xf32, #tpu.memory_space<hbm>> -> memref<20000x128xf32, #tpu.memory_space<hbm>>
      tpu.enqueue_indirect_dma source(%dma_start3A_35 : memref<20000x128xf32, #tpu.memory_space<hbm>>) target(%arg11 : memref<120x128xf32, #tpu.memory_space<vmem>>) offsets(%dma_start3A_32 : memref<120xi32, #tpu.memory_space<vmem>>) semaphore(%arg15 : memref<!tpu.dma_semaphore, #tpu.memory_space<semaphore_mem>>)
      %dma_wait3A = arith.constant 0 : i32
      %dma_wait3A_36 = arith.constant 0 : i32
      %dma_wait3A_37 = tpu.memref_slice %arg7[%dma_wait3A, %dma_wait3A_36] : memref<16x120xi32, #tpu.memory_space<vmem>> -> memref<1x120xi32, #tpu.memory_space<vmem>>
      %dma_wait3A_38 = tpu.memref_squeeze %dma_wait3A_37 : memref<1x120xi32, #tpu.memory_space<vmem>> -> memref<120xi32, #tpu.memory_space<vmem>>
      %dma_wait3A_39 = arith.constant 0 : i32
      %dma_wait3A_40 = arith.constant 0 : i32
      %dma_wait3A_41 = tpu.memref_slice %arg2[%dma_wait3A_39, %dma_wait3A_40] : memref<20000x128xf32, #tpu.memory_space<hbm>> -> memref<20000x128xf32, #tpu.memory_space<hbm>>
      tpu.wait_indirect_dma semaphore(%arg13 : memref<!tpu.dma_semaphore, #tpu.memory_space<semaphore_mem>>) src(%dma_wait3A_41 : memref<20000x128xf32, #tpu.memory_space<hbm>>) dst(%arg9 : memref<120x128xf32, #tpu.memory_space<vmem>>)
      %dma_start3A_42 = arith.constant 0 : i32
      %dma_start3A_43 = arith.constant 0 : i32
      %dma_start3A_44 = tpu.memref_slice %arg8[%dma_start3A_42, %dma_start3A_43] : memref<16x120xi32, #tpu.memory_space<vmem>> -> memref<1x120xi32, #tpu.memory_space<vmem>>
      %dma_start3A_45 = tpu.memref_squeeze %dma_start3A_44 : memref<1x120xi32, #tpu.memory_space<vmem>> -> memref<120xi32, #tpu.memory_space<vmem>>
      %dma_start3A_46 = arith.constant 0 : i32
      %dma_start3A_47 = arith.constant 0 : i32
      %dma_start3A_48 = tpu.memref_slice %arg12[%dma_start3A_46, %dma_start3A_47] : memref<10112x128xf32, #tpu.memory_space<vmem_shared>> -> memref<10112x128xf32, #tpu.memory_space<vmem_shared>>
      tpu.enqueue_indirect_dma source(%arg9 : memref<120x128xf32, #tpu.memory_space<vmem>>) target(%dma_start3A_48 : memref<10112x128xf32, #tpu.memory_space<vmem_shared>>) offsets(%dma_start3A_45 : memref<120xi32, #tpu.memory_space<vmem>>) semaphore(%arg16 : memref<!tpu.dma_semaphore, #tpu.memory_space<semaphore_mem>>) {add = true}
      %dma_wait3A_49 = arith.constant 0 : i32
      %dma_wait3A_50 = arith.constant 0 : i32
      %dma_wait3A_51 = tpu.memref_slice %arg8[%dma_wait3A_49, %dma_wait3A_50] : memref<16x120xi32, #tpu.memory_space<vmem>> -> memref<1x120xi32, #tpu.memory_space<vmem>>
      %dma_wait3A_52 = tpu.memref_squeeze %dma_wait3A_51 : memref<1x120xi32, #tpu.memory_space<vmem>> -> memref<120xi32, #tpu.memory_space<vmem>>
      %dma_wait3A_53 = arith.constant 0 : i32
      %dma_wait3A_54 = arith.constant 0 : i32
      %dma_wait3A_55 = tpu.memref_slice %arg12[%dma_wait3A_53, %dma_wait3A_54] : memref<10112x128xf32, #tpu.memory_space<vmem_shared>> -> memref<10112x128xf32, #tpu.memory_space<vmem_shared>>
      tpu.wait_indirect_dma semaphore(%arg16 : memref<!tpu.dma_semaphore, #tpu.memory_space<semaphore_mem>>) src(%arg9 : memref<120x128xf32, #tpu.memory_space<vmem>>) dst(%dma_wait3A_55 : memref<10112x128xf32, #tpu.memory_space<vmem_shared>>)
      %dma_start3A_56 = arith.constant 3 : i32
      %dma_start3A_57 = arith.constant 0 : i32
      %dma_start3A_58 = tpu.memref_slice %arg7[%dma_start3A_56, %dma_start3A_57] : memref<16x120xi32, #tpu.memory_space<vmem>> -> memref<1x120xi32, #tpu.memory_space<vmem>>
      %dma_start3A_59 = tpu.memref_squeeze %dma_start3A_58 : memref<1x120xi32, #tpu.memory_space<vmem>> -> memref<120xi32, #tpu.memory_space<vmem>>
      %dma_start3A_60 = arith.constant 0 : i32
      %dma_start3A_61 = arith.constant 0 : i32
      %dma_start3A_62 = tpu.memref_slice %arg2[%dma_start3A_60, %dma_start3A_61] : memref<20000x128xf32, #tpu.memory_space<hbm>> -> memref<20000x128xf32, #tpu.memory_space<hbm>>
      tpu.enqueue_indirect_dma source(%dma_start3A_62 : memref<20000x128xf32, #tpu.memory_space<hbm>>) target(%arg9 : memref<120x128xf32, #tpu.memory_space<vmem>>) offsets(%dma_start3A_59 : memref<120xi32, #tpu.memory_space<vmem>>) semaphore(%arg13 : memref<!tpu.dma_semaphore, #tpu.memory_space<semaphore_mem>>)
      %dma_wait3A_63 = arith.constant 1 : i32
      %dma_wait3A_64 = arith.constant 0 : i32
      %dma_wait3A_65 = tpu.memref_slice %arg7[%dma_wait3A_63, %dma_wait3A_64] : memref<16x120xi32, #tpu.memory_space<vmem>> -> memref<1x120xi32, #tpu.memory_space<vmem>>
      %dma_wait3A_66 = tpu.memref_squeeze %dma_wait3A_65 : memref<1x120xi32, #tpu.memory_space<vmem>> -> memref<120xi32, #tpu.memory_space<vmem>>
      %dma_wait3A_67 = arith.constant 0 : i32
      %dma_wait3A_68 = arith.constant 0 : i32
      %dma_wait3A_69 = tpu.memref_slice %arg2[%dma_wait3A_67, %dma_wait3A_68] : memref<20000x128xf32, #tpu.memory_space<hbm>> -> memref<20000x128xf32, #tpu.memory_space<hbm>>
      tpu.wait_indirect_dma semaphore(%arg14 : memref<!tpu.dma_semaphore, #tpu.memory_space<semaphore_mem>>) src(%dma_wait3A_69 : memref<20000x128xf32, #tpu.memory_space<hbm>>) dst(%arg10 : memref<120x128xf32, #tpu.memory_space<vmem>>)
      %dma_start3A_70 = arith.constant 1 : i32
      %dma_start3A_71 = arith.constant 0 : i32
      %dma_start3A_72 = tpu.memref_slice %arg8[%dma_start3A_70, %dma_start3A_71] : memref<16x120xi32, #tpu.memory_space<vmem>> -> memref<1x120xi32, #tpu.memory_space<vmem>>
      %dma_start3A_73 = tpu.memref_squeeze %dma_start3A_72 : memref<1x120xi32, #tpu.memory_space<vmem>> -> memref<120xi32, #tpu.memory_space<vmem>>
      %dma_start3A_74 = arith.constant 0 : i32
      %dma_start3A_75 = arith.constant 0 : i32
      %dma_start3A_76 = tpu.memref_slice %arg12[%dma_start3A_74, %dma_start3A_75] : memref<10112x128xf32, #tpu.memory_space<vmem_shared>> -> memref<10112x128xf32, #tpu.memory_space<vmem_shared>>
      tpu.enqueue_indirect_dma source(%arg10 : memref<120x128xf32, #tpu.memory_space<vmem>>) target(%dma_start3A_76 : memref<10112x128xf32, #tpu.memory_space<vmem_shared>>) offsets(%dma_start3A_73 : memref<120xi32, #tpu.memory_space<vmem>>) semaphore(%arg17 : memref<!tpu.dma_semaphore, #tpu.memory_space<semaphore_mem>>) {add = true}
      %dma_wait3A_77 = arith.constant 1 : i32
      %dma_wait3A_78 = arith.constant 0 : i32
      %dma_wait3A_79 = tpu.memref_slice %arg8[%dma_wait3A_77, %dma_wait3A_78] : memref<16x120xi32, #tpu.memory_space<vmem>> -> memref<1x120xi32, #tpu.memory_space<vmem>>
      %dma_wait3A_80 = tpu.memref_squeeze %dma_wait3A_79 : memref<1x120xi32, #tpu.memory_space<vmem>> -> memref<120xi32, #tpu.memory_space<vmem>>
      %dma_wait3A_81 = arith.constant 0 : i32
      %dma_wait3A_82 = arith.constant 0 : i32
      %dma_wait3A_83 = tpu.memref_slice %arg12[%dma_wait3A_81, %dma_wait3A_82] : memref<10112x128xf32, #tpu.memory_space<vmem_shared>> -> memref<10112x128xf32, #tpu.memory_space<vmem_shared>>
      tpu.wait_indirect_dma semaphore(%arg17 : memref<!tpu.dma_semaphore, #tpu.memory_space<semaphore_mem>>) src(%arg10 : memref<120x128xf32, #tpu.memory_space<vmem>>) dst(%dma_wait3A_83 : memref<10112x128xf32, #tpu.memory_space<vmem_shared>>)
      %dma_start3A_84 = arith.constant 4 : i32
      %dma_start3A_85 = arith.constant 0 : i32
      %dma_start3A_86 = tpu.memref_slice %arg7[%dma_start3A_84, %dma_start3A_85] : memref<16x120xi32, #tpu.memory_space<vmem>> -> memref<1x120xi32, #tpu.memory_space<vmem>>
      %dma_start3A_87 = tpu.memref_squeeze %dma_start3A_86 : memref<1x120xi32, #tpu.memory_space<vmem>> -> memref<120xi32, #tpu.memory_space<vmem>>
      %dma_start3A_88 = arith.constant 0 : i32
      %dma_start3A_89 = arith.constant 0 : i32
      %dma_start3A_90 = tpu.memref_slice %arg2[%dma_start3A_88, %dma_start3A_89] : memref<20000x128xf32, #tpu.memory_space<hbm>> -> memref<20000x128xf32, #tpu.memory_space<hbm>>
      tpu.enqueue_indirect_dma source(%dma_start3A_90 : memref<20000x128xf32, #tpu.memory_space<hbm>>) target(%arg10 : memref<120x128xf32, #tpu.memory_space<vmem>>) offsets(%dma_start3A_87 : memref<120xi32, #tpu.memory_space<vmem>>) semaphore(%arg14 : memref<!tpu.dma_semaphore, #tpu.memory_space<semaphore_mem>>)
      %dma_wait3A_91 = arith.constant 2 : i32
      %dma_wait3A_92 = arith.constant 0 : i32
      %dma_wait3A_93 = tpu.memref_slice %arg7[%dma_wait3A_91, %dma_wait3A_92] : memref<16x120xi32, #tpu.memory_space<vmem>> -> memref<1x120xi32, #tpu.memory_space<vmem>>
      %dma_wait3A_94 = tpu.memref_squeeze %dma_wait3A_93 : memref<1x120xi32, #tpu.memory_space<vmem>> -> memref<120xi32, #tpu.memory_space<vmem>>
      %dma_wait3A_95 = arith.constant 0 : i32
      %dma_wait3A_96 = arith.constant 0 : i32
      %dma_wait3A_97 = tpu.memref_slice %arg2[%dma_wait3A_95, %dma_wait3A_96] : memref<20000x128xf32, #tpu.memory_space<hbm>> -> memref<20000x128xf32, #tpu.memory_space<hbm>>
      tpu.wait_indirect_dma semaphore(%arg15 : memref<!tpu.dma_semaphore, #tpu.memory_space<semaphore_mem>>) src(%dma_wait3A_97 : memref<20000x128xf32, #tpu.memory_space<hbm>>) dst(%arg11 : memref<120x128xf32, #tpu.memory_space<vmem>>)
      %dma_start3A_98 = arith.constant 2 : i32
      %dma_start3A_99 = arith.constant 0 : i32
      %dma_start3A_100 = tpu.memref_slice %arg8[%dma_start3A_98, %dma_start3A_99] : memref<16x120xi32, #tpu.memory_space<vmem>> -> memref<1x120xi32, #tpu.memory_space<vmem>>
      %dma_start3A_101 = tpu.memref_squeeze %dma_start3A_100 : memref<1x120xi32, #tpu.memory_space<vmem>> -> memref<120xi32, #tpu.memory_space<vmem>>
      %dma_start3A_102 = arith.constant 0 : i32
      %dma_start3A_103 = arith.constant 0 : i32
      %dma_start3A_104 = tpu.memref_slice %arg12[%dma_start3A_102, %dma_start3A_103] : memref<10112x128xf32, #tpu.memory_space<vmem_shared>> -> memref<10112x128xf32, #tpu.memory_space<vmem_shared>>
      tpu.enqueue_indirect_dma source(%arg11 : memref<120x128xf32, #tpu.memory_space<vmem>>) target(%dma_start3A_104 : memref<10112x128xf32, #tpu.memory_space<vmem_shared>>) offsets(%dma_start3A_101 : memref<120xi32, #tpu.memory_space<vmem>>) semaphore(%arg18 : memref<!tpu.dma_semaphore, #tpu.memory_space<semaphore_mem>>) {add = true}
      %dma_wait3A_105 = arith.constant 2 : i32
      %dma_wait3A_106 = arith.constant 0 : i32
      %dma_wait3A_107 = tpu.memref_slice %arg8[%dma_wait3A_105, %dma_wait3A_106] : memref<16x120xi32, #tpu.memory_space<vmem>> -> memref<1x120xi32, #tpu.memory_space<vmem>>
      %dma_wait3A_108 = tpu.memref_squeeze %dma_wait3A_107 : memref<1x120xi32, #tpu.memory_space<vmem>> -> memref<120xi32, #tpu.memory_space<vmem>>
      %dma_wait3A_109 = arith.constant 0 : i32
      %dma_wait3A_110 = arith.constant 0 : i32
      %dma_wait3A_111 = tpu.memref_slice %arg12[%dma_wait3A_109, %dma_wait3A_110] : memref<10112x128xf32, #tpu.memory_space<vmem_shared>> -> memref<10112x128xf32, #tpu.memory_space<vmem_shared>>
      tpu.wait_indirect_dma semaphore(%arg18 : memref<!tpu.dma_semaphore, #tpu.memory_space<semaphore_mem>>) src(%arg11 : memref<120x128xf32, #tpu.memory_space<vmem>>) dst(%dma_wait3A_111 : memref<10112x128xf32, #tpu.memory_space<vmem_shared>>)
      %dma_start3A_112 = arith.constant 5 : i32
      %dma_start3A_113 = arith.constant 0 : i32
      %dma_start3A_114 = tpu.memref_slice %arg7[%dma_start3A_112, %dma_start3A_113] : memref<16x120xi32, #tpu.memory_space<vmem>> -> memref<1x120xi32, #tpu.memory_space<vmem>>
      %dma_start3A_115 = tpu.memref_squeeze %dma_start3A_114 : memref<1x120xi32, #tpu.memory_space<vmem>> -> memref<120xi32, #tpu.memory_space<vmem>>
      %dma_start3A_116 = arith.constant 0 : i32
      %dma_start3A_117 = arith.constant 0 : i32
      %dma_start3A_118 = tpu.memref_slice %arg2[%dma_start3A_116, %dma_start3A_117] : memref<20000x128xf32, #tpu.memory_space<hbm>> -> memref<20000x128xf32, #tpu.memory_space<hbm>>
      tpu.enqueue_indirect_dma source(%dma_start3A_118 : memref<20000x128xf32, #tpu.memory_space<hbm>>) target(%arg11 : memref<120x128xf32, #tpu.memory_space<vmem>>) offsets(%dma_start3A_115 : memref<120xi32, #tpu.memory_space<vmem>>) semaphore(%arg15 : memref<!tpu.dma_semaphore, #tpu.memory_space<semaphore_mem>>)
      %dma_wait3A_119 = arith.constant 3 : i32
      %dma_wait3A_120 = arith.constant 0 : i32
      %dma_wait3A_121 = tpu.memref_slice %arg7[%dma_wait3A_119, %dma_wait3A_120] : memref<16x120xi32, #tpu.memory_space<vmem>> -> memref<1x120xi32, #tpu.memory_space<vmem>>
      %dma_wait3A_122 = tpu.memref_squeeze %dma_wait3A_121 : memref<1x120xi32, #tpu.memory_space<vmem>> -> memref<120xi32, #tpu.memory_space<vmem>>
      %dma_wait3A_123 = arith.constant 0 : i32
      %dma_wait3A_124 = arith.constant 0 : i32
      %dma_wait3A_125 = tpu.memref_slice %arg2[%dma_wait3A_123, %dma_wait3A_124] : memref<20000x128xf32, #tpu.memory_space<hbm>> -> memref<20000x128xf32, #tpu.memory_space<hbm>>
      tpu.wait_indirect_dma semaphore(%arg13 : memref<!tpu.dma_semaphore, #tpu.memory_space<semaphore_mem>>) src(%dma_wait3A_125 : memref<20000x128xf32, #tpu.memory_space<hbm>>) dst(%arg9 : memref<120x128xf32, #tpu.memory_space<vmem>>)
      %dma_start3A_126 = arith.constant 3 : i32
      %dma_start3A_127 = arith.constant 0 : i32
      %dma_start3A_128 = tpu.memref_slice %arg8[%dma_start3A_126, %dma_start3A_127] : memref<16x120xi32, #tpu.memory_space<vmem>> -> memref<1x120xi32, #tpu.memory_space<vmem>>
      %dma_start3A_129 = tpu.memref_squeeze %dma_start3A_128 : memref<1x120xi32, #tpu.memory_space<vmem>> -> memref<120xi32, #tpu.memory_space<vmem>>
      %dma_start3A_130 = arith.constant 0 : i32
      %dma_start3A_131 = arith.constant 0 : i32
      %dma_start3A_132 = tpu.memref_slice %arg12[%dma_start3A_130, %dma_start3A_131] : memref<10112x128xf32, #tpu.memory_space<vmem_shared>> -> memref<10112x128xf32, #tpu.memory_space<vmem_shared>>
      tpu.enqueue_indirect_dma source(%arg9 : memref<120x128xf32, #tpu.memory_space<vmem>>) target(%dma_start3A_132 : memref<10112x128xf32, #tpu.memory_space<vmem_shared>>) offsets(%dma_start3A_129 : memref<120xi32, #tpu.memory_space<vmem>>) semaphore(%arg16 : memref<!tpu.dma_semaphore, #tpu.memory_space<semaphore_mem>>) {add = true}
      %dma_wait3A_133 = arith.constant 3 : i32
      %dma_wait3A_134 = arith.constant 0 : i32
      %dma_wait3A_135 = tpu.memref_slice %arg8[%dma_wait3A_133, %dma_wait3A_134] : memref<16x120xi32, #tpu.memory_space<vmem>> -> memref<1x120xi32, #tpu.memory_space<vmem>>
      %dma_wait3A_136 = tpu.memref_squeeze %dma_wait3A_135 : memref<1x120xi32, #tpu.memory_space<vmem>> -> memref<120xi32, #tpu.memory_space<vmem>>
      %dma_wait3A_137 = arith.constant 0 : i32
      %dma_wait3A_138 = arith.constant 0 : i32
      %dma_wait3A_139 = tpu.memref_slice %arg12[%dma_wait3A_137, %dma_wait3A_138] : memref<10112x128xf32, #tpu.memory_space<vmem_shared>> -> memref<10112x128xf32, #tpu.memory_space<vmem_shared>>
      tpu.wait_indirect_dma semaphore(%arg16 : memref<!tpu.dma_semaphore, #tpu.memory_space<semaphore_mem>>) src(%arg9 : memref<120x128xf32, #tpu.memory_space<vmem>>) dst(%dma_wait3A_139 : memref<10112x128xf32, #tpu.memory_space<vmem_shared>>)
      %dma_start3A_140 = arith.constant 6 : i32
      %dma_start3A_141 = arith.constant 0 : i32
      %dma_start3A_142 = tpu.memref_slice %arg7[%dma_start3A_140, %dma_start3A_141] : memref<16x120xi32, #tpu.memory_space<vmem>> -> memref<1x120xi32, #tpu.memory_space<vmem>>
      %dma_start3A_143 = tpu.memref_squeeze %dma_start3A_142 : memref<1x120xi32, #tpu.memory_space<vmem>> -> memref<120xi32, #tpu.memory_space<vmem>>
      %dma_start3A_144 = arith.constant 0 : i32
      %dma_start3A_145 = arith.constant 0 : i32
      %dma_start3A_146 = tpu.memref_slice %arg2[%dma_start3A_144, %dma_start3A_145] : memref<20000x128xf32, #tpu.memory_space<hbm>> -> memref<20000x128xf32, #tpu.memory_space<hbm>>
      tpu.enqueue_indirect_dma source(%dma_start3A_146 : memref<20000x128xf32, #tpu.memory_space<hbm>>) target(%arg9 : memref<120x128xf32, #tpu.memory_space<vmem>>) offsets(%dma_start3A_143 : memref<120xi32, #tpu.memory_space<vmem>>) semaphore(%arg13 : memref<!tpu.dma_semaphore, #tpu.memory_space<semaphore_mem>>)
      %dma_wait3A_147 = arith.constant 4 : i32
      %dma_wait3A_148 = arith.constant 0 : i32
      %dma_wait3A_149 = tpu.memref_slice %arg7[%dma_wait3A_147, %dma_wait3A_148] : memref<16x120xi32, #tpu.memory_space<vmem>> -> memref<1x120xi32, #tpu.memory_space<vmem>>
      %dma_wait3A_150 = tpu.memref_squeeze %dma_wait3A_149 : memref<1x120xi32, #tpu.memory_space<vmem>> -> memref<120xi32, #tpu.memory_space<vmem>>
      %dma_wait3A_151 = arith.constant 0 : i32
      %dma_wait3A_152 = arith.constant 0 : i32
      %dma_wait3A_153 = tpu.memref_slice %arg2[%dma_wait3A_151, %dma_wait3A_152] : memref<20000x128xf32, #tpu.memory_space<hbm>> -> memref<20000x128xf32, #tpu.memory_space<hbm>>
      tpu.wait_indirect_dma semaphore(%arg14 : memref<!tpu.dma_semaphore, #tpu.memory_space<semaphore_mem>>) src(%dma_wait3A_153 : memref<20000x128xf32, #tpu.memory_space<hbm>>) dst(%arg10 : memref<120x128xf32, #tpu.memory_space<vmem>>)
      %dma_start3A_154 = arith.constant 4 : i32
      %dma_start3A_155 = arith.constant 0 : i32
      %dma_start3A_156 = tpu.memref_slice %arg8[%dma_start3A_154, %dma_start3A_155] : memref<16x120xi32, #tpu.memory_space<vmem>> -> memref<1x120xi32, #tpu.memory_space<vmem>>
      %dma_start3A_157 = tpu.memref_squeeze %dma_start3A_156 : memref<1x120xi32, #tpu.memory_space<vmem>> -> memref<120xi32, #tpu.memory_space<vmem>>
      %dma_start3A_158 = arith.constant 0 : i32
      %dma_start3A_159 = arith.constant 0 : i32
      %dma_start3A_160 = tpu.memref_slice %arg12[%dma_start3A_158, %dma_start3A_159] : memref<10112x128xf32, #tpu.memory_space<vmem_shared>> -> memref<10112x128xf32, #tpu.memory_space<vmem_shared>>
      tpu.enqueue_indirect_dma source(%arg10 : memref<120x128xf32, #tpu.memory_space<vmem>>) target(%dma_start3A_160 : memref<10112x128xf32, #tpu.memory_space<vmem_shared>>) offsets(%dma_start3A_157 : memref<120xi32, #tpu.memory_space<vmem>>) semaphore(%arg17 : memref<!tpu.dma_semaphore, #tpu.memory_space<semaphore_mem>>) {add = true}
      %dma_wait3A_161 = arith.constant 4 : i32
      %dma_wait3A_162 = arith.constant 0 : i32
      %dma_wait3A_163 = tpu.memref_slice %arg8[%dma_wait3A_161, %dma_wait3A_162] : memref<16x120xi32, #tpu.memory_space<vmem>> -> memref<1x120xi32, #tpu.memory_space<vmem>>
      %dma_wait3A_164 = tpu.memref_squeeze %dma_wait3A_163 : memref<1x120xi32, #tpu.memory_space<vmem>> -> memref<120xi32, #tpu.memory_space<vmem>>
      %dma_wait3A_165 = arith.constant 0 : i32
      %dma_wait3A_166 = arith.constant 0 : i32
      %dma_wait3A_167 = tpu.memref_slice %arg12[%dma_wait3A_165, %dma_wait3A_166] : memref<10112x128xf32, #tpu.memory_space<vmem_shared>> -> memref<10112x128xf32, #tpu.memory_space<vmem_shared>>
      tpu.wait_indirect_dma semaphore(%arg17 : memref<!tpu.dma_semaphore, #tpu.memory_space<semaphore_mem>>) src(%arg10 : memref<120x128xf32, #tpu.memory_space<vmem>>) dst(%dma_wait3A_167 : memref<10112x128xf32, #tpu.memory_space<vmem_shared>>)
      %dma_start3A_168 = arith.constant 7 : i32
      %dma_start3A_169 = arith.constant 0 : i32
      %dma_start3A_170 = tpu.memref_slice %arg7[%dma_start3A_168, %dma_start3A_169] : memref<16x120xi32, #tpu.memory_space<vmem>> -> memref<1x120xi32, #tpu.memory_space<vmem>>
      %dma_start3A_171 = tpu.memref_squeeze %dma_start3A_170 : memref<1x120xi32, #tpu.memory_space<vmem>> -> memref<120xi32, #tpu.memory_space<vmem>>
      %dma_start3A_172 = arith.constant 0 : i32
      %dma_start3A_173 = arith.constant 0 : i32
      %dma_start3A_174 = tpu.memref_slice %arg2[%dma_start3A_172, %dma_start3A_173] : memref<20000x128xf32, #tpu.memory_space<hbm>> -> memref<20000x128xf32, #tpu.memory_space<hbm>>
      tpu.enqueue_indirect_dma source(%dma_start3A_174 : memref<20000x128xf32, #tpu.memory_space<hbm>>) target(%arg10 : memref<120x128xf32, #tpu.memory_space<vmem>>) offsets(%dma_start3A_171 : memref<120xi32, #tpu.memory_space<vmem>>) semaphore(%arg14 : memref<!tpu.dma_semaphore, #tpu.memory_space<semaphore_mem>>)
      %dma_wait3A_175 = arith.constant 5 : i32
      %dma_wait3A_176 = arith.constant 0 : i32
      %dma_wait3A_177 = tpu.memref_slice %arg7[%dma_wait3A_175, %dma_wait3A_176] : memref<16x120xi32, #tpu.memory_space<vmem>> -> memref<1x120xi32, #tpu.memory_space<vmem>>
      %dma_wait3A_178 = tpu.memref_squeeze %dma_wait3A_177 : memref<1x120xi32, #tpu.memory_space<vmem>> -> memref<120xi32, #tpu.memory_space<vmem>>
      %dma_wait3A_179 = arith.constant 0 : i32
      %dma_wait3A_180 = arith.constant 0 : i32
      %dma_wait3A_181 = tpu.memref_slice %arg2[%dma_wait3A_179, %dma_wait3A_180] : memref<20000x128xf32, #tpu.memory_space<hbm>> -> memref<20000x128xf32, #tpu.memory_space<hbm>>
      tpu.wait_indirect_dma semaphore(%arg15 : memref<!tpu.dma_semaphore, #tpu.memory_space<semaphore_mem>>) src(%dma_wait3A_181 : memref<20000x128xf32, #tpu.memory_space<hbm>>) dst(%arg11 : memref<120x128xf32, #tpu.memory_space<vmem>>)
      %dma_start3A_182 = arith.constant 5 : i32
      %dma_start3A_183 = arith.constant 0 : i32
      %dma_start3A_184 = tpu.memref_slice %arg8[%dma_start3A_182, %dma_start3A_183] : memref<16x120xi32, #tpu.memory_space<vmem>> -> memref<1x120xi32, #tpu.memory_space<vmem>>
      %dma_start3A_185 = tpu.memref_squeeze %dma_start3A_184 : memref<1x120xi32, #tpu.memory_space<vmem>> -> memref<120xi32, #tpu.memory_space<vmem>>
      %dma_start3A_186 = arith.constant 0 : i32
      %dma_start3A_187 = arith.constant 0 : i32
      %dma_start3A_188 = tpu.memref_slice %arg12[%dma_start3A_186, %dma_start3A_187] : memref<10112x128xf32, #tpu.memory_space<vmem_shared>> -> memref<10112x128xf32, #tpu.memory_space<vmem_shared>>
      tpu.enqueue_indirect_dma source(%arg11 : memref<120x128xf32, #tpu.memory_space<vmem>>) target(%dma_start3A_188 : memref<10112x128xf32, #tpu.memory_space<vmem_shared>>) offsets(%dma_start3A_185 : memref<120xi32, #tpu.memory_space<vmem>>) semaphore(%arg18 : memref<!tpu.dma_semaphore, #tpu.memory_space<semaphore_mem>>) {add = true}
      %dma_wait3A_189 = arith.constant 5 : i32
      %dma_wait3A_190 = arith.constant 0 : i32
      %dma_wait3A_191 = tpu.memref_slice %arg8[%dma_wait3A_189, %dma_wait3A_190] : memref<16x120xi32, #tpu.memory_space<vmem>> -> memref<1x120xi32, #tpu.memory_space<vmem>>
      %dma_wait3A_192 = tpu.memref_squeeze %dma_wait3A_191 : memref<1x120xi32, #tpu.memory_space<vmem>> -> memref<120xi32, #tpu.memory_space<vmem>>
      %dma_wait3A_193 = arith.constant 0 : i32
      %dma_wait3A_194 = arith.constant 0 : i32
      %dma_wait3A_195 = tpu.memref_slice %arg12[%dma_wait3A_193, %dma_wait3A_194] : memref<10112x128xf32, #tpu.memory_space<vmem_shared>> -> memref<10112x128xf32, #tpu.memory_space<vmem_shared>>
      tpu.wait_indirect_dma semaphore(%arg18 : memref<!tpu.dma_semaphore, #tpu.memory_space<semaphore_mem>>) src(%arg11 : memref<120x128xf32, #tpu.memory_space<vmem>>) dst(%dma_wait3A_195 : memref<10112x128xf32, #tpu.memory_space<vmem_shared>>)
      %dma_start3A_196 = arith.constant 8 : i32
      %dma_start3A_197 = arith.constant 0 : i32
      %dma_start3A_198 = tpu.memref_slice %arg7[%dma_start3A_196, %dma_start3A_197] : memref<16x120xi32, #tpu.memory_space<vmem>> -> memref<1x120xi32, #tpu.memory_space<vmem>>
      %dma_start3A_199 = tpu.memref_squeeze %dma_start3A_198 : memref<1x120xi32, #tpu.memory_space<vmem>> -> memref<120xi32, #tpu.memory_space<vmem>>
      %dma_start3A_200 = arith.constant 0 : i32
      %dma_start3A_201 = arith.constant 0 : i32
      %dma_start3A_202 = tpu.memref_slice %arg2[%dma_start3A_200, %dma_start3A_201] : memref<20000x128xf32, #tpu.memory_space<hbm>> -> memref<20000x128xf32, #tpu.memory_space<hbm>>
      tpu.enqueue_indirect_dma source(%dma_start3A_202 : memref<20000x128xf32, #tpu.memory_space<hbm>>) target(%arg11 : memref<120x128xf32, #tpu.memory_space<vmem>>) offsets(%dma_start3A_199 : memref<120xi32, #tpu.memory_space<vmem>>) semaphore(%arg15 : memref<!tpu.dma_semaphore, #tpu.memory_space<semaphore_mem>>)
      %dma_wait3A_203 = arith.constant 6 : i32
      %dma_wait3A_204 = arith.constant 0 : i32
      %dma_wait3A_205 = tpu.memref_slice %arg7[%dma_wait3A_203, %dma_wait3A_204] : memref<16x120xi32, #tpu.memory_space<vmem>> -> memref<1x120xi32, #tpu.memory_space<vmem>>
      %dma_wait3A_206 = tpu.memref_squeeze %dma_wait3A_205 : memref<1x120xi32, #tpu.memory_space<vmem>> -> memref<120xi32, #tpu.memory_space<vmem>>
      %dma_wait3A_207 = arith.constant 0 : i32
      %dma_wait3A_208 = arith.constant 0 : i32
      %dma_wait3A_209 = tpu.memref_slice %arg2[%dma_wait3A_207, %dma_wait3A_208] : memref<20000x128xf32, #tpu.memory_space<hbm>> -> memref<20000x128xf32, #tpu.memory_space<hbm>>
      tpu.wait_indirect_dma semaphore(%arg13 : memref<!tpu.dma_semaphore, #tpu.memory_space<semaphore_mem>>) src(%dma_wait3A_209 : memref<20000x128xf32, #tpu.memory_space<hbm>>) dst(%arg9 : memref<120x128xf32, #tpu.memory_space<vmem>>)
      %dma_start3A_210 = arith.constant 6 : i32
      %dma_start3A_211 = arith.constant 0 : i32
      %dma_start3A_212 = tpu.memref_slice %arg8[%dma_start3A_210, %dma_start3A_211] : memref<16x120xi32, #tpu.memory_space<vmem>> -> memref<1x120xi32, #tpu.memory_space<vmem>>
      %dma_start3A_213 = tpu.memref_squeeze %dma_start3A_212 : memref<1x120xi32, #tpu.memory_space<vmem>> -> memref<120xi32, #tpu.memory_space<vmem>>
      %dma_start3A_214 = arith.constant 0 : i32
      %dma_start3A_215 = arith.constant 0 : i32
      %dma_start3A_216 = tpu.memref_slice %arg12[%dma_start3A_214, %dma_start3A_215] : memref<10112x128xf32, #tpu.memory_space<vmem_shared>> -> memref<10112x128xf32, #tpu.memory_space<vmem_shared>>
      tpu.enqueue_indirect_dma source(%arg9 : memref<120x128xf32, #tpu.memory_space<vmem>>) target(%dma_start3A_216 : memref<10112x128xf32, #tpu.memory_space<vmem_shared>>) offsets(%dma_start3A_213 : memref<120xi32, #tpu.memory_space<vmem>>) semaphore(%arg16 : memref<!tpu.dma_semaphore, #tpu.memory_space<semaphore_mem>>) {add = true}
      %dma_wait3A_217 = arith.constant 6 : i32
      %dma_wait3A_218 = arith.constant 0 : i32
      %dma_wait3A_219 = tpu.memref_slice %arg8[%dma_wait3A_217, %dma_wait3A_218] : memref<16x120xi32, #tpu.memory_space<vmem>> -> memref<1x120xi32, #tpu.memory_space<vmem>>
      %dma_wait3A_220 = tpu.memref_squeeze %dma_wait3A_219 : memref<1x120xi32, #tpu.memory_space<vmem>> -> memref<120xi32, #tpu.memory_space<vmem>>
      %dma_wait3A_221 = arith.constant 0 : i32
      %dma_wait3A_222 = arith.constant 0 : i32
      %dma_wait3A_223 = tpu.memref_slice %arg12[%dma_wait3A_221, %dma_wait3A_222] : memref<10112x128xf32, #tpu.memory_space<vmem_shared>> -> memref<10112x128xf32, #tpu.memory_space<vmem_shared>>
      tpu.wait_indirect_dma semaphore(%arg16 : memref<!tpu.dma_semaphore, #tpu.memory_space<semaphore_mem>>) src(%arg9 : memref<120x128xf32, #tpu.memory_space<vmem>>) dst(%dma_wait3A_223 : memref<10112x128xf32, #tpu.memory_space<vmem_shared>>)
      %dma_start3A_224 = arith.constant 9 : i32
      %dma_start3A_225 = arith.constant 0 : i32
      %dma_start3A_226 = tpu.memref_slice %arg7[%dma_start3A_224, %dma_start3A_225] : memref<16x120xi32, #tpu.memory_space<vmem>> -> memref<1x120xi32, #tpu.memory_space<vmem>>
      %dma_start3A_227 = tpu.memref_squeeze %dma_start3A_226 : memref<1x120xi32, #tpu.memory_space<vmem>> -> memref<120xi32, #tpu.memory_space<vmem>>
      %dma_start3A_228 = arith.constant 0 : i32
      %dma_start3A_229 = arith.constant 0 : i32
      %dma_start3A_230 = tpu.memref_slice %arg2[%dma_start3A_228, %dma_start3A_229] : memref<20000x128xf32, #tpu.memory_space<hbm>> -> memref<20000x128xf32, #tpu.memory_space<hbm>>
      tpu.enqueue_indirect_dma source(%dma_start3A_230 : memref<20000x128xf32, #tpu.memory_space<hbm>>) target(%arg9 : memref<120x128xf32, #tpu.memory_space<vmem>>) offsets(%dma_start3A_227 : memref<120xi32, #tpu.memory_space<vmem>>) semaphore(%arg13 : memref<!tpu.dma_semaphore, #tpu.memory_space<semaphore_mem>>)
      %dma_wait3A_231 = arith.constant 7 : i32
      %dma_wait3A_232 = arith.constant 0 : i32
      %dma_wait3A_233 = tpu.memref_slice %arg7[%dma_wait3A_231, %dma_wait3A_232] : memref<16x120xi32, #tpu.memory_space<vmem>> -> memref<1x120xi32, #tpu.memory_space<vmem>>
      %dma_wait3A_234 = tpu.memref_squeeze %dma_wait3A_233 : memref<1x120xi32, #tpu.memory_space<vmem>> -> memref<120xi32, #tpu.memory_space<vmem>>
      %dma_wait3A_235 = arith.constant 0 : i32
      %dma_wait3A_236 = arith.constant 0 : i32
      %dma_wait3A_237 = tpu.memref_slice %arg2[%dma_wait3A_235, %dma_wait3A_236] : memref<20000x128xf32, #tpu.memory_space<hbm>> -> memref<20000x128xf32, #tpu.memory_space<hbm>>
      tpu.wait_indirect_dma semaphore(%arg14 : memref<!tpu.dma_semaphore, #tpu.memory_space<semaphore_mem>>) src(%dma_wait3A_237 : memref<20000x128xf32, #tpu.memory_space<hbm>>) dst(%arg10 : memref<120x128xf32, #tpu.memory_space<vmem>>)
      %dma_start3A_238 = arith.constant 7 : i32
      %dma_start3A_239 = arith.constant 0 : i32
      %dma_start3A_240 = tpu.memref_slice %arg8[%dma_start3A_238, %dma_start3A_239] : memref<16x120xi32, #tpu.memory_space<vmem>> -> memref<1x120xi32, #tpu.memory_space<vmem>>
      %dma_start3A_241 = tpu.memref_squeeze %dma_start3A_240 : memref<1x120xi32, #tpu.memory_space<vmem>> -> memref<120xi32, #tpu.memory_space<vmem>>
      %dma_start3A_242 = arith.constant 0 : i32
      %dma_start3A_243 = arith.constant 0 : i32
      %dma_start3A_244 = tpu.memref_slice %arg12[%dma_start3A_242, %dma_start3A_243] : memref<10112x128xf32, #tpu.memory_space<vmem_shared>> -> memref<10112x128xf32, #tpu.memory_space<vmem_shared>>
      tpu.enqueue_indirect_dma source(%arg10 : memref<120x128xf32, #tpu.memory_space<vmem>>) target(%dma_start3A_244 : memref<10112x128xf32, #tpu.memory_space<vmem_shared>>) offsets(%dma_start3A_241 : memref<120xi32, #tpu.memory_space<vmem>>) semaphore(%arg17 : memref<!tpu.dma_semaphore, #tpu.memory_space<semaphore_mem>>) {add = true}
      %dma_wait3A_245 = arith.constant 7 : i32
      %dma_wait3A_246 = arith.constant 0 : i32
      %dma_wait3A_247 = tpu.memref_slice %arg8[%dma_wait3A_245, %dma_wait3A_246] : memref<16x120xi32, #tpu.memory_space<vmem>> -> memref<1x120xi32, #tpu.memory_space<vmem>>
      %dma_wait3A_248 = tpu.memref_squeeze %dma_wait3A_247 : memref<1x120xi32, #tpu.memory_space<vmem>> -> memref<120xi32, #tpu.memory_space<vmem>>
      %dma_wait3A_249 = arith.constant 0 : i32
      %dma_wait3A_250 = arith.constant 0 : i32
      %dma_wait3A_251 = tpu.memref_slice %arg12[%dma_wait3A_249, %dma_wait3A_250] : memref<10112x128xf32, #tpu.memory_space<vmem_shared>> -> memref<10112x128xf32, #tpu.memory_space<vmem_shared>>
      tpu.wait_indirect_dma semaphore(%arg17 : memref<!tpu.dma_semaphore, #tpu.memory_space<semaphore_mem>>) src(%arg10 : memref<120x128xf32, #tpu.memory_space<vmem>>) dst(%dma_wait3A_251 : memref<10112x128xf32, #tpu.memory_space<vmem_shared>>)
      %dma_start3A_252 = arith.constant 10 : i32
      %dma_start3A_253 = arith.constant 0 : i32
      %dma_start3A_254 = tpu.memref_slice %arg7[%dma_start3A_252, %dma_start3A_253] : memref<16x120xi32, #tpu.memory_space<vmem>> -> memref<1x120xi32, #tpu.memory_space<vmem>>
      %dma_start3A_255 = tpu.memref_squeeze %dma_start3A_254 : memref<1x120xi32, #tpu.memory_space<vmem>> -> memref<120xi32, #tpu.memory_space<vmem>>
      %dma_start3A_256 = arith.constant 0 : i32
      %dma_start3A_257 = arith.constant 0 : i32
      %dma_start3A_258 = tpu.memref_slice %arg2[%dma_start3A_256, %dma_start3A_257] : memref<20000x128xf32, #tpu.memory_space<hbm>> -> memref<20000x128xf32, #tpu.memory_space<hbm>>
      tpu.enqueue_indirect_dma source(%dma_start3A_258 : memref<20000x128xf32, #tpu.memory_space<hbm>>) target(%arg10 : memref<120x128xf32, #tpu.memory_space<vmem>>) offsets(%dma_start3A_255 : memref<120xi32, #tpu.memory_space<vmem>>) semaphore(%arg14 : memref<!tpu.dma_semaphore, #tpu.memory_space<semaphore_mem>>)
      %dma_wait3A_259 = arith.constant 8 : i32
      %dma_wait3A_260 = arith.constant 0 : i32
      %dma_wait3A_261 = tpu.memref_slice %arg7[%dma_wait3A_259, %dma_wait3A_260] : memref<16x120xi32, #tpu.memory_space<vmem>> -> memref<1x120xi32, #tpu.memory_space<vmem>>
      %dma_wait3A_262 = tpu.memref_squeeze %dma_wait3A_261 : memref<1x120xi32, #tpu.memory_space<vmem>> -> memref<120xi32, #tpu.memory_space<vmem>>
      %dma_wait3A_263 = arith.constant 0 : i32
      %dma_wait3A_264 = arith.constant 0 : i32
      %dma_wait3A_265 = tpu.memref_slice %arg2[%dma_wait3A_263, %dma_wait3A_264] : memref<20000x128xf32, #tpu.memory_space<hbm>> -> memref<20000x128xf32, #tpu.memory_space<hbm>>
      tpu.wait_indirect_dma semaphore(%arg15 : memref<!tpu.dma_semaphore, #tpu.memory_space<semaphore_mem>>) src(%dma_wait3A_265 : memref<20000x128xf32, #tpu.memory_space<hbm>>) dst(%arg11 : memref<120x128xf32, #tpu.memory_space<vmem>>)
      %dma_start3A_266 = arith.constant 8 : i32
      %dma_start3A_267 = arith.constant 0 : i32
      %dma_start3A_268 = tpu.memref_slice %arg8[%dma_start3A_266, %dma_start3A_267] : memref<16x120xi32, #tpu.memory_space<vmem>> -> memref<1x120xi32, #tpu.memory_space<vmem>>
      %dma_start3A_269 = tpu.memref_squeeze %dma_start3A_268 : memref<1x120xi32, #tpu.memory_space<vmem>> -> memref<120xi32, #tpu.memory_space<vmem>>
      %dma_start3A_270 = arith.constant 0 : i32
      %dma_start3A_271 = arith.constant 0 : i32
      %dma_start3A_272 = tpu.memref_slice %arg12[%dma_start3A_270, %dma_start3A_271] : memref<10112x128xf32, #tpu.memory_space<vmem_shared>> -> memref<10112x128xf32, #tpu.memory_space<vmem_shared>>
      tpu.enqueue_indirect_dma source(%arg11 : memref<120x128xf32, #tpu.memory_space<vmem>>) target(%dma_start3A_272 : memref<10112x128xf32, #tpu.memory_space<vmem_shared>>) offsets(%dma_start3A_269 : memref<120xi32, #tpu.memory_space<vmem>>) semaphore(%arg18 : memref<!tpu.dma_semaphore, #tpu.memory_space<semaphore_mem>>) {add = true}
      %dma_wait3A_273 = arith.constant 8 : i32
      %dma_wait3A_274 = arith.constant 0 : i32
      %dma_wait3A_275 = tpu.memref_slice %arg8[%dma_wait3A_273, %dma_wait3A_274] : memref<16x120xi32, #tpu.memory_space<vmem>> -> memref<1x120xi32, #tpu.memory_space<vmem>>
      %dma_wait3A_276 = tpu.memref_squeeze %dma_wait3A_275 : memref<1x120xi32, #tpu.memory_space<vmem>> -> memref<120xi32, #tpu.memory_space<vmem>>
      %dma_wait3A_277 = arith.constant 0 : i32
      %dma_wait3A_278 = arith.constant 0 : i32
      %dma_wait3A_279 = tpu.memref_slice %arg12[%dma_wait3A_277, %dma_wait3A_278] : memref<10112x128xf32, #tpu.memory_space<vmem_shared>> -> memref<10112x128xf32, #tpu.memory_space<vmem_shared>>
      tpu.wait_indirect_dma semaphore(%arg18 : memref<!tpu.dma_semaphore, #tpu.memory_space<semaphore_mem>>) src(%arg11 : memref<120x128xf32, #tpu.memory_space<vmem>>) dst(%dma_wait3A_279 : memref<10112x128xf32, #tpu.memory_space<vmem_shared>>)
      %dma_start3A_280 = arith.constant 11 : i32
      %dma_start3A_281 = arith.constant 0 : i32
      %dma_start3A_282 = tpu.memref_slice %arg7[%dma_start3A_280, %dma_start3A_281] : memref<16x120xi32, #tpu.memory_space<vmem>> -> memref<1x120xi32, #tpu.memory_space<vmem>>
      %dma_start3A_283 = tpu.memref_squeeze %dma_start3A_282 : memref<1x120xi32, #tpu.memory_space<vmem>> -> memref<120xi32, #tpu.memory_space<vmem>>
      %dma_start3A_284 = arith.constant 0 : i32
      %dma_start3A_285 = arith.constant 0 : i32
      %dma_start3A_286 = tpu.memref_slice %arg2[%dma_start3A_284, %dma_start3A_285] : memref<20000x128xf32, #tpu.memory_space<hbm>> -> memref<20000x128xf32, #tpu.memory_space<hbm>>
      tpu.enqueue_indirect_dma source(%dma_start3A_286 : memref<20000x128xf32, #tpu.memory_space<hbm>>) target(%arg11 : memref<120x128xf32, #tpu.memory_space<vmem>>) offsets(%dma_start3A_283 : memref<120xi32, #tpu.memory_space<vmem>>) semaphore(%arg15 : memref<!tpu.dma_semaphore, #tpu.memory_space<semaphore_mem>>)
      %dma_wait3A_287 = arith.constant 9 : i32
      %dma_wait3A_288 = arith.constant 0 : i32
      %dma_wait3A_289 = tpu.memref_slice %arg7[%dma_wait3A_287, %dma_wait3A_288] : memref<16x120xi32, #tpu.memory_space<vmem>> -> memref<1x120xi32, #tpu.memory_space<vmem>>
      %dma_wait3A_290 = tpu.memref_squeeze %dma_wait3A_289 : memref<1x120xi32, #tpu.memory_space<vmem>> -> memref<120xi32, #tpu.memory_space<vmem>>
      %dma_wait3A_291 = arith.constant 0 : i32
      %dma_wait3A_292 = arith.constant 0 : i32
      %dma_wait3A_293 = tpu.memref_slice %arg2[%dma_wait3A_291, %dma_wait3A_292] : memref<20000x128xf32, #tpu.memory_space<hbm>> -> memref<20000x128xf32, #tpu.memory_space<hbm>>
      tpu.wait_indirect_dma semaphore(%arg13 : memref<!tpu.dma_semaphore, #tpu.memory_space<semaphore_mem>>) src(%dma_wait3A_293 : memref<20000x128xf32, #tpu.memory_space<hbm>>) dst(%arg9 : memref<120x128xf32, #tpu.memory_space<vmem>>)
      %dma_start3A_294 = arith.constant 9 : i32
      %dma_start3A_295 = arith.constant 0 : i32
      %dma_start3A_296 = tpu.memref_slice %arg8[%dma_start3A_294, %dma_start3A_295] : memref<16x120xi32, #tpu.memory_space<vmem>> -> memref<1x120xi32, #tpu.memory_space<vmem>>
      %dma_start3A_297 = tpu.memref_squeeze %dma_start3A_296 : memref<1x120xi32, #tpu.memory_space<vmem>> -> memref<120xi32, #tpu.memory_space<vmem>>
      %dma_start3A_298 = arith.constant 0 : i32
      %dma_start3A_299 = arith.constant 0 : i32
      %dma_start3A_300 = tpu.memref_slice %arg12[%dma_start3A_298, %dma_start3A_299] : memref<10112x128xf32, #tpu.memory_space<vmem_shared>> -> memref<10112x128xf32, #tpu.memory_space<vmem_shared>>
      tpu.enqueue_indirect_dma source(%arg9 : memref<120x128xf32, #tpu.memory_space<vmem>>) target(%dma_start3A_300 : memref<10112x128xf32, #tpu.memory_space<vmem_shared>>) offsets(%dma_start3A_297 : memref<120xi32, #tpu.memory_space<vmem>>) semaphore(%arg16 : memref<!tpu.dma_semaphore, #tpu.memory_space<semaphore_mem>>) {add = true}
      %dma_wait3A_301 = arith.constant 9 : i32
      %dma_wait3A_302 = arith.constant 0 : i32
      %dma_wait3A_303 = tpu.memref_slice %arg8[%dma_wait3A_301, %dma_wait3A_302] : memref<16x120xi32, #tpu.memory_space<vmem>> -> memref<1x120xi32, #tpu.memory_space<vmem>>
      %dma_wait3A_304 = tpu.memref_squeeze %dma_wait3A_303 : memref<1x120xi32, #tpu.memory_space<vmem>> -> memref<120xi32, #tpu.memory_space<vmem>>
      %dma_wait3A_305 = arith.constant 0 : i32
      %dma_wait3A_306 = arith.constant 0 : i32
      %dma_wait3A_307 = tpu.memref_slice %arg12[%dma_wait3A_305, %dma_wait3A_306] : memref<10112x128xf32, #tpu.memory_space<vmem_shared>> -> memref<10112x128xf32, #tpu.memory_space<vmem_shared>>
      tpu.wait_indirect_dma semaphore(%arg16 : memref<!tpu.dma_semaphore, #tpu.memory_space<semaphore_mem>>) src(%arg9 : memref<120x128xf32, #tpu.memory_space<vmem>>) dst(%dma_wait3A_307 : memref<10112x128xf32, #tpu.memory_space<vmem_shared>>)
      %dma_start3A_308 = arith.constant 12 : i32
      %dma_start3A_309 = arith.constant 0 : i32
      %dma_start3A_310 = tpu.memref_slice %arg7[%dma_start3A_308, %dma_start3A_309] : memref<16x120xi32, #tpu.memory_space<vmem>> -> memref<1x120xi32, #tpu.memory_space<vmem>>
      %dma_start3A_311 = tpu.memref_squeeze %dma_start3A_310 : memref<1x120xi32, #tpu.memory_space<vmem>> -> memref<120xi32, #tpu.memory_space<vmem>>
      %dma_start3A_312 = arith.constant 0 : i32
      %dma_start3A_313 = arith.constant 0 : i32
      %dma_start3A_314 = tpu.memref_slice %arg2[%dma_start3A_312, %dma_start3A_313] : memref<20000x128xf32, #tpu.memory_space<hbm>> -> memref<20000x128xf32, #tpu.memory_space<hbm>>
      tpu.enqueue_indirect_dma source(%dma_start3A_314 : memref<20000x128xf32, #tpu.memory_space<hbm>>) target(%arg9 : memref<120x128xf32, #tpu.memory_space<vmem>>) offsets(%dma_start3A_311 : memref<120xi32, #tpu.memory_space<vmem>>) semaphore(%arg13 : memref<!tpu.dma_semaphore, #tpu.memory_space<semaphore_mem>>)
      %dma_wait3A_315 = arith.constant 10 : i32
      %dma_wait3A_316 = arith.constant 0 : i32
      %dma_wait3A_317 = tpu.memref_slice %arg7[%dma_wait3A_315, %dma_wait3A_316] : memref<16x120xi32, #tpu.memory_space<vmem>> -> memref<1x120xi32, #tpu.memory_space<vmem>>
      %dma_wait3A_318 = tpu.memref_squeeze %dma_wait3A_317 : memref<1x120xi32, #tpu.memory_space<vmem>> -> memref<120xi32, #tpu.memory_space<vmem>>
      %dma_wait3A_319 = arith.constant 0 : i32
      %dma_wait3A_320 = arith.constant 0 : i32
      %dma_wait3A_321 = tpu.memref_slice %arg2[%dma_wait3A_319, %dma_wait3A_320] : memref<20000x128xf32, #tpu.memory_space<hbm>> -> memref<20000x128xf32, #tpu.memory_space<hbm>>
      tpu.wait_indirect_dma semaphore(%arg14 : memref<!tpu.dma_semaphore, #tpu.memory_space<semaphore_mem>>) src(%dma_wait3A_321 : memref<20000x128xf32, #tpu.memory_space<hbm>>) dst(%arg10 : memref<120x128xf32, #tpu.memory_space<vmem>>)
      %dma_start3A_322 = arith.constant 10 : i32
      %dma_start3A_323 = arith.constant 0 : i32
      %dma_start3A_324 = tpu.memref_slice %arg8[%dma_start3A_322, %dma_start3A_323] : memref<16x120xi32, #tpu.memory_space<vmem>> -> memref<1x120xi32, #tpu.memory_space<vmem>>
      %dma_start3A_325 = tpu.memref_squeeze %dma_start3A_324 : memref<1x120xi32, #tpu.memory_space<vmem>> -> memref<120xi32, #tpu.memory_space<vmem>>
      %dma_start3A_326 = arith.constant 0 : i32
      %dma_start3A_327 = arith.constant 0 : i32
      %dma_start3A_328 = tpu.memref_slice %arg12[%dma_start3A_326, %dma_start3A_327] : memref<10112x128xf32, #tpu.memory_space<vmem_shared>> -> memref<10112x128xf32, #tpu.memory_space<vmem_shared>>
      tpu.enqueue_indirect_dma source(%arg10 : memref<120x128xf32, #tpu.memory_space<vmem>>) target(%dma_start3A_328 : memref<10112x128xf32, #tpu.memory_space<vmem_shared>>) offsets(%dma_start3A_325 : memref<120xi32, #tpu.memory_space<vmem>>) semaphore(%arg17 : memref<!tpu.dma_semaphore, #tpu.memory_space<semaphore_mem>>) {add = true}
      %dma_wait3A_329 = arith.constant 10 : i32
      %dma_wait3A_330 = arith.constant 0 : i32
      %dma_wait3A_331 = tpu.memref_slice %arg8[%dma_wait3A_329, %dma_wait3A_330] : memref<16x120xi32, #tpu.memory_space<vmem>> -> memref<1x120xi32, #tpu.memory_space<vmem>>
      %dma_wait3A_332 = tpu.memref_squeeze %dma_wait3A_331 : memref<1x120xi32, #tpu.memory_space<vmem>> -> memref<120xi32, #tpu.memory_space<vmem>>
      %dma_wait3A_333 = arith.constant 0 : i32
      %dma_wait3A_334 = arith.constant 0 : i32
      %dma_wait3A_335 = tpu.memref_slice %arg12[%dma_wait3A_333, %dma_wait3A_334] : memref<10112x128xf32, #tpu.memory_space<vmem_shared>> -> memref<10112x128xf32, #tpu.memory_space<vmem_shared>>
      tpu.wait_indirect_dma semaphore(%arg17 : memref<!tpu.dma_semaphore, #tpu.memory_space<semaphore_mem>>) src(%arg10 : memref<120x128xf32, #tpu.memory_space<vmem>>) dst(%dma_wait3A_335 : memref<10112x128xf32, #tpu.memory_space<vmem_shared>>)
      %dma_start3A_336 = arith.constant 13 : i32
      %dma_start3A_337 = arith.constant 0 : i32
      %dma_start3A_338 = tpu.memref_slice %arg7[%dma_start3A_336, %dma_start3A_337] : memref<16x120xi32, #tpu.memory_space<vmem>> -> memref<1x120xi32, #tpu.memory_space<vmem>>
      %dma_start3A_339 = tpu.memref_squeeze %dma_start3A_338 : memref<1x120xi32, #tpu.memory_space<vmem>> -> memref<120xi32, #tpu.memory_space<vmem>>
      %dma_start3A_340 = arith.constant 0 : i32
      %dma_start3A_341 = arith.constant 0 : i32
      %dma_start3A_342 = tpu.memref_slice %arg2[%dma_start3A_340, %dma_start3A_341] : memref<20000x128xf32, #tpu.memory_space<hbm>> -> memref<20000x128xf32, #tpu.memory_space<hbm>>
      tpu.enqueue_indirect_dma source(%dma_start3A_342 : memref<20000x128xf32, #tpu.memory_space<hbm>>) target(%arg10 : memref<120x128xf32, #tpu.memory_space<vmem>>) offsets(%dma_start3A_339 : memref<120xi32, #tpu.memory_space<vmem>>) semaphore(%arg14 : memref<!tpu.dma_semaphore, #tpu.memory_space<semaphore_mem>>)
      %dma_wait3A_343 = arith.constant 11 : i32
      %dma_wait3A_344 = arith.constant 0 : i32
      %dma_wait3A_345 = tpu.memref_slice %arg7[%dma_wait3A_343, %dma_wait3A_344] : memref<16x120xi32, #tpu.memory_space<vmem>> -> memref<1x120xi32, #tpu.memory_space<vmem>>
      %dma_wait3A_346 = tpu.memref_squeeze %dma_wait3A_345 : memref<1x120xi32, #tpu.memory_space<vmem>> -> memref<120xi32, #tpu.memory_space<vmem>>
      %dma_wait3A_347 = arith.constant 0 : i32
      %dma_wait3A_348 = arith.constant 0 : i32
      %dma_wait3A_349 = tpu.memref_slice %arg2[%dma_wait3A_347, %dma_wait3A_348] : memref<20000x128xf32, #tpu.memory_space<hbm>> -> memref<20000x128xf32, #tpu.memory_space<hbm>>
      tpu.wait_indirect_dma semaphore(%arg15 : memref<!tpu.dma_semaphore, #tpu.memory_space<semaphore_mem>>) src(%dma_wait3A_349 : memref<20000x128xf32, #tpu.memory_space<hbm>>) dst(%arg11 : memref<120x128xf32, #tpu.memory_space<vmem>>)
      %dma_start3A_350 = arith.constant 11 : i32
      %dma_start3A_351 = arith.constant 0 : i32
      %dma_start3A_352 = tpu.memref_slice %arg8[%dma_start3A_350, %dma_start3A_351] : memref<16x120xi32, #tpu.memory_space<vmem>> -> memref<1x120xi32, #tpu.memory_space<vmem>>
      %dma_start3A_353 = tpu.memref_squeeze %dma_start3A_352 : memref<1x120xi32, #tpu.memory_space<vmem>> -> memref<120xi32, #tpu.memory_space<vmem>>
      %dma_start3A_354 = arith.constant 0 : i32
      %dma_start3A_355 = arith.constant 0 : i32
      %dma_start3A_356 = tpu.memref_slice %arg12[%dma_start3A_354, %dma_start3A_355] : memref<10112x128xf32, #tpu.memory_space<vmem_shared>> -> memref<10112x128xf32, #tpu.memory_space<vmem_shared>>
      tpu.enqueue_indirect_dma source(%arg11 : memref<120x128xf32, #tpu.memory_space<vmem>>) target(%dma_start3A_356 : memref<10112x128xf32, #tpu.memory_space<vmem_shared>>) offsets(%dma_start3A_353 : memref<120xi32, #tpu.memory_space<vmem>>) semaphore(%arg18 : memref<!tpu.dma_semaphore, #tpu.memory_space<semaphore_mem>>) {add = true}
      %dma_wait3A_357 = arith.constant 11 : i32
      %dma_wait3A_358 = arith.constant 0 : i32
      %dma_wait3A_359 = tpu.memref_slice %arg8[%dma_wait3A_357, %dma_wait3A_358] : memref<16x120xi32, #tpu.memory_space<vmem>> -> memref<1x120xi32, #tpu.memory_space<vmem>>
      %dma_wait3A_360 = tpu.memref_squeeze %dma_wait3A_359 : memref<1x120xi32, #tpu.memory_space<vmem>> -> memref<120xi32, #tpu.memory_space<vmem>>
      %dma_wait3A_361 = arith.constant 0 : i32
      %dma_wait3A_362 = arith.constant 0 : i32
      %dma_wait3A_363 = tpu.memref_slice %arg12[%dma_wait3A_361, %dma_wait3A_362] : memref<10112x128xf32, #tpu.memory_space<vmem_shared>> -> memref<10112x128xf32, #tpu.memory_space<vmem_shared>>
      tpu.wait_indirect_dma semaphore(%arg18 : memref<!tpu.dma_semaphore, #tpu.memory_space<semaphore_mem>>) src(%arg11 : memref<120x128xf32, #tpu.memory_space<vmem>>) dst(%dma_wait3A_363 : memref<10112x128xf32, #tpu.memory_space<vmem_shared>>)
      %dma_start3A_364 = arith.constant 14 : i32
      %dma_start3A_365 = arith.constant 0 : i32
      %dma_start3A_366 = tpu.memref_slice %arg7[%dma_start3A_364, %dma_start3A_365] : memref<16x120xi32, #tpu.memory_space<vmem>> -> memref<1x120xi32, #tpu.memory_space<vmem>>
      %dma_start3A_367 = tpu.memref_squeeze %dma_start3A_366 : memref<1x120xi32, #tpu.memory_space<vmem>> -> memref<120xi32, #tpu.memory_space<vmem>>
      %dma_start3A_368 = arith.constant 0 : i32
      %dma_start3A_369 = arith.constant 0 : i32
      %dma_start3A_370 = tpu.memref_slice %arg2[%dma_start3A_368, %dma_start3A_369] : memref<20000x128xf32, #tpu.memory_space<hbm>> -> memref<20000x128xf32, #tpu.memory_space<hbm>>
      tpu.enqueue_indirect_dma source(%dma_start3A_370 : memref<20000x128xf32, #tpu.memory_space<hbm>>) target(%arg11 : memref<120x128xf32, #tpu.memory_space<vmem>>) offsets(%dma_start3A_367 : memref<120xi32, #tpu.memory_space<vmem>>) semaphore(%arg15 : memref<!tpu.dma_semaphore, #tpu.memory_space<semaphore_mem>>)
      %dma_wait3A_371 = arith.constant 12 : i32
      %dma_wait3A_372 = arith.constant 0 : i32
      %dma_wait3A_373 = tpu.memref_slice %arg7[%dma_wait3A_371, %dma_wait3A_372] : memref<16x120xi32, #tpu.memory_space<vmem>> -> memref<1x120xi32, #tpu.memory_space<vmem>>
      %dma_wait3A_374 = tpu.memref_squeeze %dma_wait3A_373 : memref<1x120xi32, #tpu.memory_space<vmem>> -> memref<120xi32, #tpu.memory_space<vmem>>
      %dma_wait3A_375 = arith.constant 0 : i32
      %dma_wait3A_376 = arith.constant 0 : i32
      %dma_wait3A_377 = tpu.memref_slice %arg2[%dma_wait3A_375, %dma_wait3A_376] : memref<20000x128xf32, #tpu.memory_space<hbm>> -> memref<20000x128xf32, #tpu.memory_space<hbm>>
      tpu.wait_indirect_dma semaphore(%arg13 : memref<!tpu.dma_semaphore, #tpu.memory_space<semaphore_mem>>) src(%dma_wait3A_377 : memref<20000x128xf32, #tpu.memory_space<hbm>>) dst(%arg9 : memref<120x128xf32, #tpu.memory_space<vmem>>)
      %dma_start3A_378 = arith.constant 12 : i32
      %dma_start3A_379 = arith.constant 0 : i32
      %dma_start3A_380 = tpu.memref_slice %arg8[%dma_start3A_378, %dma_start3A_379] : memref<16x120xi32, #tpu.memory_space<vmem>> -> memref<1x120xi32, #tpu.memory_space<vmem>>
      %dma_start3A_381 = tpu.memref_squeeze %dma_start3A_380 : memref<1x120xi32, #tpu.memory_space<vmem>> -> memref<120xi32, #tpu.memory_space<vmem>>
      %dma_start3A_382 = arith.constant 0 : i32
      %dma_start3A_383 = arith.constant 0 : i32
      %dma_start3A_384 = tpu.memref_slice %arg12[%dma_start3A_382, %dma_start3A_383] : memref<10112x128xf32, #tpu.memory_space<vmem_shared>> -> memref<10112x128xf32, #tpu.memory_space<vmem_shared>>
      tpu.enqueue_indirect_dma source(%arg9 : memref<120x128xf32, #tpu.memory_space<vmem>>) target(%dma_start3A_384 : memref<10112x128xf32, #tpu.memory_space<vmem_shared>>) offsets(%dma_start3A_381 : memref<120xi32, #tpu.memory_space<vmem>>) semaphore(%arg16 : memref<!tpu.dma_semaphore, #tpu.memory_space<semaphore_mem>>) {add = true}
      %dma_wait3A_385 = arith.constant 12 : i32
      %dma_wait3A_386 = arith.constant 0 : i32
      %dma_wait3A_387 = tpu.memref_slice %arg8[%dma_wait3A_385, %dma_wait3A_386] : memref<16x120xi32, #tpu.memory_space<vmem>> -> memref<1x120xi32, #tpu.memory_space<vmem>>
      %dma_wait3A_388 = tpu.memref_squeeze %dma_wait3A_387 : memref<1x120xi32, #tpu.memory_space<vmem>> -> memref<120xi32, #tpu.memory_space<vmem>>
      %dma_wait3A_389 = arith.constant 0 : i32
      %dma_wait3A_390 = arith.constant 0 : i32
      %dma_wait3A_391 = tpu.memref_slice %arg12[%dma_wait3A_389, %dma_wait3A_390] : memref<10112x128xf32, #tpu.memory_space<vmem_shared>> -> memref<10112x128xf32, #tpu.memory_space<vmem_shared>>
      tpu.wait_indirect_dma semaphore(%arg16 : memref<!tpu.dma_semaphore, #tpu.memory_space<semaphore_mem>>) src(%arg9 : memref<120x128xf32, #tpu.memory_space<vmem>>) dst(%dma_wait3A_391 : memref<10112x128xf32, #tpu.memory_space<vmem_shared>>)
      %dma_start3A_392 = arith.constant 15 : i32
      %dma_start3A_393 = arith.constant 0 : i32
      %dma_start3A_394 = tpu.memref_slice %arg7[%dma_start3A_392, %dma_start3A_393] : memref<16x120xi32, #tpu.memory_space<vmem>> -> memref<1x120xi32, #tpu.memory_space<vmem>>
      %dma_start3A_395 = tpu.memref_squeeze %dma_start3A_394 : memref<1x120xi32, #tpu.memory_space<vmem>> -> memref<120xi32, #tpu.memory_space<vmem>>
      %dma_start3A_396 = arith.constant 0 : i32
      %dma_start3A_397 = arith.constant 0 : i32
      %dma_start3A_398 = tpu.memref_slice %arg2[%dma_start3A_396, %dma_start3A_397] : memref<20000x128xf32, #tpu.memory_space<hbm>> -> memref<20000x128xf32, #tpu.memory_space<hbm>>
      tpu.enqueue_indirect_dma source(%dma_start3A_398 : memref<20000x128xf32, #tpu.memory_space<hbm>>) target(%arg9 : memref<120x128xf32, #tpu.memory_space<vmem>>) offsets(%dma_start3A_395 : memref<120xi32, #tpu.memory_space<vmem>>) semaphore(%arg13 : memref<!tpu.dma_semaphore, #tpu.memory_space<semaphore_mem>>)
      %dma_wait3A_399 = arith.constant 13 : i32
      %dma_wait3A_400 = arith.constant 0 : i32
      %dma_wait3A_401 = tpu.memref_slice %arg7[%dma_wait3A_399, %dma_wait3A_400] : memref<16x120xi32, #tpu.memory_space<vmem>> -> memref<1x120xi32, #tpu.memory_space<vmem>>
      %dma_wait3A_402 = tpu.memref_squeeze %dma_wait3A_401 : memref<1x120xi32, #tpu.memory_space<vmem>> -> memref<120xi32, #tpu.memory_space<vmem>>
      %dma_wait3A_403 = arith.constant 0 : i32
      %dma_wait3A_404 = arith.constant 0 : i32
      %dma_wait3A_405 = tpu.memref_slice %arg2[%dma_wait3A_403, %dma_wait3A_404] : memref<20000x128xf32, #tpu.memory_space<hbm>> -> memref<20000x128xf32, #tpu.memory_space<hbm>>
      tpu.wait_indirect_dma semaphore(%arg14 : memref<!tpu.dma_semaphore, #tpu.memory_space<semaphore_mem>>) src(%dma_wait3A_405 : memref<20000x128xf32, #tpu.memory_space<hbm>>) dst(%arg10 : memref<120x128xf32, #tpu.memory_space<vmem>>)
      %dma_start3A_406 = arith.constant 13 : i32
      %dma_start3A_407 = arith.constant 0 : i32
      %dma_start3A_408 = tpu.memref_slice %arg8[%dma_start3A_406, %dma_start3A_407] : memref<16x120xi32, #tpu.memory_space<vmem>> -> memref<1x120xi32, #tpu.memory_space<vmem>>
      %dma_start3A_409 = tpu.memref_squeeze %dma_start3A_408 : memref<1x120xi32, #tpu.memory_space<vmem>> -> memref<120xi32, #tpu.memory_space<vmem>>
      %dma_start3A_410 = arith.constant 0 : i32
      %dma_start3A_411 = arith.constant 0 : i32
      %dma_start3A_412 = tpu.memref_slice %arg12[%dma_start3A_410, %dma_start3A_411] : memref<10112x128xf32, #tpu.memory_space<vmem_shared>> -> memref<10112x128xf32, #tpu.memory_space<vmem_shared>>
      tpu.enqueue_indirect_dma source(%arg10 : memref<120x128xf32, #tpu.memory_space<vmem>>) target(%dma_start3A_412 : memref<10112x128xf32, #tpu.memory_space<vmem_shared>>) offsets(%dma_start3A_409 : memref<120xi32, #tpu.memory_space<vmem>>) semaphore(%arg17 : memref<!tpu.dma_semaphore, #tpu.memory_space<semaphore_mem>>) {add = true}
      %dma_wait3A_413 = arith.constant 14 : i32
      %dma_wait3A_414 = arith.constant 0 : i32
      %dma_wait3A_415 = tpu.memref_slice %arg7[%dma_wait3A_413, %dma_wait3A_414] : memref<16x120xi32, #tpu.memory_space<vmem>> -> memref<1x120xi32, #tpu.memory_space<vmem>>
      %dma_wait3A_416 = tpu.memref_squeeze %dma_wait3A_415 : memref<1x120xi32, #tpu.memory_space<vmem>> -> memref<120xi32, #tpu.memory_space<vmem>>
      %dma_wait3A_417 = arith.constant 0 : i32
      %dma_wait3A_418 = arith.constant 0 : i32
      %dma_wait3A_419 = tpu.memref_slice %arg2[%dma_wait3A_417, %dma_wait3A_418] : memref<20000x128xf32, #tpu.memory_space<hbm>> -> memref<20000x128xf32, #tpu.memory_space<hbm>>
      tpu.wait_indirect_dma semaphore(%arg15 : memref<!tpu.dma_semaphore, #tpu.memory_space<semaphore_mem>>) src(%dma_wait3A_419 : memref<20000x128xf32, #tpu.memory_space<hbm>>) dst(%arg11 : memref<120x128xf32, #tpu.memory_space<vmem>>)
      %dma_start3A_420 = arith.constant 14 : i32
      %dma_start3A_421 = arith.constant 0 : i32
      %dma_start3A_422 = tpu.memref_slice %arg8[%dma_start3A_420, %dma_start3A_421] : memref<16x120xi32, #tpu.memory_space<vmem>> -> memref<1x120xi32, #tpu.memory_space<vmem>>
      %dma_start3A_423 = tpu.memref_squeeze %dma_start3A_422 : memref<1x120xi32, #tpu.memory_space<vmem>> -> memref<120xi32, #tpu.memory_space<vmem>>
      %dma_start3A_424 = arith.constant 0 : i32
      %dma_start3A_425 = arith.constant 0 : i32
      %dma_start3A_426 = tpu.memref_slice %arg12[%dma_start3A_424, %dma_start3A_425] : memref<10112x128xf32, #tpu.memory_space<vmem_shared>> -> memref<10112x128xf32, #tpu.memory_space<vmem_shared>>
      tpu.enqueue_indirect_dma source(%arg11 : memref<120x128xf32, #tpu.memory_space<vmem>>) target(%dma_start3A_426 : memref<10112x128xf32, #tpu.memory_space<vmem_shared>>) offsets(%dma_start3A_423 : memref<120xi32, #tpu.memory_space<vmem>>) semaphore(%arg18 : memref<!tpu.dma_semaphore, #tpu.memory_space<semaphore_mem>>) {add = true}
      %dma_wait3A_427 = arith.constant 15 : i32
      %dma_wait3A_428 = arith.constant 0 : i32
      %dma_wait3A_429 = tpu.memref_slice %arg7[%dma_wait3A_427, %dma_wait3A_428] : memref<16x120xi32, #tpu.memory_space<vmem>> -> memref<1x120xi32, #tpu.memory_space<vmem>>
      %dma_wait3A_430 = tpu.memref_squeeze %dma_wait3A_429 : memref<1x120xi32, #tpu.memory_space<vmem>> -> memref<120xi32, #tpu.memory_space<vmem>>
      %dma_wait3A_431 = arith.constant 0 : i32
      %dma_wait3A_432 = arith.constant 0 : i32
      %dma_wait3A_433 = tpu.memref_slice %arg2[%dma_wait3A_431, %dma_wait3A_432] : memref<20000x128xf32, #tpu.memory_space<hbm>> -> memref<20000x128xf32, #tpu.memory_space<hbm>>
      tpu.wait_indirect_dma semaphore(%arg13 : memref<!tpu.dma_semaphore, #tpu.memory_space<semaphore_mem>>) src(%dma_wait3A_433 : memref<20000x128xf32, #tpu.memory_space<hbm>>) dst(%arg9 : memref<120x128xf32, #tpu.memory_space<vmem>>)
      %dma_start3A_434 = arith.constant 15 : i32
      %dma_start3A_435 = arith.constant 0 : i32
      %dma_start3A_436 = tpu.memref_slice %arg8[%dma_start3A_434, %dma_start3A_435] : memref<16x120xi32, #tpu.memory_space<vmem>> -> memref<1x120xi32, #tpu.memory_space<vmem>>
      %dma_start3A_437 = tpu.memref_squeeze %dma_start3A_436 : memref<1x120xi32, #tpu.memory_space<vmem>> -> memref<120xi32, #tpu.memory_space<vmem>>
      %dma_start3A_438 = arith.constant 0 : i32
      %dma_start3A_439 = arith.constant 0 : i32
      %dma_start3A_440 = tpu.memref_slice %arg12[%dma_start3A_438, %dma_start3A_439] : memref<10112x128xf32, #tpu.memory_space<vmem_shared>> -> memref<10112x128xf32, #tpu.memory_space<vmem_shared>>
      tpu.enqueue_indirect_dma source(%arg9 : memref<120x128xf32, #tpu.memory_space<vmem>>) target(%dma_start3A_440 : memref<10112x128xf32, #tpu.memory_space<vmem_shared>>) offsets(%dma_start3A_437 : memref<120xi32, #tpu.memory_space<vmem>>) semaphore(%arg16 : memref<!tpu.dma_semaphore, #tpu.memory_space<semaphore_mem>>) {add = true}
      %dma_wait3A_441 = arith.constant 15 : i32
      %dma_wait3A_442 = arith.constant 0 : i32
      %dma_wait3A_443 = tpu.memref_slice %arg8[%dma_wait3A_441, %dma_wait3A_442] : memref<16x120xi32, #tpu.memory_space<vmem>> -> memref<1x120xi32, #tpu.memory_space<vmem>>
      %dma_wait3A_444 = tpu.memref_squeeze %dma_wait3A_443 : memref<1x120xi32, #tpu.memory_space<vmem>> -> memref<120xi32, #tpu.memory_space<vmem>>
      %dma_wait3A_445 = arith.constant 0 : i32
      %dma_wait3A_446 = arith.constant 0 : i32
      %dma_wait3A_447 = tpu.memref_slice %arg12[%dma_wait3A_445, %dma_wait3A_446] : memref<10112x128xf32, #tpu.memory_space<vmem_shared>> -> memref<10112x128xf32, #tpu.memory_space<vmem_shared>>
      tpu.wait_indirect_dma semaphore(%arg16 : memref<!tpu.dma_semaphore, #tpu.memory_space<semaphore_mem>>) src(%arg9 : memref<120x128xf32, #tpu.memory_space<vmem>>) dst(%dma_wait3A_447 : memref<10112x128xf32, #tpu.memory_space<vmem_shared>>)
      %dma_wait3A_448 = arith.constant 13 : i32
      %dma_wait3A_449 = arith.constant 0 : i32
      %dma_wait3A_450 = tpu.memref_slice %arg8[%dma_wait3A_448, %dma_wait3A_449] : memref<16x120xi32, #tpu.memory_space<vmem>> -> memref<1x120xi32, #tpu.memory_space<vmem>>
      %dma_wait3A_451 = tpu.memref_squeeze %dma_wait3A_450 : memref<1x120xi32, #tpu.memory_space<vmem>> -> memref<120xi32, #tpu.memory_space<vmem>>
      %dma_wait3A_452 = arith.constant 0 : i32
      %dma_wait3A_453 = arith.constant 0 : i32
      %dma_wait3A_454 = tpu.memref_slice %arg12[%dma_wait3A_452, %dma_wait3A_453] : memref<10112x128xf32, #tpu.memory_space<vmem_shared>> -> memref<10112x128xf32, #tpu.memory_space<vmem_shared>>
      tpu.wait_indirect_dma semaphore(%arg17 : memref<!tpu.dma_semaphore, #tpu.memory_space<semaphore_mem>>) src(%arg10 : memref<120x128xf32, #tpu.memory_space<vmem>>) dst(%dma_wait3A_454 : memref<10112x128xf32, #tpu.memory_space<vmem_shared>>)
      %dma_wait3A_455 = arith.constant 14 : i32
      %dma_wait3A_456 = arith.constant 0 : i32
      %dma_wait3A_457 = tpu.memref_slice %arg8[%dma_wait3A_455, %dma_wait3A_456] : memref<16x120xi32, #tpu.memory_space<vmem>> -> memref<1x120xi32, #tpu.memory_space<vmem>>
      %dma_wait3A_458 = tpu.memref_squeeze %dma_wait3A_457 : memref<1x120xi32, #tpu.memory_space<vmem>> -> memref<120xi32, #tpu.memory_space<vmem>>
      %dma_wait3A_459 = arith.constant 0 : i32
      %dma_wait3A_460 = arith.constant 0 : i32
      %dma_wait3A_461 = tpu.memref_slice %arg12[%dma_wait3A_459, %dma_wait3A_460] : memref<10112x128xf32, #tpu.memory_space<vmem_shared>> -> memref<10112x128xf32, #tpu.memory_space<vmem_shared>>
      tpu.wait_indirect_dma semaphore(%arg18 : memref<!tpu.dma_semaphore, #tpu.memory_space<semaphore_mem>>) src(%arg11 : memref<120x128xf32, #tpu.memory_space<vmem>>) dst(%dma_wait3A_461 : memref<10112x128xf32, #tpu.memory_space<vmem_shared>>)
    }
    %scan3A_5 = arith.constant 11 : i32
    %barrier3A_6 = arith.constant 0 : index
    tpu.barrier barrier_id(%barrier3A_6)
    %mul3A_7 = arith.constant 632 : i32
    %mul3A_8 = arith.muli %arg1, %mul3A_7 : i32
    %mul3A_9 = arith.constant 632 : i32
    %mul3A_10 = arith.muli %arg1, %mul3A_9 : i32
    "tpu.region"() ({
      %run_scoped3A = tpu.sem_alloc : memref<!tpu.dma_semaphore, #tpu.memory_space<semaphore_mem>>
      %dma_start3A = arith.constant 0 : i32
      %dma_start3A_11 = tpu.memref_slice %arg6[%arg0, %mul3A_10, %dma_start3A] : memref<2x10112x128xf32, #tpu.memory_space<hbm>> -> memref<1x632x128xf32, #tpu.memory_space<hbm>>
      %dma_start3A_12 = tpu.memref_squeeze %dma_start3A_11 : memref<1x632x128xf32, #tpu.memory_space<hbm>> -> memref<632x128xf32, #tpu.memory_space<hbm>>
      %dma_start3A_13 = arith.constant 0 : i32
      %dma_start3A_14 = tpu.memref_slice %arg12[%mul3A_8, %dma_start3A_13] : memref<10112x128xf32, #tpu.memory_space<vmem_shared>> -> memref<632x128xf32, #tpu.memory_space<vmem_shared>>
      tpu.enqueue_dma source(%dma_start3A_14 : memref<632x128xf32, #tpu.memory_space<vmem_shared>>) target(%dma_start3A_12 : memref<632x128xf32, #tpu.memory_space<hbm>>) target_semaphore(%run_scoped3A : memref<!tpu.dma_semaphore, #tpu.memory_space<semaphore_mem>>)
      %dma_wait3A = arith.constant 0 : i32
      %dma_wait3A_15 = tpu.memref_slice %arg6[%arg0, %mul3A_10, %dma_wait3A] : memref<2x10112x128xf32, #tpu.memory_space<hbm>> -> memref<1x632x128xf32, #tpu.memory_space<hbm>>
      %dma_wait3A_16 = tpu.memref_squeeze %dma_wait3A_15 : memref<1x632x128xf32, #tpu.memory_space<hbm>> -> memref<632x128xf32, #tpu.memory_space<hbm>>
      %dma_wait3A_17 = arith.constant 0 : i32
      %dma_wait3A_18 = tpu.memref_slice %arg12[%mul3A_8, %dma_wait3A_17] : memref<10112x128xf32, #tpu.memory_space<vmem_shared>> -> memref<632x128xf32, #tpu.memory_space<vmem_shared>>
      tpu.wait_dma2 semaphore(%run_scoped3A : memref<!tpu.dma_semaphore, #tpu.memory_space<semaphore_mem>>) src(%dma_wait3A_18 : memref<632x128xf32, #tpu.memory_space<vmem_shared>>) dst(%dma_wait3A_16 : memref<632x128xf32, #tpu.memory_space<hbm>>)
      tpu.yield
    }) : () -> ()
    return
  }
}

#map = affine_map<(d0, d1) -> (0, 0)>
#map1 = affine_map<(d0, d1) -> (0, 0, 0, 0)>
#map2 = affine_map<(d0, d1) -> (0, 0, 0)>
module attributes {stable_mosaic.version = 14 : i64} {
  func.func @_segsum_body(%arg0: i32, %arg1: i32, %arg2: memref<20000x128xf32, #tpu.memory_space<hbm>>, %arg3: memref<2x16x176x120xi32, #tpu.memory_space<hbm>>, %arg4: memref<2x16x176x120xi32, #tpu.memory_space<hbm>>, %arg5: memref<632x128xf32, #tpu.memory_space<hbm>>, %arg6: memref<2x10112x128xf32, #tpu.memory_space<hbm>>, %arg7: memref<16x120xi32, #tpu.memory_space<vmem>>, %arg8: memref<16x120xi32, #tpu.memory_space<vmem>>, %arg9: memref<120x128xf32, #tpu.memory_space<vmem>>, %arg10: memref<120x128xf32, #tpu.memory_space<vmem>>, %arg11: memref<120x128xf32, #tpu.memory_space<vmem>>, %arg12: memref<10112x128xf32, #tpu.memory_space<vmem_shared>>, %arg13: memref<!tpu.dma_semaphore, #tpu.memory_space<semaphore_mem>>, %arg14: memref<!tpu.dma_semaphore, #tpu.memory_space<semaphore_mem>>, %arg15: memref<!tpu.dma_semaphore, #tpu.memory_space<semaphore_mem>>, %arg16: memref<!tpu.dma_semaphore, #tpu.memory_space<semaphore_mem>>, %arg17: memref<!tpu.dma_semaphore, #tpu.memory_space<semaphore_mem>>, %arg18: memref<!tpu.dma_semaphore, #tpu.memory_space<semaphore_mem>>) attributes {dimension_semantics = [#tpu.dimension_semantics<core_parallel>, #tpu.dimension_semantics<subcore_parallel>], iteration_bounds = array<i64: 2, 16>, scalar_prefetch = 0 : i64, scratch_operands = 12 : i64, tpu.core_type = #tpu.core_type<sc_vector_subcore>, window_params = [{transform_indices = #map}, {transform_indices = #map1}, {transform_indices = #map1}, {transform_indices = #map}, {transform_indices = #map2}]} {
    %mul3A = arith.constant 632 : i32
    %mul3A_0 = arith.muli %arg1, %mul3A : i32
    "tpu.region"() ({
      %run_scoped3A = tpu.sem_alloc : memref<!tpu.dma_semaphore, #tpu.memory_space<semaphore_mem>>
      %dma_start3A = arith.constant 0 : i32
      %dma_start3A_11 = tpu.memref_slice %arg12[%mul3A_0, %dma_start3A] : memref<10112x128xf32, #tpu.memory_space<vmem_shared>> -> memref<632x128xf32, #tpu.memory_space<vmem_shared>>
      tpu.enqueue_dma source(%arg5 : memref<632x128xf32, #tpu.memory_space<hbm>>) target(%dma_start3A_11 : memref<632x128xf32, #tpu.memory_space<vmem_shared>>) target_semaphore(%run_scoped3A : memref<!tpu.dma_semaphore, #tpu.memory_space<semaphore_mem>>)
      %dma_wait3A = arith.constant 0 : i32
      %dma_wait3A_12 = tpu.memref_slice %arg12[%mul3A_0, %dma_wait3A] : memref<10112x128xf32, #tpu.memory_space<vmem_shared>> -> memref<632x128xf32, #tpu.memory_space<vmem_shared>>
      tpu.wait_dma2 semaphore(%run_scoped3A : memref<!tpu.dma_semaphore, #tpu.memory_space<semaphore_mem>>) src(%arg5 : memref<632x128xf32, #tpu.memory_space<hbm>>) dst(%dma_wait3A_12 : memref<632x128xf32, #tpu.memory_space<vmem_shared>>)
      tpu.yield
    }) : () -> ()
    %barrier3A = arith.constant 0 : index
    tpu.barrier barrier_id(%barrier3A)
    %scan3A = arith.constant 0 : i32
    %scan3A_1 = arith.constant 0 : i32
    %scan3A_2 = arith.constant 11 : i32
    %scan3A_3 = arith.addi %scan3A_1, %scan3A_2 : i32
    %scan3A_4 = arith.constant 1 : i32
    scf.for %scan3A_11 = %scan3A_1 to %scan3A_3 step %scan3A_4  : i32 {
      %mul3A_12 = arith.constant 16 : i32
      %mul3A_13 = arith.muli %scan3A_11, %mul3A_12 : i32
      "tpu.region"() ({
        %run_scoped3A = tpu.sem_alloc : memref<!tpu.dma_semaphore, #tpu.memory_space<semaphore_mem>>
        %dma_start3A_462 = arith.constant 0 : i32
        %dma_start3A_463 = tpu.memref_slice %arg3[%arg0, %arg1, %mul3A_13, %dma_start3A_462] : memref<2x16x176x120xi32, #tpu.memory_space<hbm>> -> memref<1x1x16x120xi32, #tpu.memory_space<hbm>>
        %dma_start3A_464 = tpu.memref_squeeze %dma_start3A_463 : memref<1x1x16x120xi32, #tpu.memory_space<hbm>> -> memref<16x120xi32, #tpu.memory_space<hbm>>
        %dma_start3A_465 = arith.constant 0 : i32
        %dma_start3A_466 = tpu.memref_slice %arg3[%arg0, %arg1, %mul3A_13, %dma_start3A_465] : memref<2x16x176x120xi32, #tpu.memory_space<hbm>> -> memref<1x1x16x120xi32, #tpu.memory_space<hbm>>
        %dma_start3A_467 = tpu.memref_squeeze %dma_start3A_466 : memref<1x1x16x120xi32, #tpu.memory_space<hbm>> -> memref<16x120xi32, #tpu.memory_space<hbm>>
        tpu.enqueue_dma source(%dma_start3A_467 : memref<16x120xi32, #tpu.memory_space<hbm>>) target(%arg7 : memref<16x120xi32, #tpu.memory_space<vmem>>) target_semaphore(%run_scoped3A : memref<!tpu.dma_semaphore, #tpu.memory_space<semaphore_mem>>)
        %dma_wait3A_468 = arith.constant 0 : i32
        %dma_wait3A_469 = tpu.memref_slice %arg3[%arg0, %arg1, %mul3A_13, %dma_wait3A_468] : memref<2x16x176x120xi32, #tpu.memory_space<hbm>> -> memref<1x1x16x120xi32, #tpu.memory_space<hbm>>
        %dma_wait3A_470 = tpu.memref_squeeze %dma_wait3A_469 : memref<1x1x16x120xi32, #tpu.memory_space<hbm>> -> memref<16x120xi32, #tpu.memory_space<hbm>>
        %dma_wait3A_471 = arith.constant 0 : i32
        %dma_wait3A_472 = tpu.memref_slice %arg3[%arg0, %arg1, %mul3A_13, %dma_wait3A_471] : memref<2x16x176x120xi32, #tpu.memory_space<hbm>> -> memref<1x1x16x120xi32, #tpu.memory_space<hbm>>
        %dma_wait3A_473 = tpu.memref_squeeze %dma_wait3A_472 : memref<1x1x16x120xi32, #tpu.memory_space<hbm>> -> memref<16x120xi32, #tpu.memory_space<hbm>>
        tpu.wait_dma2 semaphore(%run_scoped3A : memref<!tpu.dma_semaphore, #tpu.memory_space<semaphore_mem>>) src(%dma_wait3A_473 : memref<16x120xi32, #tpu.memory_space<hbm>>) dst(%arg7 : memref<16x120xi32, #tpu.memory_space<vmem>>)
        tpu.yield
      }) : () -> ()
      %mul3A_14 = arith.constant 16 : i32
      %mul3A_15 = arith.muli %scan3A_11, %mul3A_14 : i32
      "tpu.region"() ({
        %run_scoped3A = tpu.sem_alloc : memref<!tpu.dma_semaphore, #tpu.memory_space<semaphore_mem>>
        %dma_start3A_462 = arith.constant 0 : i32
        %dma_start3A_463 = tpu.memref_slice %arg4[%arg0, %arg1, %mul3A_15, %dma_start3A_462] : memref<2x16x176x120xi32, #tpu.memory_space<hbm>> -> memref<1x1x16x120xi32, #tpu.memory_space<hbm>>
        %dma_start3A_464 = tpu.memref_squeeze %dma_start3A_463 : memref<1x1x16x120xi32, #tpu.memory_space<hbm>> -> memref<16x120xi32, #tpu.memory_space<hbm>>
        %dma_start3A_465 = arith.constant 0 : i32
        %dma_start3A_466 = tpu.memref_slice %arg4[%arg0, %arg1, %mul3A_15, %dma_start3A_465] : memref<2x16x176x120xi32, #tpu.memory_space<hbm>> -> memref<1x1x16x120xi32, #tpu.memory_space<hbm>>
        %dma_start3A_467 = tpu.memref_squeeze %dma_start3A_466 : memref<1x1x16x120xi32, #tpu.memory_space<hbm>> -> memref<16x120xi32, #tpu.memory_space<hbm>>
        tpu.enqueue_dma source(%dma_start3A_467 : memref<16x120xi32, #tpu.memory_space<hbm>>) target(%arg8 : memref<16x120xi32, #tpu.memory_space<vmem>>) target_semaphore(%run_scoped3A : memref<!tpu.dma_semaphore, #tpu.memory_space<semaphore_mem>>)
        %dma_wait3A_468 = arith.constant 0 : i32
        %dma_wait3A_469 = tpu.memref_slice %arg4[%arg0, %arg1, %mul3A_15, %dma_wait3A_468] : memref<2x16x176x120xi32, #tpu.memory_space<hbm>> -> memref<1x1x16x120xi32, #tpu.memory_space<hbm>>
        %dma_wait3A_470 = tpu.memref_squeeze %dma_wait3A_469 : memref<1x1x16x120xi32, #tpu.memory_space<hbm>> -> memref<16x120xi32, #tpu.memory_space<hbm>>
        %dma_wait3A_471 = arith.constant 0 : i32
        %dma_wait3A_472 = tpu.memref_slice %arg4[%arg0, %arg1, %mul3A_15, %dma_wait3A_471] : memref<2x16x176x120xi32, #tpu.memory_space<hbm>> -> memref<1x1x16x120xi32, #tpu.memory_space<hbm>>
        %dma_wait3A_473 = tpu.memref_squeeze %dma_wait3A_472 : memref<1x1x16x120xi32, #tpu.memory_space<hbm>> -> memref<16x120xi32, #tpu.memory_space<hbm>>
        tpu.wait_dma2 semaphore(%run_scoped3A : memref<!tpu.dma_semaphore, #tpu.memory_space<semaphore_mem>>) src(%dma_wait3A_473 : memref<16x120xi32, #tpu.memory_space<hbm>>) dst(%arg8 : memref<16x120xi32, #tpu.memory_space<vmem>>)
        tpu.yield
      }) : () -> ()
      %dma_start3A = arith.constant 0 : i32
      %dma_start3A_16 = arith.constant 0 : i32
      %dma_start3A_17 = tpu.memref_slice %arg7[%dma_start3A, %dma_start3A_16] : memref<16x120xi32, #tpu.memory_space<vmem>> -> memref<1x120xi32, #tpu.memory_space<vmem>>
      %dma_start3A_18 = tpu.memref_squeeze %dma_start3A_17 : memref<1x120xi32, #tpu.memory_space<vmem>> -> memref<120xi32, #tpu.memory_space<vmem>>
      %dma_start3A_19 = arith.constant 0 : i32
      %dma_start3A_20 = arith.constant 0 : i32
      %dma_start3A_21 = tpu.memref_slice %arg2[%dma_start3A_19, %dma_start3A_20] : memref<20000x128xf32, #tpu.memory_space<hbm>> -> memref<20000x128xf32, #tpu.memory_space<hbm>>
      tpu.enqueue_indirect_dma source(%dma_start3A_21 : memref<20000x128xf32, #tpu.memory_space<hbm>>) target(%arg9 : memref<120x128xf32, #tpu.memory_space<vmem>>) offsets(%dma_start3A_18 : memref<120xi32, #tpu.memory_space<vmem>>) semaphore(%arg13 : memref<!tpu.dma_semaphore, #tpu.memory_space<semaphore_mem>>)
      %dma_start3A_22 = arith.constant 1 : i32
      %dma_start3A_23 = arith.constant 0 : i32
      %dma_start3A_24 = tpu.memref_slice %arg7[%dma_start3A_22, %dma_start3A_23] : memref<16x120xi32, #tpu.memory_space<vmem>> -> memref<1x120xi32, #tpu.memory_space<vmem>>
      %dma_start3A_25 = tpu.memref_squeeze %dma_start3A_24 : memref<1x120xi32, #tpu.memory_space<vmem>> -> memref<120xi32, #tpu.memory_space<vmem>>
      %dma_start3A_26 = arith.constant 0 : i32
      %dma_start3A_27 = arith.constant 0 : i32
      %dma_start3A_28 = tpu.memref_slice %arg2[%dma_start3A_26, %dma_start3A_27] : memref<20000x128xf32, #tpu.memory_space<hbm>> -> memref<20000x128xf32, #tpu.memory_space<hbm>>
      tpu.enqueue_indirect_dma source(%dma_start3A_28 : memref<20000x128xf32, #tpu.memory_space<hbm>>) target(%arg10 : memref<120x128xf32, #tpu.memory_space<vmem>>) offsets(%dma_start3A_25 : memref<120xi32, #tpu.memory_space<vmem>>) semaphore(%arg14 : memref<!tpu.dma_semaphore, #tpu.memory_space<semaphore_mem>>)
      %dma_start3A_29 = arith.constant 2 : i32
      %dma_start3A_30 = arith.constant 0 : i32
      %dma_start3A_31 = tpu.memref_slice %arg7[%dma_start3A_29, %dma_start3A_30] : memref<16x120xi32, #tpu.memory_space<vmem>> -> memref<1x120xi32, #tpu.memory_space<vmem>>
      %dma_start3A_32 = tpu.memref_squeeze %dma_start3A_31 : memref<1x120xi32, #tpu.memory_space<vmem>> -> memref<120xi32, #tpu.memory_space<vmem>>
      %dma_start3A_33 = arith.constant 0 : i32
      %dma_start3A_34 = arith.constant 0 : i32
      %dma_start3A_35 = tpu.memref_slice %arg2[%dma_start3A_33, %dma_start3A_34] : memref<20000x128xf32, #tpu.memory_space<hbm>> -> memref<20000x128xf32, #tpu.memory_space<hbm>>
      tpu.enqueue_indirect_dma source(%dma_start3A_35 : memref<20000x128xf32, #tpu.memory_space<hbm>>) target(%arg11 : memref<120x128xf32, #tpu.memory_space<vmem>>) offsets(%dma_start3A_32 : memref<120xi32, #tpu.memory_space<vmem>>) semaphore(%arg15 : memref<!tpu.dma_semaphore, #tpu.memory_space<semaphore_mem>>)
      %dma_wait3A = arith.constant 0 : i32
      %dma_wait3A_36 = arith.constant 0 : i32
      %dma_wait3A_37 = tpu.memref_slice %arg7[%dma_wait3A, %dma_wait3A_36] : memref<16x120xi32, #tpu.memory_space<vmem>> -> memref<1x120xi32, #tpu.memory_space<vmem>>
      %dma_wait3A_38 = tpu.memref_squeeze %dma_wait3A_37 : memref<1x120xi32, #tpu.memory_space<vmem>> -> memref<120xi32, #tpu.memory_space<vmem>>
      %dma_wait3A_39 = arith.constant 0 : i32
      %dma_wait3A_40 = arith.constant 0 : i32
      %dma_wait3A_41 = tpu.memref_slice %arg2[%dma_wait3A_39, %dma_wait3A_40] : memref<20000x128xf32, #tpu.memory_space<hbm>> -> memref<20000x128xf32, #tpu.memory_space<hbm>>
      tpu.wait_indirect_dma semaphore(%arg13 : memref<!tpu.dma_semaphore, #tpu.memory_space<semaphore_mem>>) src(%dma_wait3A_41 : memref<20000x128xf32, #tpu.memory_space<hbm>>) dst(%arg9 : memref<120x128xf32, #tpu.memory_space<vmem>>)
      %dma_start3A_42 = arith.constant 0 : i32
      %dma_start3A_43 = arith.constant 0 : i32
      %dma_start3A_44 = tpu.memref_slice %arg8[%dma_start3A_42, %dma_start3A_43] : memref<16x120xi32, #tpu.memory_space<vmem>> -> memref<1x120xi32, #tpu.memory_space<vmem>>
      %dma_start3A_45 = tpu.memref_squeeze %dma_start3A_44 : memref<1x120xi32, #tpu.memory_space<vmem>> -> memref<120xi32, #tpu.memory_space<vmem>>
      %dma_start3A_46 = arith.constant 0 : i32
      %dma_start3A_47 = arith.constant 0 : i32
      %dma_start3A_48 = tpu.memref_slice %arg12[%dma_start3A_46, %dma_start3A_47] : memref<10112x128xf32, #tpu.memory_space<vmem_shared>> -> memref<10112x128xf32, #tpu.memory_space<vmem_shared>>
      tpu.enqueue_indirect_dma source(%arg9 : memref<120x128xf32, #tpu.memory_space<vmem>>) target(%dma_start3A_48 : memref<10112x128xf32, #tpu.memory_space<vmem_shared>>) offsets(%dma_start3A_45 : memref<120xi32, #tpu.memory_space<vmem>>) semaphore(%arg16 : memref<!tpu.dma_semaphore, #tpu.memory_space<semaphore_mem>>) {add = true}
      %dma_wait3A_49 = arith.constant 0 : i32
      %dma_wait3A_50 = arith.constant 0 : i32
      %dma_wait3A_51 = tpu.memref_slice %arg8[%dma_wait3A_49, %dma_wait3A_50] : memref<16x120xi32, #tpu.memory_space<vmem>> -> memref<1x120xi32, #tpu.memory_space<vmem>>
      %dma_wait3A_52 = tpu.memref_squeeze %dma_wait3A_51 : memref<1x120xi32, #tpu.memory_space<vmem>> -> memref<120xi32, #tpu.memory_space<vmem>>
      %dma_wait3A_53 = arith.constant 0 : i32
      %dma_wait3A_54 = arith.constant 0 : i32
      %dma_wait3A_55 = tpu.memref_slice %arg12[%dma_wait3A_53, %dma_wait3A_54] : memref<10112x128xf32, #tpu.memory_space<vmem_shared>> -> memref<10112x128xf32, #tpu.memory_space<vmem_shared>>
      tpu.wait_indirect_dma semaphore(%arg16 : memref<!tpu.dma_semaphore, #tpu.memory_space<semaphore_mem>>) src(%arg9 : memref<120x128xf32, #tpu.memory_space<vmem>>) dst(%dma_wait3A_55 : memref<10112x128xf32, #tpu.memory_space<vmem_shared>>)
      %dma_start3A_56 = arith.constant 3 : i32
      %dma_start3A_57 = arith.constant 0 : i32
      %dma_start3A_58 = tpu.memref_slice %arg7[%dma_start3A_56, %dma_start3A_57] : memref<16x120xi32, #tpu.memory_space<vmem>> -> memref<1x120xi32, #tpu.memory_space<vmem>>
      %dma_start3A_59 = tpu.memref_squeeze %dma_start3A_58 : memref<1x120xi32, #tpu.memory_space<vmem>> -> memref<120xi32, #tpu.memory_space<vmem>>
      %dma_start3A_60 = arith.constant 0 : i32
      %dma_start3A_61 = arith.constant 0 : i32
      %dma_start3A_62 = tpu.memref_slice %arg2[%dma_start3A_60, %dma_start3A_61] : memref<20000x128xf32, #tpu.memory_space<hbm>> -> memref<20000x128xf32, #tpu.memory_space<hbm>>
      tpu.enqueue_indirect_dma source(%dma_start3A_62 : memref<20000x128xf32, #tpu.memory_space<hbm>>) target(%arg9 : memref<120x128xf32, #tpu.memory_space<vmem>>) offsets(%dma_start3A_59 : memref<120xi32, #tpu.memory_space<vmem>>) semaphore(%arg13 : memref<!tpu.dma_semaphore, #tpu.memory_space<semaphore_mem>>)
      %dma_wait3A_63 = arith.constant 1 : i32
      %dma_wait3A_64 = arith.constant 0 : i32
      %dma_wait3A_65 = tpu.memref_slice %arg7[%dma_wait3A_63, %dma_wait3A_64] : memref<16x120xi32, #tpu.memory_space<vmem>> -> memref<1x120xi32, #tpu.memory_space<vmem>>
      %dma_wait3A_66 = tpu.memref_squeeze %dma_wait3A_65 : memref<1x120xi32, #tpu.memory_space<vmem>> -> memref<120xi32, #tpu.memory_space<vmem>>
      %dma_wait3A_67 = arith.constant 0 : i32
      %dma_wait3A_68 = arith.constant 0 : i32
      %dma_wait3A_69 = tpu.memref_slice %arg2[%dma_wait3A_67, %dma_wait3A_68] : memref<20000x128xf32, #tpu.memory_space<hbm>> -> memref<20000x128xf32, #tpu.memory_space<hbm>>
      tpu.wait_indirect_dma semaphore(%arg14 : memref<!tpu.dma_semaphore, #tpu.memory_space<semaphore_mem>>) src(%dma_wait3A_69 : memref<20000x128xf32, #tpu.memory_space<hbm>>) dst(%arg10 : memref<120x128xf32, #tpu.memory_space<vmem>>)
      %dma_start3A_70 = arith.constant 1 : i32
      %dma_start3A_71 = arith.constant 0 : i32
      %dma_start3A_72 = tpu.memref_slice %arg8[%dma_start3A_70, %dma_start3A_71] : memref<16x120xi32, #tpu.memory_space<vmem>> -> memref<1x120xi32, #tpu.memory_space<vmem>>
      %dma_start3A_73 = tpu.memref_squeeze %dma_start3A_72 : memref<1x120xi32, #tpu.memory_space<vmem>> -> memref<120xi32, #tpu.memory_space<vmem>>
      %dma_start3A_74 = arith.constant 0 : i32
      %dma_start3A_75 = arith.constant 0 : i32
      %dma_start3A_76 = tpu.memref_slice %arg12[%dma_start3A_74, %dma_start3A_75] : memref<10112x128xf32, #tpu.memory_space<vmem_shared>> -> memref<10112x128xf32, #tpu.memory_space<vmem_shared>>
      tpu.enqueue_indirect_dma source(%arg10 : memref<120x128xf32, #tpu.memory_space<vmem>>) target(%dma_start3A_76 : memref<10112x128xf32, #tpu.memory_space<vmem_shared>>) offsets(%dma_start3A_73 : memref<120xi32, #tpu.memory_space<vmem>>) semaphore(%arg17 : memref<!tpu.dma_semaphore, #tpu.memory_space<semaphore_mem>>) {add = true}
      %dma_wait3A_77 = arith.constant 1 : i32
      %dma_wait3A_78 = arith.constant 0 : i32
      %dma_wait3A_79 = tpu.memref_slice %arg8[%dma_wait3A_77, %dma_wait3A_78] : memref<16x120xi32, #tpu.memory_space<vmem>> -> memref<1x120xi32, #tpu.memory_space<vmem>>
      %dma_wait3A_80 = tpu.memref_squeeze %dma_wait3A_79 : memref<1x120xi32, #tpu.memory_space<vmem>> -> memref<120xi32, #tpu.memory_space<vmem>>
      %dma_wait3A_81 = arith.constant 0 : i32
      %dma_wait3A_82 = arith.constant 0 : i32
      %dma_wait3A_83 = tpu.memref_slice %arg12[%dma_wait3A_81, %dma_wait3A_82] : memref<10112x128xf32, #tpu.memory_space<vmem_shared>> -> memref<10112x128xf32, #tpu.memory_space<vmem_shared>>
      tpu.wait_indirect_dma semaphore(%arg17 : memref<!tpu.dma_semaphore, #tpu.memory_space<semaphore_mem>>) src(%arg10 : memref<120x128xf32, #tpu.memory_space<vmem>>) dst(%dma_wait3A_83 : memref<10112x128xf32, #tpu.memory_space<vmem_shared>>)
      %dma_start3A_84 = arith.constant 4 : i32
      %dma_start3A_85 = arith.constant 0 : i32
      %dma_start3A_86 = tpu.memref_slice %arg7[%dma_start3A_84, %dma_start3A_85] : memref<16x120xi32, #tpu.memory_space<vmem>> -> memref<1x120xi32, #tpu.memory_space<vmem>>
      %dma_start3A_87 = tpu.memref_squeeze %dma_start3A_86 : memref<1x120xi32, #tpu.memory_space<vmem>> -> memref<120xi32, #tpu.memory_space<vmem>>
      %dma_start3A_88 = arith.constant 0 : i32
      %dma_start3A_89 = arith.constant 0 : i32
      %dma_start3A_90 = tpu.memref_slice %arg2[%dma_start3A_88, %dma_start3A_89] : memref<20000x128xf32, #tpu.memory_space<hbm>> -> memref<20000x128xf32, #tpu.memory_space<hbm>>
      tpu.enqueue_indirect_dma source(%dma_start3A_90 : memref<20000x128xf32, #tpu.memory_space<hbm>>) target(%arg10 : memref<120x128xf32, #tpu.memory_space<vmem>>) offsets(%dma_start3A_87 : memref<120xi32, #tpu.memory_space<vmem>>) semaphore(%arg14 : memref<!tpu.dma_semaphore, #tpu.memory_space<semaphore_mem>>)
      %dma_wait3A_91 = arith.constant 2 : i32
      %dma_wait3A_92 = arith.constant 0 : i32
      %dma_wait3A_93 = tpu.memref_slice %arg7[%dma_wait3A_91, %dma_wait3A_92] : memref<16x120xi32, #tpu.memory_space<vmem>> -> memref<1x120xi32, #tpu.memory_space<vmem>>
      %dma_wait3A_94 = tpu.memref_squeeze %dma_wait3A_93 : memref<1x120xi32, #tpu.memory_space<vmem>> -> memref<120xi32, #tpu.memory_space<vmem>>
      %dma_wait3A_95 = arith.constant 0 : i32
      %dma_wait3A_96 = arith.constant 0 : i32
      %dma_wait3A_97 = tpu.memref_slice %arg2[%dma_wait3A_95, %dma_wait3A_96] : memref<20000x128xf32, #tpu.memory_space<hbm>> -> memref<20000x128xf32, #tpu.memory_space<hbm>>
      tpu.wait_indirect_dma semaphore(%arg15 : memref<!tpu.dma_semaphore, #tpu.memory_space<semaphore_mem>>) src(%dma_wait3A_97 : memref<20000x128xf32, #tpu.memory_space<hbm>>) dst(%arg11 : memref<120x128xf32, #tpu.memory_space<vmem>>)
      %dma_start3A_98 = arith.constant 2 : i32
      %dma_start3A_99 = arith.constant 0 : i32
      %dma_start3A_100 = tpu.memref_slice %arg8[%dma_start3A_98, %dma_start3A_99] : memref<16x120xi32, #tpu.memory_space<vmem>> -> memref<1x120xi32, #tpu.memory_space<vmem>>
      %dma_start3A_101 = tpu.memref_squeeze %dma_start3A_100 : memref<1x120xi32, #tpu.memory_space<vmem>> -> memref<120xi32, #tpu.memory_space<vmem>>
      %dma_start3A_102 = arith.constant 0 : i32
      %dma_start3A_103 = arith.constant 0 : i32
      %dma_start3A_104 = tpu.memref_slice %arg12[%dma_start3A_102, %dma_start3A_103] : memref<10112x128xf32, #tpu.memory_space<vmem_shared>> -> memref<10112x128xf32, #tpu.memory_space<vmem_shared>>
      tpu.enqueue_indirect_dma source(%arg11 : memref<120x128xf32, #tpu.memory_space<vmem>>) target(%dma_start3A_104 : memref<10112x128xf32, #tpu.memory_space<vmem_shared>>) offsets(%dma_start3A_101 : memref<120xi32, #tpu.memory_space<vmem>>) semaphore(%arg18 : memref<!tpu.dma_semaphore, #tpu.memory_space<semaphore_mem>>) {add = true}
      %dma_wait3A_105 = arith.constant 2 : i32
      %dma_wait3A_106 = arith.constant 0 : i32
      %dma_wait3A_107 = tpu.memref_slice %arg8[%dma_wait3A_105, %dma_wait3A_106] : memref<16x120xi32, #tpu.memory_space<vmem>> -> memref<1x120xi32, #tpu.memory_space<vmem>>
      %dma_wait3A_108 = tpu.memref_squeeze %dma_wait3A_107 : memref<1x120xi32, #tpu.memory_space<vmem>> -> memref<120xi32, #tpu.memory_space<vmem>>
      %dma_wait3A_109 = arith.constant 0 : i32
      %dma_wait3A_110 = arith.constant 0 : i32
      %dma_wait3A_111 = tpu.memref_slice %arg12[%dma_wait3A_109, %dma_wait3A_110] : memref<10112x128xf32, #tpu.memory_space<vmem_shared>> -> memref<10112x128xf32, #tpu.memory_space<vmem_shared>>
      tpu.wait_indirect_dma semaphore(%arg18 : memref<!tpu.dma_semaphore, #tpu.memory_space<semaphore_mem>>) src(%arg11 : memref<120x128xf32, #tpu.memory_space<vmem>>) dst(%dma_wait3A_111 : memref<10112x128xf32, #tpu.memory_space<vmem_shared>>)
      %dma_start3A_112 = arith.constant 5 : i32
      %dma_start3A_113 = arith.constant 0 : i32
      %dma_start3A_114 = tpu.memref_slice %arg7[%dma_start3A_112, %dma_start3A_113] : memref<16x120xi32, #tpu.memory_space<vmem>> -> memref<1x120xi32, #tpu.memory_space<vmem>>
      %dma_start3A_115 = tpu.memref_squeeze %dma_start3A_114 : memref<1x120xi32, #tpu.memory_space<vmem>> -> memref<120xi32, #tpu.memory_space<vmem>>
      %dma_start3A_116 = arith.constant 0 : i32
      %dma_start3A_117 = arith.constant 0 : i32
      %dma_start3A_118 = tpu.memref_slice %arg2[%dma_start3A_116, %dma_start3A_117] : memref<20000x128xf32, #tpu.memory_space<hbm>> -> memref<20000x128xf32, #tpu.memory_space<hbm>>
      tpu.enqueue_indirect_dma source(%dma_start3A_118 : memref<20000x128xf32, #tpu.memory_space<hbm>>) target(%arg11 : memref<120x128xf32, #tpu.memory_space<vmem>>) offsets(%dma_start3A_115 : memref<120xi32, #tpu.memory_space<vmem>>) semaphore(%arg15 : memref<!tpu.dma_semaphore, #tpu.memory_space<semaphore_mem>>)
      %dma_wait3A_119 = arith.constant 3 : i32
      %dma_wait3A_120 = arith.constant 0 : i32
      %dma_wait3A_121 = tpu.memref_slice %arg7[%dma_wait3A_119, %dma_wait3A_120] : memref<16x120xi32, #tpu.memory_space<vmem>> -> memref<1x120xi32, #tpu.memory_space<vmem>>
      %dma_wait3A_122 = tpu.memref_squeeze %dma_wait3A_121 : memref<1x120xi32, #tpu.memory_space<vmem>> -> memref<120xi32, #tpu.memory_space<vmem>>
      %dma_wait3A_123 = arith.constant 0 : i32
      %dma_wait3A_124 = arith.constant 0 : i32
      %dma_wait3A_125 = tpu.memref_slice %arg2[%dma_wait3A_123, %dma_wait3A_124] : memref<20000x128xf32, #tpu.memory_space<hbm>> -> memref<20000x128xf32, #tpu.memory_space<hbm>>
      tpu.wait_indirect_dma semaphore(%arg13 : memref<!tpu.dma_semaphore, #tpu.memory_space<semaphore_mem>>) src(%dma_wait3A_125 : memref<20000x128xf32, #tpu.memory_space<hbm>>) dst(%arg9 : memref<120x128xf32, #tpu.memory_space<vmem>>)
      %dma_start3A_126 = arith.constant 3 : i32
      %dma_start3A_127 = arith.constant 0 : i32
      %dma_start3A_128 = tpu.memref_slice %arg8[%dma_start3A_126, %dma_start3A_127] : memref<16x120xi32, #tpu.memory_space<vmem>> -> memref<1x120xi32, #tpu.memory_space<vmem>>
      %dma_start3A_129 = tpu.memref_squeeze %dma_start3A_128 : memref<1x120xi32, #tpu.memory_space<vmem>> -> memref<120xi32, #tpu.memory_space<vmem>>
      %dma_start3A_130 = arith.constant 0 : i32
      %dma_start3A_131 = arith.constant 0 : i32
      %dma_start3A_132 = tpu.memref_slice %arg12[%dma_start3A_130, %dma_start3A_131] : memref<10112x128xf32, #tpu.memory_space<vmem_shared>> -> memref<10112x128xf32, #tpu.memory_space<vmem_shared>>
      tpu.enqueue_indirect_dma source(%arg9 : memref<120x128xf32, #tpu.memory_space<vmem>>) target(%dma_start3A_132 : memref<10112x128xf32, #tpu.memory_space<vmem_shared>>) offsets(%dma_start3A_129 : memref<120xi32, #tpu.memory_space<vmem>>) semaphore(%arg16 : memref<!tpu.dma_semaphore, #tpu.memory_space<semaphore_mem>>) {add = true}
      %dma_wait3A_133 = arith.constant 3 : i32
      %dma_wait3A_134 = arith.constant 0 : i32
      %dma_wait3A_135 = tpu.memref_slice %arg8[%dma_wait3A_133, %dma_wait3A_134] : memref<16x120xi32, #tpu.memory_space<vmem>> -> memref<1x120xi32, #tpu.memory_space<vmem>>
      %dma_wait3A_136 = tpu.memref_squeeze %dma_wait3A_135 : memref<1x120xi32, #tpu.memory_space<vmem>> -> memref<120xi32, #tpu.memory_space<vmem>>
      %dma_wait3A_137 = arith.constant 0 : i32
      %dma_wait3A_138 = arith.constant 0 : i32
      %dma_wait3A_139 = tpu.memref_slice %arg12[%dma_wait3A_137, %dma_wait3A_138] : memref<10112x128xf32, #tpu.memory_space<vmem_shared>> -> memref<10112x128xf32, #tpu.memory_space<vmem_shared>>
      tpu.wait_indirect_dma semaphore(%arg16 : memref<!tpu.dma_semaphore, #tpu.memory_space<semaphore_mem>>) src(%arg9 : memref<120x128xf32, #tpu.memory_space<vmem>>) dst(%dma_wait3A_139 : memref<10112x128xf32, #tpu.memory_space<vmem_shared>>)
      %dma_start3A_140 = arith.constant 6 : i32
      %dma_start3A_141 = arith.constant 0 : i32
      %dma_start3A_142 = tpu.memref_slice %arg7[%dma_start3A_140, %dma_start3A_141] : memref<16x120xi32, #tpu.memory_space<vmem>> -> memref<1x120xi32, #tpu.memory_space<vmem>>
      %dma_start3A_143 = tpu.memref_squeeze %dma_start3A_142 : memref<1x120xi32, #tpu.memory_space<vmem>> -> memref<120xi32, #tpu.memory_space<vmem>>
      %dma_start3A_144 = arith.constant 0 : i32
      %dma_start3A_145 = arith.constant 0 : i32
      %dma_start3A_146 = tpu.memref_slice %arg2[%dma_start3A_144, %dma_start3A_145] : memref<20000x128xf32, #tpu.memory_space<hbm>> -> memref<20000x128xf32, #tpu.memory_space<hbm>>
      tpu.enqueue_indirect_dma source(%dma_start3A_146 : memref<20000x128xf32, #tpu.memory_space<hbm>>) target(%arg9 : memref<120x128xf32, #tpu.memory_space<vmem>>) offsets(%dma_start3A_143 : memref<120xi32, #tpu.memory_space<vmem>>) semaphore(%arg13 : memref<!tpu.dma_semaphore, #tpu.memory_space<semaphore_mem>>)
      %dma_wait3A_147 = arith.constant 4 : i32
      %dma_wait3A_148 = arith.constant 0 : i32
      %dma_wait3A_149 = tpu.memref_slice %arg7[%dma_wait3A_147, %dma_wait3A_148] : memref<16x120xi32, #tpu.memory_space<vmem>> -> memref<1x120xi32, #tpu.memory_space<vmem>>
      %dma_wait3A_150 = tpu.memref_squeeze %dma_wait3A_149 : memref<1x120xi32, #tpu.memory_space<vmem>> -> memref<120xi32, #tpu.memory_space<vmem>>
      %dma_wait3A_151 = arith.constant 0 : i32
      %dma_wait3A_152 = arith.constant 0 : i32
      %dma_wait3A_153 = tpu.memref_slice %arg2[%dma_wait3A_151, %dma_wait3A_152] : memref<20000x128xf32, #tpu.memory_space<hbm>> -> memref<20000x128xf32, #tpu.memory_space<hbm>>
      tpu.wait_indirect_dma semaphore(%arg14 : memref<!tpu.dma_semaphore, #tpu.memory_space<semaphore_mem>>) src(%dma_wait3A_153 : memref<20000x128xf32, #tpu.memory_space<hbm>>) dst(%arg10 : memref<120x128xf32, #tpu.memory_space<vmem>>)
      %dma_start3A_154 = arith.constant 4 : i32
      %dma_start3A_155 = arith.constant 0 : i32
      %dma_start3A_156 = tpu.memref_slice %arg8[%dma_start3A_154, %dma_start3A_155] : memref<16x120xi32, #tpu.memory_space<vmem>> -> memref<1x120xi32, #tpu.memory_space<vmem>>
      %dma_start3A_157 = tpu.memref_squeeze %dma_start3A_156 : memref<1x120xi32, #tpu.memory_space<vmem>> -> memref<120xi32, #tpu.memory_space<vmem>>
      %dma_start3A_158 = arith.constant 0 : i32
      %dma_start3A_159 = arith.constant 0 : i32
      %dma_start3A_160 = tpu.memref_slice %arg12[%dma_start3A_158, %dma_start3A_159] : memref<10112x128xf32, #tpu.memory_space<vmem_shared>> -> memref<10112x128xf32, #tpu.memory_space<vmem_shared>>
      tpu.enqueue_indirect_dma source(%arg10 : memref<120x128xf32, #tpu.memory_space<vmem>>) target(%dma_start3A_160 : memref<10112x128xf32, #tpu.memory_space<vmem_shared>>) offsets(%dma_start3A_157 : memref<120xi32, #tpu.memory_space<vmem>>) semaphore(%arg17 : memref<!tpu.dma_semaphore, #tpu.memory_space<semaphore_mem>>) {add = true}
      %dma_wait3A_161 = arith.constant 4 : i32
      %dma_wait3A_162 = arith.constant 0 : i32
      %dma_wait3A_163 = tpu.memref_slice %arg8[%dma_wait3A_161, %dma_wait3A_162] : memref<16x120xi32, #tpu.memory_space<vmem>> -> memref<1x120xi32, #tpu.memory_space<vmem>>
      %dma_wait3A_164 = tpu.memref_squeeze %dma_wait3A_163 : memref<1x120xi32, #tpu.memory_space<vmem>> -> memref<120xi32, #tpu.memory_space<vmem>>
      %dma_wait3A_165 = arith.constant 0 : i32
      %dma_wait3A_166 = arith.constant 0 : i32
      %dma_wait3A_167 = tpu.memref_slice %arg12[%dma_wait3A_165, %dma_wait3A_166] : memref<10112x128xf32, #tpu.memory_space<vmem_shared>> -> memref<10112x128xf32, #tpu.memory_space<vmem_shared>>
      tpu.wait_indirect_dma semaphore(%arg17 : memref<!tpu.dma_semaphore, #tpu.memory_space<semaphore_mem>>) src(%arg10 : memref<120x128xf32, #tpu.memory_space<vmem>>) dst(%dma_wait3A_167 : memref<10112x128xf32, #tpu.memory_space<vmem_shared>>)
      %dma_start3A_168 = arith.constant 7 : i32
      %dma_start3A_169 = arith.constant 0 : i32
      %dma_start3A_170 = tpu.memref_slice %arg7[%dma_start3A_168, %dma_start3A_169] : memref<16x120xi32, #tpu.memory_space<vmem>> -> memref<1x120xi32, #tpu.memory_space<vmem>>
      %dma_start3A_171 = tpu.memref_squeeze %dma_start3A_170 : memref<1x120xi32, #tpu.memory_space<vmem>> -> memref<120xi32, #tpu.memory_space<vmem>>
      %dma_start3A_172 = arith.constant 0 : i32
      %dma_start3A_173 = arith.constant 0 : i32
      %dma_start3A_174 = tpu.memref_slice %arg2[%dma_start3A_172, %dma_start3A_173] : memref<20000x128xf32, #tpu.memory_space<hbm>> -> memref<20000x128xf32, #tpu.memory_space<hbm>>
      tpu.enqueue_indirect_dma source(%dma_start3A_174 : memref<20000x128xf32, #tpu.memory_space<hbm>>) target(%arg10 : memref<120x128xf32, #tpu.memory_space<vmem>>) offsets(%dma_start3A_171 : memref<120xi32, #tpu.memory_space<vmem>>) semaphore(%arg14 : memref<!tpu.dma_semaphore, #tpu.memory_space<semaphore_mem>>)
      %dma_wait3A_175 = arith.constant 5 : i32
      %dma_wait3A_176 = arith.constant 0 : i32
      %dma_wait3A_177 = tpu.memref_slice %arg7[%dma_wait3A_175, %dma_wait3A_176] : memref<16x120xi32, #tpu.memory_space<vmem>> -> memref<1x120xi32, #tpu.memory_space<vmem>>
      %dma_wait3A_178 = tpu.memref_squeeze %dma_wait3A_177 : memref<1x120xi32, #tpu.memory_space<vmem>> -> memref<120xi32, #tpu.memory_space<vmem>>
      %dma_wait3A_179 = arith.constant 0 : i32
      %dma_wait3A_180 = arith.constant 0 : i32
      %dma_wait3A_181 = tpu.memref_slice %arg2[%dma_wait3A_179, %dma_wait3A_180] : memref<20000x128xf32, #tpu.memory_space<hbm>> -> memref<20000x128xf32, #tpu.memory_space<hbm>>
      tpu.wait_indirect_dma semaphore(%arg15 : memref<!tpu.dma_semaphore, #tpu.memory_space<semaphore_mem>>) src(%dma_wait3A_181 : memref<20000x128xf32, #tpu.memory_space<hbm>>) dst(%arg11 : memref<120x128xf32, #tpu.memory_space<vmem>>)
      %dma_start3A_182 = arith.constant 5 : i32
      %dma_start3A_183 = arith.constant 0 : i32
      %dma_start3A_184 = tpu.memref_slice %arg8[%dma_start3A_182, %dma_start3A_183] : memref<16x120xi32, #tpu.memory_space<vmem>> -> memref<1x120xi32, #tpu.memory_space<vmem>>
      %dma_start3A_185 = tpu.memref_squeeze %dma_start3A_184 : memref<1x120xi32, #tpu.memory_space<vmem>> -> memref<120xi32, #tpu.memory_space<vmem>>
      %dma_start3A_186 = arith.constant 0 : i32
      %dma_start3A_187 = arith.constant 0 : i32
      %dma_start3A_188 = tpu.memref_slice %arg12[%dma_start3A_186, %dma_start3A_187] : memref<10112x128xf32, #tpu.memory_space<vmem_shared>> -> memref<10112x128xf32, #tpu.memory_space<vmem_shared>>
      tpu.enqueue_indirect_dma source(%arg11 : memref<120x128xf32, #tpu.memory_space<vmem>>) target(%dma_start3A_188 : memref<10112x128xf32, #tpu.memory_space<vmem_shared>>) offsets(%dma_start3A_185 : memref<120xi32, #tpu.memory_space<vmem>>) semaphore(%arg18 : memref<!tpu.dma_semaphore, #tpu.memory_space<semaphore_mem>>) {add = true}
      %dma_wait3A_189 = arith.constant 5 : i32
      %dma_wait3A_190 = arith.constant 0 : i32
      %dma_wait3A_191 = tpu.memref_slice %arg8[%dma_wait3A_189, %dma_wait3A_190] : memref<16x120xi32, #tpu.memory_space<vmem>> -> memref<1x120xi32, #tpu.memory_space<vmem>>
      %dma_wait3A_192 = tpu.memref_squeeze %dma_wait3A_191 : memref<1x120xi32, #tpu.memory_space<vmem>> -> memref<120xi32, #tpu.memory_space<vmem>>
      %dma_wait3A_193 = arith.constant 0 : i32
      %dma_wait3A_194 = arith.constant 0 : i32
      %dma_wait3A_195 = tpu.memref_slice %arg12[%dma_wait3A_193, %dma_wait3A_194] : memref<10112x128xf32, #tpu.memory_space<vmem_shared>> -> memref<10112x128xf32, #tpu.memory_space<vmem_shared>>
      tpu.wait_indirect_dma semaphore(%arg18 : memref<!tpu.dma_semaphore, #tpu.memory_space<semaphore_mem>>) src(%arg11 : memref<120x128xf32, #tpu.memory_space<vmem>>) dst(%dma_wait3A_195 : memref<10112x128xf32, #tpu.memory_space<vmem_shared>>)
      %dma_start3A_196 = arith.constant 8 : i32
      %dma_start3A_197 = arith.constant 0 : i32
      %dma_start3A_198 = tpu.memref_slice %arg7[%dma_start3A_196, %dma_start3A_197] : memref<16x120xi32, #tpu.memory_space<vmem>> -> memref<1x120xi32, #tpu.memory_space<vmem>>
      %dma_start3A_199 = tpu.memref_squeeze %dma_start3A_198 : memref<1x120xi32, #tpu.memory_space<vmem>> -> memref<120xi32, #tpu.memory_space<vmem>>
      %dma_start3A_200 = arith.constant 0 : i32
      %dma_start3A_201 = arith.constant 0 : i32
      %dma_start3A_202 = tpu.memref_slice %arg2[%dma_start3A_200, %dma_start3A_201] : memref<20000x128xf32, #tpu.memory_space<hbm>> -> memref<20000x128xf32, #tpu.memory_space<hbm>>
      tpu.enqueue_indirect_dma source(%dma_start3A_202 : memref<20000x128xf32, #tpu.memory_space<hbm>>) target(%arg11 : memref<120x128xf32, #tpu.memory_space<vmem>>) offsets(%dma_start3A_199 : memref<120xi32, #tpu.memory_space<vmem>>) semaphore(%arg15 : memref<!tpu.dma_semaphore, #tpu.memory_space<semaphore_mem>>)
      %dma_wait3A_203 = arith.constant 6 : i32
      %dma_wait3A_204 = arith.constant 0 : i32
      %dma_wait3A_205 = tpu.memref_slice %arg7[%dma_wait3A_203, %dma_wait3A_204] : memref<16x120xi32, #tpu.memory_space<vmem>> -> memref<1x120xi32, #tpu.memory_space<vmem>>
      %dma_wait3A_206 = tpu.memref_squeeze %dma_wait3A_205 : memref<1x120xi32, #tpu.memory_space<vmem>> -> memref<120xi32, #tpu.memory_space<vmem>>
      %dma_wait3A_207 = arith.constant 0 : i32
      %dma_wait3A_208 = arith.constant 0 : i32
      %dma_wait3A_209 = tpu.memref_slice %arg2[%dma_wait3A_207, %dma_wait3A_208] : memref<20000x128xf32, #tpu.memory_space<hbm>> -> memref<20000x128xf32, #tpu.memory_space<hbm>>
      tpu.wait_indirect_dma semaphore(%arg13 : memref<!tpu.dma_semaphore, #tpu.memory_space<semaphore_mem>>) src(%dma_wait3A_209 : memref<20000x128xf32, #tpu.memory_space<hbm>>) dst(%arg9 : memref<120x128xf32, #tpu.memory_space<vmem>>)
      %dma_start3A_210 = arith.constant 6 : i32
      %dma_start3A_211 = arith.constant 0 : i32
      %dma_start3A_212 = tpu.memref_slice %arg8[%dma_start3A_210, %dma_start3A_211] : memref<16x120xi32, #tpu.memory_space<vmem>> -> memref<1x120xi32, #tpu.memory_space<vmem>>
      %dma_start3A_213 = tpu.memref_squeeze %dma_start3A_212 : memref<1x120xi32, #tpu.memory_space<vmem>> -> memref<120xi32, #tpu.memory_space<vmem>>
      %dma_start3A_214 = arith.constant 0 : i32
      %dma_start3A_215 = arith.constant 0 : i32
      %dma_start3A_216 = tpu.memref_slice %arg12[%dma_start3A_214, %dma_start3A_215] : memref<10112x128xf32, #tpu.memory_space<vmem_shared>> -> memref<10112x128xf32, #tpu.memory_space<vmem_shared>>
      tpu.enqueue_indirect_dma source(%arg9 : memref<120x128xf32, #tpu.memory_space<vmem>>) target(%dma_start3A_216 : memref<10112x128xf32, #tpu.memory_space<vmem_shared>>) offsets(%dma_start3A_213 : memref<120xi32, #tpu.memory_space<vmem>>) semaphore(%arg16 : memref<!tpu.dma_semaphore, #tpu.memory_space<semaphore_mem>>) {add = true}
      %dma_wait3A_217 = arith.constant 6 : i32
      %dma_wait3A_218 = arith.constant 0 : i32
      %dma_wait3A_219 = tpu.memref_slice %arg8[%dma_wait3A_217, %dma_wait3A_218] : memref<16x120xi32, #tpu.memory_space<vmem>> -> memref<1x120xi32, #tpu.memory_space<vmem>>
      %dma_wait3A_220 = tpu.memref_squeeze %dma_wait3A_219 : memref<1x120xi32, #tpu.memory_space<vmem>> -> memref<120xi32, #tpu.memory_space<vmem>>
      %dma_wait3A_221 = arith.constant 0 : i32
      %dma_wait3A_222 = arith.constant 0 : i32
      %dma_wait3A_223 = tpu.memref_slice %arg12[%dma_wait3A_221, %dma_wait3A_222] : memref<10112x128xf32, #tpu.memory_space<vmem_shared>> -> memref<10112x128xf32, #tpu.memory_space<vmem_shared>>
      tpu.wait_indirect_dma semaphore(%arg16 : memref<!tpu.dma_semaphore, #tpu.memory_space<semaphore_mem>>) src(%arg9 : memref<120x128xf32, #tpu.memory_space<vmem>>) dst(%dma_wait3A_223 : memref<10112x128xf32, #tpu.memory_space<vmem_shared>>)
      %dma_start3A_224 = arith.constant 9 : i32
      %dma_start3A_225 = arith.constant 0 : i32
      %dma_start3A_226 = tpu.memref_slice %arg7[%dma_start3A_224, %dma_start3A_225] : memref<16x120xi32, #tpu.memory_space<vmem>> -> memref<1x120xi32, #tpu.memory_space<vmem>>
      %dma_start3A_227 = tpu.memref_squeeze %dma_start3A_226 : memref<1x120xi32, #tpu.memory_space<vmem>> -> memref<120xi32, #tpu.memory_space<vmem>>
      %dma_start3A_228 = arith.constant 0 : i32
      %dma_start3A_229 = arith.constant 0 : i32
      %dma_start3A_230 = tpu.memref_slice %arg2[%dma_start3A_228, %dma_start3A_229] : memref<20000x128xf32, #tpu.memory_space<hbm>> -> memref<20000x128xf32, #tpu.memory_space<hbm>>
      tpu.enqueue_indirect_dma source(%dma_start3A_230 : memref<20000x128xf32, #tpu.memory_space<hbm>>) target(%arg9 : memref<120x128xf32, #tpu.memory_space<vmem>>) offsets(%dma_start3A_227 : memref<120xi32, #tpu.memory_space<vmem>>) semaphore(%arg13 : memref<!tpu.dma_semaphore, #tpu.memory_space<semaphore_mem>>)
      %dma_wait3A_231 = arith.constant 7 : i32
      %dma_wait3A_232 = arith.constant 0 : i32
      %dma_wait3A_233 = tpu.memref_slice %arg7[%dma_wait3A_231, %dma_wait3A_232] : memref<16x120xi32, #tpu.memory_space<vmem>> -> memref<1x120xi32, #tpu.memory_space<vmem>>
      %dma_wait3A_234 = tpu.memref_squeeze %dma_wait3A_233 : memref<1x120xi32, #tpu.memory_space<vmem>> -> memref<120xi32, #tpu.memory_space<vmem>>
      %dma_wait3A_235 = arith.constant 0 : i32
      %dma_wait3A_236 = arith.constant 0 : i32
      %dma_wait3A_237 = tpu.memref_slice %arg2[%dma_wait3A_235, %dma_wait3A_236] : memref<20000x128xf32, #tpu.memory_space<hbm>> -> memref<20000x128xf32, #tpu.memory_space<hbm>>
      tpu.wait_indirect_dma semaphore(%arg14 : memref<!tpu.dma_semaphore, #tpu.memory_space<semaphore_mem>>) src(%dma_wait3A_237 : memref<20000x128xf32, #tpu.memory_space<hbm>>) dst(%arg10 : memref<120x128xf32, #tpu.memory_space<vmem>>)
      %dma_start3A_238 = arith.constant 7 : i32
      %dma_start3A_239 = arith.constant 0 : i32
      %dma_start3A_240 = tpu.memref_slice %arg8[%dma_start3A_238, %dma_start3A_239] : memref<16x120xi32, #tpu.memory_space<vmem>> -> memref<1x120xi32, #tpu.memory_space<vmem>>
      %dma_start3A_241 = tpu.memref_squeeze %dma_start3A_240 : memref<1x120xi32, #tpu.memory_space<vmem>> -> memref<120xi32, #tpu.memory_space<vmem>>
      %dma_start3A_242 = arith.constant 0 : i32
      %dma_start3A_243 = arith.constant 0 : i32
      %dma_start3A_244 = tpu.memref_slice %arg12[%dma_start3A_242, %dma_start3A_243] : memref<10112x128xf32, #tpu.memory_space<vmem_shared>> -> memref<10112x128xf32, #tpu.memory_space<vmem_shared>>
      tpu.enqueue_indirect_dma source(%arg10 : memref<120x128xf32, #tpu.memory_space<vmem>>) target(%dma_start3A_244 : memref<10112x128xf32, #tpu.memory_space<vmem_shared>>) offsets(%dma_start3A_241 : memref<120xi32, #tpu.memory_space<vmem>>) semaphore(%arg17 : memref<!tpu.dma_semaphore, #tpu.memory_space<semaphore_mem>>) {add = true}
      %dma_wait3A_245 = arith.constant 7 : i32
      %dma_wait3A_246 = arith.constant 0 : i32
      %dma_wait3A_247 = tpu.memref_slice %arg8[%dma_wait3A_245, %dma_wait3A_246] : memref<16x120xi32, #tpu.memory_space<vmem>> -> memref<1x120xi32, #tpu.memory_space<vmem>>
      %dma_wait3A_248 = tpu.memref_squeeze %dma_wait3A_247 : memref<1x120xi32, #tpu.memory_space<vmem>> -> memref<120xi32, #tpu.memory_space<vmem>>
      %dma_wait3A_249 = arith.constant 0 : i32
      %dma_wait3A_250 = arith.constant 0 : i32
      %dma_wait3A_251 = tpu.memref_slice %arg12[%dma_wait3A_249, %dma_wait3A_250] : memref<10112x128xf32, #tpu.memory_space<vmem_shared>> -> memref<10112x128xf32, #tpu.memory_space<vmem_shared>>
      tpu.wait_indirect_dma semaphore(%arg17 : memref<!tpu.dma_semaphore, #tpu.memory_space<semaphore_mem>>) src(%arg10 : memref<120x128xf32, #tpu.memory_space<vmem>>) dst(%dma_wait3A_251 : memref<10112x128xf32, #tpu.memory_space<vmem_shared>>)
      %dma_start3A_252 = arith.constant 10 : i32
      %dma_start3A_253 = arith.constant 0 : i32
      %dma_start3A_254 = tpu.memref_slice %arg7[%dma_start3A_252, %dma_start3A_253] : memref<16x120xi32, #tpu.memory_space<vmem>> -> memref<1x120xi32, #tpu.memory_space<vmem>>
      %dma_start3A_255 = tpu.memref_squeeze %dma_start3A_254 : memref<1x120xi32, #tpu.memory_space<vmem>> -> memref<120xi32, #tpu.memory_space<vmem>>
      %dma_start3A_256 = arith.constant 0 : i32
      %dma_start3A_257 = arith.constant 0 : i32
      %dma_start3A_258 = tpu.memref_slice %arg2[%dma_start3A_256, %dma_start3A_257] : memref<20000x128xf32, #tpu.memory_space<hbm>> -> memref<20000x128xf32, #tpu.memory_space<hbm>>
      tpu.enqueue_indirect_dma source(%dma_start3A_258 : memref<20000x128xf32, #tpu.memory_space<hbm>>) target(%arg10 : memref<120x128xf32, #tpu.memory_space<vmem>>) offsets(%dma_start3A_255 : memref<120xi32, #tpu.memory_space<vmem>>) semaphore(%arg14 : memref<!tpu.dma_semaphore, #tpu.memory_space<semaphore_mem>>)
      %dma_wait3A_259 = arith.constant 8 : i32
      %dma_wait3A_260 = arith.constant 0 : i32
      %dma_wait3A_261 = tpu.memref_slice %arg7[%dma_wait3A_259, %dma_wait3A_260] : memref<16x120xi32, #tpu.memory_space<vmem>> -> memref<1x120xi32, #tpu.memory_space<vmem>>
      %dma_wait3A_262 = tpu.memref_squeeze %dma_wait3A_261 : memref<1x120xi32, #tpu.memory_space<vmem>> -> memref<120xi32, #tpu.memory_space<vmem>>
      %dma_wait3A_263 = arith.constant 0 : i32
      %dma_wait3A_264 = arith.constant 0 : i32
      %dma_wait3A_265 = tpu.memref_slice %arg2[%dma_wait3A_263, %dma_wait3A_264] : memref<20000x128xf32, #tpu.memory_space<hbm>> -> memref<20000x128xf32, #tpu.memory_space<hbm>>
      tpu.wait_indirect_dma semaphore(%arg15 : memref<!tpu.dma_semaphore, #tpu.memory_space<semaphore_mem>>) src(%dma_wait3A_265 : memref<20000x128xf32, #tpu.memory_space<hbm>>) dst(%arg11 : memref<120x128xf32, #tpu.memory_space<vmem>>)
      %dma_start3A_266 = arith.constant 8 : i32
      %dma_start3A_267 = arith.constant 0 : i32
      %dma_start3A_268 = tpu.memref_slice %arg8[%dma_start3A_266, %dma_start3A_267] : memref<16x120xi32, #tpu.memory_space<vmem>> -> memref<1x120xi32, #tpu.memory_space<vmem>>
      %dma_start3A_269 = tpu.memref_squeeze %dma_start3A_268 : memref<1x120xi32, #tpu.memory_space<vmem>> -> memref<120xi32, #tpu.memory_space<vmem>>
      %dma_start3A_270 = arith.constant 0 : i32
      %dma_start3A_271 = arith.constant 0 : i32
      %dma_start3A_272 = tpu.memref_slice %arg12[%dma_start3A_270, %dma_start3A_271] : memref<10112x128xf32, #tpu.memory_space<vmem_shared>> -> memref<10112x128xf32, #tpu.memory_space<vmem_shared>>
      tpu.enqueue_indirect_dma source(%arg11 : memref<120x128xf32, #tpu.memory_space<vmem>>) target(%dma_start3A_272 : memref<10112x128xf32, #tpu.memory_space<vmem_shared>>) offsets(%dma_start3A_269 : memref<120xi32, #tpu.memory_space<vmem>>) semaphore(%arg18 : memref<!tpu.dma_semaphore, #tpu.memory_space<semaphore_mem>>) {add = true}
      %dma_wait3A_273 = arith.constant 8 : i32
      %dma_wait3A_274 = arith.constant 0 : i32
      %dma_wait3A_275 = tpu.memref_slice %arg8[%dma_wait3A_273, %dma_wait3A_274] : memref<16x120xi32, #tpu.memory_space<vmem>> -> memref<1x120xi32, #tpu.memory_space<vmem>>
      %dma_wait3A_276 = tpu.memref_squeeze %dma_wait3A_275 : memref<1x120xi32, #tpu.memory_space<vmem>> -> memref<120xi32, #tpu.memory_space<vmem>>
      %dma_wait3A_277 = arith.constant 0 : i32
      %dma_wait3A_278 = arith.constant 0 : i32
      %dma_wait3A_279 = tpu.memref_slice %arg12[%dma_wait3A_277, %dma_wait3A_278] : memref<10112x128xf32, #tpu.memory_space<vmem_shared>> -> memref<10112x128xf32, #tpu.memory_space<vmem_shared>>
      tpu.wait_indirect_dma semaphore(%arg18 : memref<!tpu.dma_semaphore, #tpu.memory_space<semaphore_mem>>) src(%arg11 : memref<120x128xf32, #tpu.memory_space<vmem>>) dst(%dma_wait3A_279 : memref<10112x128xf32, #tpu.memory_space<vmem_shared>>)
      %dma_start3A_280 = arith.constant 11 : i32
      %dma_start3A_281 = arith.constant 0 : i32
      %dma_start3A_282 = tpu.memref_slice %arg7[%dma_start3A_280, %dma_start3A_281] : memref<16x120xi32, #tpu.memory_space<vmem>> -> memref<1x120xi32, #tpu.memory_space<vmem>>
      %dma_start3A_283 = tpu.memref_squeeze %dma_start3A_282 : memref<1x120xi32, #tpu.memory_space<vmem>> -> memref<120xi32, #tpu.memory_space<vmem>>
      %dma_start3A_284 = arith.constant 0 : i32
      %dma_start3A_285 = arith.constant 0 : i32
      %dma_start3A_286 = tpu.memref_slice %arg2[%dma_start3A_284, %dma_start3A_285] : memref<20000x128xf32, #tpu.memory_space<hbm>> -> memref<20000x128xf32, #tpu.memory_space<hbm>>
      tpu.enqueue_indirect_dma source(%dma_start3A_286 : memref<20000x128xf32, #tpu.memory_space<hbm>>) target(%arg11 : memref<120x128xf32, #tpu.memory_space<vmem>>) offsets(%dma_start3A_283 : memref<120xi32, #tpu.memory_space<vmem>>) semaphore(%arg15 : memref<!tpu.dma_semaphore, #tpu.memory_space<semaphore_mem>>)
      %dma_wait3A_287 = arith.constant 9 : i32
      %dma_wait3A_288 = arith.constant 0 : i32
      %dma_wait3A_289 = tpu.memref_slice %arg7[%dma_wait3A_287, %dma_wait3A_288] : memref<16x120xi32, #tpu.memory_space<vmem>> -> memref<1x120xi32, #tpu.memory_space<vmem>>
      %dma_wait3A_290 = tpu.memref_squeeze %dma_wait3A_289 : memref<1x120xi32, #tpu.memory_space<vmem>> -> memref<120xi32, #tpu.memory_space<vmem>>
      %dma_wait3A_291 = arith.constant 0 : i32
      %dma_wait3A_292 = arith.constant 0 : i32
      %dma_wait3A_293 = tpu.memref_slice %arg2[%dma_wait3A_291, %dma_wait3A_292] : memref<20000x128xf32, #tpu.memory_space<hbm>> -> memref<20000x128xf32, #tpu.memory_space<hbm>>
      tpu.wait_indirect_dma semaphore(%arg13 : memref<!tpu.dma_semaphore, #tpu.memory_space<semaphore_mem>>) src(%dma_wait3A_293 : memref<20000x128xf32, #tpu.memory_space<hbm>>) dst(%arg9 : memref<120x128xf32, #tpu.memory_space<vmem>>)
      %dma_start3A_294 = arith.constant 9 : i32
      %dma_start3A_295 = arith.constant 0 : i32
      %dma_start3A_296 = tpu.memref_slice %arg8[%dma_start3A_294, %dma_start3A_295] : memref<16x120xi32, #tpu.memory_space<vmem>> -> memref<1x120xi32, #tpu.memory_space<vmem>>
      %dma_start3A_297 = tpu.memref_squeeze %dma_start3A_296 : memref<1x120xi32, #tpu.memory_space<vmem>> -> memref<120xi32, #tpu.memory_space<vmem>>
      %dma_start3A_298 = arith.constant 0 : i32
      %dma_start3A_299 = arith.constant 0 : i32
      %dma_start3A_300 = tpu.memref_slice %arg12[%dma_start3A_298, %dma_start3A_299] : memref<10112x128xf32, #tpu.memory_space<vmem_shared>> -> memref<10112x128xf32, #tpu.memory_space<vmem_shared>>
      tpu.enqueue_indirect_dma source(%arg9 : memref<120x128xf32, #tpu.memory_space<vmem>>) target(%dma_start3A_300 : memref<10112x128xf32, #tpu.memory_space<vmem_shared>>) offsets(%dma_start3A_297 : memref<120xi32, #tpu.memory_space<vmem>>) semaphore(%arg16 : memref<!tpu.dma_semaphore, #tpu.memory_space<semaphore_mem>>) {add = true}
      %dma_wait3A_301 = arith.constant 9 : i32
      %dma_wait3A_302 = arith.constant 0 : i32
      %dma_wait3A_303 = tpu.memref_slice %arg8[%dma_wait3A_301, %dma_wait3A_302] : memref<16x120xi32, #tpu.memory_space<vmem>> -> memref<1x120xi32, #tpu.memory_space<vmem>>
      %dma_wait3A_304 = tpu.memref_squeeze %dma_wait3A_303 : memref<1x120xi32, #tpu.memory_space<vmem>> -> memref<120xi32, #tpu.memory_space<vmem>>
      %dma_wait3A_305 = arith.constant 0 : i32
      %dma_wait3A_306 = arith.constant 0 : i32
      %dma_wait3A_307 = tpu.memref_slice %arg12[%dma_wait3A_305, %dma_wait3A_306] : memref<10112x128xf32, #tpu.memory_space<vmem_shared>> -> memref<10112x128xf32, #tpu.memory_space<vmem_shared>>
      tpu.wait_indirect_dma semaphore(%arg16 : memref<!tpu.dma_semaphore, #tpu.memory_space<semaphore_mem>>) src(%arg9 : memref<120x128xf32, #tpu.memory_space<vmem>>) dst(%dma_wait3A_307 : memref<10112x128xf32, #tpu.memory_space<vmem_shared>>)
      %dma_start3A_308 = arith.constant 12 : i32
      %dma_start3A_309 = arith.constant 0 : i32
      %dma_start3A_310 = tpu.memref_slice %arg7[%dma_start3A_308, %dma_start3A_309] : memref<16x120xi32, #tpu.memory_space<vmem>> -> memref<1x120xi32, #tpu.memory_space<vmem>>
      %dma_start3A_311 = tpu.memref_squeeze %dma_start3A_310 : memref<1x120xi32, #tpu.memory_space<vmem>> -> memref<120xi32, #tpu.memory_space<vmem>>
      %dma_start3A_312 = arith.constant 0 : i32
      %dma_start3A_313 = arith.constant 0 : i32
      %dma_start3A_314 = tpu.memref_slice %arg2[%dma_start3A_312, %dma_start3A_313] : memref<20000x128xf32, #tpu.memory_space<hbm>> -> memref<20000x128xf32, #tpu.memory_space<hbm>>
      tpu.enqueue_indirect_dma source(%dma_start3A_314 : memref<20000x128xf32, #tpu.memory_space<hbm>>) target(%arg9 : memref<120x128xf32, #tpu.memory_space<vmem>>) offsets(%dma_start3A_311 : memref<120xi32, #tpu.memory_space<vmem>>) semaphore(%arg13 : memref<!tpu.dma_semaphore, #tpu.memory_space<semaphore_mem>>)
      %dma_wait3A_315 = arith.constant 10 : i32
      %dma_wait3A_316 = arith.constant 0 : i32
      %dma_wait3A_317 = tpu.memref_slice %arg7[%dma_wait3A_315, %dma_wait3A_316] : memref<16x120xi32, #tpu.memory_space<vmem>> -> memref<1x120xi32, #tpu.memory_space<vmem>>
      %dma_wait3A_318 = tpu.memref_squeeze %dma_wait3A_317 : memref<1x120xi32, #tpu.memory_space<vmem>> -> memref<120xi32, #tpu.memory_space<vmem>>
      %dma_wait3A_319 = arith.constant 0 : i32
      %dma_wait3A_320 = arith.constant 0 : i32
      %dma_wait3A_321 = tpu.memref_slice %arg2[%dma_wait3A_319, %dma_wait3A_320] : memref<20000x128xf32, #tpu.memory_space<hbm>> -> memref<20000x128xf32, #tpu.memory_space<hbm>>
      tpu.wait_indirect_dma semaphore(%arg14 : memref<!tpu.dma_semaphore, #tpu.memory_space<semaphore_mem>>) src(%dma_wait3A_321 : memref<20000x128xf32, #tpu.memory_space<hbm>>) dst(%arg10 : memref<120x128xf32, #tpu.memory_space<vmem>>)
      %dma_start3A_322 = arith.constant 10 : i32
      %dma_start3A_323 = arith.constant 0 : i32
      %dma_start3A_324 = tpu.memref_slice %arg8[%dma_start3A_322, %dma_start3A_323] : memref<16x120xi32, #tpu.memory_space<vmem>> -> memref<1x120xi32, #tpu.memory_space<vmem>>
      %dma_start3A_325 = tpu.memref_squeeze %dma_start3A_324 : memref<1x120xi32, #tpu.memory_space<vmem>> -> memref<120xi32, #tpu.memory_space<vmem>>
      %dma_start3A_326 = arith.constant 0 : i32
      %dma_start3A_327 = arith.constant 0 : i32
      %dma_start3A_328 = tpu.memref_slice %arg12[%dma_start3A_326, %dma_start3A_327] : memref<10112x128xf32, #tpu.memory_space<vmem_shared>> -> memref<10112x128xf32, #tpu.memory_space<vmem_shared>>
      tpu.enqueue_indirect_dma source(%arg10 : memref<120x128xf32, #tpu.memory_space<vmem>>) target(%dma_start3A_328 : memref<10112x128xf32, #tpu.memory_space<vmem_shared>>) offsets(%dma_start3A_325 : memref<120xi32, #tpu.memory_space<vmem>>) semaphore(%arg17 : memref<!tpu.dma_semaphore, #tpu.memory_space<semaphore_mem>>) {add = true}
      %dma_wait3A_329 = arith.constant 10 : i32
      %dma_wait3A_330 = arith.constant 0 : i32
      %dma_wait3A_331 = tpu.memref_slice %arg8[%dma_wait3A_329, %dma_wait3A_330] : memref<16x120xi32, #tpu.memory_space<vmem>> -> memref<1x120xi32, #tpu.memory_space<vmem>>
      %dma_wait3A_332 = tpu.memref_squeeze %dma_wait3A_331 : memref<1x120xi32, #tpu.memory_space<vmem>> -> memref<120xi32, #tpu.memory_space<vmem>>
      %dma_wait3A_333 = arith.constant 0 : i32
      %dma_wait3A_334 = arith.constant 0 : i32
      %dma_wait3A_335 = tpu.memref_slice %arg12[%dma_wait3A_333, %dma_wait3A_334] : memref<10112x128xf32, #tpu.memory_space<vmem_shared>> -> memref<10112x128xf32, #tpu.memory_space<vmem_shared>>
      tpu.wait_indirect_dma semaphore(%arg17 : memref<!tpu.dma_semaphore, #tpu.memory_space<semaphore_mem>>) src(%arg10 : memref<120x128xf32, #tpu.memory_space<vmem>>) dst(%dma_wait3A_335 : memref<10112x128xf32, #tpu.memory_space<vmem_shared>>)
      %dma_start3A_336 = arith.constant 13 : i32
      %dma_start3A_337 = arith.constant 0 : i32
      %dma_start3A_338 = tpu.memref_slice %arg7[%dma_start3A_336, %dma_start3A_337] : memref<16x120xi32, #tpu.memory_space<vmem>> -> memref<1x120xi32, #tpu.memory_space<vmem>>
      %dma_start3A_339 = tpu.memref_squeeze %dma_start3A_338 : memref<1x120xi32, #tpu.memory_space<vmem>> -> memref<120xi32, #tpu.memory_space<vmem>>
      %dma_start3A_340 = arith.constant 0 : i32
      %dma_start3A_341 = arith.constant 0 : i32
      %dma_start3A_342 = tpu.memref_slice %arg2[%dma_start3A_340, %dma_start3A_341] : memref<20000x128xf32, #tpu.memory_space<hbm>> -> memref<20000x128xf32, #tpu.memory_space<hbm>>
      tpu.enqueue_indirect_dma source(%dma_start3A_342 : memref<20000x128xf32, #tpu.memory_space<hbm>>) target(%arg10 : memref<120x128xf32, #tpu.memory_space<vmem>>) offsets(%dma_start3A_339 : memref<120xi32, #tpu.memory_space<vmem>>) semaphore(%arg14 : memref<!tpu.dma_semaphore, #tpu.memory_space<semaphore_mem>>)
      %dma_wait3A_343 = arith.constant 11 : i32
      %dma_wait3A_344 = arith.constant 0 : i32
      %dma_wait3A_345 = tpu.memref_slice %arg7[%dma_wait3A_343, %dma_wait3A_344] : memref<16x120xi32, #tpu.memory_space<vmem>> -> memref<1x120xi32, #tpu.memory_space<vmem>>
      %dma_wait3A_346 = tpu.memref_squeeze %dma_wait3A_345 : memref<1x120xi32, #tpu.memory_space<vmem>> -> memref<120xi32, #tpu.memory_space<vmem>>
      %dma_wait3A_347 = arith.constant 0 : i32
      %dma_wait3A_348 = arith.constant 0 : i32
      %dma_wait3A_349 = tpu.memref_slice %arg2[%dma_wait3A_347, %dma_wait3A_348] : memref<20000x128xf32, #tpu.memory_space<hbm>> -> memref<20000x128xf32, #tpu.memory_space<hbm>>
      tpu.wait_indirect_dma semaphore(%arg15 : memref<!tpu.dma_semaphore, #tpu.memory_space<semaphore_mem>>) src(%dma_wait3A_349 : memref<20000x128xf32, #tpu.memory_space<hbm>>) dst(%arg11 : memref<120x128xf32, #tpu.memory_space<vmem>>)
      %dma_start3A_350 = arith.constant 11 : i32
      %dma_start3A_351 = arith.constant 0 : i32
      %dma_start3A_352 = tpu.memref_slice %arg8[%dma_start3A_350, %dma_start3A_351] : memref<16x120xi32, #tpu.memory_space<vmem>> -> memref<1x120xi32, #tpu.memory_space<vmem>>
      %dma_start3A_353 = tpu.memref_squeeze %dma_start3A_352 : memref<1x120xi32, #tpu.memory_space<vmem>> -> memref<120xi32, #tpu.memory_space<vmem>>
      %dma_start3A_354 = arith.constant 0 : i32
      %dma_start3A_355 = arith.constant 0 : i32
      %dma_start3A_356 = tpu.memref_slice %arg12[%dma_start3A_354, %dma_start3A_355] : memref<10112x128xf32, #tpu.memory_space<vmem_shared>> -> memref<10112x128xf32, #tpu.memory_space<vmem_shared>>
      tpu.enqueue_indirect_dma source(%arg11 : memref<120x128xf32, #tpu.memory_space<vmem>>) target(%dma_start3A_356 : memref<10112x128xf32, #tpu.memory_space<vmem_shared>>) offsets(%dma_start3A_353 : memref<120xi32, #tpu.memory_space<vmem>>) semaphore(%arg18 : memref<!tpu.dma_semaphore, #tpu.memory_space<semaphore_mem>>) {add = true}
      %dma_wait3A_357 = arith.constant 11 : i32
      %dma_wait3A_358 = arith.constant 0 : i32
      %dma_wait3A_359 = tpu.memref_slice %arg8[%dma_wait3A_357, %dma_wait3A_358] : memref<16x120xi32, #tpu.memory_space<vmem>> -> memref<1x120xi32, #tpu.memory_space<vmem>>
      %dma_wait3A_360 = tpu.memref_squeeze %dma_wait3A_359 : memref<1x120xi32, #tpu.memory_space<vmem>> -> memref<120xi32, #tpu.memory_space<vmem>>
      %dma_wait3A_361 = arith.constant 0 : i32
      %dma_wait3A_362 = arith.constant 0 : i32
      %dma_wait3A_363 = tpu.memref_slice %arg12[%dma_wait3A_361, %dma_wait3A_362] : memref<10112x128xf32, #tpu.memory_space<vmem_shared>> -> memref<10112x128xf32, #tpu.memory_space<vmem_shared>>
      tpu.wait_indirect_dma semaphore(%arg18 : memref<!tpu.dma_semaphore, #tpu.memory_space<semaphore_mem>>) src(%arg11 : memref<120x128xf32, #tpu.memory_space<vmem>>) dst(%dma_wait3A_363 : memref<10112x128xf32, #tpu.memory_space<vmem_shared>>)
      %dma_start3A_364 = arith.constant 14 : i32
      %dma_start3A_365 = arith.constant 0 : i32
      %dma_start3A_366 = tpu.memref_slice %arg7[%dma_start3A_364, %dma_start3A_365] : memref<16x120xi32, #tpu.memory_space<vmem>> -> memref<1x120xi32, #tpu.memory_space<vmem>>
      %dma_start3A_367 = tpu.memref_squeeze %dma_start3A_366 : memref<1x120xi32, #tpu.memory_space<vmem>> -> memref<120xi32, #tpu.memory_space<vmem>>
      %dma_start3A_368 = arith.constant 0 : i32
      %dma_start3A_369 = arith.constant 0 : i32
      %dma_start3A_370 = tpu.memref_slice %arg2[%dma_start3A_368, %dma_start3A_369] : memref<20000x128xf32, #tpu.memory_space<hbm>> -> memref<20000x128xf32, #tpu.memory_space<hbm>>
      tpu.enqueue_indirect_dma source(%dma_start3A_370 : memref<20000x128xf32, #tpu.memory_space<hbm>>) target(%arg11 : memref<120x128xf32, #tpu.memory_space<vmem>>) offsets(%dma_start3A_367 : memref<120xi32, #tpu.memory_space<vmem>>) semaphore(%arg15 : memref<!tpu.dma_semaphore, #tpu.memory_space<semaphore_mem>>)
      %dma_wait3A_371 = arith.constant 12 : i32
      %dma_wait3A_372 = arith.constant 0 : i32
      %dma_wait3A_373 = tpu.memref_slice %arg7[%dma_wait3A_371, %dma_wait3A_372] : memref<16x120xi32, #tpu.memory_space<vmem>> -> memref<1x120xi32, #tpu.memory_space<vmem>>
      %dma_wait3A_374 = tpu.memref_squeeze %dma_wait3A_373 : memref<1x120xi32, #tpu.memory_space<vmem>> -> memref<120xi32, #tpu.memory_space<vmem>>
      %dma_wait3A_375 = arith.constant 0 : i32
      %dma_wait3A_376 = arith.constant 0 : i32
      %dma_wait3A_377 = tpu.memref_slice %arg2[%dma_wait3A_375, %dma_wait3A_376] : memref<20000x128xf32, #tpu.memory_space<hbm>> -> memref<20000x128xf32, #tpu.memory_space<hbm>>
      tpu.wait_indirect_dma semaphore(%arg13 : memref<!tpu.dma_semaphore, #tpu.memory_space<semaphore_mem>>) src(%dma_wait3A_377 : memref<20000x128xf32, #tpu.memory_space<hbm>>) dst(%arg9 : memref<120x128xf32, #tpu.memory_space<vmem>>)
      %dma_start3A_378 = arith.constant 12 : i32
      %dma_start3A_379 = arith.constant 0 : i32
      %dma_start3A_380 = tpu.memref_slice %arg8[%dma_start3A_378, %dma_start3A_379] : memref<16x120xi32, #tpu.memory_space<vmem>> -> memref<1x120xi32, #tpu.memory_space<vmem>>
      %dma_start3A_381 = tpu.memref_squeeze %dma_start3A_380 : memref<1x120xi32, #tpu.memory_space<vmem>> -> memref<120xi32, #tpu.memory_space<vmem>>
      %dma_start3A_382 = arith.constant 0 : i32
      %dma_start3A_383 = arith.constant 0 : i32
      %dma_start3A_384 = tpu.memref_slice %arg12[%dma_start3A_382, %dma_start3A_383] : memref<10112x128xf32, #tpu.memory_space<vmem_shared>> -> memref<10112x128xf32, #tpu.memory_space<vmem_shared>>
      tpu.enqueue_indirect_dma source(%arg9 : memref<120x128xf32, #tpu.memory_space<vmem>>) target(%dma_start3A_384 : memref<10112x128xf32, #tpu.memory_space<vmem_shared>>) offsets(%dma_start3A_381 : memref<120xi32, #tpu.memory_space<vmem>>) semaphore(%arg16 : memref<!tpu.dma_semaphore, #tpu.memory_space<semaphore_mem>>) {add = true}
      %dma_wait3A_385 = arith.constant 12 : i32
      %dma_wait3A_386 = arith.constant 0 : i32
      %dma_wait3A_387 = tpu.memref_slice %arg8[%dma_wait3A_385, %dma_wait3A_386] : memref<16x120xi32, #tpu.memory_space<vmem>> -> memref<1x120xi32, #tpu.memory_space<vmem>>
      %dma_wait3A_388 = tpu.memref_squeeze %dma_wait3A_387 : memref<1x120xi32, #tpu.memory_space<vmem>> -> memref<120xi32, #tpu.memory_space<vmem>>
      %dma_wait3A_389 = arith.constant 0 : i32
      %dma_wait3A_390 = arith.constant 0 : i32
      %dma_wait3A_391 = tpu.memref_slice %arg12[%dma_wait3A_389, %dma_wait3A_390] : memref<10112x128xf32, #tpu.memory_space<vmem_shared>> -> memref<10112x128xf32, #tpu.memory_space<vmem_shared>>
      tpu.wait_indirect_dma semaphore(%arg16 : memref<!tpu.dma_semaphore, #tpu.memory_space<semaphore_mem>>) src(%arg9 : memref<120x128xf32, #tpu.memory_space<vmem>>) dst(%dma_wait3A_391 : memref<10112x128xf32, #tpu.memory_space<vmem_shared>>)
      %dma_start3A_392 = arith.constant 15 : i32
      %dma_start3A_393 = arith.constant 0 : i32
      %dma_start3A_394 = tpu.memref_slice %arg7[%dma_start3A_392, %dma_start3A_393] : memref<16x120xi32, #tpu.memory_space<vmem>> -> memref<1x120xi32, #tpu.memory_space<vmem>>
      %dma_start3A_395 = tpu.memref_squeeze %dma_start3A_394 : memref<1x120xi32, #tpu.memory_space<vmem>> -> memref<120xi32, #tpu.memory_space<vmem>>
      %dma_start3A_396 = arith.constant 0 : i32
      %dma_start3A_397 = arith.constant 0 : i32
      %dma_start3A_398 = tpu.memref_slice %arg2[%dma_start3A_396, %dma_start3A_397] : memref<20000x128xf32, #tpu.memory_space<hbm>> -> memref<20000x128xf32, #tpu.memory_space<hbm>>
      tpu.enqueue_indirect_dma source(%dma_start3A_398 : memref<20000x128xf32, #tpu.memory_space<hbm>>) target(%arg9 : memref<120x128xf32, #tpu.memory_space<vmem>>) offsets(%dma_start3A_395 : memref<120xi32, #tpu.memory_space<vmem>>) semaphore(%arg13 : memref<!tpu.dma_semaphore, #tpu.memory_space<semaphore_mem>>)
      %dma_wait3A_399 = arith.constant 13 : i32
      %dma_wait3A_400 = arith.constant 0 : i32
      %dma_wait3A_401 = tpu.memref_slice %arg7[%dma_wait3A_399, %dma_wait3A_400] : memref<16x120xi32, #tpu.memory_space<vmem>> -> memref<1x120xi32, #tpu.memory_space<vmem>>
      %dma_wait3A_402 = tpu.memref_squeeze %dma_wait3A_401 : memref<1x120xi32, #tpu.memory_space<vmem>> -> memref<120xi32, #tpu.memory_space<vmem>>
      %dma_wait3A_403 = arith.constant 0 : i32
      %dma_wait3A_404 = arith.constant 0 : i32
      %dma_wait3A_405 = tpu.memref_slice %arg2[%dma_wait3A_403, %dma_wait3A_404] : memref<20000x128xf32, #tpu.memory_space<hbm>> -> memref<20000x128xf32, #tpu.memory_space<hbm>>
      tpu.wait_indirect_dma semaphore(%arg14 : memref<!tpu.dma_semaphore, #tpu.memory_space<semaphore_mem>>) src(%dma_wait3A_405 : memref<20000x128xf32, #tpu.memory_space<hbm>>) dst(%arg10 : memref<120x128xf32, #tpu.memory_space<vmem>>)
      %dma_start3A_406 = arith.constant 13 : i32
      %dma_start3A_407 = arith.constant 0 : i32
      %dma_start3A_408 = tpu.memref_slice %arg8[%dma_start3A_406, %dma_start3A_407] : memref<16x120xi32, #tpu.memory_space<vmem>> -> memref<1x120xi32, #tpu.memory_space<vmem>>
      %dma_start3A_409 = tpu.memref_squeeze %dma_start3A_408 : memref<1x120xi32, #tpu.memory_space<vmem>> -> memref<120xi32, #tpu.memory_space<vmem>>
      %dma_start3A_410 = arith.constant 0 : i32
      %dma_start3A_411 = arith.constant 0 : i32
      %dma_start3A_412 = tpu.memref_slice %arg12[%dma_start3A_410, %dma_start3A_411] : memref<10112x128xf32, #tpu.memory_space<vmem_shared>> -> memref<10112x128xf32, #tpu.memory_space<vmem_shared>>
      tpu.enqueue_indirect_dma source(%arg10 : memref<120x128xf32, #tpu.memory_space<vmem>>) target(%dma_start3A_412 : memref<10112x128xf32, #tpu.memory_space<vmem_shared>>) offsets(%dma_start3A_409 : memref<120xi32, #tpu.memory_space<vmem>>) semaphore(%arg17 : memref<!tpu.dma_semaphore, #tpu.memory_space<semaphore_mem>>) {add = true}
      %dma_wait3A_413 = arith.constant 14 : i32
      %dma_wait3A_414 = arith.constant 0 : i32
      %dma_wait3A_415 = tpu.memref_slice %arg7[%dma_wait3A_413, %dma_wait3A_414] : memref<16x120xi32, #tpu.memory_space<vmem>> -> memref<1x120xi32, #tpu.memory_space<vmem>>
      %dma_wait3A_416 = tpu.memref_squeeze %dma_wait3A_415 : memref<1x120xi32, #tpu.memory_space<vmem>> -> memref<120xi32, #tpu.memory_space<vmem>>
      %dma_wait3A_417 = arith.constant 0 : i32
      %dma_wait3A_418 = arith.constant 0 : i32
      %dma_wait3A_419 = tpu.memref_slice %arg2[%dma_wait3A_417, %dma_wait3A_418] : memref<20000x128xf32, #tpu.memory_space<hbm>> -> memref<20000x128xf32, #tpu.memory_space<hbm>>
      tpu.wait_indirect_dma semaphore(%arg15 : memref<!tpu.dma_semaphore, #tpu.memory_space<semaphore_mem>>) src(%dma_wait3A_419 : memref<20000x128xf32, #tpu.memory_space<hbm>>) dst(%arg11 : memref<120x128xf32, #tpu.memory_space<vmem>>)
      %dma_start3A_420 = arith.constant 14 : i32
      %dma_start3A_421 = arith.constant 0 : i32
      %dma_start3A_422 = tpu.memref_slice %arg8[%dma_start3A_420, %dma_start3A_421] : memref<16x120xi32, #tpu.memory_space<vmem>> -> memref<1x120xi32, #tpu.memory_space<vmem>>
      %dma_start3A_423 = tpu.memref_squeeze %dma_start3A_422 : memref<1x120xi32, #tpu.memory_space<vmem>> -> memref<120xi32, #tpu.memory_space<vmem>>
      %dma_start3A_424 = arith.constant 0 : i32
      %dma_start3A_425 = arith.constant 0 : i32
      %dma_start3A_426 = tpu.memref_slice %arg12[%dma_start3A_424, %dma_start3A_425] : memref<10112x128xf32, #tpu.memory_space<vmem_shared>> -> memref<10112x128xf32, #tpu.memory_space<vmem_shared>>
      tpu.enqueue_indirect_dma source(%arg11 : memref<120x128xf32, #tpu.memory_space<vmem>>) target(%dma_start3A_426 : memref<10112x128xf32, #tpu.memory_space<vmem_shared>>) offsets(%dma_start3A_423 : memref<120xi32, #tpu.memory_space<vmem>>) semaphore(%arg18 : memref<!tpu.dma_semaphore, #tpu.memory_space<semaphore_mem>>) {add = true}
      %dma_wait3A_427 = arith.constant 15 : i32
      %dma_wait3A_428 = arith.constant 0 : i32
      %dma_wait3A_429 = tpu.memref_slice %arg7[%dma_wait3A_427, %dma_wait3A_428] : memref<16x120xi32, #tpu.memory_space<vmem>> -> memref<1x120xi32, #tpu.memory_space<vmem>>
      %dma_wait3A_430 = tpu.memref_squeeze %dma_wait3A_429 : memref<1x120xi32, #tpu.memory_space<vmem>> -> memref<120xi32, #tpu.memory_space<vmem>>
      %dma_wait3A_431 = arith.constant 0 : i32
      %dma_wait3A_432 = arith.constant 0 : i32
      %dma_wait3A_433 = tpu.memref_slice %arg2[%dma_wait3A_431, %dma_wait3A_432] : memref<20000x128xf32, #tpu.memory_space<hbm>> -> memref<20000x128xf32, #tpu.memory_space<hbm>>
      tpu.wait_indirect_dma semaphore(%arg13 : memref<!tpu.dma_semaphore, #tpu.memory_space<semaphore_mem>>) src(%dma_wait3A_433 : memref<20000x128xf32, #tpu.memory_space<hbm>>) dst(%arg9 : memref<120x128xf32, #tpu.memory_space<vmem>>)
      %dma_start3A_434 = arith.constant 15 : i32
      %dma_start3A_435 = arith.constant 0 : i32
      %dma_start3A_436 = tpu.memref_slice %arg8[%dma_start3A_434, %dma_start3A_435] : memref<16x120xi32, #tpu.memory_space<vmem>> -> memref<1x120xi32, #tpu.memory_space<vmem>>
      %dma_start3A_437 = tpu.memref_squeeze %dma_start3A_436 : memref<1x120xi32, #tpu.memory_space<vmem>> -> memref<120xi32, #tpu.memory_space<vmem>>
      %dma_start3A_438 = arith.constant 0 : i32
      %dma_start3A_439 = arith.constant 0 : i32
      %dma_start3A_440 = tpu.memref_slice %arg12[%dma_start3A_438, %dma_start3A_439] : memref<10112x128xf32, #tpu.memory_space<vmem_shared>> -> memref<10112x128xf32, #tpu.memory_space<vmem_shared>>
      tpu.enqueue_indirect_dma source(%arg9 : memref<120x128xf32, #tpu.memory_space<vmem>>) target(%dma_start3A_440 : memref<10112x128xf32, #tpu.memory_space<vmem_shared>>) offsets(%dma_start3A_437 : memref<120xi32, #tpu.memory_space<vmem>>) semaphore(%arg16 : memref<!tpu.dma_semaphore, #tpu.memory_space<semaphore_mem>>) {add = true}
      %dma_wait3A_441 = arith.constant 15 : i32
      %dma_wait3A_442 = arith.constant 0 : i32
      %dma_wait3A_443 = tpu.memref_slice %arg8[%dma_wait3A_441, %dma_wait3A_442] : memref<16x120xi32, #tpu.memory_space<vmem>> -> memref<1x120xi32, #tpu.memory_space<vmem>>
      %dma_wait3A_444 = tpu.memref_squeeze %dma_wait3A_443 : memref<1x120xi32, #tpu.memory_space<vmem>> -> memref<120xi32, #tpu.memory_space<vmem>>
      %dma_wait3A_445 = arith.constant 0 : i32
      %dma_wait3A_446 = arith.constant 0 : i32
      %dma_wait3A_447 = tpu.memref_slice %arg12[%dma_wait3A_445, %dma_wait3A_446] : memref<10112x128xf32, #tpu.memory_space<vmem_shared>> -> memref<10112x128xf32, #tpu.memory_space<vmem_shared>>
      tpu.wait_indirect_dma semaphore(%arg16 : memref<!tpu.dma_semaphore, #tpu.memory_space<semaphore_mem>>) src(%arg9 : memref<120x128xf32, #tpu.memory_space<vmem>>) dst(%dma_wait3A_447 : memref<10112x128xf32, #tpu.memory_space<vmem_shared>>)
      %dma_wait3A_448 = arith.constant 13 : i32
      %dma_wait3A_449 = arith.constant 0 : i32
      %dma_wait3A_450 = tpu.memref_slice %arg8[%dma_wait3A_448, %dma_wait3A_449] : memref<16x120xi32, #tpu.memory_space<vmem>> -> memref<1x120xi32, #tpu.memory_space<vmem>>
      %dma_wait3A_451 = tpu.memref_squeeze %dma_wait3A_450 : memref<1x120xi32, #tpu.memory_space<vmem>> -> memref<120xi32, #tpu.memory_space<vmem>>
      %dma_wait3A_452 = arith.constant 0 : i32
      %dma_wait3A_453 = arith.constant 0 : i32
      %dma_wait3A_454 = tpu.memref_slice %arg12[%dma_wait3A_452, %dma_wait3A_453] : memref<10112x128xf32, #tpu.memory_space<vmem_shared>> -> memref<10112x128xf32, #tpu.memory_space<vmem_shared>>
      tpu.wait_indirect_dma semaphore(%arg17 : memref<!tpu.dma_semaphore, #tpu.memory_space<semaphore_mem>>) src(%arg10 : memref<120x128xf32, #tpu.memory_space<vmem>>) dst(%dma_wait3A_454 : memref<10112x128xf32, #tpu.memory_space<vmem_shared>>)
      %dma_wait3A_455 = arith.constant 14 : i32
      %dma_wait3A_456 = arith.constant 0 : i32
      %dma_wait3A_457 = tpu.memref_slice %arg8[%dma_wait3A_455, %dma_wait3A_456] : memref<16x120xi32, #tpu.memory_space<vmem>> -> memref<1x120xi32, #tpu.memory_space<vmem>>
      %dma_wait3A_458 = tpu.memref_squeeze %dma_wait3A_457 : memref<1x120xi32, #tpu.memory_space<vmem>> -> memref<120xi32, #tpu.memory_space<vmem>>
      %dma_wait3A_459 = arith.constant 0 : i32
      %dma_wait3A_460 = arith.constant 0 : i32
      %dma_wait3A_461 = tpu.memref_slice %arg12[%dma_wait3A_459, %dma_wait3A_460] : memref<10112x128xf32, #tpu.memory_space<vmem_shared>> -> memref<10112x128xf32, #tpu.memory_space<vmem_shared>>
      tpu.wait_indirect_dma semaphore(%arg18 : memref<!tpu.dma_semaphore, #tpu.memory_space<semaphore_mem>>) src(%arg11 : memref<120x128xf32, #tpu.memory_space<vmem>>) dst(%dma_wait3A_461 : memref<10112x128xf32, #tpu.memory_space<vmem_shared>>)
    }
    %scan3A_5 = arith.constant 11 : i32
    %barrier3A_6 = arith.constant 0 : index
    tpu.barrier barrier_id(%barrier3A_6)
    %mul3A_7 = arith.constant 632 : i32
    %mul3A_8 = arith.muli %arg1, %mul3A_7 : i32
    %mul3A_9 = arith.constant 632 : i32
    %mul3A_10 = arith.muli %arg1, %mul3A_9 : i32
    "tpu.region"() ({
      %run_scoped3A = tpu.sem_alloc : memref<!tpu.dma_semaphore, #tpu.memory_space<semaphore_mem>>
      %dma_start3A = arith.constant 0 : i32
      %dma_start3A_11 = tpu.memref_slice %arg6[%arg0, %mul3A_10, %dma_start3A] : memref<2x10112x128xf32, #tpu.memory_space<hbm>> -> memref<1x632x128xf32, #tpu.memory_space<hbm>>
      %dma_start3A_12 = tpu.memref_squeeze %dma_start3A_11 : memref<1x632x128xf32, #tpu.memory_space<hbm>> -> memref<632x128xf32, #tpu.memory_space<hbm>>
      %dma_start3A_13 = arith.constant 0 : i32
      %dma_start3A_14 = tpu.memref_slice %arg12[%mul3A_8, %dma_start3A_13] : memref<10112x128xf32, #tpu.memory_space<vmem_shared>> -> memref<632x128xf32, #tpu.memory_space<vmem_shared>>
      tpu.enqueue_dma source(%dma_start3A_14 : memref<632x128xf32, #tpu.memory_space<vmem_shared>>) target(%dma_start3A_12 : memref<632x128xf32, #tpu.memory_space<hbm>>) target_semaphore(%run_scoped3A : memref<!tpu.dma_semaphore, #tpu.memory_space<semaphore_mem>>)
      %dma_wait3A = arith.constant 0 : i32
      %dma_wait3A_15 = tpu.memref_slice %arg6[%arg0, %mul3A_10, %dma_wait3A] : memref<2x10112x128xf32, #tpu.memory_space<hbm>> -> memref<1x632x128xf32, #tpu.memory_space<hbm>>
      %dma_wait3A_16 = tpu.memref_squeeze %dma_wait3A_15 : memref<1x632x128xf32, #tpu.memory_space<hbm>> -> memref<632x128xf32, #tpu.memory_space<hbm>>
      %dma_wait3A_17 = arith.constant 0 : i32
      %dma_wait3A_18 = tpu.memref_slice %arg12[%mul3A_8, %dma_wait3A_17] : memref<10112x128xf32, #tpu.memory_space<vmem_shared>> -> memref<632x128xf32, #tpu.memory_space<vmem_shared>>
      tpu.wait_dma2 semaphore(%run_scoped3A : memref<!tpu.dma_semaphore, #tpu.memory_space<semaphore_mem>>) src(%dma_wait3A_18 : memref<632x128xf32, #tpu.memory_space<vmem_shared>>) dst(%dma_wait3A_16 : memref<632x128xf32, #tpu.memory_space<hbm>>)
      tpu.yield
    }) : () -> ()
    return
  }
}

#map = affine_map<(d0, d1) -> (0, 0)>
#map1 = affine_map<(d0, d1) -> (0, 0, 0, 0)>
#map2 = affine_map<(d0, d1) -> (0, 0, 0)>
module attributes {stable_mosaic.version = 14 : i64} {
  func.func @_segsum_body(%arg0: i32, %arg1: i32, %arg2: memref<20000x128xf32, #tpu.memory_space<hbm>>, %arg3: memref<2x16x176x120xi32, #tpu.memory_space<hbm>>, %arg4: memref<2x16x176x120xi32, #tpu.memory_space<hbm>>, %arg5: memref<632x128xf32, #tpu.memory_space<hbm>>, %arg6: memref<2x10112x128xf32, #tpu.memory_space<hbm>>, %arg7: memref<16x120xi32, #tpu.memory_space<vmem>>, %arg8: memref<16x120xi32, #tpu.memory_space<vmem>>, %arg9: memref<120x128xf32, #tpu.memory_space<vmem>>, %arg10: memref<120x128xf32, #tpu.memory_space<vmem>>, %arg11: memref<120x128xf32, #tpu.memory_space<vmem>>, %arg12: memref<10112x128xf32, #tpu.memory_space<vmem_shared>>, %arg13: memref<!tpu.dma_semaphore, #tpu.memory_space<semaphore_mem>>, %arg14: memref<!tpu.dma_semaphore, #tpu.memory_space<semaphore_mem>>, %arg15: memref<!tpu.dma_semaphore, #tpu.memory_space<semaphore_mem>>, %arg16: memref<!tpu.dma_semaphore, #tpu.memory_space<semaphore_mem>>, %arg17: memref<!tpu.dma_semaphore, #tpu.memory_space<semaphore_mem>>, %arg18: memref<!tpu.dma_semaphore, #tpu.memory_space<semaphore_mem>>) attributes {dimension_semantics = [#tpu.dimension_semantics<core_parallel>, #tpu.dimension_semantics<subcore_parallel>], iteration_bounds = array<i64: 2, 16>, scalar_prefetch = 0 : i64, scratch_operands = 12 : i64, tpu.core_type = #tpu.core_type<sc_vector_subcore>, window_params = [{transform_indices = #map}, {transform_indices = #map1}, {transform_indices = #map1}, {transform_indices = #map}, {transform_indices = #map2}]} {
    %mul3A = arith.constant 632 : i32
    %mul3A_0 = arith.muli %arg1, %mul3A : i32
    "tpu.region"() ({
      %run_scoped3A = tpu.sem_alloc : memref<!tpu.dma_semaphore, #tpu.memory_space<semaphore_mem>>
      %dma_start3A = arith.constant 0 : i32
      %dma_start3A_11 = tpu.memref_slice %arg12[%mul3A_0, %dma_start3A] : memref<10112x128xf32, #tpu.memory_space<vmem_shared>> -> memref<632x128xf32, #tpu.memory_space<vmem_shared>>
      tpu.enqueue_dma source(%arg5 : memref<632x128xf32, #tpu.memory_space<hbm>>) target(%dma_start3A_11 : memref<632x128xf32, #tpu.memory_space<vmem_shared>>) target_semaphore(%run_scoped3A : memref<!tpu.dma_semaphore, #tpu.memory_space<semaphore_mem>>)
      %dma_wait3A = arith.constant 0 : i32
      %dma_wait3A_12 = tpu.memref_slice %arg12[%mul3A_0, %dma_wait3A] : memref<10112x128xf32, #tpu.memory_space<vmem_shared>> -> memref<632x128xf32, #tpu.memory_space<vmem_shared>>
      tpu.wait_dma2 semaphore(%run_scoped3A : memref<!tpu.dma_semaphore, #tpu.memory_space<semaphore_mem>>) src(%arg5 : memref<632x128xf32, #tpu.memory_space<hbm>>) dst(%dma_wait3A_12 : memref<632x128xf32, #tpu.memory_space<vmem_shared>>)
      tpu.yield
    }) : () -> ()
    %barrier3A = arith.constant 0 : index
    tpu.barrier barrier_id(%barrier3A)
    %scan3A = arith.constant 0 : i32
    %scan3A_1 = arith.constant 0 : i32
    %scan3A_2 = arith.constant 11 : i32
    %scan3A_3 = arith.addi %scan3A_1, %scan3A_2 : i32
    %scan3A_4 = arith.constant 1 : i32
    scf.for %scan3A_11 = %scan3A_1 to %scan3A_3 step %scan3A_4  : i32 {
      %mul3A_12 = arith.constant 16 : i32
      %mul3A_13 = arith.muli %scan3A_11, %mul3A_12 : i32
      "tpu.region"() ({
        %run_scoped3A = tpu.sem_alloc : memref<!tpu.dma_semaphore, #tpu.memory_space<semaphore_mem>>
        %dma_start3A_462 = arith.constant 0 : i32
        %dma_start3A_463 = tpu.memref_slice %arg3[%arg0, %arg1, %mul3A_13, %dma_start3A_462] : memref<2x16x176x120xi32, #tpu.memory_space<hbm>> -> memref<1x1x16x120xi32, #tpu.memory_space<hbm>>
        %dma_start3A_464 = tpu.memref_squeeze %dma_start3A_463 : memref<1x1x16x120xi32, #tpu.memory_space<hbm>> -> memref<16x120xi32, #tpu.memory_space<hbm>>
        %dma_start3A_465 = arith.constant 0 : i32
        %dma_start3A_466 = tpu.memref_slice %arg3[%arg0, %arg1, %mul3A_13, %dma_start3A_465] : memref<2x16x176x120xi32, #tpu.memory_space<hbm>> -> memref<1x1x16x120xi32, #tpu.memory_space<hbm>>
        %dma_start3A_467 = tpu.memref_squeeze %dma_start3A_466 : memref<1x1x16x120xi32, #tpu.memory_space<hbm>> -> memref<16x120xi32, #tpu.memory_space<hbm>>
        tpu.enqueue_dma source(%dma_start3A_467 : memref<16x120xi32, #tpu.memory_space<hbm>>) target(%arg7 : memref<16x120xi32, #tpu.memory_space<vmem>>) target_semaphore(%run_scoped3A : memref<!tpu.dma_semaphore, #tpu.memory_space<semaphore_mem>>)
        %dma_wait3A_468 = arith.constant 0 : i32
        %dma_wait3A_469 = tpu.memref_slice %arg3[%arg0, %arg1, %mul3A_13, %dma_wait3A_468] : memref<2x16x176x120xi32, #tpu.memory_space<hbm>> -> memref<1x1x16x120xi32, #tpu.memory_space<hbm>>
        %dma_wait3A_470 = tpu.memref_squeeze %dma_wait3A_469 : memref<1x1x16x120xi32, #tpu.memory_space<hbm>> -> memref<16x120xi32, #tpu.memory_space<hbm>>
        %dma_wait3A_471 = arith.constant 0 : i32
        %dma_wait3A_472 = tpu.memref_slice %arg3[%arg0, %arg1, %mul3A_13, %dma_wait3A_471] : memref<2x16x176x120xi32, #tpu.memory_space<hbm>> -> memref<1x1x16x120xi32, #tpu.memory_space<hbm>>
        %dma_wait3A_473 = tpu.memref_squeeze %dma_wait3A_472 : memref<1x1x16x120xi32, #tpu.memory_space<hbm>> -> memref<16x120xi32, #tpu.memory_space<hbm>>
        tpu.wait_dma2 semaphore(%run_scoped3A : memref<!tpu.dma_semaphore, #tpu.memory_space<semaphore_mem>>) src(%dma_wait3A_473 : memref<16x120xi32, #tpu.memory_space<hbm>>) dst(%arg7 : memref<16x120xi32, #tpu.memory_space<vmem>>)
        tpu.yield
      }) : () -> ()
      %mul3A_14 = arith.constant 16 : i32
      %mul3A_15 = arith.muli %scan3A_11, %mul3A_14 : i32
      "tpu.region"() ({
        %run_scoped3A = tpu.sem_alloc : memref<!tpu.dma_semaphore, #tpu.memory_space<semaphore_mem>>
        %dma_start3A_462 = arith.constant 0 : i32
        %dma_start3A_463 = tpu.memref_slice %arg4[%arg0, %arg1, %mul3A_15, %dma_start3A_462] : memref<2x16x176x120xi32, #tpu.memory_space<hbm>> -> memref<1x1x16x120xi32, #tpu.memory_space<hbm>>
        %dma_start3A_464 = tpu.memref_squeeze %dma_start3A_463 : memref<1x1x16x120xi32, #tpu.memory_space<hbm>> -> memref<16x120xi32, #tpu.memory_space<hbm>>
        %dma_start3A_465 = arith.constant 0 : i32
        %dma_start3A_466 = tpu.memref_slice %arg4[%arg0, %arg1, %mul3A_15, %dma_start3A_465] : memref<2x16x176x120xi32, #tpu.memory_space<hbm>> -> memref<1x1x16x120xi32, #tpu.memory_space<hbm>>
        %dma_start3A_467 = tpu.memref_squeeze %dma_start3A_466 : memref<1x1x16x120xi32, #tpu.memory_space<hbm>> -> memref<16x120xi32, #tpu.memory_space<hbm>>
        tpu.enqueue_dma source(%dma_start3A_467 : memref<16x120xi32, #tpu.memory_space<hbm>>) target(%arg8 : memref<16x120xi32, #tpu.memory_space<vmem>>) target_semaphore(%run_scoped3A : memref<!tpu.dma_semaphore, #tpu.memory_space<semaphore_mem>>)
        %dma_wait3A_468 = arith.constant 0 : i32
        %dma_wait3A_469 = tpu.memref_slice %arg4[%arg0, %arg1, %mul3A_15, %dma_wait3A_468] : memref<2x16x176x120xi32, #tpu.memory_space<hbm>> -> memref<1x1x16x120xi32, #tpu.memory_space<hbm>>
        %dma_wait3A_470 = tpu.memref_squeeze %dma_wait3A_469 : memref<1x1x16x120xi32, #tpu.memory_space<hbm>> -> memref<16x120xi32, #tpu.memory_space<hbm>>
        %dma_wait3A_471 = arith.constant 0 : i32
        %dma_wait3A_472 = tpu.memref_slice %arg4[%arg0, %arg1, %mul3A_15, %dma_wait3A_471] : memref<2x16x176x120xi32, #tpu.memory_space<hbm>> -> memref<1x1x16x120xi32, #tpu.memory_space<hbm>>
        %dma_wait3A_473 = tpu.memref_squeeze %dma_wait3A_472 : memref<1x1x16x120xi32, #tpu.memory_space<hbm>> -> memref<16x120xi32, #tpu.memory_space<hbm>>
        tpu.wait_dma2 semaphore(%run_scoped3A : memref<!tpu.dma_semaphore, #tpu.memory_space<semaphore_mem>>) src(%dma_wait3A_473 : memref<16x120xi32, #tpu.memory_space<hbm>>) dst(%arg8 : memref<16x120xi32, #tpu.memory_space<vmem>>)
        tpu.yield
      }) : () -> ()
      %dma_start3A = arith.constant 0 : i32
      %dma_start3A_16 = arith.constant 0 : i32
      %dma_start3A_17 = tpu.memref_slice %arg7[%dma_start3A, %dma_start3A_16] : memref<16x120xi32, #tpu.memory_space<vmem>> -> memref<1x120xi32, #tpu.memory_space<vmem>>
      %dma_start3A_18 = tpu.memref_squeeze %dma_start3A_17 : memref<1x120xi32, #tpu.memory_space<vmem>> -> memref<120xi32, #tpu.memory_space<vmem>>
      %dma_start3A_19 = arith.constant 0 : i32
      %dma_start3A_20 = arith.constant 0 : i32
      %dma_start3A_21 = tpu.memref_slice %arg2[%dma_start3A_19, %dma_start3A_20] : memref<20000x128xf32, #tpu.memory_space<hbm>> -> memref<20000x128xf32, #tpu.memory_space<hbm>>
      tpu.enqueue_indirect_dma source(%dma_start3A_21 : memref<20000x128xf32, #tpu.memory_space<hbm>>) target(%arg9 : memref<120x128xf32, #tpu.memory_space<vmem>>) offsets(%dma_start3A_18 : memref<120xi32, #tpu.memory_space<vmem>>) semaphore(%arg13 : memref<!tpu.dma_semaphore, #tpu.memory_space<semaphore_mem>>)
      %dma_start3A_22 = arith.constant 1 : i32
      %dma_start3A_23 = arith.constant 0 : i32
      %dma_start3A_24 = tpu.memref_slice %arg7[%dma_start3A_22, %dma_start3A_23] : memref<16x120xi32, #tpu.memory_space<vmem>> -> memref<1x120xi32, #tpu.memory_space<vmem>>
      %dma_start3A_25 = tpu.memref_squeeze %dma_start3A_24 : memref<1x120xi32, #tpu.memory_space<vmem>> -> memref<120xi32, #tpu.memory_space<vmem>>
      %dma_start3A_26 = arith.constant 0 : i32
      %dma_start3A_27 = arith.constant 0 : i32
      %dma_start3A_28 = tpu.memref_slice %arg2[%dma_start3A_26, %dma_start3A_27] : memref<20000x128xf32, #tpu.memory_space<hbm>> -> memref<20000x128xf32, #tpu.memory_space<hbm>>
      tpu.enqueue_indirect_dma source(%dma_start3A_28 : memref<20000x128xf32, #tpu.memory_space<hbm>>) target(%arg10 : memref<120x128xf32, #tpu.memory_space<vmem>>) offsets(%dma_start3A_25 : memref<120xi32, #tpu.memory_space<vmem>>) semaphore(%arg14 : memref<!tpu.dma_semaphore, #tpu.memory_space<semaphore_mem>>)
      %dma_start3A_29 = arith.constant 2 : i32
      %dma_start3A_30 = arith.constant 0 : i32
      %dma_start3A_31 = tpu.memref_slice %arg7[%dma_start3A_29, %dma_start3A_30] : memref<16x120xi32, #tpu.memory_space<vmem>> -> memref<1x120xi32, #tpu.memory_space<vmem>>
      %dma_start3A_32 = tpu.memref_squeeze %dma_start3A_31 : memref<1x120xi32, #tpu.memory_space<vmem>> -> memref<120xi32, #tpu.memory_space<vmem>>
      %dma_start3A_33 = arith.constant 0 : i32
      %dma_start3A_34 = arith.constant 0 : i32
      %dma_start3A_35 = tpu.memref_slice %arg2[%dma_start3A_33, %dma_start3A_34] : memref<20000x128xf32, #tpu.memory_space<hbm>> -> memref<20000x128xf32, #tpu.memory_space<hbm>>
      tpu.enqueue_indirect_dma source(%dma_start3A_35 : memref<20000x128xf32, #tpu.memory_space<hbm>>) target(%arg11 : memref<120x128xf32, #tpu.memory_space<vmem>>) offsets(%dma_start3A_32 : memref<120xi32, #tpu.memory_space<vmem>>) semaphore(%arg15 : memref<!tpu.dma_semaphore, #tpu.memory_space<semaphore_mem>>)
      %dma_wait3A = arith.constant 0 : i32
      %dma_wait3A_36 = arith.constant 0 : i32
      %dma_wait3A_37 = tpu.memref_slice %arg7[%dma_wait3A, %dma_wait3A_36] : memref<16x120xi32, #tpu.memory_space<vmem>> -> memref<1x120xi32, #tpu.memory_space<vmem>>
      %dma_wait3A_38 = tpu.memref_squeeze %dma_wait3A_37 : memref<1x120xi32, #tpu.memory_space<vmem>> -> memref<120xi32, #tpu.memory_space<vmem>>
      %dma_wait3A_39 = arith.constant 0 : i32
      %dma_wait3A_40 = arith.constant 0 : i32
      %dma_wait3A_41 = tpu.memref_slice %arg2[%dma_wait3A_39, %dma_wait3A_40] : memref<20000x128xf32, #tpu.memory_space<hbm>> -> memref<20000x128xf32, #tpu.memory_space<hbm>>
      tpu.wait_indirect_dma semaphore(%arg13 : memref<!tpu.dma_semaphore, #tpu.memory_space<semaphore_mem>>) src(%dma_wait3A_41 : memref<20000x128xf32, #tpu.memory_space<hbm>>) dst(%arg9 : memref<120x128xf32, #tpu.memory_space<vmem>>)
      %dma_start3A_42 = arith.constant 0 : i32
      %dma_start3A_43 = arith.constant 0 : i32
      %dma_start3A_44 = tpu.memref_slice %arg8[%dma_start3A_42, %dma_start3A_43] : memref<16x120xi32, #tpu.memory_space<vmem>> -> memref<1x120xi32, #tpu.memory_space<vmem>>
      %dma_start3A_45 = tpu.memref_squeeze %dma_start3A_44 : memref<1x120xi32, #tpu.memory_space<vmem>> -> memref<120xi32, #tpu.memory_space<vmem>>
      %dma_start3A_46 = arith.constant 0 : i32
      %dma_start3A_47 = arith.constant 0 : i32
      %dma_start3A_48 = tpu.memref_slice %arg12[%dma_start3A_46, %dma_start3A_47] : memref<10112x128xf32, #tpu.memory_space<vmem_shared>> -> memref<10112x128xf32, #tpu.memory_space<vmem_shared>>
      tpu.enqueue_indirect_dma source(%arg9 : memref<120x128xf32, #tpu.memory_space<vmem>>) target(%dma_start3A_48 : memref<10112x128xf32, #tpu.memory_space<vmem_shared>>) offsets(%dma_start3A_45 : memref<120xi32, #tpu.memory_space<vmem>>) semaphore(%arg16 : memref<!tpu.dma_semaphore, #tpu.memory_space<semaphore_mem>>) {add = true}
      %dma_wait3A_49 = arith.constant 0 : i32
      %dma_wait3A_50 = arith.constant 0 : i32
      %dma_wait3A_51 = tpu.memref_slice %arg8[%dma_wait3A_49, %dma_wait3A_50] : memref<16x120xi32, #tpu.memory_space<vmem>> -> memref<1x120xi32, #tpu.memory_space<vmem>>
      %dma_wait3A_52 = tpu.memref_squeeze %dma_wait3A_51 : memref<1x120xi32, #tpu.memory_space<vmem>> -> memref<120xi32, #tpu.memory_space<vmem>>
      %dma_wait3A_53 = arith.constant 0 : i32
      %dma_wait3A_54 = arith.constant 0 : i32
      %dma_wait3A_55 = tpu.memref_slice %arg12[%dma_wait3A_53, %dma_wait3A_54] : memref<10112x128xf32, #tpu.memory_space<vmem_shared>> -> memref<10112x128xf32, #tpu.memory_space<vmem_shared>>
      tpu.wait_indirect_dma semaphore(%arg16 : memref<!tpu.dma_semaphore, #tpu.memory_space<semaphore_mem>>) src(%arg9 : memref<120x128xf32, #tpu.memory_space<vmem>>) dst(%dma_wait3A_55 : memref<10112x128xf32, #tpu.memory_space<vmem_shared>>)
      %dma_start3A_56 = arith.constant 3 : i32
      %dma_start3A_57 = arith.constant 0 : i32
      %dma_start3A_58 = tpu.memref_slice %arg7[%dma_start3A_56, %dma_start3A_57] : memref<16x120xi32, #tpu.memory_space<vmem>> -> memref<1x120xi32, #tpu.memory_space<vmem>>
      %dma_start3A_59 = tpu.memref_squeeze %dma_start3A_58 : memref<1x120xi32, #tpu.memory_space<vmem>> -> memref<120xi32, #tpu.memory_space<vmem>>
      %dma_start3A_60 = arith.constant 0 : i32
      %dma_start3A_61 = arith.constant 0 : i32
      %dma_start3A_62 = tpu.memref_slice %arg2[%dma_start3A_60, %dma_start3A_61] : memref<20000x128xf32, #tpu.memory_space<hbm>> -> memref<20000x128xf32, #tpu.memory_space<hbm>>
      tpu.enqueue_indirect_dma source(%dma_start3A_62 : memref<20000x128xf32, #tpu.memory_space<hbm>>) target(%arg9 : memref<120x128xf32, #tpu.memory_space<vmem>>) offsets(%dma_start3A_59 : memref<120xi32, #tpu.memory_space<vmem>>) semaphore(%arg13 : memref<!tpu.dma_semaphore, #tpu.memory_space<semaphore_mem>>)
      %dma_wait3A_63 = arith.constant 1 : i32
      %dma_wait3A_64 = arith.constant 0 : i32
      %dma_wait3A_65 = tpu.memref_slice %arg7[%dma_wait3A_63, %dma_wait3A_64] : memref<16x120xi32, #tpu.memory_space<vmem>> -> memref<1x120xi32, #tpu.memory_space<vmem>>
      %dma_wait3A_66 = tpu.memref_squeeze %dma_wait3A_65 : memref<1x120xi32, #tpu.memory_space<vmem>> -> memref<120xi32, #tpu.memory_space<vmem>>
      %dma_wait3A_67 = arith.constant 0 : i32
      %dma_wait3A_68 = arith.constant 0 : i32
      %dma_wait3A_69 = tpu.memref_slice %arg2[%dma_wait3A_67, %dma_wait3A_68] : memref<20000x128xf32, #tpu.memory_space<hbm>> -> memref<20000x128xf32, #tpu.memory_space<hbm>>
      tpu.wait_indirect_dma semaphore(%arg14 : memref<!tpu.dma_semaphore, #tpu.memory_space<semaphore_mem>>) src(%dma_wait3A_69 : memref<20000x128xf32, #tpu.memory_space<hbm>>) dst(%arg10 : memref<120x128xf32, #tpu.memory_space<vmem>>)
      %dma_start3A_70 = arith.constant 1 : i32
      %dma_start3A_71 = arith.constant 0 : i32
      %dma_start3A_72 = tpu.memref_slice %arg8[%dma_start3A_70, %dma_start3A_71] : memref<16x120xi32, #tpu.memory_space<vmem>> -> memref<1x120xi32, #tpu.memory_space<vmem>>
      %dma_start3A_73 = tpu.memref_squeeze %dma_start3A_72 : memref<1x120xi32, #tpu.memory_space<vmem>> -> memref<120xi32, #tpu.memory_space<vmem>>
      %dma_start3A_74 = arith.constant 0 : i32
      %dma_start3A_75 = arith.constant 0 : i32
      %dma_start3A_76 = tpu.memref_slice %arg12[%dma_start3A_74, %dma_start3A_75] : memref<10112x128xf32, #tpu.memory_space<vmem_shared>> -> memref<10112x128xf32, #tpu.memory_space<vmem_shared>>
      tpu.enqueue_indirect_dma source(%arg10 : memref<120x128xf32, #tpu.memory_space<vmem>>) target(%dma_start3A_76 : memref<10112x128xf32, #tpu.memory_space<vmem_shared>>) offsets(%dma_start3A_73 : memref<120xi32, #tpu.memory_space<vmem>>) semaphore(%arg17 : memref<!tpu.dma_semaphore, #tpu.memory_space<semaphore_mem>>) {add = true}
      %dma_wait3A_77 = arith.constant 1 : i32
      %dma_wait3A_78 = arith.constant 0 : i32
      %dma_wait3A_79 = tpu.memref_slice %arg8[%dma_wait3A_77, %dma_wait3A_78] : memref<16x120xi32, #tpu.memory_space<vmem>> -> memref<1x120xi32, #tpu.memory_space<vmem>>
      %dma_wait3A_80 = tpu.memref_squeeze %dma_wait3A_79 : memref<1x120xi32, #tpu.memory_space<vmem>> -> memref<120xi32, #tpu.memory_space<vmem>>
      %dma_wait3A_81 = arith.constant 0 : i32
      %dma_wait3A_82 = arith.constant 0 : i32
      %dma_wait3A_83 = tpu.memref_slice %arg12[%dma_wait3A_81, %dma_wait3A_82] : memref<10112x128xf32, #tpu.memory_space<vmem_shared>> -> memref<10112x128xf32, #tpu.memory_space<vmem_shared>>
      tpu.wait_indirect_dma semaphore(%arg17 : memref<!tpu.dma_semaphore, #tpu.memory_space<semaphore_mem>>) src(%arg10 : memref<120x128xf32, #tpu.memory_space<vmem>>) dst(%dma_wait3A_83 : memref<10112x128xf32, #tpu.memory_space<vmem_shared>>)
      %dma_start3A_84 = arith.constant 4 : i32
      %dma_start3A_85 = arith.constant 0 : i32
      %dma_start3A_86 = tpu.memref_slice %arg7[%dma_start3A_84, %dma_start3A_85] : memref<16x120xi32, #tpu.memory_space<vmem>> -> memref<1x120xi32, #tpu.memory_space<vmem>>
      %dma_start3A_87 = tpu.memref_squeeze %dma_start3A_86 : memref<1x120xi32, #tpu.memory_space<vmem>> -> memref<120xi32, #tpu.memory_space<vmem>>
      %dma_start3A_88 = arith.constant 0 : i32
      %dma_start3A_89 = arith.constant 0 : i32
      %dma_start3A_90 = tpu.memref_slice %arg2[%dma_start3A_88, %dma_start3A_89] : memref<20000x128xf32, #tpu.memory_space<hbm>> -> memref<20000x128xf32, #tpu.memory_space<hbm>>
      tpu.enqueue_indirect_dma source(%dma_start3A_90 : memref<20000x128xf32, #tpu.memory_space<hbm>>) target(%arg10 : memref<120x128xf32, #tpu.memory_space<vmem>>) offsets(%dma_start3A_87 : memref<120xi32, #tpu.memory_space<vmem>>) semaphore(%arg14 : memref<!tpu.dma_semaphore, #tpu.memory_space<semaphore_mem>>)
      %dma_wait3A_91 = arith.constant 2 : i32
      %dma_wait3A_92 = arith.constant 0 : i32
      %dma_wait3A_93 = tpu.memref_slice %arg7[%dma_wait3A_91, %dma_wait3A_92] : memref<16x120xi32, #tpu.memory_space<vmem>> -> memref<1x120xi32, #tpu.memory_space<vmem>>
      %dma_wait3A_94 = tpu.memref_squeeze %dma_wait3A_93 : memref<1x120xi32, #tpu.memory_space<vmem>> -> memref<120xi32, #tpu.memory_space<vmem>>
      %dma_wait3A_95 = arith.constant 0 : i32
      %dma_wait3A_96 = arith.constant 0 : i32
      %dma_wait3A_97 = tpu.memref_slice %arg2[%dma_wait3A_95, %dma_wait3A_96] : memref<20000x128xf32, #tpu.memory_space<hbm>> -> memref<20000x128xf32, #tpu.memory_space<hbm>>
      tpu.wait_indirect_dma semaphore(%arg15 : memref<!tpu.dma_semaphore, #tpu.memory_space<semaphore_mem>>) src(%dma_wait3A_97 : memref<20000x128xf32, #tpu.memory_space<hbm>>) dst(%arg11 : memref<120x128xf32, #tpu.memory_space<vmem>>)
      %dma_start3A_98 = arith.constant 2 : i32
      %dma_start3A_99 = arith.constant 0 : i32
      %dma_start3A_100 = tpu.memref_slice %arg8[%dma_start3A_98, %dma_start3A_99] : memref<16x120xi32, #tpu.memory_space<vmem>> -> memref<1x120xi32, #tpu.memory_space<vmem>>
      %dma_start3A_101 = tpu.memref_squeeze %dma_start3A_100 : memref<1x120xi32, #tpu.memory_space<vmem>> -> memref<120xi32, #tpu.memory_space<vmem>>
      %dma_start3A_102 = arith.constant 0 : i32
      %dma_start3A_103 = arith.constant 0 : i32
      %dma_start3A_104 = tpu.memref_slice %arg12[%dma_start3A_102, %dma_start3A_103] : memref<10112x128xf32, #tpu.memory_space<vmem_shared>> -> memref<10112x128xf32, #tpu.memory_space<vmem_shared>>
      tpu.enqueue_indirect_dma source(%arg11 : memref<120x128xf32, #tpu.memory_space<vmem>>) target(%dma_start3A_104 : memref<10112x128xf32, #tpu.memory_space<vmem_shared>>) offsets(%dma_start3A_101 : memref<120xi32, #tpu.memory_space<vmem>>) semaphore(%arg18 : memref<!tpu.dma_semaphore, #tpu.memory_space<semaphore_mem>>) {add = true}
      %dma_wait3A_105 = arith.constant 2 : i32
      %dma_wait3A_106 = arith.constant 0 : i32
      %dma_wait3A_107 = tpu.memref_slice %arg8[%dma_wait3A_105, %dma_wait3A_106] : memref<16x120xi32, #tpu.memory_space<vmem>> -> memref<1x120xi32, #tpu.memory_space<vmem>>
      %dma_wait3A_108 = tpu.memref_squeeze %dma_wait3A_107 : memref<1x120xi32, #tpu.memory_space<vmem>> -> memref<120xi32, #tpu.memory_space<vmem>>
      %dma_wait3A_109 = arith.constant 0 : i32
      %dma_wait3A_110 = arith.constant 0 : i32
      %dma_wait3A_111 = tpu.memref_slice %arg12[%dma_wait3A_109, %dma_wait3A_110] : memref<10112x128xf32, #tpu.memory_space<vmem_shared>> -> memref<10112x128xf32, #tpu.memory_space<vmem_shared>>
      tpu.wait_indirect_dma semaphore(%arg18 : memref<!tpu.dma_semaphore, #tpu.memory_space<semaphore_mem>>) src(%arg11 : memref<120x128xf32, #tpu.memory_space<vmem>>) dst(%dma_wait3A_111 : memref<10112x128xf32, #tpu.memory_space<vmem_shared>>)
      %dma_start3A_112 = arith.constant 5 : i32
      %dma_start3A_113 = arith.constant 0 : i32
      %dma_start3A_114 = tpu.memref_slice %arg7[%dma_start3A_112, %dma_start3A_113] : memref<16x120xi32, #tpu.memory_space<vmem>> -> memref<1x120xi32, #tpu.memory_space<vmem>>
      %dma_start3A_115 = tpu.memref_squeeze %dma_start3A_114 : memref<1x120xi32, #tpu.memory_space<vmem>> -> memref<120xi32, #tpu.memory_space<vmem>>
      %dma_start3A_116 = arith.constant 0 : i32
      %dma_start3A_117 = arith.constant 0 : i32
      %dma_start3A_118 = tpu.memref_slice %arg2[%dma_start3A_116, %dma_start3A_117] : memref<20000x128xf32, #tpu.memory_space<hbm>> -> memref<20000x128xf32, #tpu.memory_space<hbm>>
      tpu.enqueue_indirect_dma source(%dma_start3A_118 : memref<20000x128xf32, #tpu.memory_space<hbm>>) target(%arg11 : memref<120x128xf32, #tpu.memory_space<vmem>>) offsets(%dma_start3A_115 : memref<120xi32, #tpu.memory_space<vmem>>) semaphore(%arg15 : memref<!tpu.dma_semaphore, #tpu.memory_space<semaphore_mem>>)
      %dma_wait3A_119 = arith.constant 3 : i32
      %dma_wait3A_120 = arith.constant 0 : i32
      %dma_wait3A_121 = tpu.memref_slice %arg7[%dma_wait3A_119, %dma_wait3A_120] : memref<16x120xi32, #tpu.memory_space<vmem>> -> memref<1x120xi32, #tpu.memory_space<vmem>>
      %dma_wait3A_122 = tpu.memref_squeeze %dma_wait3A_121 : memref<1x120xi32, #tpu.memory_space<vmem>> -> memref<120xi32, #tpu.memory_space<vmem>>
      %dma_wait3A_123 = arith.constant 0 : i32
      %dma_wait3A_124 = arith.constant 0 : i32
      %dma_wait3A_125 = tpu.memref_slice %arg2[%dma_wait3A_123, %dma_wait3A_124] : memref<20000x128xf32, #tpu.memory_space<hbm>> -> memref<20000x128xf32, #tpu.memory_space<hbm>>
      tpu.wait_indirect_dma semaphore(%arg13 : memref<!tpu.dma_semaphore, #tpu.memory_space<semaphore_mem>>) src(%dma_wait3A_125 : memref<20000x128xf32, #tpu.memory_space<hbm>>) dst(%arg9 : memref<120x128xf32, #tpu.memory_space<vmem>>)
      %dma_start3A_126 = arith.constant 3 : i32
      %dma_start3A_127 = arith.constant 0 : i32
      %dma_start3A_128 = tpu.memref_slice %arg8[%dma_start3A_126, %dma_start3A_127] : memref<16x120xi32, #tpu.memory_space<vmem>> -> memref<1x120xi32, #tpu.memory_space<vmem>>
      %dma_start3A_129 = tpu.memref_squeeze %dma_start3A_128 : memref<1x120xi32, #tpu.memory_space<vmem>> -> memref<120xi32, #tpu.memory_space<vmem>>
      %dma_start3A_130 = arith.constant 0 : i32
      %dma_start3A_131 = arith.constant 0 : i32
      %dma_start3A_132 = tpu.memref_slice %arg12[%dma_start3A_130, %dma_start3A_131] : memref<10112x128xf32, #tpu.memory_space<vmem_shared>> -> memref<10112x128xf32, #tpu.memory_space<vmem_shared>>
      tpu.enqueue_indirect_dma source(%arg9 : memref<120x128xf32, #tpu.memory_space<vmem>>) target(%dma_start3A_132 : memref<10112x128xf32, #tpu.memory_space<vmem_shared>>) offsets(%dma_start3A_129 : memref<120xi32, #tpu.memory_space<vmem>>) semaphore(%arg16 : memref<!tpu.dma_semaphore, #tpu.memory_space<semaphore_mem>>) {add = true}
      %dma_wait3A_133 = arith.constant 3 : i32
      %dma_wait3A_134 = arith.constant 0 : i32
      %dma_wait3A_135 = tpu.memref_slice %arg8[%dma_wait3A_133, %dma_wait3A_134] : memref<16x120xi32, #tpu.memory_space<vmem>> -> memref<1x120xi32, #tpu.memory_space<vmem>>
      %dma_wait3A_136 = tpu.memref_squeeze %dma_wait3A_135 : memref<1x120xi32, #tpu.memory_space<vmem>> -> memref<120xi32, #tpu.memory_space<vmem>>
      %dma_wait3A_137 = arith.constant 0 : i32
      %dma_wait3A_138 = arith.constant 0 : i32
      %dma_wait3A_139 = tpu.memref_slice %arg12[%dma_wait3A_137, %dma_wait3A_138] : memref<10112x128xf32, #tpu.memory_space<vmem_shared>> -> memref<10112x128xf32, #tpu.memory_space<vmem_shared>>
      tpu.wait_indirect_dma semaphore(%arg16 : memref<!tpu.dma_semaphore, #tpu.memory_space<semaphore_mem>>) src(%arg9 : memref<120x128xf32, #tpu.memory_space<vmem>>) dst(%dma_wait3A_139 : memref<10112x128xf32, #tpu.memory_space<vmem_shared>>)
      %dma_start3A_140 = arith.constant 6 : i32
      %dma_start3A_141 = arith.constant 0 : i32
      %dma_start3A_142 = tpu.memref_slice %arg7[%dma_start3A_140, %dma_start3A_141] : memref<16x120xi32, #tpu.memory_space<vmem>> -> memref<1x120xi32, #tpu.memory_space<vmem>>
      %dma_start3A_143 = tpu.memref_squeeze %dma_start3A_142 : memref<1x120xi32, #tpu.memory_space<vmem>> -> memref<120xi32, #tpu.memory_space<vmem>>
      %dma_start3A_144 = arith.constant 0 : i32
      %dma_start3A_145 = arith.constant 0 : i32
      %dma_start3A_146 = tpu.memref_slice %arg2[%dma_start3A_144, %dma_start3A_145] : memref<20000x128xf32, #tpu.memory_space<hbm>> -> memref<20000x128xf32, #tpu.memory_space<hbm>>
      tpu.enqueue_indirect_dma source(%dma_start3A_146 : memref<20000x128xf32, #tpu.memory_space<hbm>>) target(%arg9 : memref<120x128xf32, #tpu.memory_space<vmem>>) offsets(%dma_start3A_143 : memref<120xi32, #tpu.memory_space<vmem>>) semaphore(%arg13 : memref<!tpu.dma_semaphore, #tpu.memory_space<semaphore_mem>>)
      %dma_wait3A_147 = arith.constant 4 : i32
      %dma_wait3A_148 = arith.constant 0 : i32
      %dma_wait3A_149 = tpu.memref_slice %arg7[%dma_wait3A_147, %dma_wait3A_148] : memref<16x120xi32, #tpu.memory_space<vmem>> -> memref<1x120xi32, #tpu.memory_space<vmem>>
      %dma_wait3A_150 = tpu.memref_squeeze %dma_wait3A_149 : memref<1x120xi32, #tpu.memory_space<vmem>> -> memref<120xi32, #tpu.memory_space<vmem>>
      %dma_wait3A_151 = arith.constant 0 : i32
      %dma_wait3A_152 = arith.constant 0 : i32
      %dma_wait3A_153 = tpu.memref_slice %arg2[%dma_wait3A_151, %dma_wait3A_152] : memref<20000x128xf32, #tpu.memory_space<hbm>> -> memref<20000x128xf32, #tpu.memory_space<hbm>>
      tpu.wait_indirect_dma semaphore(%arg14 : memref<!tpu.dma_semaphore, #tpu.memory_space<semaphore_mem>>) src(%dma_wait3A_153 : memref<20000x128xf32, #tpu.memory_space<hbm>>) dst(%arg10 : memref<120x128xf32, #tpu.memory_space<vmem>>)
      %dma_start3A_154 = arith.constant 4 : i32
      %dma_start3A_155 = arith.constant 0 : i32
      %dma_start3A_156 = tpu.memref_slice %arg8[%dma_start3A_154, %dma_start3A_155] : memref<16x120xi32, #tpu.memory_space<vmem>> -> memref<1x120xi32, #tpu.memory_space<vmem>>
      %dma_start3A_157 = tpu.memref_squeeze %dma_start3A_156 : memref<1x120xi32, #tpu.memory_space<vmem>> -> memref<120xi32, #tpu.memory_space<vmem>>
      %dma_start3A_158 = arith.constant 0 : i32
      %dma_start3A_159 = arith.constant 0 : i32
      %dma_start3A_160 = tpu.memref_slice %arg12[%dma_start3A_158, %dma_start3A_159] : memref<10112x128xf32, #tpu.memory_space<vmem_shared>> -> memref<10112x128xf32, #tpu.memory_space<vmem_shared>>
      tpu.enqueue_indirect_dma source(%arg10 : memref<120x128xf32, #tpu.memory_space<vmem>>) target(%dma_start3A_160 : memref<10112x128xf32, #tpu.memory_space<vmem_shared>>) offsets(%dma_start3A_157 : memref<120xi32, #tpu.memory_space<vmem>>) semaphore(%arg17 : memref<!tpu.dma_semaphore, #tpu.memory_space<semaphore_mem>>) {add = true}
      %dma_wait3A_161 = arith.constant 4 : i32
      %dma_wait3A_162 = arith.constant 0 : i32
      %dma_wait3A_163 = tpu.memref_slice %arg8[%dma_wait3A_161, %dma_wait3A_162] : memref<16x120xi32, #tpu.memory_space<vmem>> -> memref<1x120xi32, #tpu.memory_space<vmem>>
      %dma_wait3A_164 = tpu.memref_squeeze %dma_wait3A_163 : memref<1x120xi32, #tpu.memory_space<vmem>> -> memref<120xi32, #tpu.memory_space<vmem>>
      %dma_wait3A_165 = arith.constant 0 : i32
      %dma_wait3A_166 = arith.constant 0 : i32
      %dma_wait3A_167 = tpu.memref_slice %arg12[%dma_wait3A_165, %dma_wait3A_166] : memref<10112x128xf32, #tpu.memory_space<vmem_shared>> -> memref<10112x128xf32, #tpu.memory_space<vmem_shared>>
      tpu.wait_indirect_dma semaphore(%arg17 : memref<!tpu.dma_semaphore, #tpu.memory_space<semaphore_mem>>) src(%arg10 : memref<120x128xf32, #tpu.memory_space<vmem>>) dst(%dma_wait3A_167 : memref<10112x128xf32, #tpu.memory_space<vmem_shared>>)
      %dma_start3A_168 = arith.constant 7 : i32
      %dma_start3A_169 = arith.constant 0 : i32
      %dma_start3A_170 = tpu.memref_slice %arg7[%dma_start3A_168, %dma_start3A_169] : memref<16x120xi32, #tpu.memory_space<vmem>> -> memref<1x120xi32, #tpu.memory_space<vmem>>
      %dma_start3A_171 = tpu.memref_squeeze %dma_start3A_170 : memref<1x120xi32, #tpu.memory_space<vmem>> -> memref<120xi32, #tpu.memory_space<vmem>>
      %dma_start3A_172 = arith.constant 0 : i32
      %dma_start3A_173 = arith.constant 0 : i32
      %dma_start3A_174 = tpu.memref_slice %arg2[%dma_start3A_172, %dma_start3A_173] : memref<20000x128xf32, #tpu.memory_space<hbm>> -> memref<20000x128xf32, #tpu.memory_space<hbm>>
      tpu.enqueue_indirect_dma source(%dma_start3A_174 : memref<20000x128xf32, #tpu.memory_space<hbm>>) target(%arg10 : memref<120x128xf32, #tpu.memory_space<vmem>>) offsets(%dma_start3A_171 : memref<120xi32, #tpu.memory_space<vmem>>) semaphore(%arg14 : memref<!tpu.dma_semaphore, #tpu.memory_space<semaphore_mem>>)
      %dma_wait3A_175 = arith.constant 5 : i32
      %dma_wait3A_176 = arith.constant 0 : i32
      %dma_wait3A_177 = tpu.memref_slice %arg7[%dma_wait3A_175, %dma_wait3A_176] : memref<16x120xi32, #tpu.memory_space<vmem>> -> memref<1x120xi32, #tpu.memory_space<vmem>>
      %dma_wait3A_178 = tpu.memref_squeeze %dma_wait3A_177 : memref<1x120xi32, #tpu.memory_space<vmem>> -> memref<120xi32, #tpu.memory_space<vmem>>
      %dma_wait3A_179 = arith.constant 0 : i32
      %dma_wait3A_180 = arith.constant 0 : i32
      %dma_wait3A_181 = tpu.memref_slice %arg2[%dma_wait3A_179, %dma_wait3A_180] : memref<20000x128xf32, #tpu.memory_space<hbm>> -> memref<20000x128xf32, #tpu.memory_space<hbm>>
      tpu.wait_indirect_dma semaphore(%arg15 : memref<!tpu.dma_semaphore, #tpu.memory_space<semaphore_mem>>) src(%dma_wait3A_181 : memref<20000x128xf32, #tpu.memory_space<hbm>>) dst(%arg11 : memref<120x128xf32, #tpu.memory_space<vmem>>)
      %dma_start3A_182 = arith.constant 5 : i32
      %dma_start3A_183 = arith.constant 0 : i32
      %dma_start3A_184 = tpu.memref_slice %arg8[%dma_start3A_182, %dma_start3A_183] : memref<16x120xi32, #tpu.memory_space<vmem>> -> memref<1x120xi32, #tpu.memory_space<vmem>>
      %dma_start3A_185 = tpu.memref_squeeze %dma_start3A_184 : memref<1x120xi32, #tpu.memory_space<vmem>> -> memref<120xi32, #tpu.memory_space<vmem>>
      %dma_start3A_186 = arith.constant 0 : i32
      %dma_start3A_187 = arith.constant 0 : i32
      %dma_start3A_188 = tpu.memref_slice %arg12[%dma_start3A_186, %dma_start3A_187] : memref<10112x128xf32, #tpu.memory_space<vmem_shared>> -> memref<10112x128xf32, #tpu.memory_space<vmem_shared>>
      tpu.enqueue_indirect_dma source(%arg11 : memref<120x128xf32, #tpu.memory_space<vmem>>) target(%dma_start3A_188 : memref<10112x128xf32, #tpu.memory_space<vmem_shared>>) offsets(%dma_start3A_185 : memref<120xi32, #tpu.memory_space<vmem>>) semaphore(%arg18 : memref<!tpu.dma_semaphore, #tpu.memory_space<semaphore_mem>>) {add = true}
      %dma_wait3A_189 = arith.constant 5 : i32
      %dma_wait3A_190 = arith.constant 0 : i32
      %dma_wait3A_191 = tpu.memref_slice %arg8[%dma_wait3A_189, %dma_wait3A_190] : memref<16x120xi32, #tpu.memory_space<vmem>> -> memref<1x120xi32, #tpu.memory_space<vmem>>
      %dma_wait3A_192 = tpu.memref_squeeze %dma_wait3A_191 : memref<1x120xi32, #tpu.memory_space<vmem>> -> memref<120xi32, #tpu.memory_space<vmem>>
      %dma_wait3A_193 = arith.constant 0 : i32
      %dma_wait3A_194 = arith.constant 0 : i32
      %dma_wait3A_195 = tpu.memref_slice %arg12[%dma_wait3A_193, %dma_wait3A_194] : memref<10112x128xf32, #tpu.memory_space<vmem_shared>> -> memref<10112x128xf32, #tpu.memory_space<vmem_shared>>
      tpu.wait_indirect_dma semaphore(%arg18 : memref<!tpu.dma_semaphore, #tpu.memory_space<semaphore_mem>>) src(%arg11 : memref<120x128xf32, #tpu.memory_space<vmem>>) dst(%dma_wait3A_195 : memref<10112x128xf32, #tpu.memory_space<vmem_shared>>)
      %dma_start3A_196 = arith.constant 8 : i32
      %dma_start3A_197 = arith.constant 0 : i32
      %dma_start3A_198 = tpu.memref_slice %arg7[%dma_start3A_196, %dma_start3A_197] : memref<16x120xi32, #tpu.memory_space<vmem>> -> memref<1x120xi32, #tpu.memory_space<vmem>>
      %dma_start3A_199 = tpu.memref_squeeze %dma_start3A_198 : memref<1x120xi32, #tpu.memory_space<vmem>> -> memref<120xi32, #tpu.memory_space<vmem>>
      %dma_start3A_200 = arith.constant 0 : i32
      %dma_start3A_201 = arith.constant 0 : i32
      %dma_start3A_202 = tpu.memref_slice %arg2[%dma_start3A_200, %dma_start3A_201] : memref<20000x128xf32, #tpu.memory_space<hbm>> -> memref<20000x128xf32, #tpu.memory_space<hbm>>
      tpu.enqueue_indirect_dma source(%dma_start3A_202 : memref<20000x128xf32, #tpu.memory_space<hbm>>) target(%arg11 : memref<120x128xf32, #tpu.memory_space<vmem>>) offsets(%dma_start3A_199 : memref<120xi32, #tpu.memory_space<vmem>>) semaphore(%arg15 : memref<!tpu.dma_semaphore, #tpu.memory_space<semaphore_mem>>)
      %dma_wait3A_203 = arith.constant 6 : i32
      %dma_wait3A_204 = arith.constant 0 : i32
      %dma_wait3A_205 = tpu.memref_slice %arg7[%dma_wait3A_203, %dma_wait3A_204] : memref<16x120xi32, #tpu.memory_space<vmem>> -> memref<1x120xi32, #tpu.memory_space<vmem>>
      %dma_wait3A_206 = tpu.memref_squeeze %dma_wait3A_205 : memref<1x120xi32, #tpu.memory_space<vmem>> -> memref<120xi32, #tpu.memory_space<vmem>>
      %dma_wait3A_207 = arith.constant 0 : i32
      %dma_wait3A_208 = arith.constant 0 : i32
      %dma_wait3A_209 = tpu.memref_slice %arg2[%dma_wait3A_207, %dma_wait3A_208] : memref<20000x128xf32, #tpu.memory_space<hbm>> -> memref<20000x128xf32, #tpu.memory_space<hbm>>
      tpu.wait_indirect_dma semaphore(%arg13 : memref<!tpu.dma_semaphore, #tpu.memory_space<semaphore_mem>>) src(%dma_wait3A_209 : memref<20000x128xf32, #tpu.memory_space<hbm>>) dst(%arg9 : memref<120x128xf32, #tpu.memory_space<vmem>>)
      %dma_start3A_210 = arith.constant 6 : i32
      %dma_start3A_211 = arith.constant 0 : i32
      %dma_start3A_212 = tpu.memref_slice %arg8[%dma_start3A_210, %dma_start3A_211] : memref<16x120xi32, #tpu.memory_space<vmem>> -> memref<1x120xi32, #tpu.memory_space<vmem>>
      %dma_start3A_213 = tpu.memref_squeeze %dma_start3A_212 : memref<1x120xi32, #tpu.memory_space<vmem>> -> memref<120xi32, #tpu.memory_space<vmem>>
      %dma_start3A_214 = arith.constant 0 : i32
      %dma_start3A_215 = arith.constant 0 : i32
      %dma_start3A_216 = tpu.memref_slice %arg12[%dma_start3A_214, %dma_start3A_215] : memref<10112x128xf32, #tpu.memory_space<vmem_shared>> -> memref<10112x128xf32, #tpu.memory_space<vmem_shared>>
      tpu.enqueue_indirect_dma source(%arg9 : memref<120x128xf32, #tpu.memory_space<vmem>>) target(%dma_start3A_216 : memref<10112x128xf32, #tpu.memory_space<vmem_shared>>) offsets(%dma_start3A_213 : memref<120xi32, #tpu.memory_space<vmem>>) semaphore(%arg16 : memref<!tpu.dma_semaphore, #tpu.memory_space<semaphore_mem>>) {add = true}
      %dma_wait3A_217 = arith.constant 6 : i32
      %dma_wait3A_218 = arith.constant 0 : i32
      %dma_wait3A_219 = tpu.memref_slice %arg8[%dma_wait3A_217, %dma_wait3A_218] : memref<16x120xi32, #tpu.memory_space<vmem>> -> memref<1x120xi32, #tpu.memory_space<vmem>>
      %dma_wait3A_220 = tpu.memref_squeeze %dma_wait3A_219 : memref<1x120xi32, #tpu.memory_space<vmem>> -> memref<120xi32, #tpu.memory_space<vmem>>
      %dma_wait3A_221 = arith.constant 0 : i32
      %dma_wait3A_222 = arith.constant 0 : i32
      %dma_wait3A_223 = tpu.memref_slice %arg12[%dma_wait3A_221, %dma_wait3A_222] : memref<10112x128xf32, #tpu.memory_space<vmem_shared>> -> memref<10112x128xf32, #tpu.memory_space<vmem_shared>>
      tpu.wait_indirect_dma semaphore(%arg16 : memref<!tpu.dma_semaphore, #tpu.memory_space<semaphore_mem>>) src(%arg9 : memref<120x128xf32, #tpu.memory_space<vmem>>) dst(%dma_wait3A_223 : memref<10112x128xf32, #tpu.memory_space<vmem_shared>>)
      %dma_start3A_224 = arith.constant 9 : i32
      %dma_start3A_225 = arith.constant 0 : i32
      %dma_start3A_226 = tpu.memref_slice %arg7[%dma_start3A_224, %dma_start3A_225] : memref<16x120xi32, #tpu.memory_space<vmem>> -> memref<1x120xi32, #tpu.memory_space<vmem>>
      %dma_start3A_227 = tpu.memref_squeeze %dma_start3A_226 : memref<1x120xi32, #tpu.memory_space<vmem>> -> memref<120xi32, #tpu.memory_space<vmem>>
      %dma_start3A_228 = arith.constant 0 : i32
      %dma_start3A_229 = arith.constant 0 : i32
      %dma_start3A_230 = tpu.memref_slice %arg2[%dma_start3A_228, %dma_start3A_229] : memref<20000x128xf32, #tpu.memory_space<hbm>> -> memref<20000x128xf32, #tpu.memory_space<hbm>>
      tpu.enqueue_indirect_dma source(%dma_start3A_230 : memref<20000x128xf32, #tpu.memory_space<hbm>>) target(%arg9 : memref<120x128xf32, #tpu.memory_space<vmem>>) offsets(%dma_start3A_227 : memref<120xi32, #tpu.memory_space<vmem>>) semaphore(%arg13 : memref<!tpu.dma_semaphore, #tpu.memory_space<semaphore_mem>>)
      %dma_wait3A_231 = arith.constant 7 : i32
      %dma_wait3A_232 = arith.constant 0 : i32
      %dma_wait3A_233 = tpu.memref_slice %arg7[%dma_wait3A_231, %dma_wait3A_232] : memref<16x120xi32, #tpu.memory_space<vmem>> -> memref<1x120xi32, #tpu.memory_space<vmem>>
      %dma_wait3A_234 = tpu.memref_squeeze %dma_wait3A_233 : memref<1x120xi32, #tpu.memory_space<vmem>> -> memref<120xi32, #tpu.memory_space<vmem>>
      %dma_wait3A_235 = arith.constant 0 : i32
      %dma_wait3A_236 = arith.constant 0 : i32
      %dma_wait3A_237 = tpu.memref_slice %arg2[%dma_wait3A_235, %dma_wait3A_236] : memref<20000x128xf32, #tpu.memory_space<hbm>> -> memref<20000x128xf32, #tpu.memory_space<hbm>>
      tpu.wait_indirect_dma semaphore(%arg14 : memref<!tpu.dma_semaphore, #tpu.memory_space<semaphore_mem>>) src(%dma_wait3A_237 : memref<20000x128xf32, #tpu.memory_space<hbm>>) dst(%arg10 : memref<120x128xf32, #tpu.memory_space<vmem>>)
      %dma_start3A_238 = arith.constant 7 : i32
      %dma_start3A_239 = arith.constant 0 : i32
      %dma_start3A_240 = tpu.memref_slice %arg8[%dma_start3A_238, %dma_start3A_239] : memref<16x120xi32, #tpu.memory_space<vmem>> -> memref<1x120xi32, #tpu.memory_space<vmem>>
      %dma_start3A_241 = tpu.memref_squeeze %dma_start3A_240 : memref<1x120xi32, #tpu.memory_space<vmem>> -> memref<120xi32, #tpu.memory_space<vmem>>
      %dma_start3A_242 = arith.constant 0 : i32
      %dma_start3A_243 = arith.constant 0 : i32
      %dma_start3A_244 = tpu.memref_slice %arg12[%dma_start3A_242, %dma_start3A_243] : memref<10112x128xf32, #tpu.memory_space<vmem_shared>> -> memref<10112x128xf32, #tpu.memory_space<vmem_shared>>
      tpu.enqueue_indirect_dma source(%arg10 : memref<120x128xf32, #tpu.memory_space<vmem>>) target(%dma_start3A_244 : memref<10112x128xf32, #tpu.memory_space<vmem_shared>>) offsets(%dma_start3A_241 : memref<120xi32, #tpu.memory_space<vmem>>) semaphore(%arg17 : memref<!tpu.dma_semaphore, #tpu.memory_space<semaphore_mem>>) {add = true}
      %dma_wait3A_245 = arith.constant 7 : i32
      %dma_wait3A_246 = arith.constant 0 : i32
      %dma_wait3A_247 = tpu.memref_slice %arg8[%dma_wait3A_245, %dma_wait3A_246] : memref<16x120xi32, #tpu.memory_space<vmem>> -> memref<1x120xi32, #tpu.memory_space<vmem>>
      %dma_wait3A_248 = tpu.memref_squeeze %dma_wait3A_247 : memref<1x120xi32, #tpu.memory_space<vmem>> -> memref<120xi32, #tpu.memory_space<vmem>>
      %dma_wait3A_249 = arith.constant 0 : i32
      %dma_wait3A_250 = arith.constant 0 : i32
      %dma_wait3A_251 = tpu.memref_slice %arg12[%dma_wait3A_249, %dma_wait3A_250] : memref<10112x128xf32, #tpu.memory_space<vmem_shared>> -> memref<10112x128xf32, #tpu.memory_space<vmem_shared>>
      tpu.wait_indirect_dma semaphore(%arg17 : memref<!tpu.dma_semaphore, #tpu.memory_space<semaphore_mem>>) src(%arg10 : memref<120x128xf32, #tpu.memory_space<vmem>>) dst(%dma_wait3A_251 : memref<10112x128xf32, #tpu.memory_space<vmem_shared>>)
      %dma_start3A_252 = arith.constant 10 : i32
      %dma_start3A_253 = arith.constant 0 : i32
      %dma_start3A_254 = tpu.memref_slice %arg7[%dma_start3A_252, %dma_start3A_253] : memref<16x120xi32, #tpu.memory_space<vmem>> -> memref<1x120xi32, #tpu.memory_space<vmem>>
      %dma_start3A_255 = tpu.memref_squeeze %dma_start3A_254 : memref<1x120xi32, #tpu.memory_space<vmem>> -> memref<120xi32, #tpu.memory_space<vmem>>
      %dma_start3A_256 = arith.constant 0 : i32
      %dma_start3A_257 = arith.constant 0 : i32
      %dma_start3A_258 = tpu.memref_slice %arg2[%dma_start3A_256, %dma_start3A_257] : memref<20000x128xf32, #tpu.memory_space<hbm>> -> memref<20000x128xf32, #tpu.memory_space<hbm>>
      tpu.enqueue_indirect_dma source(%dma_start3A_258 : memref<20000x128xf32, #tpu.memory_space<hbm>>) target(%arg10 : memref<120x128xf32, #tpu.memory_space<vmem>>) offsets(%dma_start3A_255 : memref<120xi32, #tpu.memory_space<vmem>>) semaphore(%arg14 : memref<!tpu.dma_semaphore, #tpu.memory_space<semaphore_mem>>)
      %dma_wait3A_259 = arith.constant 8 : i32
      %dma_wait3A_260 = arith.constant 0 : i32
      %dma_wait3A_261 = tpu.memref_slice %arg7[%dma_wait3A_259, %dma_wait3A_260] : memref<16x120xi32, #tpu.memory_space<vmem>> -> memref<1x120xi32, #tpu.memory_space<vmem>>
      %dma_wait3A_262 = tpu.memref_squeeze %dma_wait3A_261 : memref<1x120xi32, #tpu.memory_space<vmem>> -> memref<120xi32, #tpu.memory_space<vmem>>
      %dma_wait3A_263 = arith.constant 0 : i32
      %dma_wait3A_264 = arith.constant 0 : i32
      %dma_wait3A_265 = tpu.memref_slice %arg2[%dma_wait3A_263, %dma_wait3A_264] : memref<20000x128xf32, #tpu.memory_space<hbm>> -> memref<20000x128xf32, #tpu.memory_space<hbm>>
      tpu.wait_indirect_dma semaphore(%arg15 : memref<!tpu.dma_semaphore, #tpu.memory_space<semaphore_mem>>) src(%dma_wait3A_265 : memref<20000x128xf32, #tpu.memory_space<hbm>>) dst(%arg11 : memref<120x128xf32, #tpu.memory_space<vmem>>)
      %dma_start3A_266 = arith.constant 8 : i32
      %dma_start3A_267 = arith.constant 0 : i32
      %dma_start3A_268 = tpu.memref_slice %arg8[%dma_start3A_266, %dma_start3A_267] : memref<16x120xi32, #tpu.memory_space<vmem>> -> memref<1x120xi32, #tpu.memory_space<vmem>>
      %dma_start3A_269 = tpu.memref_squeeze %dma_start3A_268 : memref<1x120xi32, #tpu.memory_space<vmem>> -> memref<120xi32, #tpu.memory_space<vmem>>
      %dma_start3A_270 = arith.constant 0 : i32
      %dma_start3A_271 = arith.constant 0 : i32
      %dma_start3A_272 = tpu.memref_slice %arg12[%dma_start3A_270, %dma_start3A_271] : memref<10112x128xf32, #tpu.memory_space<vmem_shared>> -> memref<10112x128xf32, #tpu.memory_space<vmem_shared>>
      tpu.enqueue_indirect_dma source(%arg11 : memref<120x128xf32, #tpu.memory_space<vmem>>) target(%dma_start3A_272 : memref<10112x128xf32, #tpu.memory_space<vmem_shared>>) offsets(%dma_start3A_269 : memref<120xi32, #tpu.memory_space<vmem>>) semaphore(%arg18 : memref<!tpu.dma_semaphore, #tpu.memory_space<semaphore_mem>>) {add = true}
      %dma_wait3A_273 = arith.constant 8 : i32
      %dma_wait3A_274 = arith.constant 0 : i32
      %dma_wait3A_275 = tpu.memref_slice %arg8[%dma_wait3A_273, %dma_wait3A_274] : memref<16x120xi32, #tpu.memory_space<vmem>> -> memref<1x120xi32, #tpu.memory_space<vmem>>
      %dma_wait3A_276 = tpu.memref_squeeze %dma_wait3A_275 : memref<1x120xi32, #tpu.memory_space<vmem>> -> memref<120xi32, #tpu.memory_space<vmem>>
      %dma_wait3A_277 = arith.constant 0 : i32
      %dma_wait3A_278 = arith.constant 0 : i32
      %dma_wait3A_279 = tpu.memref_slice %arg12[%dma_wait3A_277, %dma_wait3A_278] : memref<10112x128xf32, #tpu.memory_space<vmem_shared>> -> memref<10112x128xf32, #tpu.memory_space<vmem_shared>>
      tpu.wait_indirect_dma semaphore(%arg18 : memref<!tpu.dma_semaphore, #tpu.memory_space<semaphore_mem>>) src(%arg11 : memref<120x128xf32, #tpu.memory_space<vmem>>) dst(%dma_wait3A_279 : memref<10112x128xf32, #tpu.memory_space<vmem_shared>>)
      %dma_start3A_280 = arith.constant 11 : i32
      %dma_start3A_281 = arith.constant 0 : i32
      %dma_start3A_282 = tpu.memref_slice %arg7[%dma_start3A_280, %dma_start3A_281] : memref<16x120xi32, #tpu.memory_space<vmem>> -> memref<1x120xi32, #tpu.memory_space<vmem>>
      %dma_start3A_283 = tpu.memref_squeeze %dma_start3A_282 : memref<1x120xi32, #tpu.memory_space<vmem>> -> memref<120xi32, #tpu.memory_space<vmem>>
      %dma_start3A_284 = arith.constant 0 : i32
      %dma_start3A_285 = arith.constant 0 : i32
      %dma_start3A_286 = tpu.memref_slice %arg2[%dma_start3A_284, %dma_start3A_285] : memref<20000x128xf32, #tpu.memory_space<hbm>> -> memref<20000x128xf32, #tpu.memory_space<hbm>>
      tpu.enqueue_indirect_dma source(%dma_start3A_286 : memref<20000x128xf32, #tpu.memory_space<hbm>>) target(%arg11 : memref<120x128xf32, #tpu.memory_space<vmem>>) offsets(%dma_start3A_283 : memref<120xi32, #tpu.memory_space<vmem>>) semaphore(%arg15 : memref<!tpu.dma_semaphore, #tpu.memory_space<semaphore_mem>>)
      %dma_wait3A_287 = arith.constant 9 : i32
      %dma_wait3A_288 = arith.constant 0 : i32
      %dma_wait3A_289 = tpu.memref_slice %arg7[%dma_wait3A_287, %dma_wait3A_288] : memref<16x120xi32, #tpu.memory_space<vmem>> -> memref<1x120xi32, #tpu.memory_space<vmem>>
      %dma_wait3A_290 = tpu.memref_squeeze %dma_wait3A_289 : memref<1x120xi32, #tpu.memory_space<vmem>> -> memref<120xi32, #tpu.memory_space<vmem>>
      %dma_wait3A_291 = arith.constant 0 : i32
      %dma_wait3A_292 = arith.constant 0 : i32
      %dma_wait3A_293 = tpu.memref_slice %arg2[%dma_wait3A_291, %dma_wait3A_292] : memref<20000x128xf32, #tpu.memory_space<hbm>> -> memref<20000x128xf32, #tpu.memory_space<hbm>>
      tpu.wait_indirect_dma semaphore(%arg13 : memref<!tpu.dma_semaphore, #tpu.memory_space<semaphore_mem>>) src(%dma_wait3A_293 : memref<20000x128xf32, #tpu.memory_space<hbm>>) dst(%arg9 : memref<120x128xf32, #tpu.memory_space<vmem>>)
      %dma_start3A_294 = arith.constant 9 : i32
      %dma_start3A_295 = arith.constant 0 : i32
      %dma_start3A_296 = tpu.memref_slice %arg8[%dma_start3A_294, %dma_start3A_295] : memref<16x120xi32, #tpu.memory_space<vmem>> -> memref<1x120xi32, #tpu.memory_space<vmem>>
      %dma_start3A_297 = tpu.memref_squeeze %dma_start3A_296 : memref<1x120xi32, #tpu.memory_space<vmem>> -> memref<120xi32, #tpu.memory_space<vmem>>
      %dma_start3A_298 = arith.constant 0 : i32
      %dma_start3A_299 = arith.constant 0 : i32
      %dma_start3A_300 = tpu.memref_slice %arg12[%dma_start3A_298, %dma_start3A_299] : memref<10112x128xf32, #tpu.memory_space<vmem_shared>> -> memref<10112x128xf32, #tpu.memory_space<vmem_shared>>
      tpu.enqueue_indirect_dma source(%arg9 : memref<120x128xf32, #tpu.memory_space<vmem>>) target(%dma_start3A_300 : memref<10112x128xf32, #tpu.memory_space<vmem_shared>>) offsets(%dma_start3A_297 : memref<120xi32, #tpu.memory_space<vmem>>) semaphore(%arg16 : memref<!tpu.dma_semaphore, #tpu.memory_space<semaphore_mem>>) {add = true}
      %dma_wait3A_301 = arith.constant 9 : i32
      %dma_wait3A_302 = arith.constant 0 : i32
      %dma_wait3A_303 = tpu.memref_slice %arg8[%dma_wait3A_301, %dma_wait3A_302] : memref<16x120xi32, #tpu.memory_space<vmem>> -> memref<1x120xi32, #tpu.memory_space<vmem>>
      %dma_wait3A_304 = tpu.memref_squeeze %dma_wait3A_303 : memref<1x120xi32, #tpu.memory_space<vmem>> -> memref<120xi32, #tpu.memory_space<vmem>>
      %dma_wait3A_305 = arith.constant 0 : i32
      %dma_wait3A_306 = arith.constant 0 : i32
      %dma_wait3A_307 = tpu.memref_slice %arg12[%dma_wait3A_305, %dma_wait3A_306] : memref<10112x128xf32, #tpu.memory_space<vmem_shared>> -> memref<10112x128xf32, #tpu.memory_space<vmem_shared>>
      tpu.wait_indirect_dma semaphore(%arg16 : memref<!tpu.dma_semaphore, #tpu.memory_space<semaphore_mem>>) src(%arg9 : memref<120x128xf32, #tpu.memory_space<vmem>>) dst(%dma_wait3A_307 : memref<10112x128xf32, #tpu.memory_space<vmem_shared>>)
      %dma_start3A_308 = arith.constant 12 : i32
      %dma_start3A_309 = arith.constant 0 : i32
      %dma_start3A_310 = tpu.memref_slice %arg7[%dma_start3A_308, %dma_start3A_309] : memref<16x120xi32, #tpu.memory_space<vmem>> -> memref<1x120xi32, #tpu.memory_space<vmem>>
      %dma_start3A_311 = tpu.memref_squeeze %dma_start3A_310 : memref<1x120xi32, #tpu.memory_space<vmem>> -> memref<120xi32, #tpu.memory_space<vmem>>
      %dma_start3A_312 = arith.constant 0 : i32
      %dma_start3A_313 = arith.constant 0 : i32
      %dma_start3A_314 = tpu.memref_slice %arg2[%dma_start3A_312, %dma_start3A_313] : memref<20000x128xf32, #tpu.memory_space<hbm>> -> memref<20000x128xf32, #tpu.memory_space<hbm>>
      tpu.enqueue_indirect_dma source(%dma_start3A_314 : memref<20000x128xf32, #tpu.memory_space<hbm>>) target(%arg9 : memref<120x128xf32, #tpu.memory_space<vmem>>) offsets(%dma_start3A_311 : memref<120xi32, #tpu.memory_space<vmem>>) semaphore(%arg13 : memref<!tpu.dma_semaphore, #tpu.memory_space<semaphore_mem>>)
      %dma_wait3A_315 = arith.constant 10 : i32
      %dma_wait3A_316 = arith.constant 0 : i32
      %dma_wait3A_317 = tpu.memref_slice %arg7[%dma_wait3A_315, %dma_wait3A_316] : memref<16x120xi32, #tpu.memory_space<vmem>> -> memref<1x120xi32, #tpu.memory_space<vmem>>
      %dma_wait3A_318 = tpu.memref_squeeze %dma_wait3A_317 : memref<1x120xi32, #tpu.memory_space<vmem>> -> memref<120xi32, #tpu.memory_space<vmem>>
      %dma_wait3A_319 = arith.constant 0 : i32
      %dma_wait3A_320 = arith.constant 0 : i32
      %dma_wait3A_321 = tpu.memref_slice %arg2[%dma_wait3A_319, %dma_wait3A_320] : memref<20000x128xf32, #tpu.memory_space<hbm>> -> memref<20000x128xf32, #tpu.memory_space<hbm>>
      tpu.wait_indirect_dma semaphore(%arg14 : memref<!tpu.dma_semaphore, #tpu.memory_space<semaphore_mem>>) src(%dma_wait3A_321 : memref<20000x128xf32, #tpu.memory_space<hbm>>) dst(%arg10 : memref<120x128xf32, #tpu.memory_space<vmem>>)
      %dma_start3A_322 = arith.constant 10 : i32
      %dma_start3A_323 = arith.constant 0 : i32
      %dma_start3A_324 = tpu.memref_slice %arg8[%dma_start3A_322, %dma_start3A_323] : memref<16x120xi32, #tpu.memory_space<vmem>> -> memref<1x120xi32, #tpu.memory_space<vmem>>
      %dma_start3A_325 = tpu.memref_squeeze %dma_start3A_324 : memref<1x120xi32, #tpu.memory_space<vmem>> -> memref<120xi32, #tpu.memory_space<vmem>>
      %dma_start3A_326 = arith.constant 0 : i32
      %dma_start3A_327 = arith.constant 0 : i32
      %dma_start3A_328 = tpu.memref_slice %arg12[%dma_start3A_326, %dma_start3A_327] : memref<10112x128xf32, #tpu.memory_space<vmem_shared>> -> memref<10112x128xf32, #tpu.memory_space<vmem_shared>>
      tpu.enqueue_indirect_dma source(%arg10 : memref<120x128xf32, #tpu.memory_space<vmem>>) target(%dma_start3A_328 : memref<10112x128xf32, #tpu.memory_space<vmem_shared>>) offsets(%dma_start3A_325 : memref<120xi32, #tpu.memory_space<vmem>>) semaphore(%arg17 : memref<!tpu.dma_semaphore, #tpu.memory_space<semaphore_mem>>) {add = true}
      %dma_wait3A_329 = arith.constant 10 : i32
      %dma_wait3A_330 = arith.constant 0 : i32
      %dma_wait3A_331 = tpu.memref_slice %arg8[%dma_wait3A_329, %dma_wait3A_330] : memref<16x120xi32, #tpu.memory_space<vmem>> -> memref<1x120xi32, #tpu.memory_space<vmem>>
      %dma_wait3A_332 = tpu.memref_squeeze %dma_wait3A_331 : memref<1x120xi32, #tpu.memory_space<vmem>> -> memref<120xi32, #tpu.memory_space<vmem>>
      %dma_wait3A_333 = arith.constant 0 : i32
      %dma_wait3A_334 = arith.constant 0 : i32
      %dma_wait3A_335 = tpu.memref_slice %arg12[%dma_wait3A_333, %dma_wait3A_334] : memref<10112x128xf32, #tpu.memory_space<vmem_shared>> -> memref<10112x128xf32, #tpu.memory_space<vmem_shared>>
      tpu.wait_indirect_dma semaphore(%arg17 : memref<!tpu.dma_semaphore, #tpu.memory_space<semaphore_mem>>) src(%arg10 : memref<120x128xf32, #tpu.memory_space<vmem>>) dst(%dma_wait3A_335 : memref<10112x128xf32, #tpu.memory_space<vmem_shared>>)
      %dma_start3A_336 = arith.constant 13 : i32
      %dma_start3A_337 = arith.constant 0 : i32
      %dma_start3A_338 = tpu.memref_slice %arg7[%dma_start3A_336, %dma_start3A_337] : memref<16x120xi32, #tpu.memory_space<vmem>> -> memref<1x120xi32, #tpu.memory_space<vmem>>
      %dma_start3A_339 = tpu.memref_squeeze %dma_start3A_338 : memref<1x120xi32, #tpu.memory_space<vmem>> -> memref<120xi32, #tpu.memory_space<vmem>>
      %dma_start3A_340 = arith.constant 0 : i32
      %dma_start3A_341 = arith.constant 0 : i32
      %dma_start3A_342 = tpu.memref_slice %arg2[%dma_start3A_340, %dma_start3A_341] : memref<20000x128xf32, #tpu.memory_space<hbm>> -> memref<20000x128xf32, #tpu.memory_space<hbm>>
      tpu.enqueue_indirect_dma source(%dma_start3A_342 : memref<20000x128xf32, #tpu.memory_space<hbm>>) target(%arg10 : memref<120x128xf32, #tpu.memory_space<vmem>>) offsets(%dma_start3A_339 : memref<120xi32, #tpu.memory_space<vmem>>) semaphore(%arg14 : memref<!tpu.dma_semaphore, #tpu.memory_space<semaphore_mem>>)
      %dma_wait3A_343 = arith.constant 11 : i32
      %dma_wait3A_344 = arith.constant 0 : i32
      %dma_wait3A_345 = tpu.memref_slice %arg7[%dma_wait3A_343, %dma_wait3A_344] : memref<16x120xi32, #tpu.memory_space<vmem>> -> memref<1x120xi32, #tpu.memory_space<vmem>>
      %dma_wait3A_346 = tpu.memref_squeeze %dma_wait3A_345 : memref<1x120xi32, #tpu.memory_space<vmem>> -> memref<120xi32, #tpu.memory_space<vmem>>
      %dma_wait3A_347 = arith.constant 0 : i32
      %dma_wait3A_348 = arith.constant 0 : i32
      %dma_wait3A_349 = tpu.memref_slice %arg2[%dma_wait3A_347, %dma_wait3A_348] : memref<20000x128xf32, #tpu.memory_space<hbm>> -> memref<20000x128xf32, #tpu.memory_space<hbm>>
      tpu.wait_indirect_dma semaphore(%arg15 : memref<!tpu.dma_semaphore, #tpu.memory_space<semaphore_mem>>) src(%dma_wait3A_349 : memref<20000x128xf32, #tpu.memory_space<hbm>>) dst(%arg11 : memref<120x128xf32, #tpu.memory_space<vmem>>)
      %dma_start3A_350 = arith.constant 11 : i32
      %dma_start3A_351 = arith.constant 0 : i32
      %dma_start3A_352 = tpu.memref_slice %arg8[%dma_start3A_350, %dma_start3A_351] : memref<16x120xi32, #tpu.memory_space<vmem>> -> memref<1x120xi32, #tpu.memory_space<vmem>>
      %dma_start3A_353 = tpu.memref_squeeze %dma_start3A_352 : memref<1x120xi32, #tpu.memory_space<vmem>> -> memref<120xi32, #tpu.memory_space<vmem>>
      %dma_start3A_354 = arith.constant 0 : i32
      %dma_start3A_355 = arith.constant 0 : i32
      %dma_start3A_356 = tpu.memref_slice %arg12[%dma_start3A_354, %dma_start3A_355] : memref<10112x128xf32, #tpu.memory_space<vmem_shared>> -> memref<10112x128xf32, #tpu.memory_space<vmem_shared>>
      tpu.enqueue_indirect_dma source(%arg11 : memref<120x128xf32, #tpu.memory_space<vmem>>) target(%dma_start3A_356 : memref<10112x128xf32, #tpu.memory_space<vmem_shared>>) offsets(%dma_start3A_353 : memref<120xi32, #tpu.memory_space<vmem>>) semaphore(%arg18 : memref<!tpu.dma_semaphore, #tpu.memory_space<semaphore_mem>>) {add = true}
      %dma_wait3A_357 = arith.constant 11 : i32
      %dma_wait3A_358 = arith.constant 0 : i32
      %dma_wait3A_359 = tpu.memref_slice %arg8[%dma_wait3A_357, %dma_wait3A_358] : memref<16x120xi32, #tpu.memory_space<vmem>> -> memref<1x120xi32, #tpu.memory_space<vmem>>
      %dma_wait3A_360 = tpu.memref_squeeze %dma_wait3A_359 : memref<1x120xi32, #tpu.memory_space<vmem>> -> memref<120xi32, #tpu.memory_space<vmem>>
      %dma_wait3A_361 = arith.constant 0 : i32
      %dma_wait3A_362 = arith.constant 0 : i32
      %dma_wait3A_363 = tpu.memref_slice %arg12[%dma_wait3A_361, %dma_wait3A_362] : memref<10112x128xf32, #tpu.memory_space<vmem_shared>> -> memref<10112x128xf32, #tpu.memory_space<vmem_shared>>
      tpu.wait_indirect_dma semaphore(%arg18 : memref<!tpu.dma_semaphore, #tpu.memory_space<semaphore_mem>>) src(%arg11 : memref<120x128xf32, #tpu.memory_space<vmem>>) dst(%dma_wait3A_363 : memref<10112x128xf32, #tpu.memory_space<vmem_shared>>)
      %dma_start3A_364 = arith.constant 14 : i32
      %dma_start3A_365 = arith.constant 0 : i32
      %dma_start3A_366 = tpu.memref_slice %arg7[%dma_start3A_364, %dma_start3A_365] : memref<16x120xi32, #tpu.memory_space<vmem>> -> memref<1x120xi32, #tpu.memory_space<vmem>>
      %dma_start3A_367 = tpu.memref_squeeze %dma_start3A_366 : memref<1x120xi32, #tpu.memory_space<vmem>> -> memref<120xi32, #tpu.memory_space<vmem>>
      %dma_start3A_368 = arith.constant 0 : i32
      %dma_start3A_369 = arith.constant 0 : i32
      %dma_start3A_370 = tpu.memref_slice %arg2[%dma_start3A_368, %dma_start3A_369] : memref<20000x128xf32, #tpu.memory_space<hbm>> -> memref<20000x128xf32, #tpu.memory_space<hbm>>
      tpu.enqueue_indirect_dma source(%dma_start3A_370 : memref<20000x128xf32, #tpu.memory_space<hbm>>) target(%arg11 : memref<120x128xf32, #tpu.memory_space<vmem>>) offsets(%dma_start3A_367 : memref<120xi32, #tpu.memory_space<vmem>>) semaphore(%arg15 : memref<!tpu.dma_semaphore, #tpu.memory_space<semaphore_mem>>)
      %dma_wait3A_371 = arith.constant 12 : i32
      %dma_wait3A_372 = arith.constant 0 : i32
      %dma_wait3A_373 = tpu.memref_slice %arg7[%dma_wait3A_371, %dma_wait3A_372] : memref<16x120xi32, #tpu.memory_space<vmem>> -> memref<1x120xi32, #tpu.memory_space<vmem>>
      %dma_wait3A_374 = tpu.memref_squeeze %dma_wait3A_373 : memref<1x120xi32, #tpu.memory_space<vmem>> -> memref<120xi32, #tpu.memory_space<vmem>>
      %dma_wait3A_375 = arith.constant 0 : i32
      %dma_wait3A_376 = arith.constant 0 : i32
      %dma_wait3A_377 = tpu.memref_slice %arg2[%dma_wait3A_375, %dma_wait3A_376] : memref<20000x128xf32, #tpu.memory_space<hbm>> -> memref<20000x128xf32, #tpu.memory_space<hbm>>
      tpu.wait_indirect_dma semaphore(%arg13 : memref<!tpu.dma_semaphore, #tpu.memory_space<semaphore_mem>>) src(%dma_wait3A_377 : memref<20000x128xf32, #tpu.memory_space<hbm>>) dst(%arg9 : memref<120x128xf32, #tpu.memory_space<vmem>>)
      %dma_start3A_378 = arith.constant 12 : i32
      %dma_start3A_379 = arith.constant 0 : i32
      %dma_start3A_380 = tpu.memref_slice %arg8[%dma_start3A_378, %dma_start3A_379] : memref<16x120xi32, #tpu.memory_space<vmem>> -> memref<1x120xi32, #tpu.memory_space<vmem>>
      %dma_start3A_381 = tpu.memref_squeeze %dma_start3A_380 : memref<1x120xi32, #tpu.memory_space<vmem>> -> memref<120xi32, #tpu.memory_space<vmem>>
      %dma_start3A_382 = arith.constant 0 : i32
      %dma_start3A_383 = arith.constant 0 : i32
      %dma_start3A_384 = tpu.memref_slice %arg12[%dma_start3A_382, %dma_start3A_383] : memref<10112x128xf32, #tpu.memory_space<vmem_shared>> -> memref<10112x128xf32, #tpu.memory_space<vmem_shared>>
      tpu.enqueue_indirect_dma source(%arg9 : memref<120x128xf32, #tpu.memory_space<vmem>>) target(%dma_start3A_384 : memref<10112x128xf32, #tpu.memory_space<vmem_shared>>) offsets(%dma_start3A_381 : memref<120xi32, #tpu.memory_space<vmem>>) semaphore(%arg16 : memref<!tpu.dma_semaphore, #tpu.memory_space<semaphore_mem>>) {add = true}
      %dma_wait3A_385 = arith.constant 12 : i32
      %dma_wait3A_386 = arith.constant 0 : i32
      %dma_wait3A_387 = tpu.memref_slice %arg8[%dma_wait3A_385, %dma_wait3A_386] : memref<16x120xi32, #tpu.memory_space<vmem>> -> memref<1x120xi32, #tpu.memory_space<vmem>>
      %dma_wait3A_388 = tpu.memref_squeeze %dma_wait3A_387 : memref<1x120xi32, #tpu.memory_space<vmem>> -> memref<120xi32, #tpu.memory_space<vmem>>
      %dma_wait3A_389 = arith.constant 0 : i32
      %dma_wait3A_390 = arith.constant 0 : i32
      %dma_wait3A_391 = tpu.memref_slice %arg12[%dma_wait3A_389, %dma_wait3A_390] : memref<10112x128xf32, #tpu.memory_space<vmem_shared>> -> memref<10112x128xf32, #tpu.memory_space<vmem_shared>>
      tpu.wait_indirect_dma semaphore(%arg16 : memref<!tpu.dma_semaphore, #tpu.memory_space<semaphore_mem>>) src(%arg9 : memref<120x128xf32, #tpu.memory_space<vmem>>) dst(%dma_wait3A_391 : memref<10112x128xf32, #tpu.memory_space<vmem_shared>>)
      %dma_start3A_392 = arith.constant 15 : i32
      %dma_start3A_393 = arith.constant 0 : i32
      %dma_start3A_394 = tpu.memref_slice %arg7[%dma_start3A_392, %dma_start3A_393] : memref<16x120xi32, #tpu.memory_space<vmem>> -> memref<1x120xi32, #tpu.memory_space<vmem>>
      %dma_start3A_395 = tpu.memref_squeeze %dma_start3A_394 : memref<1x120xi32, #tpu.memory_space<vmem>> -> memref<120xi32, #tpu.memory_space<vmem>>
      %dma_start3A_396 = arith.constant 0 : i32
      %dma_start3A_397 = arith.constant 0 : i32
      %dma_start3A_398 = tpu.memref_slice %arg2[%dma_start3A_396, %dma_start3A_397] : memref<20000x128xf32, #tpu.memory_space<hbm>> -> memref<20000x128xf32, #tpu.memory_space<hbm>>
      tpu.enqueue_indirect_dma source(%dma_start3A_398 : memref<20000x128xf32, #tpu.memory_space<hbm>>) target(%arg9 : memref<120x128xf32, #tpu.memory_space<vmem>>) offsets(%dma_start3A_395 : memref<120xi32, #tpu.memory_space<vmem>>) semaphore(%arg13 : memref<!tpu.dma_semaphore, #tpu.memory_space<semaphore_mem>>)
      %dma_wait3A_399 = arith.constant 13 : i32
      %dma_wait3A_400 = arith.constant 0 : i32
      %dma_wait3A_401 = tpu.memref_slice %arg7[%dma_wait3A_399, %dma_wait3A_400] : memref<16x120xi32, #tpu.memory_space<vmem>> -> memref<1x120xi32, #tpu.memory_space<vmem>>
      %dma_wait3A_402 = tpu.memref_squeeze %dma_wait3A_401 : memref<1x120xi32, #tpu.memory_space<vmem>> -> memref<120xi32, #tpu.memory_space<vmem>>
      %dma_wait3A_403 = arith.constant 0 : i32
      %dma_wait3A_404 = arith.constant 0 : i32
      %dma_wait3A_405 = tpu.memref_slice %arg2[%dma_wait3A_403, %dma_wait3A_404] : memref<20000x128xf32, #tpu.memory_space<hbm>> -> memref<20000x128xf32, #tpu.memory_space<hbm>>
      tpu.wait_indirect_dma semaphore(%arg14 : memref<!tpu.dma_semaphore, #tpu.memory_space<semaphore_mem>>) src(%dma_wait3A_405 : memref<20000x128xf32, #tpu.memory_space<hbm>>) dst(%arg10 : memref<120x128xf32, #tpu.memory_space<vmem>>)
      %dma_start3A_406 = arith.constant 13 : i32
      %dma_start3A_407 = arith.constant 0 : i32
      %dma_start3A_408 = tpu.memref_slice %arg8[%dma_start3A_406, %dma_start3A_407] : memref<16x120xi32, #tpu.memory_space<vmem>> -> memref<1x120xi32, #tpu.memory_space<vmem>>
      %dma_start3A_409 = tpu.memref_squeeze %dma_start3A_408 : memref<1x120xi32, #tpu.memory_space<vmem>> -> memref<120xi32, #tpu.memory_space<vmem>>
      %dma_start3A_410 = arith.constant 0 : i32
      %dma_start3A_411 = arith.constant 0 : i32
      %dma_start3A_412 = tpu.memref_slice %arg12[%dma_start3A_410, %dma_start3A_411] : memref<10112x128xf32, #tpu.memory_space<vmem_shared>> -> memref<10112x128xf32, #tpu.memory_space<vmem_shared>>
      tpu.enqueue_indirect_dma source(%arg10 : memref<120x128xf32, #tpu.memory_space<vmem>>) target(%dma_start3A_412 : memref<10112x128xf32, #tpu.memory_space<vmem_shared>>) offsets(%dma_start3A_409 : memref<120xi32, #tpu.memory_space<vmem>>) semaphore(%arg17 : memref<!tpu.dma_semaphore, #tpu.memory_space<semaphore_mem>>) {add = true}
      %dma_wait3A_413 = arith.constant 14 : i32
      %dma_wait3A_414 = arith.constant 0 : i32
      %dma_wait3A_415 = tpu.memref_slice %arg7[%dma_wait3A_413, %dma_wait3A_414] : memref<16x120xi32, #tpu.memory_space<vmem>> -> memref<1x120xi32, #tpu.memory_space<vmem>>
      %dma_wait3A_416 = tpu.memref_squeeze %dma_wait3A_415 : memref<1x120xi32, #tpu.memory_space<vmem>> -> memref<120xi32, #tpu.memory_space<vmem>>
      %dma_wait3A_417 = arith.constant 0 : i32
      %dma_wait3A_418 = arith.constant 0 : i32
      %dma_wait3A_419 = tpu.memref_slice %arg2[%dma_wait3A_417, %dma_wait3A_418] : memref<20000x128xf32, #tpu.memory_space<hbm>> -> memref<20000x128xf32, #tpu.memory_space<hbm>>
      tpu.wait_indirect_dma semaphore(%arg15 : memref<!tpu.dma_semaphore, #tpu.memory_space<semaphore_mem>>) src(%dma_wait3A_419 : memref<20000x128xf32, #tpu.memory_space<hbm>>) dst(%arg11 : memref<120x128xf32, #tpu.memory_space<vmem>>)
      %dma_start3A_420 = arith.constant 14 : i32
      %dma_start3A_421 = arith.constant 0 : i32
      %dma_start3A_422 = tpu.memref_slice %arg8[%dma_start3A_420, %dma_start3A_421] : memref<16x120xi32, #tpu.memory_space<vmem>> -> memref<1x120xi32, #tpu.memory_space<vmem>>
      %dma_start3A_423 = tpu.memref_squeeze %dma_start3A_422 : memref<1x120xi32, #tpu.memory_space<vmem>> -> memref<120xi32, #tpu.memory_space<vmem>>
      %dma_start3A_424 = arith.constant 0 : i32
      %dma_start3A_425 = arith.constant 0 : i32
      %dma_start3A_426 = tpu.memref_slice %arg12[%dma_start3A_424, %dma_start3A_425] : memref<10112x128xf32, #tpu.memory_space<vmem_shared>> -> memref<10112x128xf32, #tpu.memory_space<vmem_shared>>
      tpu.enqueue_indirect_dma source(%arg11 : memref<120x128xf32, #tpu.memory_space<vmem>>) target(%dma_start3A_426 : memref<10112x128xf32, #tpu.memory_space<vmem_shared>>) offsets(%dma_start3A_423 : memref<120xi32, #tpu.memory_space<vmem>>) semaphore(%arg18 : memref<!tpu.dma_semaphore, #tpu.memory_space<semaphore_mem>>) {add = true}
      %dma_wait3A_427 = arith.constant 15 : i32
      %dma_wait3A_428 = arith.constant 0 : i32
      %dma_wait3A_429 = tpu.memref_slice %arg7[%dma_wait3A_427, %dma_wait3A_428] : memref<16x120xi32, #tpu.memory_space<vmem>> -> memref<1x120xi32, #tpu.memory_space<vmem>>
      %dma_wait3A_430 = tpu.memref_squeeze %dma_wait3A_429 : memref<1x120xi32, #tpu.memory_space<vmem>> -> memref<120xi32, #tpu.memory_space<vmem>>
      %dma_wait3A_431 = arith.constant 0 : i32
      %dma_wait3A_432 = arith.constant 0 : i32
      %dma_wait3A_433 = tpu.memref_slice %arg2[%dma_wait3A_431, %dma_wait3A_432] : memref<20000x128xf32, #tpu.memory_space<hbm>> -> memref<20000x128xf32, #tpu.memory_space<hbm>>
      tpu.wait_indirect_dma semaphore(%arg13 : memref<!tpu.dma_semaphore, #tpu.memory_space<semaphore_mem>>) src(%dma_wait3A_433 : memref<20000x128xf32, #tpu.memory_space<hbm>>) dst(%arg9 : memref<120x128xf32, #tpu.memory_space<vmem>>)
      %dma_start3A_434 = arith.constant 15 : i32
      %dma_start3A_435 = arith.constant 0 : i32
      %dma_start3A_436 = tpu.memref_slice %arg8[%dma_start3A_434, %dma_start3A_435] : memref<16x120xi32, #tpu.memory_space<vmem>> -> memref<1x120xi32, #tpu.memory_space<vmem>>
      %dma_start3A_437 = tpu.memref_squeeze %dma_start3A_436 : memref<1x120xi32, #tpu.memory_space<vmem>> -> memref<120xi32, #tpu.memory_space<vmem>>
      %dma_start3A_438 = arith.constant 0 : i32
      %dma_start3A_439 = arith.constant 0 : i32
      %dma_start3A_440 = tpu.memref_slice %arg12[%dma_start3A_438, %dma_start3A_439] : memref<10112x128xf32, #tpu.memory_space<vmem_shared>> -> memref<10112x128xf32, #tpu.memory_space<vmem_shared>>
      tpu.enqueue_indirect_dma source(%arg9 : memref<120x128xf32, #tpu.memory_space<vmem>>) target(%dma_start3A_440 : memref<10112x128xf32, #tpu.memory_space<vmem_shared>>) offsets(%dma_start3A_437 : memref<120xi32, #tpu.memory_space<vmem>>) semaphore(%arg16 : memref<!tpu.dma_semaphore, #tpu.memory_space<semaphore_mem>>) {add = true}
      %dma_wait3A_441 = arith.constant 15 : i32
      %dma_wait3A_442 = arith.constant 0 : i32
      %dma_wait3A_443 = tpu.memref_slice %arg8[%dma_wait3A_441, %dma_wait3A_442] : memref<16x120xi32, #tpu.memory_space<vmem>> -> memref<1x120xi32, #tpu.memory_space<vmem>>
      %dma_wait3A_444 = tpu.memref_squeeze %dma_wait3A_443 : memref<1x120xi32, #tpu.memory_space<vmem>> -> memref<120xi32, #tpu.memory_space<vmem>>
      %dma_wait3A_445 = arith.constant 0 : i32
      %dma_wait3A_446 = arith.constant 0 : i32
      %dma_wait3A_447 = tpu.memref_slice %arg12[%dma_wait3A_445, %dma_wait3A_446] : memref<10112x128xf32, #tpu.memory_space<vmem_shared>> -> memref<10112x128xf32, #tpu.memory_space<vmem_shared>>
      tpu.wait_indirect_dma semaphore(%arg16 : memref<!tpu.dma_semaphore, #tpu.memory_space<semaphore_mem>>) src(%arg9 : memref<120x128xf32, #tpu.memory_space<vmem>>) dst(%dma_wait3A_447 : memref<10112x128xf32, #tpu.memory_space<vmem_shared>>)
      %dma_wait3A_448 = arith.constant 13 : i32
      %dma_wait3A_449 = arith.constant 0 : i32
      %dma_wait3A_450 = tpu.memref_slice %arg8[%dma_wait3A_448, %dma_wait3A_449] : memref<16x120xi32, #tpu.memory_space<vmem>> -> memref<1x120xi32, #tpu.memory_space<vmem>>
      %dma_wait3A_451 = tpu.memref_squeeze %dma_wait3A_450 : memref<1x120xi32, #tpu.memory_space<vmem>> -> memref<120xi32, #tpu.memory_space<vmem>>
      %dma_wait3A_452 = arith.constant 0 : i32
      %dma_wait3A_453 = arith.constant 0 : i32
      %dma_wait3A_454 = tpu.memref_slice %arg12[%dma_wait3A_452, %dma_wait3A_453] : memref<10112x128xf32, #tpu.memory_space<vmem_shared>> -> memref<10112x128xf32, #tpu.memory_space<vmem_shared>>
      tpu.wait_indirect_dma semaphore(%arg17 : memref<!tpu.dma_semaphore, #tpu.memory_space<semaphore_mem>>) src(%arg10 : memref<120x128xf32, #tpu.memory_space<vmem>>) dst(%dma_wait3A_454 : memref<10112x128xf32, #tpu.memory_space<vmem_shared>>)
      %dma_wait3A_455 = arith.constant 14 : i32
      %dma_wait3A_456 = arith.constant 0 : i32
      %dma_wait3A_457 = tpu.memref_slice %arg8[%dma_wait3A_455, %dma_wait3A_456] : memref<16x120xi32, #tpu.memory_space<vmem>> -> memref<1x120xi32, #tpu.memory_space<vmem>>
      %dma_wait3A_458 = tpu.memref_squeeze %dma_wait3A_457 : memref<1x120xi32, #tpu.memory_space<vmem>> -> memref<120xi32, #tpu.memory_space<vmem>>
      %dma_wait3A_459 = arith.constant 0 : i32
      %dma_wait3A_460 = arith.constant 0 : i32
      %dma_wait3A_461 = tpu.memref_slice %arg12[%dma_wait3A_459, %dma_wait3A_460] : memref<10112x128xf32, #tpu.memory_space<vmem_shared>> -> memref<10112x128xf32, #tpu.memory_space<vmem_shared>>
      tpu.wait_indirect_dma semaphore(%arg18 : memref<!tpu.dma_semaphore, #tpu.memory_space<semaphore_mem>>) src(%arg11 : memref<120x128xf32, #tpu.memory_space<vmem>>) dst(%dma_wait3A_461 : memref<10112x128xf32, #tpu.memory_space<vmem_shared>>)
    }
    %scan3A_5 = arith.constant 11 : i32
    %barrier3A_6 = arith.constant 0 : index
    tpu.barrier barrier_id(%barrier3A_6)
    %mul3A_7 = arith.constant 632 : i32
    %mul3A_8 = arith.muli %arg1, %mul3A_7 : i32
    %mul3A_9 = arith.constant 632 : i32
    %mul3A_10 = arith.muli %arg1, %mul3A_9 : i32
    "tpu.region"() ({
      %run_scoped3A = tpu.sem_alloc : memref<!tpu.dma_semaphore, #tpu.memory_space<semaphore_mem>>
      %dma_start3A = arith.constant 0 : i32
      %dma_start3A_11 = tpu.memref_slice %arg6[%arg0, %mul3A_10, %dma_start3A] : memref<2x10112x128xf32, #tpu.memory_space<hbm>> -> memref<1x632x128xf32, #tpu.memory_space<hbm>>
      %dma_start3A_12 = tpu.memref_squeeze %dma_start3A_11 : memref<1x632x128xf32, #tpu.memory_space<hbm>> -> memref<632x128xf32, #tpu.memory_space<hbm>>
      %dma_start3A_13 = arith.constant 0 : i32
      %dma_start3A_14 = tpu.memref_slice %arg12[%mul3A_8, %dma_start3A_13] : memref<10112x128xf32, #tpu.memory_space<vmem_shared>> -> memref<632x128xf32, #tpu.memory_space<vmem_shared>>
      tpu.enqueue_dma source(%dma_start3A_14 : memref<632x128xf32, #tpu.memory_space<vmem_shared>>) target(%dma_start3A_12 : memref<632x128xf32, #tpu.memory_space<hbm>>) target_semaphore(%run_scoped3A : memref<!tpu.dma_semaphore, #tpu.memory_space<semaphore_mem>>)
      %dma_wait3A = arith.constant 0 : i32
      %dma_wait3A_15 = tpu.memref_slice %arg6[%arg0, %mul3A_10, %dma_wait3A] : memref<2x10112x128xf32, #tpu.memory_space<hbm>> -> memref<1x632x128xf32, #tpu.memory_space<hbm>>
      %dma_wait3A_16 = tpu.memref_squeeze %dma_wait3A_15 : memref<1x632x128xf32, #tpu.memory_space<hbm>> -> memref<632x128xf32, #tpu.memory_space<hbm>>
      %dma_wait3A_17 = arith.constant 0 : i32
      %dma_wait3A_18 = tpu.memref_slice %arg12[%mul3A_8, %dma_wait3A_17] : memref<10112x128xf32, #tpu.memory_space<vmem_shared>> -> memref<632x128xf32, #tpu.memory_space<vmem_shared>>
      tpu.wait_dma2 semaphore(%run_scoped3A : memref<!tpu.dma_semaphore, #tpu.memory_space<semaphore_mem>>) src(%dma_wait3A_18 : memref<632x128xf32, #tpu.memory_space<vmem_shared>>) dst(%dma_wait3A_16 : memref<632x128xf32, #tpu.memory_space<hbm>>)
      tpu.yield
    }) : () -> ()
    return
  }
}

module attributes {stable_mosaic.version = 14 : i64} {
  func.func @_mlp_body(%arg0: i32, %arg1: i32, %arg2: memref<1x1000x128xf32, #tpu.memory_space<vmem>>, %arg3: memref<1x1000x128xf32, #tpu.memory_space<vmem>>, %arg4: memref<1x1x128xf32, #tpu.memory_space<vmem>>, %arg5: memref<1x128x128xf32, #tpu.memory_space<vmem>>, %arg6: memref<1x1x128xf32, #tpu.memory_space<vmem>>, %arg7: memref<1x128x128xf32, #tpu.memory_space<vmem>>, %arg8: memref<1x1x128xf32, #tpu.memory_space<vmem>>, %arg9: memref<1x1000x128xf32, #tpu.memory_space<vmem>>, %arg10: memref<1x1x128xf32, #tpu.memory_space<vmem>>, %arg11: memref<1x1x128xf32, #tpu.memory_space<vmem>>) attributes {dimension_semantics = [#tpu.dimension_semantics<arbitrary>, #tpu.dimension_semantics<arbitrary>], iteration_bounds = array<i64: 2, 10>, scalar_prefetch = 0 : i64, scratch_operands = 0 : i64, tpu.core_type = #tpu.core_type<tc>, window_params = [{transform_indices = @transform_0, window_bounds = array<i64: 1, 1000, 128>}, {transform_indices = @transform_1, window_bounds = array<i64: 1, 1000, 128>}, {transform_indices = @transform_2, window_bounds = array<i64: 1, 1, 128>}, {transform_indices = @transform_3, window_bounds = array<i64: 1, 128, 128>}, {transform_indices = @transform_4, window_bounds = array<i64: 1, 1, 128>}, {transform_indices = @transform_5, window_bounds = array<i64: 1, 128, 128>}, {transform_indices = @transform_6, window_bounds = array<i64: 1, 1, 128>}, {transform_indices = @transform_7, window_bounds = array<i64: 1, 1000, 128>}, {transform_indices = @transform_8, window_bounds = array<i64: 1, 1, 128>}, {transform_indices = @transform_9, window_bounds = array<i64: 1, 1, 128>}]} {
    %get3A = arith.constant 0 : index
    %get3A_0 = arith.constant 0 : index
    %get3A_1 = arith.constant 0 : index
    %get3A_2 = vector.load %arg2[%get3A, %get3A_0, %get3A_1] : memref<1x1000x128xf32, #tpu.memory_space<vmem>>, vector<1x1000x128xf32>
    %get3A_3 = vector.shape_cast %get3A_2 : vector<1x1000x128xf32> to vector<1000x128xf32>
    %get3A_4 = arith.constant 0 : index
    %get3A_5 = arith.constant 0 : index
    %get3A_6 = arith.constant 0 : index
    %get3A_7 = vector.load %arg4[%get3A_4, %get3A_5, %get3A_6] : memref<1x1x128xf32, #tpu.memory_space<vmem>>, vector<1x1x128xf32>
    %get3A_8 = vector.shape_cast %get3A_7 : vector<1x1x128xf32> to vector<1x128xf32>
    %get3A_9 = arith.constant 0 : index
    %get3A_10 = arith.constant 0 : index
    %get3A_11 = arith.constant 0 : index
    %get3A_12 = vector.load %arg3[%get3A_9, %get3A_10, %get3A_11] : memref<1x1000x128xf32, #tpu.memory_space<vmem>>, vector<1x1000x128xf32>
    %get3A_13 = vector.shape_cast %get3A_12 : vector<1x1000x128xf32> to vector<1000x128xf32>
    %mul3A = vector.broadcast %get3A_8 : vector<1x128xf32> to vector<1000x128xf32>
    %mul3A_14 = arith.mulf %mul3A, %get3A_13 : vector<1000x128xf32>
    %add3A = arith.addf %get3A_3, %mul3A_14 : vector<1000x128xf32>
    %get3A_15 = arith.constant 0 : index
    %get3A_16 = arith.constant 0 : index
    %get3A_17 = arith.constant 0 : index
    %get3A_18 = vector.load %arg5[%get3A_15, %get3A_16, %get3A_17] : memref<1x128x128xf32, #tpu.memory_space<vmem>>, vector<1x128x128xf32>
    %get3A_19 = vector.shape_cast %get3A_18 : vector<1x128x128xf32> to vector<128x128xf32>
    %dot_general3A = arith.constant dense<0.000000e+00> : vector<1000x128xf32>
    %dot_general3A_20 = tpu.matmul %add3A, %get3A_19, %dot_general3A {dimension_numbers = #tpu.dot_dimension_numbers<[1], [0], [0], [1], [0, 0, 1, 1], [], []>, transpose_lhs_hint = false} : vector<1000x128xf32>, vector<128x128xf32>, vector<1000x128xf32> -> vector<1000x128xf32>
    %get3A_21 = arith.constant 0 : index
    %get3A_22 = arith.constant 0 : index
    %get3A_23 = arith.constant 0 : index
    %get3A_24 = vector.load %arg6[%get3A_21, %get3A_22, %get3A_23] : memref<1x1x128xf32, #tpu.memory_space<vmem>>, vector<1x1x128xf32>
    %get3A_25 = vector.shape_cast %get3A_24 : vector<1x1x128xf32> to vector<1x128xf32>
    %add3A_26 = vector.broadcast %get3A_25 : vector<1x128xf32> to vector<1000x128xf32>
    %add3A_27 = arith.addf %dot_general3A_20, %add3A_26 : vector<1000x128xf32>
    %max3A = arith.constant 0.000000e+00 : f32
    %max3A_28 = vector.broadcast %max3A : f32 to vector<1000x128xf32>
    %max3A_29 = arith.maximumf %add3A_27, %max3A_28 : vector<1000x128xf32>
    %get3A_30 = arith.constant 0 : index
    %get3A_31 = arith.constant 0 : index
    %get3A_32 = arith.constant 0 : index
    %get3A_33 = vector.load %arg7[%get3A_30, %get3A_31, %get3A_32] : memref<1x128x128xf32, #tpu.memory_space<vmem>>, vector<1x128x128xf32>
    %get3A_34 = vector.shape_cast %get3A_33 : vector<1x128x128xf32> to vector<128x128xf32>
    %dot_general3A_35 = arith.constant dense<0.000000e+00> : vector<1000x128xf32>
    %dot_general3A_36 = tpu.matmul %max3A_29, %get3A_34, %dot_general3A_35 {dimension_numbers = #tpu.dot_dimension_numbers<[1], [0], [0], [1], [0, 0, 1, 1], [], []>, transpose_lhs_hint = false} : vector<1000x128xf32>, vector<128x128xf32>, vector<1000x128xf32> -> vector<1000x128xf32>
    %get3A_37 = arith.constant 0 : index
    %get3A_38 = arith.constant 0 : index
    %get3A_39 = arith.constant 0 : index
    %get3A_40 = vector.load %arg8[%get3A_37, %get3A_38, %get3A_39] : memref<1x1x128xf32, #tpu.memory_space<vmem>>, vector<1x1x128xf32>
    %get3A_41 = vector.shape_cast %get3A_40 : vector<1x1x128xf32> to vector<1x128xf32>
    %add3A_42 = vector.broadcast %get3A_41 : vector<1x128xf32> to vector<1000x128xf32>
    %add3A_43 = arith.addf %dot_general3A_36, %add3A_42 : vector<1000x128xf32>
    %max3A_44 = arith.constant 0.000000e+00 : f32
    %max3A_45 = vector.broadcast %max3A_44 : f32 to vector<1000x128xf32>
    %max3A_46 = arith.maximumf %add3A_43, %max3A_45 : vector<1000x128xf32>
    %swap3A = arith.constant 0 : index
    %swap3A_47 = arith.constant 0 : index
    %swap3A_48 = arith.constant 0 : index
    %swap3A_49 = vector.load %arg9[%swap3A, %swap3A_47, %swap3A_48] : memref<1x1000x128xf32, #tpu.memory_space<vmem>>, vector<1x1000x128xf32>
    %swap3A_50 = vector.shape_cast %swap3A_49 : vector<1x1000x128xf32> to vector<1000x128xf32>
    %swap3A_51 = vector.shape_cast %max3A_46 : vector<1000x128xf32> to vector<1x1000x128xf32>
    tpu.vector_store %arg9[%swap3A, %swap3A_47, %swap3A_48], %swap3A_51 {strides = array<i32>} : memref<1x1000x128xf32, #tpu.memory_space<vmem>>, vector<1x1000x128xf32>,
    %reduce_sum3A = arith.constant dense<0.000000e+00> : vector<128xf32>
    %reduce_sum3A_52 = vector.multi_reduction <add>, %max3A_46, %reduce_sum3A [0] : vector<1000x128xf32> to vector<128xf32>
    %broadcast_in_dim3A = vector.shape_cast %reduce_sum3A_52 : vector<128xf32> to vector<1x128xf32>
    %mul3A_53 = arith.mulf %max3A_46, %max3A_46 : vector<1000x128xf32>
    %reduce_sum3A_54 = arith.constant dense<0.000000e+00> : vector<128xf32>
    %reduce_sum3A_55 = vector.multi_reduction <add>, %mul3A_53, %reduce_sum3A_54 [0] : vector<1000x128xf32> to vector<128xf32>
    %broadcast_in_dim3A_56 = vector.shape_cast %reduce_sum3A_55 : vector<128xf32> to vector<1x128xf32>
    %eq3A = arith.constant 0 : i32
    %eq3A_57 = arith.cmpi eq, %arg1, %eq3A : i32
    %convert_element_type3A = arith.extui %eq3A_57 : i1 to i32
    %cond3A = arith.constant 0 : i32
    %cond3A_58 = arith.cmpi ne, %convert_element_type3A, %cond3A : i32
    scf.if %cond3A_58 {
      %swap3A_63 = arith.constant 0 : index
      %swap3A_64 = arith.constant 0 : index
      %swap3A_65 = arith.constant 0 : index
      %swap3A_66 = vector.load %arg10[%swap3A_63, %swap3A_64, %swap3A_65] : memref<1x1x128xf32, #tpu.memory_space<vmem>>, vector<1x1x128xf32>
      %swap3A_67 = vector.shape_cast %swap3A_66 : vector<1x1x128xf32> to vector<1x128xf32>
      %swap3A_68 = vector.shape_cast %broadcast_in_dim3A : vector<1x128xf32> to vector<1x1x128xf32>
      tpu.vector_store %arg10[%swap3A_63, %swap3A_64, %swap3A_65], %swap3A_68 {strides = array<i32>} : memref<1x1x128xf32, #tpu.memory_space<vmem>>, vector<1x1x128xf32>,
      %swap3A_69 = arith.constant 0 : index
      %swap3A_70 = arith.constant 0 : index
      %swap3A_71 = arith.constant 0 : index
      %swap3A_72 = vector.load %arg11[%swap3A_69, %swap3A_70, %swap3A_71] : memref<1x1x128xf32, #tpu.memory_space<vmem>>, vector<1x1x128xf32>
      %swap3A_73 = vector.shape_cast %swap3A_72 : vector<1x1x128xf32> to vector<1x128xf32>
      %swap3A_74 = vector.shape_cast %broadcast_in_dim3A_56 : vector<1x128xf32> to vector<1x1x128xf32>
      tpu.vector_store %arg11[%swap3A_69, %swap3A_70, %swap3A_71], %swap3A_74 {strides = array<i32>} : memref<1x1x128xf32, #tpu.memory_space<vmem>>, vector<1x1x128xf32>,
    } else {
    }
    %gt3A = arith.constant 0 : i32
    %gt3A_59 = arith.cmpi sgt, %arg1, %gt3A : i32
    %convert_element_type3A_60 = arith.extui %gt3A_59 : i1 to i32
    %cond3A_61 = arith.constant 0 : i32
    %cond3A_62 = arith.cmpi ne, %convert_element_type3A_60, %cond3A_61 : i32
    scf.if %cond3A_62 {
      %get3A_63 = arith.constant 0 : index
      %get3A_64 = arith.constant 0 : index
      %get3A_65 = arith.constant 0 : index
      %get3A_66 = vector.load %arg10[%get3A_63, %get3A_64, %get3A_65] : memref<1x1x128xf32, #tpu.memory_space<vmem>>, vector<1x1x128xf32>
      %get3A_67 = vector.shape_cast %get3A_66 : vector<1x1x128xf32> to vector<1x128xf32>
      %add3A_68 = arith.addf %get3A_67, %broadcast_in_dim3A : vector<1x128xf32>
      %swap3A_69 = arith.constant 0 : index
      %swap3A_70 = arith.constant 0 : index
      %swap3A_71 = arith.constant 0 : index
      %swap3A_72 = vector.load %arg10[%swap3A_69, %swap3A_70, %swap3A_71] : memref<1x1x128xf32, #tpu.memory_space<vmem>>, vector<1x1x128xf32>
      %swap3A_73 = vector.shape_cast %swap3A_72 : vector<1x1x128xf32> to vector<1x128xf32>
      %swap3A_74 = vector.shape_cast %add3A_68 : vector<1x128xf32> to vector<1x1x128xf32>
      tpu.vector_store %arg10[%swap3A_69, %swap3A_70, %swap3A_71], %swap3A_74 {strides = array<i32>} : memref<1x1x128xf32, #tpu.memory_space<vmem>>, vector<1x1x128xf32>,
      %get3A_75 = arith.constant 0 : index
      %get3A_76 = arith.constant 0 : index
      %get3A_77 = arith.constant 0 : index
      %get3A_78 = vector.load %arg11[%get3A_75, %get3A_76, %get3A_77] : memref<1x1x128xf32, #tpu.memory_space<vmem>>, vector<1x1x128xf32>
      %get3A_79 = vector.shape_cast %get3A_78 : vector<1x1x128xf32> to vector<1x128xf32>
      %add3A_80 = arith.addf %get3A_79, %broadcast_in_dim3A_56 : vector<1x128xf32>
      %swap3A_81 = arith.constant 0 : index
      %swap3A_82 = arith.constant 0 : index
      %swap3A_83 = arith.constant 0 : index
      %swap3A_84 = vector.load %arg11[%swap3A_81, %swap3A_82, %swap3A_83] : memref<1x1x128xf32, #tpu.memory_space<vmem>>, vector<1x1x128xf32>
      %swap3A_85 = vector.shape_cast %swap3A_84 : vector<1x1x128xf32> to vector<1x128xf32>
      %swap3A_86 = vector.shape_cast %add3A_80 : vector<1x128xf32> to vector<1x1x128xf32>
      tpu.vector_store %arg11[%swap3A_81, %swap3A_82, %swap3A_83], %swap3A_86 {strides = array<i32>} : memref<1x1x128xf32, #tpu.memory_space<vmem>>, vector<1x1x128xf32>,
    } else {
    }
    return
  }
  func.func @transform_0(%arg0: i32, %arg1: i32) -> (i32, i32, i32) {
    %c0_i32 = arith.constant 0 : i32
    %c0_i32_0 = arith.constant 0 : i32
    return %arg0, %arg1, %c0_i32 : i32, i32, i32
  }
  func.func @transform_1(%arg0: i32, %arg1: i32) -> (i32, i32, i32) {
    %c0_i32 = arith.constant 0 : i32
    %c0_i32_0 = arith.constant 0 : i32
    return %arg0, %arg1, %c0_i32 : i32, i32, i32
  }
  func.func @transform_2(%arg0: i32, %arg1: i32) -> (i32, i32, i32) {
    %c0_i32 = arith.constant 0 : i32
    %c0_i32_0 = arith.constant 0 : i32
    %c0_i32_1 = arith.constant 0 : i32
    return %arg0, %c0_i32, %c0_i32_0 : i32, i32, i32
  }
  func.func @transform_3(%arg0: i32, %arg1: i32) -> (i32, i32, i32) {
    %c0_i32 = arith.constant 0 : i32
    %c0_i32_0 = arith.constant 0 : i32
    %c0_i32_1 = arith.constant 0 : i32
    return %arg0, %c0_i32, %c0_i32_0 : i32, i32, i32
  }
  func.func @transform_4(%arg0: i32, %arg1: i32) -> (i32, i32, i32) {
    %c0_i32 = arith.constant 0 : i32
    %c0_i32_0 = arith.constant 0 : i32
    %c0_i32_1 = arith.constant 0 : i32
    return %arg0, %c0_i32, %c0_i32_0 : i32, i32, i32
  }
  func.func @transform_5(%arg0: i32, %arg1: i32) -> (i32, i32, i32) {
    %c0_i32 = arith.constant 0 : i32
    %c0_i32_0 = arith.constant 0 : i32
    %c0_i32_1 = arith.constant 0 : i32
    return %arg0, %c0_i32, %c0_i32_0 : i32, i32, i32
  }
  func.func @transform_6(%arg0: i32, %arg1: i32) -> (i32, i32, i32) {
    %c0_i32 = arith.constant 0 : i32
    %c0_i32_0 = arith.constant 0 : i32
    %c0_i32_1 = arith.constant 0 : i32
    return %arg0, %c0_i32, %c0_i32_0 : i32, i32, i32
  }
  func.func @transform_7(%arg0: i32, %arg1: i32) -> (i32, i32, i32) {
    %c0_i32 = arith.constant 0 : i32
    %c0_i32_0 = arith.constant 0 : i32
    return %arg0, %arg1, %c0_i32 : i32, i32, i32
  }
  func.func @transform_8(%arg0: i32, %arg1: i32) -> (i32, i32, i32) {
    %c0_i32 = arith.constant 0 : i32
    %c0_i32_0 = arith.constant 0 : i32
    %c0_i32_1 = arith.constant 0 : i32
    return %arg0, %c0_i32, %c0_i32_0 : i32, i32, i32
  }
  func.func @transform_9(%arg0: i32, %arg1: i32) -> (i32, i32, i32) {
    %c0_i32 = arith.constant 0 : i32
    %c0_i32_0 = arith.constant 0 : i32
    %c0_i32_1 = arith.constant 0 : i32
    return %arg0, %c0_i32, %c0_i32_0 : i32, i32, i32
  }
}

module attributes {stable_mosaic.version = 14 : i64} {
  func.func @_norm_body(%arg0: i32, %arg1: i32, %arg2: memref<1x1000x128xf32, #tpu.memory_space<vmem>>, %arg3: memref<1x1x128xf32, #tpu.memory_space<vmem>>, %arg4: memref<1x1x128xf32, #tpu.memory_space<vmem>>, %arg5: memref<1x1x128xf32, #tpu.memory_space<vmem>>, %arg6: memref<1x1x128xf32, #tpu.memory_space<vmem>>, %arg7: memref<1x1000x128xf32, #tpu.memory_space<vmem>>) attributes {dimension_semantics = [#tpu.dimension_semantics<arbitrary>, #tpu.dimension_semantics<arbitrary>], iteration_bounds = array<i64: 2, 10>, scalar_prefetch = 0 : i64, scratch_operands = 0 : i64, tpu.core_type = #tpu.core_type<tc>, window_params = [{transform_indices = @transform_0, window_bounds = array<i64: 1, 1000, 128>}, {transform_indices = @transform_1, window_bounds = array<i64: 1, 1, 128>}, {transform_indices = @transform_2, window_bounds = array<i64: 1, 1, 128>}, {transform_indices = @transform_3, window_bounds = array<i64: 1, 1, 128>}, {transform_indices = @transform_4, window_bounds = array<i64: 1, 1, 128>}, {transform_indices = @transform_5, window_bounds = array<i64: 1, 1000, 128>}]} {
    %get3A = arith.constant 0 : index
    %get3A_0 = arith.constant 0 : index
    %get3A_1 = arith.constant 0 : index
    %get3A_2 = vector.load %arg3[%get3A, %get3A_0, %get3A_1] : memref<1x1x128xf32, #tpu.memory_space<vmem>>, vector<1x1x128xf32>
    %get3A_3 = vector.shape_cast %get3A_2 : vector<1x1x128xf32> to vector<1x128xf32>
    %mul3A = arith.constant 9.99999974E-5 : f32
    %mul3A_4 = vector.broadcast %mul3A : f32 to vector<1x128xf32>
    %mul3A_5 = arith.mulf %get3A_3, %mul3A_4 : vector<1x128xf32>
    %get3A_6 = arith.constant 0 : index
    %get3A_7 = arith.constant 0 : index
    %get3A_8 = arith.constant 0 : index
    %get3A_9 = vector.load %arg4[%get3A_6, %get3A_7, %get3A_8] : memref<1x1x128xf32, #tpu.memory_space<vmem>>, vector<1x1x128xf32>
    %get3A_10 = vector.shape_cast %get3A_9 : vector<1x1x128xf32> to vector<1x128xf32>
    %mul3A_11 = arith.constant 9.99999974E-5 : f32
    %mul3A_12 = vector.broadcast %mul3A_11 : f32 to vector<1x128xf32>
    %mul3A_13 = arith.mulf %get3A_10, %mul3A_12 : vector<1x128xf32>
    %mul3A_14 = arith.mulf %mul3A_5, %mul3A_5 : vector<1x128xf32>
    %sub3A = arith.subf %mul3A_13, %mul3A_14 : vector<1x128xf32>
    %add3A = arith.constant 9.99999974E-6 : f32
    %add3A_15 = vector.broadcast %add3A : f32 to vector<1x128xf32>
    %add3A_16 = arith.addf %sub3A, %add3A_15 : vector<1x128xf32>
    %rsqrt3A = math.rsqrt %add3A_16 : vector<1x128xf32>
    %get3A_17 = arith.constant 0 : index
    %get3A_18 = arith.constant 0 : index
    %get3A_19 = arith.constant 0 : index
    %get3A_20 = vector.load %arg2[%get3A_17, %get3A_18, %get3A_19] : memref<1x1000x128xf32, #tpu.memory_space<vmem>>, vector<1x1000x128xf32>
    %get3A_21 = vector.shape_cast %get3A_20 : vector<1x1000x128xf32> to vector<1000x128xf32>
    %sub3A_22 = vector.broadcast %mul3A_5 : vector<1x128xf32> to vector<1000x128xf32>
    %sub3A_23 = arith.subf %get3A_21, %sub3A_22 : vector<1000x128xf32>
    %get3A_24 = arith.constant 0 : index
    %get3A_25 = arith.constant 0 : index
    %get3A_26 = arith.constant 0 : index
    %get3A_27 = vector.load %arg5[%get3A_24, %get3A_25, %get3A_26] : memref<1x1x128xf32, #tpu.memory_space<vmem>>, vector<1x1x128xf32>
    %get3A_28 = vector.shape_cast %get3A_27 : vector<1x1x128xf32> to vector<1x128xf32>
    %mul3A_29 = arith.mulf %rsqrt3A, %get3A_28 : vector<1x128xf32>
    %mul3A_30 = vector.broadcast %mul3A_29 : vector<1x128xf32> to vector<1000x128xf32>
    %mul3A_31 = arith.mulf %sub3A_23, %mul3A_30 : vector<1000x128xf32>
    %get3A_32 = arith.constant 0 : index
    %get3A_33 = arith.constant 0 : index
    %get3A_34 = arith.constant 0 : index
    %get3A_35 = vector.load %arg6[%get3A_32, %get3A_33, %get3A_34] : memref<1x1x128xf32, #tpu.memory_space<vmem>>, vector<1x1x128xf32>
    %get3A_36 = vector.shape_cast %get3A_35 : vector<1x1x128xf32> to vector<1x128xf32>
    %add3A_37 = vector.broadcast %get3A_36 : vector<1x128xf32> to vector<1000x128xf32>
    %add3A_38 = arith.addf %mul3A_31, %add3A_37 : vector<1000x128xf32>
    %max3A = arith.constant 0.000000e+00 : f32
    %max3A_39 = vector.broadcast %max3A : f32 to vector<1000x128xf32>
    %max3A_40 = arith.maximumf %add3A_38, %max3A_39 : vector<1000x128xf32>
    %swap3A = arith.constant 0 : index
    %swap3A_41 = arith.constant 0 : index
    %swap3A_42 = arith.constant 0 : index
    %swap3A_43 = vector.load %arg7[%swap3A, %swap3A_41, %swap3A_42] : memref<1x1000x128xf32, #tpu.memory_space<vmem>>, vector<1x1000x128xf32>
    %swap3A_44 = vector.shape_cast %swap3A_43 : vector<1x1000x128xf32> to vector<1000x128xf32>
    %swap3A_45 = vector.shape_cast %max3A_40 : vector<1000x128xf32> to vector<1x1000x128xf32>
    tpu.vector_store %arg7[%swap3A, %swap3A_41, %swap3A_42], %swap3A_45 {strides = array<i32>} : memref<1x1000x128xf32, #tpu.memory_space<vmem>>, vector<1x1000x128xf32>,
    return
  }
  func.func @transform_0(%arg0: i32, %arg1: i32) -> (i32, i32, i32) {
    %c0_i32 = arith.constant 0 : i32
    %c0_i32_0 = arith.constant 0 : i32
    return %arg0, %arg1, %c0_i32 : i32, i32, i32
  }
  func.func @transform_1(%arg0: i32, %arg1: i32) -> (i32, i32, i32) {
    %c0_i32 = arith.constant 0 : i32
    %c0_i32_0 = arith.constant 0 : i32
    %c0_i32_1 = arith.constant 0 : i32
    return %arg0, %c0_i32, %c0_i32_0 : i32, i32, i32
  }
  func.func @transform_2(%arg0: i32, %arg1: i32) -> (i32, i32, i32) {
    %c0_i32 = arith.constant 0 : i32
    %c0_i32_0 = arith.constant 0 : i32
    %c0_i32_1 = arith.constant 0 : i32
    return %arg0, %c0_i32, %c0_i32_0 : i32, i32, i32
  }
  func.func @transform_3(%arg0: i32, %arg1: i32) -> (i32, i32, i32) {
    %c0_i32 = arith.constant 0 : i32
    %c0_i32_0 = arith.constant 0 : i32
    %c0_i32_1 = arith.constant 0 : i32
    return %arg0, %c0_i32, %c0_i32_0 : i32, i32, i32
  }
  func.func @transform_4(%arg0: i32, %arg1: i32) -> (i32, i32, i32) {
    %c0_i32 = arith.constant 0 : i32
    %c0_i32_0 = arith.constant 0 : i32
    %c0_i32_1 = arith.constant 0 : i32
    return %arg0, %c0_i32, %c0_i32_0 : i32, i32, i32
  }
  func.func @transform_5(%arg0: i32, %arg1: i32) -> (i32, i32, i32) {
    %c0_i32 = arith.constant 0 : i32
    %c0_i32_0 = arith.constant 0 : i32
    return %arg0, %arg1, %c0_i32 : i32, i32, i32
  }
}

module attributes {stable_mosaic.version = 14 : i64} {
  func.func @_pool_body(%arg0: i32, %arg1: i32, %arg2: memref<1x1000x128xf32, #tpu.memory_space<vmem>>, %arg3: memref<1x1x128xf32, #tpu.memory_space<vmem>>, %arg4: memref<1x1x128xf32, #tpu.memory_space<vmem>>, %arg5: memref<1x1x128xf32, #tpu.memory_space<vmem>>, %arg6: memref<1x1x128xf32, #tpu.memory_space<vmem>>, %arg7: memref<1x1x1000xi32, #tpu.memory_space<vmem>>, %arg8: memref<1x128x128xf32, #tpu.memory_space<vmem>>, %arg9: memref<1x1x128xf32, #tpu.memory_space<vmem>>, %arg10: memref<1x128x10xf32, #tpu.memory_space<vmem>>, %arg11: memref<1x1x10xf32, #tpu.memory_space<vmem>>, %arg12: memref<1x64x10xf32, #tpu.memory_space<vmem>>, %arg13: memref<64x128xf32, #tpu.memory_space<vmem>>, %arg14: memref<64x128xf32, #tpu.memory_space<vmem>>) attributes {dimension_semantics = [#tpu.dimension_semantics<arbitrary>, #tpu.dimension_semantics<arbitrary>], iteration_bounds = array<i64: 2, 10>, scalar_prefetch = 0 : i64, scratch_operands = 2 : i64, tpu.core_type = #tpu.core_type<tc>, window_params = [{transform_indices = @transform_0, window_bounds = array<i64: 1, 1000, 128>}, {transform_indices = @transform_1, window_bounds = array<i64: 1, 1, 128>}, {transform_indices = @transform_2, window_bounds = array<i64: 1, 1, 128>}, {transform_indices = @transform_3, window_bounds = array<i64: 1, 1, 128>}, {transform_indices = @transform_4, window_bounds = array<i64: 1, 1, 128>}, {transform_indices = @transform_5, window_bounds = array<i64: 1, 1, 1000>}, {transform_indices = @transform_6, window_bounds = array<i64: 1, 128, 128>}, {transform_indices = @transform_7, window_bounds = array<i64: 1, 1, 128>}, {transform_indices = @transform_8, window_bounds = array<i64: 1, 128, 10>}, {transform_indices = @transform_9, window_bounds = array<i64: 1, 1, 10>}, {transform_indices = @transform_10, window_bounds = array<i64: 1, 64, 10>}]} {
    %get3A = arith.constant 0 : index
    %get3A_0 = arith.constant 0 : index
    %get3A_1 = arith.constant 0 : index
    %get3A_2 = vector.load %arg3[%get3A, %get3A_0, %get3A_1] : memref<1x1x128xf32, #tpu.memory_space<vmem>>, vector<1x1x128xf32>
    %get3A_3 = vector.shape_cast %get3A_2 : vector<1x1x128xf32> to vector<1x128xf32>
    %mul3A = arith.constant 9.99999974E-5 : f32
    %mul3A_4 = vector.broadcast %mul3A : f32 to vector<1x128xf32>
    %mul3A_5 = arith.mulf %get3A_3, %mul3A_4 : vector<1x128xf32>
    %get3A_6 = arith.constant 0 : index
    %get3A_7 = arith.constant 0 : index
    %get3A_8 = arith.constant 0 : index
    %get3A_9 = vector.load %arg4[%get3A_6, %get3A_7, %get3A_8] : memref<1x1x128xf32, #tpu.memory_space<vmem>>, vector<1x1x128xf32>
    %get3A_10 = vector.shape_cast %get3A_9 : vector<1x1x128xf32> to vector<1x128xf32>
    %mul3A_11 = arith.constant 9.99999974E-5 : f32
    %mul3A_12 = vector.broadcast %mul3A_11 : f32 to vector<1x128xf32>
    %mul3A_13 = arith.mulf %get3A_10, %mul3A_12 : vector<1x128xf32>
    %mul3A_14 = arith.mulf %mul3A_5, %mul3A_5 : vector<1x128xf32>
    %sub3A = arith.subf %mul3A_13, %mul3A_14 : vector<1x128xf32>
    %add3A = arith.constant 9.99999974E-6 : f32
    %add3A_15 = vector.broadcast %add3A : f32 to vector<1x128xf32>
    %add3A_16 = arith.addf %sub3A, %add3A_15 : vector<1x128xf32>
    %rsqrt3A = math.rsqrt %add3A_16 : vector<1x128xf32>
    %get3A_17 = arith.constant 0 : index
    %get3A_18 = arith.constant 0 : index
    %get3A_19 = arith.constant 0 : index
    %get3A_20 = vector.load %arg2[%get3A_17, %get3A_18, %get3A_19] : memref<1x1000x128xf32, #tpu.memory_space<vmem>>, vector<1x1000x128xf32>
    %get3A_21 = vector.shape_cast %get3A_20 : vector<1x1000x128xf32> to vector<1000x128xf32>
    %sub3A_22 = vector.broadcast %mul3A_5 : vector<1x128xf32> to vector<1000x128xf32>
    %sub3A_23 = arith.subf %get3A_21, %sub3A_22 : vector<1000x128xf32>
    %get3A_24 = arith.constant 0 : index
    %get3A_25 = arith.constant 0 : index
    %get3A_26 = arith.constant 0 : index
    %get3A_27 = vector.load %arg5[%get3A_24, %get3A_25, %get3A_26] : memref<1x1x128xf32, #tpu.memory_space<vmem>>, vector<1x1x128xf32>
    %get3A_28 = vector.shape_cast %get3A_27 : vector<1x1x128xf32> to vector<1x128xf32>
    %mul3A_29 = arith.mulf %rsqrt3A, %get3A_28 : vector<1x128xf32>
    %mul3A_30 = vector.broadcast %mul3A_29 : vector<1x128xf32> to vector<1000x128xf32>
    %mul3A_31 = arith.mulf %sub3A_23, %mul3A_30 : vector<1000x128xf32>
    %get3A_32 = arith.constant 0 : index
    %get3A_33 = arith.constant 0 : index
    %get3A_34 = arith.constant 0 : index
    %get3A_35 = vector.load %arg6[%get3A_32, %get3A_33, %get3A_34] : memref<1x1x128xf32, #tpu.memory_space<vmem>>, vector<1x1x128xf32>
    %get3A_36 = vector.shape_cast %get3A_35 : vector<1x1x128xf32> to vector<1x128xf32>
    %add3A_37 = vector.broadcast %get3A_36 : vector<1x128xf32> to vector<1000x128xf32>
    %add3A_38 = arith.addf %mul3A_31, %add3A_37 : vector<1000x128xf32>
    %max3A = arith.constant 0.000000e+00 : f32
    %max3A_39 = vector.broadcast %max3A : f32 to vector<1000x128xf32>
    %max3A_40 = arith.maximumf %add3A_38, %max3A_39 : vector<1000x128xf32>
    %get3A_41 = arith.constant 0 : index
    %get3A_42 = arith.constant 0 : index
    %get3A_43 = arith.constant 0 : index
    %get3A_44 = vector.load %arg7[%get3A_41, %get3A_42, %get3A_43] : memref<1x1x1000xi32, #tpu.memory_space<vmem>>, vector<1x1x1000xi32>
    %get3A_45 = vector.shape_cast %get3A_44 : vector<1x1x1000xi32> to vector<1000xi32>
    %iota3A = tpu.iota {dimensions = array<i32: 0>} : vector<64x1000xi32>
    %broadcast_in_dim3A = vector.shape_cast %get3A_45 : vector<1000xi32> to vector<1x1000xi32>
    %eq3A = vector.broadcast %broadcast_in_dim3A : vector<1x1000xi32> to vector<64x1000xi32>
    %eq3A_46 = arith.cmpi eq, %iota3A, %eq3A : vector<64x1000xi32>
    %convert_element_type3A = arith.extui %eq3A_46 : vector<64x1000xi1> to vector<64x1000xi32>
    %convert_element_type3A_47 = arith.sitofp %convert_element_type3A : vector<64x1000xi32> to vector<64x1000xf32>
    %eq3A_48 = arith.constant 0 : i32
    %eq3A_49 = arith.cmpi eq, %arg1, %eq3A_48 : i32
    %convert_element_type3A_50 = arith.extui %eq3A_49 : i1 to i32
    %cond3A = arith.constant 0 : i32
    %cond3A_51 = arith.cmpi ne, %convert_element_type3A_50, %cond3A : i32
    scf.if %cond3A_51 {
      %broadcast_in_dim3A_75 = arith.constant 0.000000e+00 : f32
      %broadcast_in_dim3A_76 = vector.broadcast %broadcast_in_dim3A_75 : f32 to vector<64x128xf32>
      %swap3A_77 = arith.constant 0 : index
      %swap3A_78 = arith.constant 0 : index
      %swap3A_79 = vector.load %arg13[%swap3A_77, %swap3A_78] : memref<64x128xf32, #tpu.memory_space<vmem>>, vector<64x128xf32>
      tpu.vector_store %arg13[%swap3A_77, %swap3A_78], %broadcast_in_dim3A_76 {strides = array<i32>} : memref<64x128xf32, #tpu.memory_space<vmem>>, vector<64x128xf32>,
      %broadcast_in_dim3A_80 = arith.constant 0.000000e+00 : f32
      %broadcast_in_dim3A_81 = vector.broadcast %broadcast_in_dim3A_80 : f32 to vector<64x128xf32>
      %swap3A_82 = arith.constant 0 : index
      %swap3A_83 = arith.constant 0 : index
      %swap3A_84 = vector.load %arg14[%swap3A_82, %swap3A_83] : memref<64x128xf32, #tpu.memory_space<vmem>>, vector<64x128xf32>
      tpu.vector_store %arg14[%swap3A_82, %swap3A_83], %broadcast_in_dim3A_81 {strides = array<i32>} : memref<64x128xf32, #tpu.memory_space<vmem>>, vector<64x128xf32>,
    } else {
    }
    %get3A_52 = arith.constant 0 : index
    %get3A_53 = arith.constant 0 : index
    %get3A_54 = vector.load %arg13[%get3A_52, %get3A_53] : memref<64x128xf32, #tpu.memory_space<vmem>>, vector<64x128xf32>
    %dot_general3A = arith.constant dense<0.000000e+00> : vector<64x128xf32>
    %dot_general3A_55 = tpu.matmul %convert_element_type3A_47, %max3A_40, %dot_general3A {dimension_numbers = #tpu.dot_dimension_numbers<[1], [0], [0], [1], [0, 0, 1, 1], [], []>, transpose_lhs_hint = false} : vector<64x1000xf32>, vector<1000x128xf32>, vector<64x128xf32> -> vector<64x128xf32>
    %add3A_56 = arith.addf %get3A_54, %dot_general3A_55 : vector<64x128xf32>
    %swap3A = arith.constant 0 : index
    %swap3A_57 = arith.constant 0 : index
    %swap3A_58 = vector.load %arg13[%swap3A, %swap3A_57] : memref<64x128xf32, #tpu.memory_space<vmem>>, vector<64x128xf32>
    tpu.vector_store %arg13[%swap3A, %swap3A_57], %add3A_56 {strides = array<i32>} : memref<64x128xf32, #tpu.memory_space<vmem>>, vector<64x128xf32>,
    %get3A_59 = arith.constant 0 : index
    %get3A_60 = arith.constant 0 : index
    %get3A_61 = vector.load %arg14[%get3A_59, %get3A_60] : memref<64x128xf32, #tpu.memory_space<vmem>>, vector<64x128xf32>
    %reduce_sum3A = arith.constant dense<0.000000e+00> : vector<64xf32>
    %reduce_sum3A_62 = vector.multi_reduction <add>, %convert_element_type3A_47, %reduce_sum3A [1] : vector<64x1000xf32> to vector<64xf32>
    %broadcast_in_dim3A_63 = vector.shape_cast %reduce_sum3A_62 : vector<64xf32> to vector<64x1xf32>
    %broadcast_in_dim3A_64 = vector.shape_cast %broadcast_in_dim3A_63 : vector<64x1xf32> to vector<64x1xf32>
    %broadcast_in_dim3A_65 = vector.broadcast %broadcast_in_dim3A_64 : vector<64x1xf32> to vector<64x128xf32>
    %add3A_66 = arith.addf %get3A_61, %broadcast_in_dim3A_65 : vector<64x128xf32>
    %swap3A_67 = arith.constant 0 : index
    %swap3A_68 = arith.constant 0 : index
    %swap3A_69 = vector.load %arg14[%swap3A_67, %swap3A_68] : memref<64x128xf32, #tpu.memory_space<vmem>>, vector<64x128xf32>
    tpu.vector_store %arg14[%swap3A_67, %swap3A_68], %add3A_66 {strides = array<i32>} : memref<64x128xf32, #tpu.memory_space<vmem>>, vector<64x128xf32>,
    %eq3A_70 = arith.constant 9 : i32
    %eq3A_71 = arith.cmpi eq, %arg1, %eq3A_70 : i32
    %convert_element_type3A_72 = arith.extui %eq3A_71 : i1 to i32
    %cond3A_73 = arith.constant 0 : i32
    %cond3A_74 = arith.cmpi ne, %convert_element_type3A_72, %cond3A_73 : i32
    scf.if %cond3A_74 {
      %get3A_75 = arith.constant 0 : index
      %get3A_76 = arith.constant 0 : index
      %get3A_77 = vector.load %arg13[%get3A_75, %get3A_76] : memref<64x128xf32, #tpu.memory_space<vmem>>, vector<64x128xf32>
      %get3A_78 = arith.constant 0 : index
      %get3A_79 = arith.constant 0 : index
      %get3A_80 = vector.load %arg14[%get3A_78, %get3A_79] : memref<64x128xf32, #tpu.memory_space<vmem>>, vector<64x128xf32>
      %max3A_81 = arith.constant 1.000000e+00 : f32
      %max3A_82 = vector.broadcast %max3A_81 : f32 to vector<64x128xf32>
      %max3A_83 = arith.maximumf %get3A_80, %max3A_82 : vector<64x128xf32>
      %div3A = arith.divf %get3A_77, %max3A_83 : vector<64x128xf32>
      %get3A_84 = arith.constant 0 : index
      %get3A_85 = arith.constant 0 : index
      %get3A_86 = arith.constant 0 : index
      %get3A_87 = vector.load %arg8[%get3A_84, %get3A_85, %get3A_86] : memref<1x128x128xf32, #tpu.memory_space<vmem>>, vector<1x128x128xf32>
      %get3A_88 = vector.shape_cast %get3A_87 : vector<1x128x128xf32> to vector<128x128xf32>
      %dot_general3A_89 = arith.constant dense<0.000000e+00> : vector<64x128xf32>
      %dot_general3A_90 = tpu.matmul %div3A, %get3A_88, %dot_general3A_89 {dimension_numbers = #tpu.dot_dimension_numbers<[1], [0], [0], [1], [0, 0, 1, 1], [], []>, transpose_lhs_hint = false} : vector<64x128xf32>, vector<128x128xf32>, vector<64x128xf32> -> vector<64x128xf32>
      %get3A_91 = arith.constant 0 : index
      %get3A_92 = arith.constant 0 : index
      %get3A_93 = arith.constant 0 : index
      %get3A_94 = vector.load %arg9[%get3A_91, %get3A_92, %get3A_93] : memref<1x1x128xf32, #tpu.memory_space<vmem>>, vector<1x1x128xf32>
      %get3A_95 = vector.shape_cast %get3A_94 : vector<1x1x128xf32> to vector<1x128xf32>
      %add3A_96 = vector.broadcast %get3A_95 : vector<1x128xf32> to vector<64x128xf32>
      %add3A_97 = arith.addf %dot_general3A_90, %add3A_96 : vector<64x128xf32>
      %max3A_98 = arith.constant 0.000000e+00 : f32
      %max3A_99 = vector.broadcast %max3A_98 : f32 to vector<64x128xf32>
      %max3A_100 = arith.maximumf %add3A_97, %max3A_99 : vector<64x128xf32>
      %get3A_101 = arith.constant 0 : index
      %get3A_102 = arith.constant 0 : index
      %get3A_103 = arith.constant 0 : index
      %get3A_104 = vector.load %arg10[%get3A_101, %get3A_102, %get3A_103] : memref<1x128x10xf32, #tpu.memory_space<vmem>>, vector<1x128x10xf32>
      %get3A_105 = vector.shape_cast %get3A_104 : vector<1x128x10xf32> to vector<128x10xf32>
      %dot_general3A_106 = arith.constant dense<0.000000e+00> : vector<64x10xf32>
      %dot_general3A_107 = tpu.matmul %max3A_100, %get3A_105, %dot_general3A_106 {dimension_numbers = #tpu.dot_dimension_numbers<[1], [0], [0], [1], [0, 0, 1, 1], [], []>, transpose_lhs_hint = false} : vector<64x128xf32>, vector<128x10xf32>, vector<64x10xf32> -> vector<64x10xf32>
      %get3A_108 = arith.constant 0 : index
      %get3A_109 = arith.constant 0 : index
      %get3A_110 = arith.constant 0 : index
      %get3A_111 = vector.load %arg11[%get3A_108, %get3A_109, %get3A_110] : memref<1x1x10xf32, #tpu.memory_space<vmem>>, vector<1x1x10xf32>
      %get3A_112 = vector.shape_cast %get3A_111 : vector<1x1x10xf32> to vector<1x10xf32>
      %add3A_113 = vector.broadcast %get3A_112 : vector<1x10xf32> to vector<64x10xf32>
      %add3A_114 = arith.addf %dot_general3A_107, %add3A_113 : vector<64x10xf32>
      %swap3A_115 = arith.constant 0 : index
      %swap3A_116 = arith.constant 0 : index
      %swap3A_117 = arith.constant 0 : index
      %swap3A_118 = vector.load %arg12[%swap3A_115, %swap3A_116, %swap3A_117] : memref<1x64x10xf32, #tpu.memory_space<vmem>>, vector<1x64x10xf32>
      %swap3A_119 = vector.shape_cast %swap3A_118 : vector<1x64x10xf32> to vector<64x10xf32>
      %swap3A_120 = vector.shape_cast %add3A_114 : vector<64x10xf32> to vector<1x64x10xf32>
      tpu.vector_store %arg12[%swap3A_115, %swap3A_116, %swap3A_117], %swap3A_120 {strides = array<i32>} : memref<1x64x10xf32, #tpu.memory_space<vmem>>, vector<1x64x10xf32>,
    } else {
    }
    return
  }
  func.func @transform_0(%arg0: i32, %arg1: i32) -> (i32, i32, i32) {
    %c0_i32 = arith.constant 0 : i32
    %c0_i32_0 = arith.constant 0 : i32
    return %arg0, %arg1, %c0_i32 : i32, i32, i32
  }
  func.func @transform_1(%arg0: i32, %arg1: i32) -> (i32, i32, i32) {
    %c0_i32 = arith.constant 0 : i32
    %c0_i32_0 = arith.constant 0 : i32
    %c0_i32_1 = arith.constant 0 : i32
    return %arg0, %c0_i32, %c0_i32_0 : i32, i32, i32
  }
  func.func @transform_2(%arg0: i32, %arg1: i32) -> (i32, i32, i32) {
    %c0_i32 = arith.constant 0 : i32
    %c0_i32_0 = arith.constant 0 : i32
    %c0_i32_1 = arith.constant 0 : i32
    return %arg0, %c0_i32, %c0_i32_0 : i32, i32, i32
  }
  func.func @transform_3(%arg0: i32, %arg1: i32) -> (i32, i32, i32) {
    %c0_i32 = arith.constant 0 : i32
    %c0_i32_0 = arith.constant 0 : i32
    %c0_i32_1 = arith.constant 0 : i32
    return %arg0, %c0_i32, %c0_i32_0 : i32, i32, i32
  }
  func.func @transform_4(%arg0: i32, %arg1: i32) -> (i32, i32, i32) {
    %c0_i32 = arith.constant 0 : i32
    %c0_i32_0 = arith.constant 0 : i32
    %c0_i32_1 = arith.constant 0 : i32
    return %arg0, %c0_i32, %c0_i32_0 : i32, i32, i32
  }
  func.func @transform_5(%arg0: i32, %arg1: i32) -> (i32, i32, i32) {
    %mul3A = arith.constant 10 : i32
    %mul3A_0 = arith.muli %arg0, %mul3A : i32
    %add3A = arith.addi %mul3A_0, %arg1 : i32
    %c0_i32 = arith.constant 0 : i32
    %c0_i32_1 = arith.constant 0 : i32
    %c0_i32_2 = arith.constant 0 : i32
    return %add3A, %c0_i32, %c0_i32_1 : i32, i32, i32
  }
  func.func @transform_6(%arg0: i32, %arg1: i32) -> (i32, i32, i32) {
    %c0_i32 = arith.constant 0 : i32
    %c0_i32_0 = arith.constant 0 : i32
    %c0_i32_1 = arith.constant 0 : i32
    return %arg0, %c0_i32, %c0_i32_0 : i32, i32, i32
  }
  func.func @transform_7(%arg0: i32, %arg1: i32) -> (i32, i32, i32) {
    %c0_i32 = arith.constant 0 : i32
    %c0_i32_0 = arith.constant 0 : i32
    %c0_i32_1 = arith.constant 0 : i32
    return %arg0, %c0_i32, %c0_i32_0 : i32, i32, i32
  }
  func.func @transform_8(%arg0: i32, %arg1: i32) -> (i32, i32, i32) {
    %c0_i32 = arith.constant 0 : i32
    %c0_i32_0 = arith.constant 0 : i32
    %c0_i32_1 = arith.constant 0 : i32
    return %arg0, %c0_i32, %c0_i32_0 : i32, i32, i32
  }
  func.func @transform_9(%arg0: i32, %arg1: i32) -> (i32, i32, i32) {
    %c0_i32 = arith.constant 0 : i32
    %c0_i32_0 = arith.constant 0 : i32
    %c0_i32_1 = arith.constant 0 : i32
    return %arg0, %c0_i32, %c0_i32_0 : i32, i32, i32
  }
  func.func @transform_10(%arg0: i32, %arg1: i32) -> (i32, i32, i32) {
    %c0_i32 = arith.constant 0 : i32
    %c0_i32_0 = arith.constant 0 : i32
    %c0_i32_1 = arith.constant 0 : i32
    return %arg0, %c0_i32, %c0_i32_0 : i32, i32, i32
  }
}

</mosaic_0001>

<sc_bundles>
// kernel: kernel.11.cloned.1.call-start
scs
__scs_entry_jumppad:
0x0: {  	(pc) =	sbr.rel $0x88, $3  }
0x1: {  	(tag) =	ssettag $0x0;
	lr =	simm.s32 $0x1  }
0x2: {  	[smem:$0x3F77] =	sst lr;
	_ =	strace $0xD0000000  }
0x3: {  	_ = 	snop  }
0x4: {  	_ = 	snop  }
0x5: {  	_ = 	snop  }
0x6: {  	_ = 	snop  }
0x7: {  	_ = 	snop  }
__scs_overlays_trampoline_lowered:
0x8: {  	[smem:$0x3F86] =	sst s0  }
0x9: {  	[smem:$0x3F87] =	sst s1  }
0xa: {  	[smem:$0x3F88] =	sst s2  }
0xb: {  	[smem:$0x3F89] =	sst s3  }
0xc: {  	[smem:$0x3F8A] =	sst s4  }
0xd: {  	[smem:$0x3F8B] =	sst s5  }
0xe: {  	[smem:$0x3F8C] =	sst s6  }
0xf: {  	[smem:$0x3F8D] =	sst s7  }
0x10: {  	[smem:$0x3F8E] =	sst s8  }
0x11: {  	[smem:$0x3F8F] =	sst s9;
	s0 =	simm.s32 @!p0 $0x0  }
0x12: {  	s1 =	sld [smem:$0x3F75];
	s0 =	simm.s32 @p0 $0x1  }
0x13: {  	[smem:$0x3F90] =	sst s0;
	s0 =	simm.s32 @!p1 $0x0  }
0x14: {  	s2 =	sld [smem:$0x3F74];
	s0 =	simm.s32 @p1 $0x1  }
0x15: {  	[smem:$0x3F91] =	sst s0;
	s0 =	simm.s32 @!p2 $0x0  }
0x16: {  	s3 =	sld [smem:$0x3FDB];
	s0 =	simm.s32 @p2 $0x1  }
0x17: {  	s4 =	simm.s32 $0x1BF5;
	[smem:$0x3F93] =	sst s0  }
0x18: {  	s0 =	sld [smem:$0x3F76];
	_ =	swait.ge [sflag:s4], $0x0  }
0x19: {  	s7 =	sld [smem:$0x3F77]  }
0x1a: {  	s8 =	sadd.s32 $0xFFFFE003, lr  }
0x1b: {  	s9 =	sadd.s32 $0xFFFFFEF7, lr;
	s5 =	simm.s32 $0xFFFFFFFF;
	p2 =	slt.u32 s8, $0xFFFFF086  }
0x1c: {  	p1 =	slt.u32 s9, $0xF7A;
	s5 =	simm.s32 @!p2 $0x0  }
0x1d: {  	s5 =	simm.s32 @p1 $0x1;
	p0 =	seq.s32 s7, s2  }
0x1e: {  	s7 =	smul.u32 @!p0 $0xF7A, s2;
	p2 =	seq.s32 @!p0 s5, $0x0  }
0x1f: {  	s9 =	smul.u32 $0xF7A, s1;
	s8 =	simm.s32 @!p0 $0x1BF5;
	p2 =	por !p2, p0  }
0x20: {  	[sflag:s8] =	ssyncset.s32 @!p0 $0xFFFFF086;
	s6 =	sadd.s32 @!p0 s3, s7;
	s7 =	simm.s32 @!p0 $0x108  }
0x21: {  	s3 =	sadd.s32 s3, s9;
	s6 =	sadd.s32 @!p0 $0x88, s6;
	s7 =	simm.s32 @p2 $0x1082  }
0x22: {  	[simem:s7], [sflag:s8] =	dma.local @!p0 [hbm:s6], $0xF7A  }
0x23: {  	s9 =	sor.u32 $0xD0000000, s2;
	s6 =	simm.s32 $0x108;
	_ =	swait.ge @!p0 [sflag:s8], $0x0  }
0x24: {  	s3 =	sadd.s32 $0x88, s3;
	s6 =	simm.s32 @!p1 $0x1082;
	[sflag:s4] =	ssyncset.s32 $0xFFFFF086  }
0x25: {  	[simem:s6], [sflag:s4] =	dma.local [hbm:s3], $0xF7A  }
0x26: {  	[smem:$0x3F77] =	sst s1;
	(tag) =	ssettag s2;
	_ =	strace s9  }
0x27: {  	s1 =	sld [smem:$0x3F87]  }
0x28: {  	s2 =	sld [smem:$0x3F88]  }
0x29: {  	s4 =	sld [smem:$0x3F8A]  }
0x2a: {  	p0 =	seq.s32 s5, $0x0;
	s5 =	sld [smem:$0x3F8B]  }
0x2b: {  	s6 =	sld [smem:$0x3F8C]  }
0x2c: {  	s7 =	sld [smem:$0x3F8D]  }
0x2d: {  	s3 =	simm.s32 $0x108;
	s8 =	sld [smem:$0x3F8E]  }
0x2e: {  	s3 =	simm.s32 @!p0 $0x1082;
	s9 =	sld [smem:$0x3F8F]  }
0x2f: {  	lr =	sadd.s32 s0, s3;
	s0 =	sld [smem:$0x3F86]  }
0x30: {  	s3 =	sld [smem:$0x3F89]  }
0x31: {  	[smem:$0x3F92] =	sst s10  }
0x32: {  	s10 =	sld [smem:$0x3F90];
	_ =	sdelay $0x3  }
0x33: {  	p0 =	seq.s32 s10, $0x1;
	s10 =	sld [smem:$0x3F92];
	_ =	sdelay $0x3  }
0x34: {  	[smem:$0x3F92] =	sst s10  }
0x35: {  	s10 =	sld [smem:$0x3F91];
	_ =	sdelay $0x3  }
0x36: {  	p1 =	seq.s32 s10, $0x1;
	s10 =	sld [smem:$0x3F92];
	_ =	sdelay $0x3  }
0x37: {  	[smem:$0x3F92] =	sst s10  }
0x38: {  	s10 =	sld [smem:$0x3F93]  }
0x39: {  	_ = 	snop;
	(pc) =	sbr.ind lr, $3  }
0x3a: {  	_ = 	snop  }
0x3b: {  	_ = 	snop  }
0x3c: {  	p2 =	seq.s32 s10, $0x1;
	s10 =	sld [smem:$0x3F92]  }
0x3d: {  	_ =	shalt  }
0x3e: {  	_ =	shalt  }
0x3f: {  	_ =	shalt  }
0x40: {  	_ =	shalt  }
0x41: {  	_ =	shalt  }
0x42: {  	_ =	shalt  }
0x43: {  	_ =	shalt  }
0x44: {  	_ =	shalt  }
0x45: {  	_ =	shalt  }
0x46: {  	_ =	shalt  }
0x47: {  	_ =	shalt  }
0x48: {  	_ =	shalt  }
0x49: {  	_ =	shalt  }
0x4a: {  	_ =	shalt  }
0x4b: {  	_ =	shalt  }
0x4c: {  	_ =	shalt  }
0x4d: {  	_ =	shalt  }
0x4e: {  	_ =	shalt  }
0x4f: {  	_ =	shalt  }
0x50: {  	_ =	shalt  }
0x51: {  	_ =	shalt  }
0x52: {  	_ =	shalt  }
0x53: {  	_ =	shalt  }
0x54: {  	_ =	shalt  }
0x55: {  	_ =	shalt  }
0x56: {  	_ =	shalt  }
0x57: {  	_ =	shalt  }
0x58: {  	_ =	shalt  }
0x59: {  	_ =	shalt  }
0x5a: {  	_ =	shalt  }
0x5b: {  	_ =	shalt  }
0x5c: {  	_ =	shalt  }
0x5d: {  	_ =	shalt  }
0x5e: {  	_ =	shalt  }
0x5f: {  	_ =	shalt  }
0x60: {  	_ =	shalt  }
0x61: {  	_ =	shalt  }
0x62: {  	_ =	shalt  }
0x63: {  	_ =	shalt  }
0x64: {  	_ =	shalt  }
0x65: {  	_ =	shalt  }
0x66: {  	_ =	shalt  }
0x67: {  	_ =	shalt  }
0x68: {  	_ =	shalt  }
0x69: {  	_ =	shalt  }
0x6a: {  	_ =	shalt  }
0x6b: {  	_ =	shalt  }
0x6c: {  	_ =	shalt  }
0x6d: {  	_ =	shalt  }
0x6e: {  	_ =	shalt  }
0x6f: {  	_ =	shalt  }
0x70: {  	_ =	shalt  }
0x71: {  	_ =	shalt  }
0x72: {  	_ =	shalt  }
0x73: {  	_ =	shalt  }
0x74: {  	_ =	shalt  }
0x75: {  	_ =	shalt  }
0x76: {  	_ =	shalt  }
0x77: {  	_ =	shalt  }
0x78: {  	_ =	shalt  }
0x79: {  	_ =	shalt  }
0x7a: {  	_ =	shalt  }
0x7b: {  	_ =	shalt  }
0x7c: {  	_ =	shalt  }
0x7d: {  	_ =	shalt  }
0x7e: {  	_ =	shalt  }
0x7f: {  	_ =	shalt  }
0x80: {  	_ =	shalt  }
0x81: {  	_ =	shalt  }
0x82: {  	_ =	shalt  }
0x83: {  	_ =	shalt  }
0x84: {  	_ =	shalt  }
0x85: {  	_ =	shalt  }
0x86: {  	_ =	shalt  }
0x87: {  	_ =	shalt  }
.Lfunc_end0:
.L_simem_size_0:
called_computation_lowered:
.L_overlay_start_0:
0x88: {  	s2 =	sld [smem:$0x3FD9]  }
0x89: {  	s3 =	sld [smem:$0x3FFE];
	_ =	sdelay $0x1  }
0x8a: {  	s1 =	srdreg.scid  }
0x8b: {  	s0 =	sand.u32 $0x1, s1  }
0x8c: {  	s16 =	sshll.u32 s0, $0xA;
	s2 =	sadd.s32 s3, s2  }
0x8d: {  	s2 =	sadd.s32 s2, s16  }
0x8e: {  	[smem:$0x3F9E] =	sst s2  }
0x8f: {  	_ = 	snop  }
0x90: {  	(tm) =	ssettm $0x1  }
0x91: {  	s17 =	sld [smem:$0x3FFB];
	_ =	sdelay $0x3  }
0x92: {  	_ =	strace s17  }
0x93: {  	s2 =	sld [smem:$0x3FFC];
	_ =	sdelay $0x3  }
0x94: {  	_ =	strace s2  }
0x95: {  	s2 =	sld [smem:$0x3FFD];
	_ =	sdelay $0x3  }
0x96: {  	_ =	strace s2  }
0x97: {  	_ =	strace $0x8FFFFFFF  }
0x98: {  	s18 =	sld [smem:$0x3FDB];
	_ =	sdelay $0x1  }
0x99: {  	s19 =	simm.s32 $_scs_section_size  }
0x9a: {  	s4 =	simm.s32 $_size__tile_overlayer_lowered;
	s5 =	simm.s32 $_tile_overlayer_lowered  }
0x9b: {  	s22 =	simm.s32 $0x1BFF;
	s21 =	sshll.u32 s5, $0x1;
	s2 =	sadd.s32 s19, s18  }
0x9c: {  	s6 =	simm.s32 $0x0;
	s20 =	sshll.u32 s4, $0x1;
	s4 =	sadd.s32 s21, s2  }
0x9d: {  	[timem:s6], [sflag:s22] =	dma.local [hbm:s4], s20  }
0x9e: {  	_ =	swait.ge [sflag:s22], s20  }
0x9f: {  	s3 =	ssub.s32 $0x0, s20;
	[sflag:s22] =	ssyncset.done $0x0  }
0xa0: {  	[sflag:s22] =	ssyncadd.s32 s3;
	_ =	sdelay $0x1  }
0xa1: {  	s23 =	simm.s32 $0x1B8B  }
0xa2: {  	_ =	swait.ge [sflag:s23], $0x1  }
0xa3: {  	[sflag:s23] =	ssyncset.done $0x0  }
0xa4: {  	s25 =	simm.s32 $0x1B8E;
	s24 =	sld [smem:$0x3FFE];
	[sflag:s23] =	ssyncadd.s32 $0xFFFFFFFF  }
0xa5: {  	s26 =	simm.s32 $execute0_lowered;
	[smem:$0x3FD2] =	sst s25  }
0xa6: {  	s4 =	sshll.u32 s26, $0x1;
	_ =	strace $0x80000046;
	[dreg:$0x1] =	wrdreg $0xFFFFFFFF  }
0xa7: {  	s28 =	simm.s32 $_size_execute0_lowered;
	s2 =	sadd.s32 s2, s4;
	[dreg:$0x0] =	wrdreg $0x0  }
0xa8: {  	s4 =	sshll.u32 s28, $0x1;
	[dreg:$0x2] =	wrdreg s2  }
0xa9: {  	[dreg:$0x3] =	wrdreg s4  }
0xaa: {  	[dreg:$0x4] =	wrdreg $0xC0  }
0xab: {  	_ =	task [dreg:s6], $0x5FFFF  }
0xac: {  	[dreg:$0x1] =	wrdreg $0xFFFFFFFF  }
0xad: {  	[dreg:$0x0] =	wrdreg $0x60  }
0xae: {  	[dreg:$0x2] =	wrdreg s24  }
0xaf: {  	[dreg:$0x3] =	wrdreg $0xC4000  }
0xb0: {  	[dreg:$0x4] =	wrdreg $0x9  }
0xb1: {  	_ =	task.clear_ibuf [dreg:s6], $0x5FFFF;
	_ =	strace $0x90000046  }
0xb2: {  	s29 =	simm.s32 $0x9;
	_ =	strace $0x80000048  }
0xb3: {  	_ =	swait.ge [sflag:s29], $0x1  }
0xb4: {  	[sflag:s29] =	ssyncadd.s32 $0xFFFFFFFF  }
0xb5: {  	_ =	strace $0x90000048  }
0xb6: {  	_ =	sfence  }
0xb7: {  	s30 =	sld [smem:$0x0];
	_ =	sdelay $0x2  }
0xb8: {  	s31 =	sshll.u32 s1, $0xD;
	s1 =	sshrl.u32 s1, $0x2  }
0xb9: {  	s3 =	sand.u32 $0x4000, s31;
	s1 =	sadd.s32 s1, s30  }
0xba: {  	s0 =	sor.u32 s3, s0;
	s1 =	sshll.u32 s1, $0x11  }
0xbb: {  	s0 =	sor.u32 s1, s0  }
0xbc: {  	s0 =	sadd.s32 $0x8F2B, s0  }
0xbd: {  	[sflag:s0] =	ssyncadd.remote.s32 $0x1  }
0xbe: {  	_ =	sfence.sel $0xFFFF  }
0xbf: {  	[dreg:$0x0] =	wrdreg $0xFFFFFFFF;
	(pc) =	sbr.abs _section_cstart, $3  }
0xc0: {  	[dreg:$0x1] =	wrdreg $0xFFFFFFFF  }
0xc1: {  	_ =	task.clear_ibuf [dreg:s6], $0x2FFFF;
	_ =	strace $0x9FFFFFFF  }
0xc2: {  	(tm) =	ssettm $0x7FFFFFFF  }
0xc3: {  	_ =	shalt  }
tec
execute0_lowered:
.L_overlay_start_1:
0x0: {  	(tag) =	ssettag $0x1  }
0x1: {  	s0 =	srdreg.scid;
	s5 =	rddreg [dreg:$0x0]  }
0x2: {  	s9 =	stileid.u32;
	s2 =	rddreg [dreg:$0x1];
	s3 =	simm.s32 $0x0  }
0x3: {  	s11 =	simm.s32 $0x180;
	s12 =	simm.s32 $0x880;
	s13 =	simm.s32 $0x200  }
0x4: {  	s14 =	simm.s32 $0x900;
	s15 =	simm.s32 $0x280;
	s16 =	simm.s32 $0x980  }
0x5: {  	s17 =	simm.s32 $0x300;
	[smem:$0x7FF] =	sst s3;
	s23 =	sadd.s32 $0x82400, s5  }
0x6: {  	s18 =	simm.s32 $0xA00;
	_ =	strace $0x80000047;
	[dreg:$0x17] =	wrdreg s23  }
0x7: {  	s19 =	simm.s32 $0x380;
	s20 =	simm.s32 $0xA80;
	[dreg:$0x7] =	wrdreg s11  }
0x8: {  	s21 =	simm.s32 $0x400;
	s22 =	simm.s32 $0xB00;
	[dreg:$0x8] =	wrdreg s12  }
0x9: {  	s28 =	simm.s32 $0xD80;
	s29 =	simm.s32 $0x700;
	[dreg:$0x9] =	wrdreg s13  }
0xa: {  	s30 =	simm.s32 $0xE00;
	s4 =	smul.u32 $0x5800, s9;
	[dreg:$0xa] =	wrdreg s14  }
0xb: {  	s31 =	simm.s32 $0x780;
	s7 =	smul.u32 $0x13C00, s9;
	[dreg:$0xb] =	wrdreg s15  }
0xc: {  	s0 =	sand.u32 $0x1, s0;
	s25 =	smul.u32 $0x4F000, s9;
	[dreg:$0xc] =	wrdreg s16  }
0xd: {  	s10 =	sshll.u32 s9, $0x6;
	s1 =	smul.u32 $0x58000, s0;
	[dreg:$0xd] =	wrdreg s17  }
0xe: {  	s9 =	simm.s32 $0x0;
	s6 =	smul.u32 $0x13C000, s0;
	[dreg:$0xe] =	wrdreg s18  }
0xf: {  	s0 =	ssub.s32 $0x2, s0;
	s11 =	simm.s32 $0x800;
	[dreg:$0xf] =	wrdreg s19  }
0x10: {  	s12 =	simm.s32 $0x78;
	s13 =	simm.s32 $0x1000;
	[dreg:$0x10] =	wrdreg s20  }
0x11: {  	s14 =	simm.s32 $0x4C00;
	s15 =	simm.s32 $0x8800;
	[dreg:$0x11] =	wrdreg s21  }
0x12: {  	s16 =	simm.s32 $0x1;
	s17 =	simm.s32 $0x4;
	[dreg:$0x12] =	wrdreg s22  }
0x13: {  	s23 =	simm.s32 $0x480;
	s18 =	simm.s32 $0x2;
	s19 =	simm.s32 $0x5  }
0x14: {  	s20 =	simm.s32 $0x3;
	s21 =	simm.s32 $0x6;
	s22 =	simm.s32 $0x580  }
0x15: {  	s24 =	sshrl.u32 s0, $0x1;
	s26 =	sshrl.u32 s25, $0x2;
	[dreg:$0x13] =	wrdreg s23  }
0x16: {  	s25 =	simm.s32 $0x500;
	s23 =	simm.s32 $0xC80;
	s1 =	sadd.s32 s4, s1  }
0x17: {  	s6 =	sadd.s32 s7, s6;
	s4 =	sadd.s32 $0x8200, s5;
	s0 =	ssub.s32 s0, s24  }
0x18: {  	s7 =	simm.s32 $0x80;
	s24 =	simm.s32 $0xB80;
	[dreg:$0x15] =	wrdreg s25  }
0x19: {  	s1 =	sshrl.u32 s1, $0x3;
	s6 =	sshrl.u32 s6, $0x3;
	[dreg:$0x5] =	wrdreg s7  }
0x1a: {  	s7 =	sor.u32 $0x1C07, s10;
	s0 =	smax.u32 s0, $0x1;
	[dreg:$0x14] =	wrdreg s24  }
0x1b: {  	s1 =	sadd.s32 s1, s5;
	s5 =	sadd.s32 s6, s5;
	[dreg:$0x1a] =	wrdreg s0  }
0x1c: {  	s6 =	sadd.s32 s26, s2;
	s26 =	simm.s32 $0xC00;
	[dreg:$0x18] =	wrdreg s7  }
0x1d: {  	s25 =	simm.s32 $0xD00;
	s8 =	sadd.s32 $0x6C400, s1;
	[dreg:$0x16] =	wrdreg s26  }
0x1e: {  	s10 =	simm.s32 $0x7;
	s1 =	sadd.s32 $0x56400, s1;
	[dreg:$0x3] =	wrdreg s8  }
0x1f: {  	s24 =	simm.s32 $0x600;
	s5 =	sadd.s32 $0x84C00, s5;
	[dreg:$0x4] =	wrdreg s1  }
0x20: {  	s0 =	simm.s32 $0xF00;
	s8 =	simm.s32 $0x100;
	[dreg:$0x19] =	wrdreg s5  }
0x21: {  	s26 =	simm.s32 $0x680;
	[dreg:$0x6] =	wrdreg s8;
	s8 =	sshrl.u32 s6, $0x3  }
0x22: {  	s1 =	simm.s32 $0xE80;
	s5 =	simm.s32 $0xF80;
	[dreg:$0x1b] =	wrdreg s8  }
.LBB2_1:
0x23: {  	[dreg:$0x1c] =	wrdreg s9  }
0x24: {  	s6 =	rddreg [dreg:$0x17]  }
0x25: {  	[spmem:s8], [sflag:s7] =	dma.local [hbm:s6], $0x2780  }
0x26: {  	_ =	swait.ge [sflag:s10], $0x2780  }
0x27: {  	[sflag:s10] =	ssyncset.done $0x0  }
0x28: {  	[sflag:s10] =	ssyncadd.s32 $0xFFFFD880  }
0x29: {  	[bflag:$0x0] =	sbarrier.arrive $0xFFFF  }
0x2a: {  	s7 =	rddreg [dreg:$0x4]  }
0x2b: {  	s6 =	sadd.s32 $0x0, s7  }
0x2c: {  	[tilespmem:s3], [sflag:$0x7] =	stream.linear.gather [hbm4b:s6+s3], $0x800, $0x38;
	v63 =	vld [tilespmem:$0x0]  }
0x2d: {  	_ =	swait.ge [sflag:s10], $0x800  }
0x2e: {  	s8 =	rddreg [dreg:$0x3];
	[sflag:s10] =	ssyncset.done $0x0  }
0x2f: {  	[sflag:s10] =	ssyncadd.s32 $0xFFFFF800;
	s6 =	sadd.s32 $0x0, s8  }
0x30: {  	[tilespmem:s11], [sflag:$0x7] =	stream.linear.gather [hbm4b:s6+s3], $0x800, $0x38;
	v63 =	vld [tilespmem:$0x0]  }
0x31: {  	_ =	swait.ge [sflag:s10], $0x800  }
0x32: {  	[sflag:s10] =	ssyncset.done $0x0  }
0x33: {  	[sflag:s10] =	ssyncadd.s32 $0xFFFFF800  }
0x34: {  	[tilespmem:s13], [sflag:$0x1] =	stream.indirect.gather [hbm4b:s4+s12], $0x80, s3, s12, $0xb8;
	v63 =	vld [tilespmem:$0x0]  }
0x35: {  	s9 =	rddreg [dreg:$0x5]  }
0x36: {  	[tilespmem:s14], [sflag:$0x2] =	stream.indirect.gather [hbm4b:s4+s12], $0x80, s9, s12, $0xb8;
	v63 =	vld [tilespmem:$0x0]  }
0x37: {  	s7 =	rddreg [dreg:$0x6]  }
0x38: {  	[tilespmem:s15], [sflag:$0x3] =	stream.indirect.gather [hbm4b:s4+s12], $0x80, s7, s12, $0xb8;
	v63 =	vld [tilespmem:$0x0]  }
0x39: {  	_ =	swait.ge [sflag:s16], $0x3C00  }
0x3a: {  	[sflag:s16] =	ssyncset.done $0x0  }
0x3b: {  	[sflag:s16] =	ssyncadd.s32 $0xFFFFC400  }
0x3c: {  	[spmem:s2] =	stream.indirect.scatter.add.f32 [tilespmem:s13], [sflag:$0x4], $0x80, s11, s12, $0xb8;
	v63 =	vld [tilespmem:$0x0]  }
0x3d: {  	_ =	swait.ge [sflag:s17], $0x3C00  }
0x3e: {  	[sflag:s17] =	ssyncset.done $0x0  }
0x3f: {  	s9 =	rddreg [dreg:$0x7];
	[sflag:s17] =	ssyncadd.s32 $0xFFFFC400  }
0x40: {  	[tilespmem:s13], [sflag:$0x1] =	stream.indirect.gather [hbm4b:s4+s12], $0x80, s9, s12, $0xb8;
	v63 =	vld [tilespmem:$0x0]  }
0x41: {  	_ =	swait.ge [sflag:s18], $0x3C00  }
0x42: {  	[sflag:s18] =	ssyncset.done $0x0  }
0x43: {  	s7 =	rddreg [dreg:$0x8];
	[sflag:s18] =	ssyncadd.s32 $0xFFFFC400  }
0x44: {  	[spmem:s2] =	stream.indirect.scatter.add.f32 [tilespmem:s14], [sflag:$0x5], $0x80, s7, s12, $0xb8;
	v63 =	vld [tilespmem:$0x0]  }
0x45: {  	_ =	swait.ge [sflag:s19], $0x3C00  }
0x46: {  	[sflag:s19] =	ssyncset.done $0x0  }
0x47: {  	s8 =	rddreg [dreg:$0x9];
	[sflag:s19] =	ssyncadd.s32 $0xFFFFC400  }
0x48: {  	[tilespmem:s14], [sflag:$0x2] =	stream.indirect.gather [hbm4b:s4+s12], $0x80, s8, s12, $0xb8;
	v63 =	vld [tilespmem:$0x0]  }
0x49: {  	_ =	swait.ge [sflag:s20], $0x3C00  }
0x4a: {  	[sflag:s20] =	ssyncset.done $0x0  }
0x4b: {  	s9 =	rddreg [dreg:$0xa];
	[sflag:s20] =	ssyncadd.s32 $0xFFFFC400  }
0x4c: {  	[spmem:s2] =	stream.indirect.scatter.add.f32 [tilespmem:s15], [sflag:$0x6], $0x80, s9, s12, $0xb8;
	v63 =	vld [tilespmem:$0x0]  }
0x4d: {  	_ =	swait.ge [sflag:s21], $0x3C00  }
0x4e: {  	[sflag:s21] =	ssyncset.done $0x0  }
0x4f: {  	s7 =	rddreg [dreg:$0xb];
	[sflag:s21] =	ssyncadd.s32 $0xFFFFC400  }
0x50: {  	[tilespmem:s15], [sflag:$0x3] =	stream.indirect.gather [hbm4b:s4+s12], $0x80, s7, s12, $0xb8;
	v63 =	vld [tilespmem:$0x0]  }
0x51: {  	_ =	swait.ge [sflag:s16], $0x3C00  }
0x52: {  	[sflag:s16] =	ssyncset.done $0x0  }
0x53: {  	s8 =	rddreg [dreg:$0xc];
	[sflag:s16] =	ssyncadd.s32 $0xFFFFC400  }
0x54: {  	[spmem:s2] =	stream.indirect.scatter.add.f32 [tilespmem:s13], [sflag:$0x4], $0x80, s8, s12, $0xb8;
	v63 =	vld [tilespmem:$0x0]  }
0x55: {  	_ =	swait.ge [sflag:s17], $0x3C00  }
0x56: {  	[sflag:s17] =	ssyncset.done $0x0  }
0x57: {  	s9 =	rddreg [dreg:$0xd];
	[sflag:s17] =	ssyncadd.s32 $0xFFFFC400  }
0x58: {  	[tilespmem:s13], [sflag:$0x1] =	stream.indirect.gather [hbm4b:s4+s12], $0x80, s9, s12, $0xb8;
	v63 =	vld [tilespmem:$0x0]  }
0x59: {  	_ =	swait.ge [sflag:s18], $0x3C00  }
0x5a: {  	[sflag:s18] =	ssyncset.done $0x0  }
0x5b: {  	s7 =	rddreg [dreg:$0xe];
	[sflag:s18] =	ssyncadd.s32 $0xFFFFC400  }
0x5c: {  	[spmem:s2] =	stream.indirect.scatter.add.f32 [tilespmem:s14], [sflag:$0x5], $0x80, s7, s12, $0xb8;
	v63 =	vld [tilespmem:$0x0]  }
0x5d: {  	_ =	swait.ge [sflag:s19], $0x3C00  }
0x5e: {  	[sflag:s19] =	ssyncset.done $0x0  }
0x5f: {  	s8 =	rddreg [dreg:$0xf];
	[sflag:s19] =	ssyncadd.s32 $0xFFFFC400  }
0x60: {  	[tilespmem:s14], [sflag:$0x2] =	stream.indirect.gather [hbm4b:s4+s12], $0x80, s8, s12, $0xb8;
	v63 =	vld [tilespmem:$0x0]  }
0x61: {  	_ =	swait.ge [sflag:s20], $0x3C00  }
0x62: {  	[sflag:s20] =	ssyncset.done $0x0  }
0x63: {  	s9 =	rddreg [dreg:$0x10];
	[sflag:s20] =	ssyncadd.s32 $0xFFFFC400  }
0x64: {  	[spmem:s2] =	stream.indirect.scatter.add.f32 [tilespmem:s15], [sflag:$0x6], $0x80, s9, s12, $0xb8;
	v63 =	vld [tilespmem:$0x0]  }
0x65: {  	_ =	swait.ge [sflag:s21], $0x3C00  }
0x66: {  	[sflag:s21] =	ssyncset.done $0x0  }
0x67: {  	s7 =	rddreg [dreg:$0x11];
	[sflag:s21] =	ssyncadd.s32 $0xFFFFC400  }
0x68: {  	[tilespmem:s15], [sflag:$0x3] =	stream.indirect.gather [hbm4b:s4+s12], $0x80, s7, s12, $0xb8;
	v63 =	vld [tilespmem:$0x0]  }
0x69: {  	_ =	swait.ge [sflag:s16], $0x3C00  }
0x6a: {  	[sflag:s16] =	ssyncset.done $0x0  }
0x6b: {  	s8 =	rddreg [dreg:$0x12];
	[sflag:s16] =	ssyncadd.s32 $0xFFFFC400  }
0x6c: {  	[spmem:s2] =	stream.indirect.scatter.add.f32 [tilespmem:s13], [sflag:$0x4], $0x80, s8, s12, $0xb8;
	v63 =	vld [tilespmem:$0x0]  }
0x6d: {  	_ =	swait.ge [sflag:s17], $0x3C00  }
0x6e: {  	[sflag:s17] =	ssyncset.done $0x0  }
0x6f: {  	s9 =	rddreg [dreg:$0x13];
	[sflag:s17] =	ssyncadd.s32 $0xFFFFC400  }
0x70: {  	[tilespmem:s13], [sflag:$0x1] =	stream.indirect.gather [hbm4b:s4+s12], $0x80, s9, s12, $0xb8;
	v63 =	vld [tilespmem:$0x0]  }
0x71: {  	_ =	swait.ge [sflag:s18], $0x3C00  }
0x72: {  	[sflag:s18] =	ssyncset.done $0x0  }
0x73: {  	s7 =	rddreg [dreg:$0x14];
	[sflag:s18] =	ssyncadd.s32 $0xFFFFC400  }
0x74: {  	[spmem:s2] =	stream.indirect.scatter.add.f32 [tilespmem:s14], [sflag:$0x5], $0x80, s7, s12, $0xb8;
	v63 =	vld [tilespmem:$0x0]  }
0x75: {  	_ =	swait.ge [sflag:s19], $0x3C00  }
0x76: {  	[sflag:s19] =	ssyncset.done $0x0  }
0x77: {  	s8 =	rddreg [dreg:$0x15];
	[sflag:s19] =	ssyncadd.s32 $0xFFFFC400  }
0x78: {  	[tilespmem:s14], [sflag:$0x2] =	stream.indirect.gather [hbm4b:s4+s12], $0x80, s8, s12, $0xb8;
	v63 =	vld [tilespmem:$0x0]  }
0x79: {  	_ =	swait.ge [sflag:s20], $0x3C00  }
0x7a: {  	[sflag:s20] =	ssyncset.done $0x0  }
0x7b: {  	s9 =	rddreg [dreg:$0x16];
	[sflag:s20] =	ssyncadd.s32 $0xFFFFC400  }
0x7c: {  	[spmem:s2] =	stream.indirect.scatter.add.f32 [tilespmem:s15], [sflag:$0x6], $0x80, s9, s12, $0xb8;
	v63 =	vld [tilespmem:$0x0]  }
0x7d: {  	_ =	swait.ge [sflag:s21], $0x3C00  }
0x7e: {  	[sflag:s21] =	ssyncset.done $0x0  }
0x7f: {  	[sflag:s21] =	ssyncadd.s32 $0xFFFFC400  }
0x80: {  	[tilespmem:s15], [sflag:$0x3] =	stream.indirect.gather [hbm4b:s4+s12], $0x80, s22, s12, $0xb8;
	v63 =	vld [tilespmem:$0x0]  }
0x81: {  	_ =	swait.ge [sflag:s16], $0x3C00  }
0x82: {  	[sflag:s16] =	ssyncset.done $0x0  }
0x83: {  	[sflag:s16] =	ssyncadd.s32 $0xFFFFC400  }
0x84: {  	[spmem:s2] =	stream.indirect.scatter.add.f32 [tilespmem:s13], [sflag:$0x4], $0x80, s23, s12, $0xb8;
	v63 =	vld [tilespmem:$0x0]  }
0x85: {  	_ =	swait.ge [sflag:s17], $0x3C00  }
0x86: {  	[sflag:s17] =	ssyncset.done $0x0  }
0x87: {  	[sflag:s17] =	ssyncadd.s32 $0xFFFFC400  }
0x88: {  	[tilespmem:s13], [sflag:$0x1] =	stream.indirect.gather [hbm4b:s4+s12], $0x80, s24, s12, $0xb8;
	v63 =	vld [tilespmem:$0x0]  }
0x89: {  	_ =	swait.ge [sflag:s18], $0x3C00  }
0x8a: {  	[sflag:s18] =	ssyncset.done $0x0  }
0x8b: {  	[sflag:s18] =	ssyncadd.s32 $0xFFFFC400  }
0x8c: {  	[spmem:s2] =	stream.indirect.scatter.add.f32 [tilespmem:s14], [sflag:$0x5], $0x80, s25, s12, $0xb8;
	v63 =	vld [tilespmem:$0x0]  }
0x8d: {  	_ =	swait.ge [sflag:s19], $0x3C00  }
0x8e: {  	[sflag:s19] =	ssyncset.done $0x0  }
0x8f: {  	[sflag:s19] =	ssyncadd.s32 $0xFFFFC400  }
0x90: {  	[tilespmem:s14], [sflag:$0x2] =	stream.indirect.gather [hbm4b:s4+s12], $0x80, s26, s12, $0xb8;
	v63 =	vld [tilespmem:$0x0]  }
0x91: {  	_ =	swait.ge [sflag:s20], $0x3C00  }
0x92: {  	[sflag:s20] =	ssyncset.done $0x0  }
0x93: {  	[sflag:s20] =	ssyncadd.s32 $0xFFFFC400  }
0x94: {  	[spmem:s2] =	stream.indirect.scatter.add.f32 [tilespmem:s15], [sflag:$0x6], $0x80, s28, s12, $0xb8;
	v63 =	vld [tilespmem:$0x0]  }
0x95: {  	_ =	swait.ge [sflag:s21], $0x3C00  }
0x96: {  	[sflag:s21] =	ssyncset.done $0x0  }
0x97: {  	[sflag:s21] =	ssyncadd.s32 $0xFFFFC400  }
0x98: {  	[tilespmem:s15], [sflag:$0x3] =	stream.indirect.gather [hbm4b:s4+s12], $0x80, s29, s12, $0xb8;
	v63 =	vld [tilespmem:$0x0]  }
0x99: {  	_ =	swait.ge [sflag:s16], $0x3C00  }
0x9a: {  	[sflag:s16] =	ssyncset.done $0x0  }
0x9b: {  	[sflag:s16] =	ssyncadd.s32 $0xFFFFC400  }
0x9c: {  	[spmem:s2] =	stream.indirect.scatter.add.f32 [tilespmem:s13], [sflag:$0x4], $0x80, s30, s12, $0xb8;
	v63 =	vld [tilespmem:$0x0]  }
0x9d: {  	_ =	swait.ge [sflag:s17], $0x3C00  }
0x9e: {  	[sflag:s17] =	ssyncset.done $0x0  }
0x9f: {  	[sflag:s17] =	ssyncadd.s32 $0xFFFFC400  }
0xa0: {  	[tilespmem:s13], [sflag:$0x1] =	stream.indirect.gather [hbm4b:s4+s12], $0x80, s31, s12, $0xb8;
	v63 =	vld [tilespmem:$0x0]  }
0xa1: {  	_ =	swait.ge [sflag:s18], $0x3C00  }
0xa2: {  	[sflag:s18] =	ssyncset.done $0x0  }
0xa3: {  	[sflag:s18] =	ssyncadd.s32 $0xFFFFC400  }
0xa4: {  	[spmem:s2] =	stream.indirect.scatter.add.f32 [tilespmem:s14], [sflag:$0x5], $0x80, s1, s12, $0xb8;
	v63 =	vld [tilespmem:$0x0]  }
0xa5: {  	_ =	swait.ge [sflag:s20], $0x3C00  }
0xa6: {  	[sflag:s20] =	ssyncset.done $0x0  }
0xa7: {  	[sflag:s20] =	ssyncadd.s32 $0xFFFFC400  }
0xa8: {  	[spmem:s2] =	stream.indirect.scatter.add.f32 [tilespmem:s15], [sflag:$0x6], $0x80, s0, s12, $0xb8;
	v63 =	vld [tilespmem:$0x0]  }
0xa9: {  	_ =	swait.ge [sflag:s16], $0x3C00  }
0xaa: {  	[sflag:s16] =	ssyncset.done $0x0  }
0xab: {  	[sflag:s16] =	ssyncadd.s32 $0xFFFFC400  }
0xac: {  	[spmem:s2] =	stream.indirect.scatter.add.f32 [tilespmem:s13], [sflag:$0x4], $0x80, s5, s12, $0xb8;
	v63 =	vld [tilespmem:$0x0]  }
0xad: {  	_ =	swait.ge [sflag:s17], $0x3C00  }
0xae: {  	[sflag:s17] =	ssyncset.done $0x0  }
0xaf: {  	[sflag:s17] =	ssyncadd.s32 $0xFFFFC400  }
0xb0: {  	_ =	swait.ge [sflag:s19], $0x3C00  }
0xb1: {  	[sflag:s19] =	ssyncset.done $0x0  }
0xb2: {  	[sflag:s19] =	ssyncadd.s32 $0xFFFFC400  }
0xb3: {  	s6 =	simm.s32 $0x200;
	_ =	swait.ge [sflag:s21], $0x3C00  }
0xb4: {  	s8 =	simm.s32 $0x100;
	s9 =	rddreg [dreg:$0x4];
	[sflag:s21] =	ssyncset.done $0x0  }
.LBB2_2:
0xb5: {  	[sflag:s21] =	ssyncadd.s32 $0xFFFFC400;
	s9 =	sadd.s32 s8, s9  }
0xb6: {  	[tilespmem:s3], [sflag:$0x7] =	stream.linear.gather [hbm4b:s9+s3], $0x800, $0x38;
	v63 =	vld [tilespmem:$0x0]  }
0xb7: {  	_ =	swait.ge [sflag:s10], $0x800  }
0xb8: {  	s9 =	rddreg [dreg:$0x3];
	[sflag:s10] =	ssyncset.done $0x0  }
0xb9: {  	[sflag:s10] =	ssyncadd.s32 $0xFFFFF800;
	s9 =	sadd.s32 s8, s9  }
0xba: {  	[tilespmem:s11], [sflag:$0x7] =	stream.linear.gather [hbm4b:s9+s3], $0x800, $0x38;
	v63 =	vld [tilespmem:$0x0]  }
0xbb: {  	_ =	swait.ge [sflag:s10], $0x800  }
0xbc: {  	[sflag:s10] =	ssyncset.done $0x0  }
0xbd: {  	s7 =	smov.u32 s6;
	[sflag:s10] =	ssyncadd.s32 $0xFFFFF800  }
0xbe: {  	[tilespmem:s13], [sflag:$0x1] =	stream.indirect.gather [hbm4b:s4+s12], $0x80, s3, s12, $0xb8;
	v63 =	vld [tilespmem:$0x0]  }
0xbf: {  	s8 =	smov.u32 s7;
	s7 =	rddreg [dreg:$0x5]  }
0xc0: {  	[tilespmem:s14], [sflag:$0x2] =	stream.indirect.gather [hbm4b:s4+s12], $0x80, s7, s12, $0xb8;
	v63 =	vld [tilespmem:$0x0]  }
0xc1: {  	s9 =	rddreg [dreg:$0x6]  }
0xc2: {  	[tilespmem:s15], [sflag:$0x3] =	stream.indirect.gather [hbm4b:s4+s12], $0x80, s9, s12, $0xb8;
	v63 =	vld [tilespmem:$0x0]  }
0xc3: {  	_ =	swait.ge [sflag:s16], $0x3C00  }
0xc4: {  	[sflag:s16] =	ssyncset.done $0x0  }
0xc5: {  	[sflag:s16] =	ssyncadd.s32 $0xFFFFC400  }
0xc6: {  	[spmem:s2] =	stream.indirect.scatter.add.f32 [tilespmem:s13], [sflag:$0x4], $0x80, s11, s12, $0xb8;
	v63 =	vld [tilespmem:$0x0]  }
0xc7: {  	_ =	swait.ge [sflag:s17], $0x3C00  }
0xc8: {  	[sflag:s17] =	ssyncset.done $0x0  }
0xc9: {  	s9 =	rddreg [dreg:$0x7];
	[sflag:s17] =	ssyncadd.s32 $0xFFFFC400  }
0xca: {  	[tilespmem:s13], [sflag:$0x1] =	stream.indirect.gather [hbm4b:s4+s12], $0x80, s9, s12, $0xb8;
	v63 =	vld [tilespmem:$0x0]  }
0xcb: {  	_ =	swait.ge [sflag:s18], $0x3C00  }
0xcc: {  	[sflag:s18] =	ssyncset.done $0x0  }
0xcd: {  	s9 =	rddreg [dreg:$0x8];
	[sflag:s18] =	ssyncadd.s32 $0xFFFFC400  }
0xce: {  	[spmem:s2] =	stream.indirect.scatter.add.f32 [tilespmem:s14], [sflag:$0x5], $0x80, s9, s12, $0xb8;
	v63 =	vld [tilespmem:$0x0]  }
0xcf: {  	_ =	swait.ge [sflag:s19], $0x3C00  }
0xd0: {  	[sflag:s19] =	ssyncset.done $0x0  }
0xd1: {  	s9 =	rddreg [dreg:$0x9];
	[sflag:s19] =	ssyncadd.s32 $0xFFFFC400  }
0xd2: {  	[tilespmem:s14], [sflag:$0x2] =	stream.indirect.gather [hbm4b:s4+s12], $0x80, s9, s12, $0xb8;
	v63 =	vld [tilespmem:$0x0]  }
0xd3: {  	_ =	swait.ge [sflag:s20], $0x3C00  }
0xd4: {  	[sflag:s20] =	ssyncset.done $0x0  }
0xd5: {  	s9 =	rddreg [dreg:$0xa];
	[sflag:s20] =	ssyncadd.s32 $0xFFFFC400  }
0xd6: {  	[spmem:s2] =	stream.indirect.scatter.add.f32 [tilespmem:s15], [sflag:$0x6], $0x80, s9, s12, $0xb8;
	v63 =	vld [tilespmem:$0x0]  }
0xd7: {  	_ =	swait.ge [sflag:s21], $0x3C00  }
0xd8: {  	[sflag:s21] =	ssyncset.done $0x0  }
0xd9: {  	s9 =	rddreg [dreg:$0xb];
	[sflag:s21] =	ssyncadd.s32 $0xFFFFC400  }
0xda: {  	[tilespmem:s15], [sflag:$0x3] =	stream.indirect.gather [hbm4b:s4+s12], $0x80, s9, s12, $0xb8;
	v63 =	vld [tilespmem:$0x0]  }
0xdb: {  	_ =	swait.ge [sflag:s16], $0x3C00  }
0xdc: {  	[sflag:s16] =	ssyncset.done $0x0  }
0xdd: {  	s9 =	rddreg [dreg:$0xc];
	[sflag:s16] =	ssyncadd.s32 $0xFFFFC400  }
0xde: {  	[spmem:s2] =	stream.indirect.scatter.add.f32 [tilespmem:s13], [sflag:$0x4], $0x80, s9, s12, $0xb8;
	v63 =	vld [tilespmem:$0x0]  }
0xdf: {  	_ =	swait.ge [sflag:s17], $0x3C00  }
0xe0: {  	[sflag:s17] =	ssyncset.done $0x0  }
0xe1: {  	s9 =	rddreg [dreg:$0xd];
	[sflag:s17] =	ssyncadd.s32 $0xFFFFC400  }
0xe2: {  	[tilespmem:s13], [sflag:$0x1] =	stream.indirect.gather [hbm4b:s4+s12], $0x80, s9, s12, $0xb8;
	v63 =	vld [tilespmem:$0x0]  }
0xe3: {  	_ =	swait.ge [sflag:s18], $0x3C00  }
0xe4: {  	[sflag:s18] =	ssyncset.done $0x0  }
0xe5: {  	s9 =	rddreg [dreg:$0xe];
	[sflag:s18] =	ssyncadd.s32 $0xFFFFC400  }
0xe6: {  	[spmem:s2] =	stream.indirect.scatter.add.f32 [tilespmem:s14], [sflag:$0x5], $0x80, s9, s12, $0xb8;
	v63 =	vld [tilespmem:$0x0]  }
0xe7: {  	_ =	swait.ge [sflag:s19], $0x3C00  }
0xe8: {  	[sflag:s19] =	ssyncset.done $0x0  }
0xe9: {  	s9 =	rddreg [dreg:$0xf];
	[sflag:s19] =	ssyncadd.s32 $0xFFFFC400  }
0xea: {  	[tilespmem:s14], [sflag:$0x2] =	stream.indirect.gather [hbm4b:s4+s12], $0x80, s9, s12, $0xb8;
	v63 =	vld [tilespmem:$0x0]  }
0xeb: {  	_ =	swait.ge [sflag:s20], $0x3C00  }
0xec: {  	[sflag:s20] =	ssyncset.done $0x0  }
0xed: {  	s9 =	rddreg [dreg:$0x10];
	[sflag:s20] =	ssyncadd.s32 $0xFFFFC400  }
0xee: {  	[spmem:s2] =	stream.indirect.scatter.add.f32 [tilespmem:s15], [sflag:$0x6], $0x80, s9, s12, $0xb8;
	v63 =	vld [tilespmem:$0x0]  }
0xef: {  	_ =	swait.ge [sflag:s21], $0x3C00  }
0xf0: {  	[sflag:s21] =	ssyncset.done $0x0  }
0xf1: {  	s9 =	rddreg [dreg:$0x11];
	[sflag:s21] =	ssyncadd.s32 $0xFFFFC400  }
0xf2: {  	[tilespmem:s15], [sflag:$0x3] =	stream.indirect.gather [hbm4b:s4+s12], $0x80, s9, s12, $0xb8;
	v63 =	vld [tilespmem:$0x0]  }
0xf3: {  	_ =	swait.ge [sflag:s16], $0x3C00  }
0xf4: {  	[sflag:s16] =	ssyncset.done $0x0  }
0xf5: {  	s9 =	rddreg [dreg:$0x12];
	[sflag:s16] =	ssyncadd.s32 $0xFFFFC400  }
0xf6: {  	[spmem:s2] =	stream.indirect.scatter.add.f32 [tilespmem:s13], [sflag:$0x4], $0x80, s9, s12, $0xb8;
	v63 =	vld [tilespmem:$0x0]  }
0xf7: {  	_ =	swait.ge [sflag:s17], $0x3C00  }
0xf8: {  	[sflag:s17] =	ssyncset.done $0x0  }
0xf9: {  	s9 =	rddreg [dreg:$0x13];
	[sflag:s17] =	ssyncadd.s32 $0xFFFFC400  }
0xfa: {  	[tilespmem:s13], [sflag:$0x1] =	stream.indirect.gather [hbm4b:s4+s12], $0x80, s9, s12, $0xb8;
	v63 =	vld [tilespmem:$0x0]  }
0xfb: {  	_ =	swait.ge [sflag:s18], $0x3C00  }
0xfc: {  	[sflag:s18] =	ssyncset.done $0x0  }
0xfd: {  	s9 =	rddreg [dreg:$0x14];
	[sflag:s18] =	ssyncadd.s32 $0xFFFFC400  }
0xfe: {  	[spmem:s2] =	stream.indirect.scatter.add.f32 [tilespmem:s14], [sflag:$0x5], $0x80, s9, s12, $0xb8;
	v63 =	vld [tilespmem:$0x0]  }
0xff: {  	_ =	swait.ge [sflag:s19], $0x3C00  }
0x100: {  	[sflag:s19] =	ssyncset.done $0x0  }
0x101: {  	s9 =	rddreg [dreg:$0x15];
	[sflag:s19] =	ssyncadd.s32 $0xFFFFC400  }
0x102: {  	[tilespmem:s14], [sflag:$0x2] =	stream.indirect.gather [hbm4b:s4+s12], $0x80, s9, s12, $0xb8;
	v63 =	vld [tilespmem:$0x0]  }
0x103: {  	_ =	swait.ge [sflag:s20], $0x3C00  }
0x104: {  	[sflag:s20] =	ssyncset.done $0x0  }
0x105: {  	s9 =	rddreg [dreg:$0x16];
	[sflag:s20] =	ssyncadd.s32 $0xFFFFC400  }
0x106: {  	[spmem:s2] =	stream.indirect.scatter.add.f32 [tilespmem:s15], [sflag:$0x6], $0x80, s9, s12, $0xb8;
	v63 =	vld [tilespmem:$0x0]  }
0x107: {  	_ =	swait.ge [sflag:s21], $0x3C00  }
0x108: {  	[sflag:s21] =	ssyncset.done $0x0  }
0x109: {  	[sflag:s21] =	ssyncadd.s32 $0xFFFFC400  }
0x10a: {  	[tilespmem:s15], [sflag:$0x3] =	stream.indirect.gather [hbm4b:s4+s12], $0x80, s22, s12, $0xb8;
	v63 =	vld [tilespmem:$0x0]  }
0x10b: {  	_ =	swait.ge [sflag:s16], $0x3C00  }
0x10c: {  	[sflag:s16] =	ssyncset.done $0x0  }
0x10d: {  	[sflag:s16] =	ssyncadd.s32 $0xFFFFC400  }
0x10e: {  	[spmem:s2] =	stream.indirect.scatter.add.f32 [tilespmem:s13], [sflag:$0x4], $0x80, s23, s12, $0xb8;
	v63 =	vld [tilespmem:$0x0]  }
0x10f: {  	_ =	swait.ge [sflag:s17], $0x3C00  }
0x110: {  	[sflag:s17] =	ssyncset.done $0x0  }
0x111: {  	[sflag:s17] =	ssyncadd.s32 $0xFFFFC400  }
0x112: {  	[tilespmem:s13], [sflag:$0x1] =	stream.indirect.gather [hbm4b:s4+s12], $0x80, s24, s12, $0xb8;
	v63 =	vld [tilespmem:$0x0]  }
0x113: {  	_ =	swait.ge [sflag:s18], $0x3C00  }
0x114: {  	[sflag:s18] =	ssyncset.done $0x0  }
0x115: {  	[sflag:s18] =	ssyncadd.s32 $0xFFFFC400  }
0x116: {  	[spmem:s2] =	stream.indirect.scatter.add.f32 [tilespmem:s14], [sflag:$0x5], $0x80, s25, s12, $0xb8;
	v63 =	vld [tilespmem:$0x0]  }
0x117: {  	_ =	swait.ge [sflag:s19], $0x3C00  }
0x118: {  	[sflag:s19] =	ssyncset.done $0x0  }
0x119: {  	[sflag:s19] =	ssyncadd.s32 $0xFFFFC400  }
0x11a: {  	[tilespmem:s14], [sflag:$0x2] =	stream.indirect.gather [hbm4b:s4+s12], $0x80, s26, s12, $0xb8;
	v63 =	vld [tilespmem:$0x0]  }
0x11b: {  	_ =	swait.ge [sflag:s20], $0x3C00  }
0x11c: {  	[sflag:s20] =	ssyncset.done $0x0  }
0x11d: {  	[sflag:s20] =	ssyncadd.s32 $0xFFFFC400  }
0x11e: {  	[spmem:s2] =	stream.indirect.scatter.add.f32 [tilespmem:s15], [sflag:$0x6], $0x80, s28, s12, $0xb8;
	v63 =	vld [tilespmem:$0x0]  }
0x11f: {  	_ =	swait.ge [sflag:s21], $0x3C00  }
0x120: {  	[sflag:s21] =	ssyncset.done $0x0  }
0x121: {  	[sflag:s21] =	ssyncadd.s32 $0xFFFFC400  }
0x122: {  	[tilespmem:s15], [sflag:$0x3] =	stream.indirect.gather [hbm4b:s4+s12], $0x80, s29, s12, $0xb8;
	v63 =	vld [tilespmem:$0x0]  }
0x123: {  	_ =	swait.ge [sflag:s16], $0x3C00  }
0x124: {  	[sflag:s16] =	ssyncset.done $0x0  }
0x125: {  	[sflag:s16] =	ssyncadd.s32 $0xFFFFC400  }
0x126: {  	[spmem:s2] =	stream.indirect.scatter.add.f32 [tilespmem:s13], [sflag:$0x4], $0x80, s30, s12, $0xb8;
	v63 =	vld [tilespmem:$0x0]  }
0x127: {  	_ =	swait.ge [sflag:s17], $0x3C00  }
0x128: {  	[sflag:s17] =	ssyncset.done $0x0  }
0x129: {  	[sflag:s17] =	ssyncadd.s32 $0xFFFFC400  }
0x12a: {  	[tilespmem:s13], [sflag:$0x1] =	stream.indirect.gather [hbm4b:s4+s12], $0x80, s31, s12, $0xb8;
	v63 =	vld [tilespmem:$0x0]  }
0x12b: {  	_ =	swait.ge [sflag:s18], $0x3C00  }
0x12c: {  	[sflag:s18] =	ssyncset.done $0x0  }
0x12d: {  	[sflag:s18] =	ssyncadd.s32 $0xFFFFC400  }
0x12e: {  	[spmem:s2] =	stream.indirect.scatter.add.f32 [tilespmem:s14], [sflag:$0x5], $0x80, s1, s12, $0xb8;
	v63 =	vld [tilespmem:$0x0]  }
0x12f: {  	_ =	swait.ge [sflag:s20], $0x3C00  }
0x130: {  	[sflag:s20] =	ssyncset.done $0x0  }
0x131: {  	[sflag:s20] =	ssyncadd.s32 $0xFFFFC400  }
0x132: {  	[spmem:s2] =	stream.indirect.scatter.add.f32 [tilespmem:s15], [sflag:$0x6], $0x80, s0, s12, $0xb8;
	v63 =	vld [tilespmem:$0x0]  }
0x133: {  	_ =	swait.ge [sflag:s16], $0x3C00  }
0x134: {  	[sflag:s16] =	ssyncset.done $0x0  }
0x135: {  	[sflag:s16] =	ssyncadd.s32 $0xFFFFC400  }
0x136: {  	[spmem:s2] =	stream.indirect.scatter.add.f32 [tilespmem:s13], [sflag:$0x4], $0x80, s5, s12, $0xb8;
	v63 =	vld [tilespmem:$0x0]  }
0x137: {  	_ =	swait.ge [sflag:s17], $0x3C00  }
0x138: {  	[sflag:s17] =	ssyncset.done $0x0  }
0x139: {  	p0 =	sne.s32 s6, $0xA00;
	[sflag:s17] =	ssyncadd.s32 $0xFFFFC400  }
.Ltmp0:
0x13a: {  	_ =	swait.ge [sflag:s19], $0x3C00;
	(pc) =	sbr.rel @p0 .LBB2_2-.Ltmp0, $4  }
0x13b: {  	[sflag:s19] =	ssyncset.done $0x0  }
0x13c: {  	[sflag:s19] =	ssyncadd.s32 $0xFFFFC400  }
0x13d: {  	_ =	swait.ge [sflag:s21], $0x3C00  }
0x13e: {  	s6 =	sadd.s32 $0x100, s6;
	s9 =	rddreg [dreg:$0x4];
	[sflag:s21] =	ssyncset.done $0x0  }
0x13f: {  	[sflag:s21] =	ssyncadd.s32 $0xFFFFC400;
	s6 =	sadd.s32 s8, s9  }
0x140: {  	[tilespmem:s3], [sflag:$0x7] =	stream.linear.gather [hbm4b:s6+s3], $0x800, $0x38;
	v63 =	vld [tilespmem:$0x0]  }
0x141: {  	_ =	swait.ge [sflag:s10], $0x800  }
0x142: {  	s7 =	rddreg [dreg:$0x3];
	[sflag:s10] =	ssyncset.done $0x0  }
0x143: {  	[sflag:s10] =	ssyncadd.s32 $0xFFFFF800;
	s6 =	sadd.s32 s8, s7  }
0x144: {  	[tilespmem:s11], [sflag:$0x7] =	stream.linear.gather [hbm4b:s6+s3], $0x800, $0x38;
	v63 =	vld [tilespmem:$0x0]  }
0x145: {  	_ =	swait.ge [sflag:s10], $0x800  }
0x146: {  	[sflag:s10] =	ssyncset.done $0x0  }
0x147: {  	[sflag:s10] =	ssyncadd.s32 $0xFFFFF800  }
0x148: {  	[tilespmem:s13], [sflag:$0x1] =	stream.indirect.gather [hbm4b:s4+s12], $0x80, s3, s12, $0xb8;
	v63 =	vld [tilespmem:$0x0]  }
0x149: {  	s9 =	rddreg [dreg:$0x5]  }
0x14a: {  	[tilespmem:s14], [sflag:$0x2] =	stream.indirect.gather [hbm4b:s4+s12], $0x80, s9, s12, $0xb8;
	v63 =	vld [tilespmem:$0x0]  }
0x14b: {  	s7 =	rddreg [dreg:$0x6]  }
0x14c: {  	[tilespmem:s15], [sflag:$0x3] =	stream.indirect.gather [hbm4b:s4+s12], $0x80, s7, s12, $0xb8;
	v63 =	vld [tilespmem:$0x0]  }
0x14d: {  	_ =	swait.ge [sflag:s16], $0x3C00  }
0x14e: {  	[sflag:s16] =	ssyncset.done $0x0  }
0x14f: {  	[sflag:s16] =	ssyncadd.s32 $0xFFFFC400  }
0x150: {  	[spmem:s2] =	stream.indirect.scatter.add.f32 [tilespmem:s13], [sflag:$0x4], $0x80, s11, s12, $0xb8;
	v63 =	vld [tilespmem:$0x0]  }
0x151: {  	_ =	swait.ge [sflag:s17], $0x3C00  }
0x152: {  	[sflag:s17] =	ssyncset.done $0x0  }
0x153: {  	s8 =	rddreg [dreg:$0x7];
	[sflag:s17] =	ssyncadd.s32 $0xFFFFC400  }
0x154: {  	[tilespmem:s13], [sflag:$0x1] =	stream.indirect.gather [hbm4b:s4+s12], $0x80, s8, s12, $0xb8;
	v63 =	vld [tilespmem:$0x0]  }
0x155: {  	_ =	swait.ge [sflag:s18], $0x3C00  }
0x156: {  	[sflag:s18] =	ssyncset.done $0x0  }
0x157: {  	s9 =	rddreg [dreg:$0x8];
	[sflag:s18] =	ssyncadd.s32 $0xFFFFC400  }
0x158: {  	[spmem:s2] =	stream.indirect.scatter.add.f32 [tilespmem:s14], [sflag:$0x5], $0x80, s9, s12, $0xb8;
	v63 =	vld [tilespmem:$0x0]  }
0x159: {  	_ =	swait.ge [sflag:s19], $0x3C00  }
0x15a: {  	[sflag:s19] =	ssyncset.done $0x0  }
0x15b: {  	s7 =	rddreg [dreg:$0x9];
	[sflag:s19] =	ssyncadd.s32 $0xFFFFC400  }
0x15c: {  	[tilespmem:s14], [sflag:$0x2] =	stream.indirect.gather [hbm4b:s4+s12], $0x80, s7, s12, $0xb8;
	v63 =	vld [tilespmem:$0x0]  }
0x15d: {  	_ =	swait.ge [sflag:s20], $0x3C00  }
0x15e: {  	[sflag:s20] =	ssyncset.done $0x0  }
0x15f: {  	s8 =	rddreg [dreg:$0xa];
	[sflag:s20] =	ssyncadd.s32 $0xFFFFC400  }
0x160: {  	[spmem:s2] =	stream.indirect.scatter.add.f32 [tilespmem:s15], [sflag:$0x6], $0x80, s8, s12, $0xb8;
	v63 =	vld [tilespmem:$0x0]  }
0x161: {  	_ =	swait.ge [sflag:s21], $0x3C00  }
0x162: {  	[sflag:s21] =	ssyncset.done $0x0  }
0x163: {  	s9 =	rddreg [dreg:$0xb];
	[sflag:s21] =	ssyncadd.s32 $0xFFFFC400  }
0x164: {  	[tilespmem:s15], [sflag:$0x3] =	stream.indirect.gather [hbm4b:s4+s12], $0x80, s9, s12, $0xb8;
	v63 =	vld [tilespmem:$0x0]  }
0x165: {  	_ =	swait.ge [sflag:s16], $0x3C00  }
0x166: {  	[sflag:s16] =	ssyncset.done $0x0  }
0x167: {  	s7 =	rddreg [dreg:$0xc];
	[sflag:s16] =	ssyncadd.s32 $0xFFFFC400  }
0x168: {  	[spmem:s2] =	stream.indirect.scatter.add.f32 [tilespmem:s13], [sflag:$0x4], $0x80, s7, s12, $0xb8;
	v63 =	vld [tilespmem:$0x0]  }
0x169: {  	_ =	swait.ge [sflag:s17], $0x3C00  }
0x16a: {  	[sflag:s17] =	ssyncset.done $0x0  }
0x16b: {  	s8 =	rddreg [dreg:$0xd];
	[sflag:s17] =	ssyncadd.s32 $0xFFFFC400  }
0x16c: {  	[tilespmem:s13], [sflag:$0x1] =	stream.indirect.gather [hbm4b:s4+s12], $0x80, s8, s12, $0xb8;
	v63 =	vld [tilespmem:$0x0]  }
0x16d: {  	_ =	swait.ge [sflag:s18], $0x3C00  }
0x16e: {  	[sflag:s18] =	ssyncset.done $0x0  }
0x16f: {  	s9 =	rddreg [dreg:$0xe];
	[sflag:s18] =	ssyncadd.s32 $0xFFFFC400  }
0x170: {  	[spmem:s2] =	stream.indirect.scatter.add.f32 [tilespmem:s14], [sflag:$0x5], $0x80, s9, s12, $0xb8;
	v63 =	vld [tilespmem:$0x0]  }
0x171: {  	_ =	swait.ge [sflag:s19], $0x3C00  }
0x172: {  	[sflag:s19] =	ssyncset.done $0x0  }
0x173: {  	s7 =	rddreg [dreg:$0xf];
	[sflag:s19] =	ssyncadd.s32 $0xFFFFC400  }
0x174: {  	[tilespmem:s14], [sflag:$0x2] =	stream.indirect.gather [hbm4b:s4+s12], $0x80, s7, s12, $0xb8;
	v63 =	vld [tilespmem:$0x0]  }
0x175: {  	_ =	swait.ge [sflag:s20], $0x3C00  }
0x176: {  	[sflag:s20] =	ssyncset.done $0x0  }
0x177: {  	s8 =	rddreg [dreg:$0x10];
	[sflag:s20] =	ssyncadd.s32 $0xFFFFC400  }
0x178: {  	[spmem:s2] =	stream.indirect.scatter.add.f32 [tilespmem:s15], [sflag:$0x6], $0x80, s8, s12, $0xb8;
	v63 =	vld [tilespmem:$0x0]  }
0x179: {  	_ =	swait.ge [sflag:s21], $0x3C00  }
0x17a: {  	[sflag:s21] =	ssyncset.done $0x0  }
0x17b: {  	s9 =	rddreg [dreg:$0x11];
	[sflag:s21] =	ssyncadd.s32 $0xFFFFC400  }
0x17c: {  	[tilespmem:s15], [sflag:$0x3] =	stream.indirect.gather [hbm4b:s4+s12], $0x80, s9, s12, $0xb8;
	v63 =	vld [tilespmem:$0x0]  }
0x17d: {  	_ =	swait.ge [sflag:s16], $0x3C00  }
0x17e: {  	[sflag:s16] =	ssyncset.done $0x0  }
0x17f: {  	s7 =	rddreg [dreg:$0x12];
	[sflag:s16] =	ssyncadd.s32 $0xFFFFC400  }
0x180: {  	[spmem:s2] =	stream.indirect.scatter.add.f32 [tilespmem:s13], [sflag:$0x4], $0x80, s7, s12, $0xb8;
	v63 =	vld [tilespmem:$0x0]  }
0x181: {  	_ =	swait.ge [sflag:s17], $0x3C00  }
0x182: {  	[sflag:s17] =	ssyncset.done $0x0  }
0x183: {  	s8 =	rddreg [dreg:$0x13];
	[sflag:s17] =	ssyncadd.s32 $0xFFFFC400  }
0x184: {  	[tilespmem:s13], [sflag:$0x1] =	stream.indirect.gather [hbm4b:s4+s12], $0x80, s8, s12, $0xb8;
	v63 =	vld [tilespmem:$0x0]  }
0x185: {  	_ =	swait.ge [sflag:s18], $0x3C00  }
0x186: {  	[sflag:s18] =	ssyncset.done $0x0  }
0x187: {  	s9 =	rddreg [dreg:$0x14];
	[sflag:s18] =	ssyncadd.s32 $0xFFFFC400  }
0x188: {  	[spmem:s2] =	stream.indirect.scatter.add.f32 [tilespmem:s14], [sflag:$0x5], $0x80, s9, s12, $0xb8;
	v63 =	vld [tilespmem:$0x0]  }
0x189: {  	_ =	swait.ge [sflag:s19], $0x3C00  }
0x18a: {  	[sflag:s19] =	ssyncset.done $0x0  }
0x18b: {  	s7 =	rddreg [dreg:$0x15];
	[sflag:s19] =	ssyncadd.s32 $0xFFFFC400  }
0x18c: {  	[tilespmem:s14], [sflag:$0x2] =	stream.indirect.gather [hbm4b:s4+s12], $0x80, s7, s12, $0xb8;
	v63 =	vld [tilespmem:$0x0]  }
0x18d: {  	_ =	swait.ge [sflag:s20], $0x3C00  }
0x18e: {  	[sflag:s20] =	ssyncset.done $0x0  }
0x18f: {  	s8 =	rddreg [dreg:$0x16];
	[sflag:s20] =	ssyncadd.s32 $0xFFFFC400  }
0x190: {  	[spmem:s2] =	stream.indirect.scatter.add.f32 [tilespmem:s15], [sflag:$0x6], $0x80, s8, s12, $0xb8;
	v63 =	vld [tilespmem:$0x0]  }
0x191: {  	_ =	swait.ge [sflag:s21], $0x3C00  }
0x192: {  	[sflag:s21] =	ssyncset.done $0x0  }
0x193: {  	[sflag:s21] =	ssyncadd.s32 $0xFFFFC400  }
0x194: {  	[tilespmem:s15], [sflag:$0x3] =	stream.indirect.gather [hbm4b:s4+s12], $0x80, s22, s12, $0xb8;
	v63 =	vld [tilespmem:$0x0]  }
0x195: {  	_ =	swait.ge [sflag:s16], $0x3C00  }
0x196: {  	[sflag:s16] =	ssyncset.done $0x0  }
0x197: {  	[sflag:s16] =	ssyncadd.s32 $0xFFFFC400  }
0x198: {  	[spmem:s2] =	stream.indirect.scatter.add.f32 [tilespmem:s13], [sflag:$0x4], $0x80, s23, s12, $0xb8;
	v63 =	vld [tilespmem:$0x0]  }
0x199: {  	_ =	swait.ge [sflag:s17], $0x3C00  }
0x19a: {  	[sflag:s17] =	ssyncset.done $0x0  }
0x19b: {  	[sflag:s17] =	ssyncadd.s32 $0xFFFFC400  }
0x19c: {  	[tilespmem:s13], [sflag:$0x1] =	stream.indirect.gather [hbm4b:s4+s12], $0x80, s24, s12, $0xb8;
	v63 =	vld [tilespmem:$0x0]  }
0x19d: {  	_ =	swait.ge [sflag:s18], $0x3C00  }
0x19e: {  	[sflag:s18] =	ssyncset.done $0x0  }
0x19f: {  	[sflag:s18] =	ssyncadd.s32 $0xFFFFC400  }
0x1a0: {  	[spmem:s2] =	stream.indirect.scatter.add.f32 [tilespmem:s14], [sflag:$0x5], $0x80, s25, s12, $0xb8;
	v63 =	vld [tilespmem:$0x0]  }
0x1a1: {  	_ =	swait.ge [sflag:s19], $0x3C00  }
0x1a2: {  	[sflag:s19] =	ssyncset.done $0x0  }
0x1a3: {  	[sflag:s19] =	ssyncadd.s32 $0xFFFFC400  }
0x1a4: {  	[tilespmem:s14], [sflag:$0x2] =	stream.indirect.gather [hbm4b:s4+s12], $0x80, s26, s12, $0xb8;
	v63 =	vld [tilespmem:$0x0]  }
0x1a5: {  	_ =	swait.ge [sflag:s20], $0x3C00  }
0x1a6: {  	[sflag:s20] =	ssyncset.done $0x0  }
0x1a7: {  	[sflag:s20] =	ssyncadd.s32 $0xFFFFC400  }
0x1a8: {  	[spmem:s2] =	stream.indirect.scatter.add.f32 [tilespmem:s15], [sflag:$0x6], $0x80, s28, s12, $0xb8;
	v63 =	vld [tilespmem:$0x0]  }
0x1a9: {  	_ =	swait.ge [sflag:s21], $0x3C00  }
0x1aa: {  	[sflag:s21] =	ssyncset.done $0x0  }
0x1ab: {  	[sflag:s21] =	ssyncadd.s32 $0xFFFFC400  }
0x1ac: {  	[tilespmem:s15], [sflag:$0x3] =	stream.indirect.gather [hbm4b:s4+s12], $0x80, s29, s12, $0xb8;
	v63 =	vld [tilespmem:$0x0]  }
0x1ad: {  	_ =	swait.ge [sflag:s16], $0x3C00  }
0x1ae: {  	[sflag:s16] =	ssyncset.done $0x0  }
0x1af: {  	[sflag:s16] =	ssyncadd.s32 $0xFFFFC400  }
0x1b0: {  	[spmem:s2] =	stream.indirect.scatter.add.f32 [tilespmem:s13], [sflag:$0x4], $0x80, s30, s12, $0xb8;
	v63 =	vld [tilespmem:$0x0]  }
0x1b1: {  	_ =	swait.ge [sflag:s17], $0x3C00  }
0x1b2: {  	[sflag:s17] =	ssyncset.done $0x0  }
0x1b3: {  	[sflag:s17] =	ssyncadd.s32 $0xFFFFC400  }
0x1b4: {  	[tilespmem:s13], [sflag:$0x1] =	stream.indirect.gather [hbm4b:s4+s12], $0x80, s31, s12, $0xb8;
	v63 =	vld [tilespmem:$0x0]  }
0x1b5: {  	_ =	swait.ge [sflag:s18], $0x3C00  }
0x1b6: {  	[sflag:s18] =	ssyncset.done $0x0  }
0x1b7: {  	[sflag:s18] =	ssyncadd.s32 $0xFFFFC400  }
0x1b8: {  	[spmem:s2] =	stream.indirect.scatter.add.f32 [tilespmem:s14], [sflag:$0x5], $0x80, s1, s12, $0xb8;
	v63 =	vld [tilespmem:$0x0]  }
0x1b9: {  	_ =	swait.ge [sflag:s20], $0x3C00  }
0x1ba: {  	[sflag:s20] =	ssyncset.done $0x0  }
0x1bb: {  	[sflag:s20] =	ssyncadd.s32 $0xFFFFC400  }
0x1bc: {  	[spmem:s2] =	stream.indirect.scatter.add.f32 [tilespmem:s15], [sflag:$0x6], $0x80, s0, s12, $0xb8;
	v63 =	vld [tilespmem:$0x0]  }
0x1bd: {  	_ =	swait.ge [sflag:s16], $0x3C00  }
0x1be: {  	[sflag:s16] =	ssyncset.done $0x0  }
0x1bf: {  	[sflag:s16] =	ssyncadd.s32 $0xFFFFC400  }
0x1c0: {  	[spmem:s2] =	stream.indirect.scatter.add.f32 [tilespmem:s13], [sflag:$0x4], $0x80, s5, s12, $0xb8;
	v63 =	vld [tilespmem:$0x0]  }
0x1c1: {  	_ =	swait.ge [sflag:s17], $0x3C00  }
0x1c2: {  	[sflag:s17] =	ssyncset.done $0x0  }
0x1c3: {  	[sflag:s17] =	ssyncadd.s32 $0xFFFFC400  }
0x1c4: {  	_ =	swait.ge [sflag:s19], $0x3C00  }
0x1c5: {  	[sflag:s19] =	ssyncset.done $0x0  }
0x1c6: {  	[sflag:s19] =	ssyncadd.s32 $0xFFFFC400  }
0x1c7: {  	_ =	swait.ge [sflag:s21], $0x3C00  }
0x1c8: {  	[sflag:s21] =	ssyncset.done $0x0  }
0x1c9: {  	[sflag:s21] =	ssyncadd.s32 $0xFFFFC400  }
0x1ca: {  	[bflag:$0x0] =	sbarrier.arrive $0xFFFF  }
0x1cb: {  	s7 =	rddreg [dreg:$0x18]  }
0x1cc: {  	s9 =	rddreg [dreg:$0x19]  }
0x1cd: {  	s8 =	rddreg [dreg:$0x1b]  }
0x1ce: {  	[hbm:s9], [sflag:s7] =	dma.local [spmem:s8], $0x2780  }
0x1cf: {  	_ =	swait.ge [sflag:s10], $0x2780  }
0x1d0: {  	s6 =	rddreg [dreg:$0x1c]  }
0x1d1: {  	s9 =	sadd.s32 $0x1, s6;
	s6 =	rddreg [dreg:$0x1a]  }
0x1d2: {  	p0 =	sne.s32 s9, s6  }
.Ltmp1:
0x1d3: {  	_ = 	snop;
	(pc) =	sbr.rel @p0 .LBB2_1-.Ltmp1, $3  }
0x1d4: {  	_ =	sdelay $0x1  }
0x1d5: {  	[sflag:s10] =	ssyncset.done $0x0  }
0x1d6: {  	[sflag:s10] =	ssyncadd.s32 $0xFFFFD880  }
0x1d7: {  	_ =	sfence.sel $0x180000  }
0x1d8: {  	[bflag:$0x0] =	sbarrier.arrive $0xFFFF  }
0x1d9: {  	_ =	strace $0x90000047  }
0x1da: {  	s0 =	stileid.u32;
	[bflag:$0x2] =	sbarrier.arrive $0xFFFF  }
0x1db: {  	p0 =	sne.s32 s0, $0x0;
	s0 =	rddreg [dreg:$0x2]  }
0x1dc: {  	s0 =	sadd.s32 @!p0 $0x100000, s0  }
0x1dd: {  	[sflag:s0] =	ssyncadd.tile.s32 @!p0 $0x1;
	_ =	shalt  }
.Lfunc_end2:
_tile_overlayer_lowered:
.L_overlay_start_2:
0x1de: {  	(tag) =	ssettag $0x2  }
0x1df: {  	s0 =	rddreg [dreg:$0x0];
	s2 =	stileid.u32  }
0x1e0: {  	s1 =	rddreg [dreg:$0x1];
	p0 =	sne.s32 s2, $0x0  }
0x1e1: {  	s3 =	rddreg [dreg:$0x2];
	[bflag:$0x3] =	sbarrier.arrive $0xFFFF;
	s2 =	simm.s32 @!p0 $0x1C07  }
0x1e2: {  	[timem:s3], [sflag:s2] =	dma.local @!p0 [hbm:s0], s1  }
0x1e3: {  	s0 =	simm.s32 @!p0 $0x7  }
0x1e4: {  	_ =	swait.ge @!p0 [sflag:s0], s1  }
0x1e5: {  	s1 =	ssub.s32 @!p0 $0x0, s1;
	[sflag:s0] =	ssyncset.done @!p0 $0x0  }
0x1e6: {  	[sflag:s0] =	ssyncadd.s32 @!p0 s1  }
0x1e7: {  	[bflag:$0x3] =	sbarrier.arrive $0xFFFF  }
0x1e8: {  	_ =	shalt  }

// kernel: kernel.14.cloned.1.call-start
scs
__scs_entry_jumppad:
0x0: {  	(pc) =	sbr.rel $0x88, $3  }
0x1: {  	(tag) =	ssettag $0x0;
	lr =	simm.s32 $0x1  }
0x2: {  	[smem:$0x3F77] =	sst lr;
	_ =	strace $0xD0000000  }
0x3: {  	_ = 	snop  }
0x4: {  	_ = 	snop  }
0x5: {  	_ = 	snop  }
0x6: {  	_ = 	snop  }
0x7: {  	_ = 	snop  }
__scs_overlays_trampoline_lowered:
0x8: {  	[smem:$0x3F86] =	sst s0  }
0x9: {  	[smem:$0x3F87] =	sst s1  }
0xa: {  	[smem:$0x3F88] =	sst s2  }
0xb: {  	[smem:$0x3F89] =	sst s3  }
0xc: {  	[smem:$0x3F8A] =	sst s4  }
0xd: {  	[smem:$0x3F8B] =	sst s5  }
0xe: {  	[smem:$0x3F8C] =	sst s6  }
0xf: {  	[smem:$0x3F8D] =	sst s7  }
0x10: {  	[smem:$0x3F8E] =	sst s8  }
0x11: {  	[smem:$0x3F8F] =	sst s9;
	s0 =	simm.s32 @!p0 $0x0  }
0x12: {  	s1 =	sld [smem:$0x3F75];
	s0 =	simm.s32 @p0 $0x1  }
0x13: {  	[smem:$0x3F90] =	sst s0;
	s0 =	simm.s32 @!p1 $0x0  }
0x14: {  	s2 =	sld [smem:$0x3F74];
	s0 =	simm.s32 @p1 $0x1  }
0x15: {  	[smem:$0x3F91] =	sst s0;
	s0 =	simm.s32 @!p2 $0x0  }
0x16: {  	s3 =	sld [smem:$0x3FDB];
	s0 =	simm.s32 @p2 $0x1  }
0x17: {  	s4 =	simm.s32 $0x1BF5;
	[smem:$0x3F93] =	sst s0  }
0x18: {  	s0 =	sld [smem:$0x3F76];
	_ =	swait.ge [sflag:s4], $0x0  }
0x19: {  	s7 =	sld [smem:$0x3F77]  }
0x1a: {  	s8 =	sadd.s32 $0xFFFFE003, lr  }
0x1b: {  	s9 =	sadd.s32 $0xFFFFFEF7, lr;
	s5 =	simm.s32 $0xFFFFFFFF;
	p2 =	slt.u32 s8, $0xFFFFF086  }
0x1c: {  	p1 =	slt.u32 s9, $0xF7A;
	s5 =	simm.s32 @!p2 $0x0  }
0x1d: {  	s5 =	simm.s32 @p1 $0x1;
	p0 =	seq.s32 s7, s2  }
0x1e: {  	s7 =	smul.u32 @!p0 $0xF7A, s2;
	p2 =	seq.s32 @!p0 s5, $0x0  }
0x1f: {  	s9 =	smul.u32 $0xF7A, s1;
	s8 =	simm.s32 @!p0 $0x1BF5;
	p2 =	por !p2, p0  }
0x20: {  	[sflag:s8] =	ssyncset.s32 @!p0 $0xFFFFF086;
	s6 =	sadd.s32 @!p0 s3, s7;
	s7 =	simm.s32 @!p0 $0x108  }
0x21: {  	s3 =	sadd.s32 s3, s9;
	s6 =	sadd.s32 @!p0 $0x88, s6;
	s7 =	simm.s32 @p2 $0x1082  }
0x22: {  	[simem:s7], [sflag:s8] =	dma.local @!p0 [hbm:s6], $0xF7A  }
0x23: {  	s9 =	sor.u32 $0xD0000000, s2;
	s6 =	simm.s32 $0x108;
	_ =	swait.ge @!p0 [sflag:s8], $0x0  }
0x24: {  	s3 =	sadd.s32 $0x88, s3;
	s6 =	simm.s32 @!p1 $0x1082;
	[sflag:s4] =	ssyncset.s32 $0xFFFFF086  }
0x25: {  	[simem:s6], [sflag:s4] =	dma.local [hbm:s3], $0xF7A  }
0x26: {  	[smem:$0x3F77] =	sst s1;
	(tag) =	ssettag s2;
	_ =	strace s9  }
0x27: {  	s1 =	sld [smem:$0x3F87]  }
0x28: {  	s2 =	sld [smem:$0x3F88]  }
0x29: {  	s4 =	sld [smem:$0x3F8A]  }
0x2a: {  	p0 =	seq.s32 s5, $0x0;
	s5 =	sld [smem:$0x3F8B]  }
0x2b: {  	s6 =	sld [smem:$0x3F8C]  }
0x2c: {  	s7 =	sld [smem:$0x3F8D]  }
0x2d: {  	s3 =	simm.s32 $0x108;
	s8 =	sld [smem:$0x3F8E]  }
0x2e: {  	s3 =	simm.s32 @!p0 $0x1082;
	s9 =	sld [smem:$0x3F8F]  }
0x2f: {  	lr =	sadd.s32 s0, s3;
	s0 =	sld [smem:$0x3F86]  }
0x30: {  	s3 =	sld [smem:$0x3F89]  }
0x31: {  	[smem:$0x3F92] =	sst s10  }
0x32: {  	s10 =	sld [smem:$0x3F90];
	_ =	sdelay $0x3  }
0x33: {  	p0 =	seq.s32 s10, $0x1;
	s10 =	sld [smem:$0x3F92];
	_ =	sdelay $0x3  }
0x34: {  	[smem:$0x3F92] =	sst s10  }
0x35: {  	s10 =	sld [smem:$0x3F91];
	_ =	sdelay $0x3  }
0x36: {  	p1 =	seq.s32 s10, $0x1;
	s10 =	sld [smem:$0x3F92];
	_ =	sdelay $0x3  }
0x37: {  	[smem:$0x3F92] =	sst s10  }
0x38: {  	s10 =	sld [smem:$0x3F93]  }
0x39: {  	_ = 	snop;
	(pc) =	sbr.ind lr, $3  }
0x3a: {  	_ = 	snop  }
0x3b: {  	_ = 	snop  }
0x3c: {  	p2 =	seq.s32 s10, $0x1;
	s10 =	sld [smem:$0x3F92]  }
0x3d: {  	_ =	shalt  }
0x3e: {  	_ =	shalt  }
0x3f: {  	_ =	shalt  }
0x40: {  	_ =	shalt  }
0x41: {  	_ =	shalt  }
0x42: {  	_ =	shalt  }
0x43: {  	_ =	shalt  }
0x44: {  	_ =	shalt  }
0x45: {  	_ =	shalt  }
0x46: {  	_ =	shalt  }
0x47: {  	_ =	shalt  }
0x48: {  	_ =	shalt  }
0x49: {  	_ =	shalt  }
0x4a: {  	_ =	shalt  }
0x4b: {  	_ =	shalt  }
0x4c: {  	_ =	shalt  }
0x4d: {  	_ =	shalt  }
0x4e: {  	_ =	shalt  }
0x4f: {  	_ =	shalt  }
0x50: {  	_ =	shalt  }
0x51: {  	_ =	shalt  }
0x52: {  	_ =	shalt  }
0x53: {  	_ =	shalt  }
0x54: {  	_ =	shalt  }
0x55: {  	_ =	shalt  }
0x56: {  	_ =	shalt  }
0x57: {  	_ =	shalt  }
0x58: {  	_ =	shalt  }
0x59: {  	_ =	shalt  }
0x5a: {  	_ =	shalt  }
0x5b: {  	_ =	shalt  }
0x5c: {  	_ =	shalt  }
0x5d: {  	_ =	shalt  }
0x5e: {  	_ =	shalt  }
0x5f: {  	_ =	shalt  }
0x60: {  	_ =	shalt  }
0x61: {  	_ =	shalt  }
0x62: {  	_ =	shalt  }
0x63: {  	_ =	shalt  }
0x64: {  	_ =	shalt  }
0x65: {  	_ =	shalt  }
0x66: {  	_ =	shalt  }
0x67: {  	_ =	shalt  }
0x68: {  	_ =	shalt  }
0x69: {  	_ =	shalt  }
0x6a: {  	_ =	shalt  }
0x6b: {  	_ =	shalt  }
0x6c: {  	_ =	shalt  }
0x6d: {  	_ =	shalt  }
0x6e: {  	_ =	shalt  }
0x6f: {  	_ =	shalt  }
0x70: {  	_ =	shalt  }
0x71: {  	_ =	shalt  }
0x72: {  	_ =	shalt  }
0x73: {  	_ =	shalt  }
0x74: {  	_ =	shalt  }
0x75: {  	_ =	shalt  }
0x76: {  	_ =	shalt  }
0x77: {  	_ =	shalt  }
0x78: {  	_ =	shalt  }
0x79: {  	_ =	shalt  }
0x7a: {  	_ =	shalt  }
0x7b: {  	_ =	shalt  }
0x7c: {  	_ =	shalt  }
0x7d: {  	_ =	shalt  }
0x7e: {  	_ =	shalt  }
0x7f: {  	_ =	shalt  }
0x80: {  	_ =	shalt  }
0x81: {  	_ =	shalt  }
0x82: {  	_ =	shalt  }
0x83: {  	_ =	shalt  }
0x84: {  	_ =	shalt  }
0x85: {  	_ =	shalt  }
0x86: {  	_ =	shalt  }
0x87: {  	_ =	shalt  }
.Lfunc_end0:
.L_simem_size_0:
called_computation.1_lowered:
.L_overlay_start_0:
0x88: {  	s2 =	sld [smem:$0x3FD9]  }
0x89: {  	s3 =	sld [smem:$0x3FFE];
	_ =	sdelay $0x1  }
0x8a: {  	s1 =	srdreg.scid  }
0x8b: {  	s0 =	sand.u32 $0x1, s1  }
0x8c: {  	s16 =	sshll.u32 s0, $0xA;
	s2 =	sadd.s32 s3, s2  }
0x8d: {  	s2 =	sadd.s32 s2, s16  }
0x8e: {  	[smem:$0x3F9E] =	sst s2  }
0x8f: {  	_ = 	snop  }
0x90: {  	(tm) =	ssettm $0x1  }
0x91: {  	s17 =	sld [smem:$0x3FFB];
	_ =	sdelay $0x3  }
0x92: {  	_ =	strace s17  }
0x93: {  	s2 =	sld [smem:$0x3FFC];
	_ =	sdelay $0x3  }
0x94: {  	_ =	strace s2  }
0x95: {  	s2 =	sld [smem:$0x3FFD];
	_ =	sdelay $0x3  }
0x96: {  	_ =	strace s2  }
0x97: {  	_ =	strace $0x8FFFFFFF  }
0x98: {  	s18 =	sld [smem:$0x3FDB];
	_ =	sdelay $0x1  }
0x99: {  	s19 =	simm.s32 $_scs_section_size  }
0x9a: {  	s4 =	simm.s32 $_size__tile_overlayer_lowered;
	s5 =	simm.s32 $_tile_overlayer_lowered  }
0x9b: {  	s22 =	simm.s32 $0x1BFF;
	s21 =	sshll.u32 s5, $0x1;
	s2 =	sadd.s32 s19, s18  }
0x9c: {  	s6 =	simm.s32 $0x0;
	s20 =	sshll.u32 s4, $0x1;
	s4 =	sadd.s32 s21, s2  }
0x9d: {  	[timem:s6], [sflag:s22] =	dma.local [hbm:s4], s20  }
0x9e: {  	_ =	swait.ge [sflag:s22], s20  }
0x9f: {  	s3 =	ssub.s32 $0x0, s20;
	[sflag:s22] =	ssyncset.done $0x0  }
0xa0: {  	[sflag:s22] =	ssyncadd.s32 s3;
	_ =	sdelay $0x1  }
0xa1: {  	s23 =	simm.s32 $0x1B8B  }
0xa2: {  	_ =	swait.ge [sflag:s23], $0x1  }
0xa3: {  	[sflag:s23] =	ssyncset.done $0x0  }
0xa4: {  	s25 =	simm.s32 $0x1B8E;
	s24 =	sld [smem:$0x3FFE];
	[sflag:s23] =	ssyncadd.s32 $0xFFFFFFFF  }
0xa5: {  	s26 =	simm.s32 $execute0_lowered;
	[smem:$0x3FD2] =	sst s25  }
0xa6: {  	s4 =	sshll.u32 s26, $0x1;
	_ =	strace $0x80000049;
	[dreg:$0x1] =	wrdreg $0xFFFFFFFF  }
0xa7: {  	s28 =	simm.s32 $_size_execute0_lowered;
	s2 =	sadd.s32 s2, s4;
	[dreg:$0x0] =	wrdreg $0x0  }
0xa8: {  	s4 =	sshll.u32 s28, $0x1;
	[dreg:$0x2] =	wrdreg s2  }
0xa9: {  	[dreg:$0x3] =	wrdreg s4  }
0xaa: {  	[dreg:$0x4] =	wrdreg $0xC0  }
0xab: {  	_ =	task [dreg:s6], $0x5FFFF  }
0xac: {  	[dreg:$0x1] =	wrdreg $0xFFFFFFFF  }
0xad: {  	[dreg:$0x0] =	wrdreg $0x60  }
0xae: {  	[dreg:$0x2] =	wrdreg s24  }
0xaf: {  	[dreg:$0x3] =	wrdreg $0xC4000  }
0xb0: {  	[dreg:$0x4] =	wrdreg $0x9  }
0xb1: {  	_ =	task.clear_ibuf [dreg:s6], $0x5FFFF;
	_ =	strace $0x90000049  }
0xb2: {  	s29 =	simm.s32 $0x9;
	_ =	strace $0x8000004B  }
0xb3: {  	_ =	swait.ge [sflag:s29], $0x1  }
0xb4: {  	[sflag:s29] =	ssyncadd.s32 $0xFFFFFFFF  }
0xb5: {  	_ =	strace $0x9000004B  }
0xb6: {  	_ =	sfence  }
0xb7: {  	s30 =	sld [smem:$0x0];
	_ =	sdelay $0x2  }
0xb8: {  	s31 =	sshll.u32 s1, $0xD;
	s1 =	sshrl.u32 s1, $0x2  }
0xb9: {  	s3 =	sand.u32 $0x4000, s31;
	s1 =	sadd.s32 s1, s30  }
0xba: {  	s0 =	sor.u32 s3, s0;
	s1 =	sshll.u32 s1, $0x11  }
0xbb: {  	s0 =	sor.u32 s1, s0  }
0xbc: {  	s0 =	sadd.s32 $0x8F2B, s0  }
0xbd: {  	[sflag:s0] =	ssyncadd.remote.s32 $0x1  }
0xbe: {  	_ =	sfence.sel $0xFFFF  }
0xbf: {  	[dreg:$0x0] =	wrdreg $0xFFFFFFFF;
	(pc) =	sbr.abs _section_cstart, $3  }
0xc0: {  	[dreg:$0x1] =	wrdreg $0xFFFFFFFF  }
0xc1: {  	_ =	task.clear_ibuf [dreg:s6], $0x2FFFF;
	_ =	strace $0x9FFFFFFF  }
0xc2: {  	(tm) =	ssettm $0x7FFFFFFF  }
0xc3: {  	_ =	shalt  }
tec
execute0_lowered:
.L_overlay_start_1:
0x0: {  	(tag) =	ssettag $0x1  }
0x1: {  	s0 =	srdreg.scid;
	s5 =	rddreg [dreg:$0x0]  }
0x2: {  	s9 =	stileid.u32;
	s2 =	rddreg [dreg:$0x1];
	s3 =	simm.s32 $0x0  }
0x3: {  	s11 =	simm.s32 $0x180;
	s12 =	simm.s32 $0x880;
	s13 =	simm.s32 $0x200  }
0x4: {  	s14 =	simm.s32 $0x900;
	s15 =	simm.s32 $0x280;
	s16 =	simm.s32 $0x980  }
0x5: {  	s17 =	simm.s32 $0x300;
	[smem:$0x7FF] =	sst s3;
	s23 =	sadd.s32 $0x82400, s5  }
0x6: {  	s18 =	simm.s32 $0xA00;
	_ =	strace $0x8000004A;
	[dreg:$0x17] =	wrdreg s23  }
0x7: {  	s19 =	simm.s32 $0x380;
	s20 =	simm.s32 $0xA80;
	[dreg:$0x7] =	wrdreg s11  }
0x8: {  	s21 =	simm.s32 $0x400;
	s22 =	simm.s32 $0xB00;
	[dreg:$0x8] =	wrdreg s12  }
0x9: {  	s28 =	simm.s32 $0xD80;
	s29 =	simm.s32 $0x700;
	[dreg:$0x9] =	wrdreg s13  }
0xa: {  	s30 =	simm.s32 $0xE00;
	s4 =	smul.u32 $0x5800, s9;
	[dreg:$0xa] =	wrdreg s14  }
0xb: {  	s31 =	simm.s32 $0x780;
	s7 =	smul.u32 $0x13C00, s9;
	[dreg:$0xb] =	wrdreg s15  }
0xc: {  	s0 =	sand.u32 $0x1, s0;
	s25 =	smul.u32 $0x4F000, s9;
	[dreg:$0xc] =	wrdreg s16  }
0xd: {  	s10 =	sshll.u32 s9, $0x6;
	s1 =	smul.u32 $0x58000, s0;
	[dreg:$0xd] =	wrdreg s17  }
0xe: {  	s9 =	simm.s32 $0x0;
	s6 =	smul.u32 $0x13C000, s0;
	[dreg:$0xe] =	wrdreg s18  }
0xf: {  	s0 =	ssub.s32 $0x2, s0;
	s11 =	simm.s32 $0x800;
	[dreg:$0xf] =	wrdreg s19  }
0x10: {  	s12 =	simm.s32 $0x78;
	s13 =	simm.s32 $0x1000;
	[dreg:$0x10] =	wrdreg s20  }
0x11: {  	s14 =	simm.s32 $0x4C00;
	s15 =	simm.s32 $0x8800;
	[dreg:$0x11] =	wrdreg s21  }
0x12: {  	s16 =	simm.s32 $0x1;
	s17 =	simm.s32 $0x4;
	[dreg:$0x12] =	wrdreg s22  }
0x13: {  	s23 =	simm.s32 $0x480;
	s18 =	simm.s32 $0x2;
	s19 =	simm.s32 $0x5  }
0x14: {  	s20 =	simm.s32 $0x3;
	s21 =	simm.s32 $0x6;
	s22 =	simm.s32 $0x580  }
0x15: {  	s24 =	sshrl.u32 s0, $0x1;
	s26 =	sshrl.u32 s25, $0x2;
	[dreg:$0x13] =	wrdreg s23  }
0x16: {  	s25 =	simm.s32 $0x500;
	s23 =	simm.s32 $0xC80;
	s1 =	sadd.s32 s4, s1  }
0x17: {  	s6 =	sadd.s32 s7, s6;
	s4 =	sadd.s32 $0x8200, s5;
	s0 =	ssub.s32 s0, s24  }
0x18: {  	s7 =	simm.s32 $0x80;
	s24 =	simm.s32 $0xB80;
	[dreg:$0x15] =	wrdreg s25  }
0x19: {  	s1 =	sshrl.u32 s1, $0x3;
	s6 =	sshrl.u32 s6, $0x3;
	[dreg:$0x5] =	wrdreg s7  }
0x1a: {  	s7 =	sor.u32 $0x1C07, s10;
	s0 =	smax.u32 s0, $0x1;
	[dreg:$0x14] =	wrdreg s24  }
0x1b: {  	s1 =	sadd.s32 s1, s5;
	s5 =	sadd.s32 s6, s5;
	[dreg:$0x1a] =	wrdreg s0  }
0x1c: {  	s6 =	sadd.s32 s26, s2;
	s26 =	simm.s32 $0xC00;
	[dreg:$0x18] =	wrdreg s7  }
0x1d: {  	s25 =	simm.s32 $0xD00;
	s8 =	sadd.s32 $0x6C400, s1;
	[dreg:$0x16] =	wrdreg s26  }
0x1e: {  	s10 =	simm.s32 $0x7;
	s1 =	sadd.s32 $0x56400, s1;
	[dreg:$0x3] =	wrdreg s8  }
0x1f: {  	s24 =	simm.s32 $0x600;
	s5 =	sadd.s32 $0x84C00, s5;
	[dreg:$0x4] =	wrdreg s1  }
0x20: {  	s0 =	simm.s32 $0xF00;
	s8 =	simm.s32 $0x100;
	[dreg:$0x19] =	wrdreg s5  }
0x21: {  	s26 =	simm.s32 $0x680;
	[dreg:$0x6] =	wrdreg s8;
	s8 =	sshrl.u32 s6, $0x3  }
0x22: {  	s1 =	simm.s32 $0xE80;
	s5 =	simm.s32 $0xF80;
	[dreg:$0x1b] =	wrdreg s8  }
.LBB2_1:
0x23: {  	[dreg:$0x1c] =	wrdreg s9  }
0x24: {  	s6 =	rddreg [dreg:$0x17]  }
0x25: {  	[spmem:s8], [sflag:s7] =	dma.local [hbm:s6], $0x2780  }
0x26: {  	_ =	swait.ge [sflag:s10], $0x2780  }
0x27: {  	[sflag:s10] =	ssyncset.done $0x0  }
0x28: {  	[sflag:s10] =	ssyncadd.s32 $0xFFFFD880  }
0x29: {  	[bflag:$0x0] =	sbarrier.arrive $0xFFFF  }
0x2a: {  	s7 =	rddreg [dreg:$0x4]  }
0x2b: {  	s6 =	sadd.s32 $0x0, s7  }
0x2c: {  	[tilespmem:s3], [sflag:$0x7] =	stream.linear.gather [hbm4b:s6+s3], $0x800, $0x38;
	v63 =	vld [tilespmem:$0x0]  }
0x2d: {  	_ =	swait.ge [sflag:s10], $0x800  }
0x2e: {  	s8 =	rddreg [dreg:$0x3];
	[sflag:s10] =	ssyncset.done $0x0  }
0x2f: {  	[sflag:s10] =	ssyncadd.s32 $0xFFFFF800;
	s6 =	sadd.s32 $0x0, s8  }
0x30: {  	[tilespmem:s11], [sflag:$0x7] =	stream.linear.gather [hbm4b:s6+s3], $0x800, $0x38;
	v63 =	vld [tilespmem:$0x0]  }
0x31: {  	_ =	swait.ge [sflag:s10], $0x800  }
0x32: {  	[sflag:s10] =	ssyncset.done $0x0  }
0x33: {  	[sflag:s10] =	ssyncadd.s32 $0xFFFFF800  }
0x34: {  	[tilespmem:s13], [sflag:$0x1] =	stream.indirect.gather [hbm4b:s4+s12], $0x80, s3, s12, $0xb8;
	v63 =	vld [tilespmem:$0x0]  }
0x35: {  	s9 =	rddreg [dreg:$0x5]  }
0x36: {  	[tilespmem:s14], [sflag:$0x2] =	stream.indirect.gather [hbm4b:s4+s12], $0x80, s9, s12, $0xb8;
	v63 =	vld [tilespmem:$0x0]  }
0x37: {  	s7 =	rddreg [dreg:$0x6]  }
0x38: {  	[tilespmem:s15], [sflag:$0x3] =	stream.indirect.gather [hbm4b:s4+s12], $0x80, s7, s12, $0xb8;
	v63 =	vld [tilespmem:$0x0]  }
0x39: {  	_ =	swait.ge [sflag:s16], $0x3C00  }
0x3a: {  	[sflag:s16] =	ssyncset.done $0x0  }
0x3b: {  	[sflag:s16] =	ssyncadd.s32 $0xFFFFC400  }
0x3c: {  	[spmem:s2] =	stream.indirect.scatter.add.f32 [tilespmem:s13], [sflag:$0x4], $0x80, s11, s12, $0xb8;
	v63 =	vld [tilespmem:$0x0]  }
0x3d: {  	_ =	swait.ge [sflag:s17], $0x3C00  }
0x3e: {  	[sflag:s17] =	ssyncset.done $0x0  }
0x3f: {  	s9 =	rddreg [dreg:$0x7];
	[sflag:s17] =	ssyncadd.s32 $0xFFFFC400  }
0x40: {  	[tilespmem:s13], [sflag:$0x1] =	stream.indirect.gather [hbm4b:s4+s12], $0x80, s9, s12, $0xb8;
	v63 =	vld [tilespmem:$0x0]  }
0x41: {  	_ =	swait.ge [sflag:s18], $0x3C00  }
0x42: {  	[sflag:s18] =	ssyncset.done $0x0  }
0x43: {  	s7 =	rddreg [dreg:$0x8];
	[sflag:s18] =	ssyncadd.s32 $0xFFFFC400  }
0x44: {  	[spmem:s2] =	stream.indirect.scatter.add.f32 [tilespmem:s14], [sflag:$0x5], $0x80, s7, s12, $0xb8;
	v63 =	vld [tilespmem:$0x0]  }
0x45: {  	_ =	swait.ge [sflag:s19], $0x3C00  }
0x46: {  	[sflag:s19] =	ssyncset.done $0x0  }
0x47: {  	s8 =	rddreg [dreg:$0x9];
	[sflag:s19] =	ssyncadd.s32 $0xFFFFC400  }
0x48: {  	[tilespmem:s14], [sflag:$0x2] =	stream.indirect.gather [hbm4b:s4+s12], $0x80, s8, s12, $0xb8;
	v63 =	vld [tilespmem:$0x0]  }
0x49: {  	_ =	swait.ge [sflag:s20], $0x3C00  }
0x4a: {  	[sflag:s20] =	ssyncset.done $0x0  }
0x4b: {  	s9 =	rddreg [dreg:$0xa];
	[sflag:s20] =	ssyncadd.s32 $0xFFFFC400  }
0x4c: {  	[spmem:s2] =	stream.indirect.scatter.add.f32 [tilespmem:s15], [sflag:$0x6], $0x80, s9, s12, $0xb8;
	v63 =	vld [tilespmem:$0x0]  }
0x4d: {  	_ =	swait.ge [sflag:s21], $0x3C00  }
0x4e: {  	[sflag:s21] =	ssyncset.done $0x0  }
0x4f: {  	s7 =	rddreg [dreg:$0xb];
	[sflag:s21] =	ssyncadd.s32 $0xFFFFC400  }
0x50: {  	[tilespmem:s15], [sflag:$0x3] =	stream.indirect.gather [hbm4b:s4+s12], $0x80, s7, s12, $0xb8;
	v63 =	vld [tilespmem:$0x0]  }
0x51: {  	_ =	swait.ge [sflag:s16], $0x3C00  }
0x52: {  	[sflag:s16] =	ssyncset.done $0x0  }
0x53: {  	s8 =	rddreg [dreg:$0xc];
	[sflag:s16] =	ssyncadd.s32 $0xFFFFC400  }
0x54: {  	[spmem:s2] =	stream.indirect.scatter.add.f32 [tilespmem:s13], [sflag:$0x4], $0x80, s8, s12, $0xb8;
	v63 =	vld [tilespmem:$0x0]  }
0x55: {  	_ =	swait.ge [sflag:s17], $0x3C00  }
0x56: {  	[sflag:s17] =	ssyncset.done $0x0  }
0x57: {  	s9 =	rddreg [dreg:$0xd];
	[sflag:s17] =	ssyncadd.s32 $0xFFFFC400  }
0x58: {  	[tilespmem:s13], [sflag:$0x1] =	stream.indirect.gather [hbm4b:s4+s12], $0x80, s9, s12, $0xb8;
	v63 =	vld [tilespmem:$0x0]  }
0x59: {  	_ =	swait.ge [sflag:s18], $0x3C00  }
0x5a: {  	[sflag:s18] =	ssyncset.done $0x0  }
0x5b: {  	s7 =	rddreg [dreg:$0xe];
	[sflag:s18] =	ssyncadd.s32 $0xFFFFC400  }
0x5c: {  	[spmem:s2] =	stream.indirect.scatter.add.f32 [tilespmem:s14], [sflag:$0x5], $0x80, s7, s12, $0xb8;
	v63 =	vld [tilespmem:$0x0]  }
0x5d: {  	_ =	swait.ge [sflag:s19], $0x3C00  }
0x5e: {  	[sflag:s19] =	ssyncset.done $0x0  }
0x5f: {  	s8 =	rddreg [dreg:$0xf];
	[sflag:s19] =	ssyncadd.s32 $0xFFFFC400  }
0x60: {  	[tilespmem:s14], [sflag:$0x2] =	stream.indirect.gather [hbm4b:s4+s12], $0x80, s8, s12, $0xb8;
	v63 =	vld [tilespmem:$0x0]  }
0x61: {  	_ =	swait.ge [sflag:s20], $0x3C00  }
0x62: {  	[sflag:s20] =	ssyncset.done $0x0  }
0x63: {  	s9 =	rddreg [dreg:$0x10];
	[sflag:s20] =	ssyncadd.s32 $0xFFFFC400  }
0x64: {  	[spmem:s2] =	stream.indirect.scatter.add.f32 [tilespmem:s15], [sflag:$0x6], $0x80, s9, s12, $0xb8;
	v63 =	vld [tilespmem:$0x0]  }
0x65: {  	_ =	swait.ge [sflag:s21], $0x3C00  }
0x66: {  	[sflag:s21] =	ssyncset.done $0x0  }
0x67: {  	s7 =	rddreg [dreg:$0x11];
	[sflag:s21] =	ssyncadd.s32 $0xFFFFC400  }
0x68: {  	[tilespmem:s15], [sflag:$0x3] =	stream.indirect.gather [hbm4b:s4+s12], $0x80, s7, s12, $0xb8;
	v63 =	vld [tilespmem:$0x0]  }
0x69: {  	_ =	swait.ge [sflag:s16], $0x3C00  }
0x6a: {  	[sflag:s16] =	ssyncset.done $0x0  }
0x6b: {  	s8 =	rddreg [dreg:$0x12];
	[sflag:s16] =	ssyncadd.s32 $0xFFFFC400  }
0x6c: {  	[spmem:s2] =	stream.indirect.scatter.add.f32 [tilespmem:s13], [sflag:$0x4], $0x80, s8, s12, $0xb8;
	v63 =	vld [tilespmem:$0x0]  }
0x6d: {  	_ =	swait.ge [sflag:s17], $0x3C00  }
0x6e: {  	[sflag:s17] =	ssyncset.done $0x0  }
0x6f: {  	s9 =	rddreg [dreg:$0x13];
	[sflag:s17] =	ssyncadd.s32 $0xFFFFC400  }
0x70: {  	[tilespmem:s13], [sflag:$0x1] =	stream.indirect.gather [hbm4b:s4+s12], $0x80, s9, s12, $0xb8;
	v63 =	vld [tilespmem:$0x0]  }
0x71: {  	_ =	swait.ge [sflag:s18], $0x3C00  }
0x72: {  	[sflag:s18] =	ssyncset.done $0x0  }
0x73: {  	s7 =	rddreg [dreg:$0x14];
	[sflag:s18] =	ssyncadd.s32 $0xFFFFC400  }
0x74: {  	[spmem:s2] =	stream.indirect.scatter.add.f32 [tilespmem:s14], [sflag:$0x5], $0x80, s7, s12, $0xb8;
	v63 =	vld [tilespmem:$0x0]  }
0x75: {  	_ =	swait.ge [sflag:s19], $0x3C00  }
0x76: {  	[sflag:s19] =	ssyncset.done $0x0  }
0x77: {  	s8 =	rddreg [dreg:$0x15];
	[sflag:s19] =	ssyncadd.s32 $0xFFFFC400  }
0x78: {  	[tilespmem:s14], [sflag:$0x2] =	stream.indirect.gather [hbm4b:s4+s12], $0x80, s8, s12, $0xb8;
	v63 =	vld [tilespmem:$0x0]  }
0x79: {  	_ =	swait.ge [sflag:s20], $0x3C00  }
0x7a: {  	[sflag:s20] =	ssyncset.done $0x0  }
0x7b: {  	s9 =	rddreg [dreg:$0x16];
	[sflag:s20] =	ssyncadd.s32 $0xFFFFC400  }
0x7c: {  	[spmem:s2] =	stream.indirect.scatter.add.f32 [tilespmem:s15], [sflag:$0x6], $0x80, s9, s12, $0xb8;
	v63 =	vld [tilespmem:$0x0]  }
0x7d: {  	_ =	swait.ge [sflag:s21], $0x3C00  }
0x7e: {  	[sflag:s21] =	ssyncset.done $0x0  }
0x7f: {  	[sflag:s21] =	ssyncadd.s32 $0xFFFFC400  }
0x80: {  	[tilespmem:s15], [sflag:$0x3] =	stream.indirect.gather [hbm4b:s4+s12], $0x80, s22, s12, $0xb8;
	v63 =	vld [tilespmem:$0x0]  }
0x81: {  	_ =	swait.ge [sflag:s16], $0x3C00  }
0x82: {  	[sflag:s16] =	ssyncset.done $0x0  }
0x83: {  	[sflag:s16] =	ssyncadd.s32 $0xFFFFC400  }
0x84: {  	[spmem:s2] =	stream.indirect.scatter.add.f32 [tilespmem:s13], [sflag:$0x4], $0x80, s23, s12, $0xb8;
	v63 =	vld [tilespmem:$0x0]  }
0x85: {  	_ =	swait.ge [sflag:s17], $0x3C00  }
0x86: {  	[sflag:s17] =	ssyncset.done $0x0  }
0x87: {  	[sflag:s17] =	ssyncadd.s32 $0xFFFFC400  }
0x88: {  	[tilespmem:s13], [sflag:$0x1] =	stream.indirect.gather [hbm4b:s4+s12], $0x80, s24, s12, $0xb8;
	v63 =	vld [tilespmem:$0x0]  }
0x89: {  	_ =	swait.ge [sflag:s18], $0x3C00  }
0x8a: {  	[sflag:s18] =	ssyncset.done $0x0  }
0x8b: {  	[sflag:s18] =	ssyncadd.s32 $0xFFFFC400  }
0x8c: {  	[spmem:s2] =	stream.indirect.scatter.add.f32 [tilespmem:s14], [sflag:$0x5], $0x80, s25, s12, $0xb8;
	v63 =	vld [tilespmem:$0x0]  }
0x8d: {  	_ =	swait.ge [sflag:s19], $0x3C00  }
0x8e: {  	[sflag:s19] =	ssyncset.done $0x0  }
0x8f: {  	[sflag:s19] =	ssyncadd.s32 $0xFFFFC400  }
0x90: {  	[tilespmem:s14], [sflag:$0x2] =	stream.indirect.gather [hbm4b:s4+s12], $0x80, s26, s12, $0xb8;
	v63 =	vld [tilespmem:$0x0]  }
0x91: {  	_ =	swait.ge [sflag:s20], $0x3C00  }
0x92: {  	[sflag:s20] =	ssyncset.done $0x0  }
0x93: {  	[sflag:s20] =	ssyncadd.s32 $0xFFFFC400  }
0x94: {  	[spmem:s2] =	stream.indirect.scatter.add.f32 [tilespmem:s15], [sflag:$0x6], $0x80, s28, s12, $0xb8;
	v63 =	vld [tilespmem:$0x0]  }
0x95: {  	_ =	swait.ge [sflag:s21], $0x3C00  }
0x96: {  	[sflag:s21] =	ssyncset.done $0x0  }
0x97: {  	[sflag:s21] =	ssyncadd.s32 $0xFFFFC400  }
0x98: {  	[tilespmem:s15], [sflag:$0x3] =	stream.indirect.gather [hbm4b:s4+s12], $0x80, s29, s12, $0xb8;
	v63 =	vld [tilespmem:$0x0]  }
0x99: {  	_ =	swait.ge [sflag:s16], $0x3C00  }
0x9a: {  	[sflag:s16] =	ssyncset.done $0x0  }
0x9b: {  	[sflag:s16] =	ssyncadd.s32 $0xFFFFC400  }
0x9c: {  	[spmem:s2] =	stream.indirect.scatter.add.f32 [tilespmem:s13], [sflag:$0x4], $0x80, s30, s12, $0xb8;
	v63 =	vld [tilespmem:$0x0]  }
0x9d: {  	_ =	swait.ge [sflag:s17], $0x3C00  }
0x9e: {  	[sflag:s17] =	ssyncset.done $0x0  }
0x9f: {  	[sflag:s17] =	ssyncadd.s32 $0xFFFFC400  }
0xa0: {  	[tilespmem:s13], [sflag:$0x1] =	stream.indirect.gather [hbm4b:s4+s12], $0x80, s31, s12, $0xb8;
	v63 =	vld [tilespmem:$0x0]  }
0xa1: {  	_ =	swait.ge [sflag:s18], $0x3C00  }
0xa2: {  	[sflag:s18] =	ssyncset.done $0x0  }
0xa3: {  	[sflag:s18] =	ssyncadd.s32 $0xFFFFC400  }
0xa4: {  	[spmem:s2] =	stream.indirect.scatter.add.f32 [tilespmem:s14], [sflag:$0x5], $0x80, s1, s12, $0xb8;
	v63 =	vld [tilespmem:$0x0]  }
0xa5: {  	_ =	swait.ge [sflag:s20], $0x3C00  }
0xa6: {  	[sflag:s20] =	ssyncset.done $0x0  }
0xa7: {  	[sflag:s20] =	ssyncadd.s32 $0xFFFFC400  }
0xa8: {  	[spmem:s2] =	stream.indirect.scatter.add.f32 [tilespmem:s15], [sflag:$0x6], $0x80, s0, s12, $0xb8;
	v63 =	vld [tilespmem:$0x0]  }
0xa9: {  	_ =	swait.ge [sflag:s16], $0x3C00  }
0xaa: {  	[sflag:s16] =	ssyncset.done $0x0  }
0xab: {  	[sflag:s16] =	ssyncadd.s32 $0xFFFFC400  }
0xac: {  	[spmem:s2] =	stream.indirect.scatter.add.f32 [tilespmem:s13], [sflag:$0x4], $0x80, s5, s12, $0xb8;
	v63 =	vld [tilespmem:$0x0]  }
0xad: {  	_ =	swait.ge [sflag:s17], $0x3C00  }
0xae: {  	[sflag:s17] =	ssyncset.done $0x0  }
0xaf: {  	[sflag:s17] =	ssyncadd.s32 $0xFFFFC400  }
0xb0: {  	_ =	swait.ge [sflag:s19], $0x3C00  }
0xb1: {  	[sflag:s19] =	ssyncset.done $0x0  }
0xb2: {  	[sflag:s19] =	ssyncadd.s32 $0xFFFFC400  }
0xb3: {  	s6 =	simm.s32 $0x200;
	_ =	swait.ge [sflag:s21], $0x3C00  }
0xb4: {  	s8 =	simm.s32 $0x100;
	s9 =	rddreg [dreg:$0x4];
	[sflag:s21] =	ssyncset.done $0x0  }
.LBB2_2:
0xb5: {  	[sflag:s21] =	ssyncadd.s32 $0xFFFFC400;
	s9 =	sadd.s32 s8, s9  }
0xb6: {  	[tilespmem:s3], [sflag:$0x7] =	stream.linear.gather [hbm4b:s9+s3], $0x800, $0x38;
	v63 =	vld [tilespmem:$0x0]  }
0xb7: {  	_ =	swait.ge [sflag:s10], $0x800  }
0xb8: {  	s9 =	rddreg [dreg:$0x3];
	[sflag:s10] =	ssyncset.done $0x0  }
0xb9: {  	[sflag:s10] =	ssyncadd.s32 $0xFFFFF800;
	s9 =	sadd.s32 s8, s9  }
0xba: {  	[tilespmem:s11], [sflag:$0x7] =	stream.linear.gather [hbm4b:s9+s3], $0x800, $0x38;
	v63 =	vld [tilespmem:$0x0]  }
0xbb: {  	_ =	swait.ge [sflag:s10], $0x800  }
0xbc: {  	[sflag:s10] =	ssyncset.done $0x0  }
0xbd: {  	s7 =	smov.u32 s6;
	[sflag:s10] =	ssyncadd.s32 $0xFFFFF800  }
0xbe: {  	[tilespmem:s13], [sflag:$0x1] =	stream.indirect.gather [hbm4b:s4+s12], $0x80, s3, s12, $0xb8;
	v63 =	vld [tilespmem:$0x0]  }
0xbf: {  	s8 =	smov.u32 s7;
	s7 =	rddreg [dreg:$0x5]  }
0xc0: {  	[tilespmem:s14], [sflag:$0x2] =	stream.indirect.gather [hbm4b:s4+s12], $0x80, s7, s12, $0xb8;
	v63 =	vld [tilespmem:$0x0]  }
0xc1: {  	s9 =	rddreg [dreg:$0x6]  }
0xc2: {  	[tilespmem:s15], [sflag:$0x3] =	stream.indirect.gather [hbm4b:s4+s12], $0x80, s9, s12, $0xb8;
	v63 =	vld [tilespmem:$0x0]  }
0xc3: {  	_ =	swait.ge [sflag:s16], $0x3C00  }
0xc4: {  	[sflag:s16] =	ssyncset.done $0x0  }
0xc5: {  	[sflag:s16] =	ssyncadd.s32 $0xFFFFC400  }
0xc6: {  	[spmem:s2] =	stream.indirect.scatter.add.f32 [tilespmem:s13], [sflag:$0x4], $0x80, s11, s12, $0xb8;
	v63 =	vld [tilespmem:$0x0]  }
0xc7: {  	_ =	swait.ge [sflag:s17], $0x3C00  }
0xc8: {  	[sflag:s17] =	ssyncset.done $0x0  }
0xc9: {  	s9 =	rddreg [dreg:$0x7];
	[sflag:s17] =	ssyncadd.s32 $0xFFFFC400  }
0xca: {  	[tilespmem:s13], [sflag:$0x1] =	stream.indirect.gather [hbm4b:s4+s12], $0x80, s9, s12, $0xb8;
	v63 =	vld [tilespmem:$0x0]  }
0xcb: {  	_ =	swait.ge [sflag:s18], $0x3C00  }
0xcc: {  	[sflag:s18] =	ssyncset.done $0x0  }
0xcd: {  	s9 =	rddreg [dreg:$0x8];
	[sflag:s18] =	ssyncadd.s32 $0xFFFFC400  }
0xce: {  	[spmem:s2] =	stream.indirect.scatter.add.f32 [tilespmem:s14], [sflag:$0x5], $0x80, s9, s12, $0xb8;
	v63 =	vld [tilespmem:$0x0]  }
0xcf: {  	_ =	swait.ge [sflag:s19], $0x3C00  }
0xd0: {  	[sflag:s19] =	ssyncset.done $0x0  }
0xd1: {  	s9 =	rddreg [dreg:$0x9];
	[sflag:s19] =	ssyncadd.s32 $0xFFFFC400  }
0xd2: {  	[tilespmem:s14], [sflag:$0x2] =	stream.indirect.gather [hbm4b:s4+s12], $0x80, s9, s12, $0xb8;
	v63 =	vld [tilespmem:$0x0]  }
0xd3: {  	_ =	swait.ge [sflag:s20], $0x3C00  }
0xd4: {  	[sflag:s20] =	ssyncset.done $0x0  }
0xd5: {  	s9 =	rddreg [dreg:$0xa];
	[sflag:s20] =	ssyncadd.s32 $0xFFFFC400  }
0xd6: {  	[spmem:s2] =	stream.indirect.scatter.add.f32 [tilespmem:s15], [sflag:$0x6], $0x80, s9, s12, $0xb8;
	v63 =	vld [tilespmem:$0x0]  }
0xd7: {  	_ =	swait.ge [sflag:s21], $0x3C00  }
0xd8: {  	[sflag:s21] =	ssyncset.done $0x0  }
0xd9: {  	s9 =	rddreg [dreg:$0xb];
	[sflag:s21] =	ssyncadd.s32 $0xFFFFC400  }
0xda: {  	[tilespmem:s15], [sflag:$0x3] =	stream.indirect.gather [hbm4b:s4+s12], $0x80, s9, s12, $0xb8;
	v63 =	vld [tilespmem:$0x0]  }
0xdb: {  	_ =	swait.ge [sflag:s16], $0x3C00  }
0xdc: {  	[sflag:s16] =	ssyncset.done $0x0  }
0xdd: {  	s9 =	rddreg [dreg:$0xc];
	[sflag:s16] =	ssyncadd.s32 $0xFFFFC400  }
0xde: {  	[spmem:s2] =	stream.indirect.scatter.add.f32 [tilespmem:s13], [sflag:$0x4], $0x80, s9, s12, $0xb8;
	v63 =	vld [tilespmem:$0x0]  }
0xdf: {  	_ =	swait.ge [sflag:s17], $0x3C00  }
0xe0: {  	[sflag:s17] =	ssyncset.done $0x0  }
0xe1: {  	s9 =	rddreg [dreg:$0xd];
	[sflag:s17] =	ssyncadd.s32 $0xFFFFC400  }
0xe2: {  	[tilespmem:s13], [sflag:$0x1] =	stream.indirect.gather [hbm4b:s4+s12], $0x80, s9, s12, $0xb8;
	v63 =	vld [tilespmem:$0x0]  }
0xe3: {  	_ =	swait.ge [sflag:s18], $0x3C00  }
0xe4: {  	[sflag:s18] =	ssyncset.done $0x0  }
0xe5: {  	s9 =	rddreg [dreg:$0xe];
	[sflag:s18] =	ssyncadd.s32 $0xFFFFC400  }
0xe6: {  	[spmem:s2] =	stream.indirect.scatter.add.f32 [tilespmem:s14], [sflag:$0x5], $0x80, s9, s12, $0xb8;
	v63 =	vld [tilespmem:$0x0]  }
0xe7: {  	_ =	swait.ge [sflag:s19], $0x3C00  }
0xe8: {  	[sflag:s19] =	ssyncset.done $0x0  }
0xe9: {  	s9 =	rddreg [dreg:$0xf];
	[sflag:s19] =	ssyncadd.s32 $0xFFFFC400  }
0xea: {  	[tilespmem:s14], [sflag:$0x2] =	stream.indirect.gather [hbm4b:s4+s12], $0x80, s9, s12, $0xb8;
	v63 =	vld [tilespmem:$0x0]  }
0xeb: {  	_ =	swait.ge [sflag:s20], $0x3C00  }
0xec: {  	[sflag:s20] =	ssyncset.done $0x0  }
0xed: {  	s9 =	rddreg [dreg:$0x10];
	[sflag:s20] =	ssyncadd.s32 $0xFFFFC400  }
0xee: {  	[spmem:s2] =	stream.indirect.scatter.add.f32 [tilespmem:s15], [sflag:$0x6], $0x80, s9, s12, $0xb8;
	v63 =	vld [tilespmem:$0x0]  }
0xef: {  	_ =	swait.ge [sflag:s21], $0x3C00  }
0xf0: {  	[sflag:s21] =	ssyncset.done $0x0  }
0xf1: {  	s9 =	rddreg [dreg:$0x11];
	[sflag:s21] =	ssyncadd.s32 $0xFFFFC400  }
0xf2: {  	[tilespmem:s15], [sflag:$0x3] =	stream.indirect.gather [hbm4b:s4+s12], $0x80, s9, s12, $0xb8;
	v63 =	vld [tilespmem:$0x0]  }
0xf3: {  	_ =	swait.ge [sflag:s16], $0x3C00  }
0xf4: {  	[sflag:s16] =	ssyncset.done $0x0  }
0xf5: {  	s9 =	rddreg [dreg:$0x12];
	[sflag:s16] =	ssyncadd.s32 $0xFFFFC400  }
0xf6: {  	[spmem:s2] =	stream.indirect.scatter.add.f32 [tilespmem:s13], [sflag:$0x4], $0x80, s9, s12, $0xb8;
	v63 =	vld [tilespmem:$0x0]  }
0xf7: {  	_ =	swait.ge [sflag:s17], $0x3C00  }
0xf8: {  	[sflag:s17] =	ssyncset.done $0x0  }
0xf9: {  	s9 =	rddreg [dreg:$0x13];
	[sflag:s17] =	ssyncadd.s32 $0xFFFFC400  }
0xfa: {  	[tilespmem:s13], [sflag:$0x1] =	stream.indirect.gather [hbm4b:s4+s12], $0x80, s9, s12, $0xb8;
	v63 =	vld [tilespmem:$0x0]  }
0xfb: {  	_ =	swait.ge [sflag:s18], $0x3C00  }
0xfc: {  	[sflag:s18] =	ssyncset.done $0x0  }
0xfd: {  	s9 =	rddreg [dreg:$0x14];
	[sflag:s18] =	ssyncadd.s32 $0xFFFFC400  }
0xfe: {  	[spmem:s2] =	stream.indirect.scatter.add.f32 [tilespmem:s14], [sflag:$0x5], $0x80, s9, s12, $0xb8;
	v63 =	vld [tilespmem:$0x0]  }
0xff: {  	_ =	swait.ge [sflag:s19], $0x3C00  }
0x100: {  	[sflag:s19] =	ssyncset.done $0x0  }
0x101: {  	s9 =	rddreg [dreg:$0x15];
	[sflag:s19] =	ssyncadd.s32 $0xFFFFC400  }
0x102: {  	[tilespmem:s14], [sflag:$0x2] =	stream.indirect.gather [hbm4b:s4+s12], $0x80, s9, s12, $0xb8;
	v63 =	vld [tilespmem:$0x0]  }
0x103: {  	_ =	swait.ge [sflag:s20], $0x3C00  }
0x104: {  	[sflag:s20] =	ssyncset.done $0x0  }
0x105: {  	s9 =	rddreg [dreg:$0x16];
	[sflag:s20] =	ssyncadd.s32 $0xFFFFC400  }
0x106: {  	[spmem:s2] =	stream.indirect.scatter.add.f32 [tilespmem:s15], [sflag:$0x6], $0x80, s9, s12, $0xb8;
	v63 =	vld [tilespmem:$0x0]  }
0x107: {  	_ =	swait.ge [sflag:s21], $0x3C00  }
0x108: {  	[sflag:s21] =	ssyncset.done $0x0  }
0x109: {  	[sflag:s21] =	ssyncadd.s32 $0xFFFFC400  }
0x10a: {  	[tilespmem:s15], [sflag:$0x3] =	stream.indirect.gather [hbm4b:s4+s12], $0x80, s22, s12, $0xb8;
	v63 =	vld [tilespmem:$0x0]  }
0x10b: {  	_ =	swait.ge [sflag:s16], $0x3C00  }
0x10c: {  	[sflag:s16] =	ssyncset.done $0x0  }
0x10d: {  	[sflag:s16] =	ssyncadd.s32 $0xFFFFC400  }
0x10e: {  	[spmem:s2] =	stream.indirect.scatter.add.f32 [tilespmem:s13], [sflag:$0x4], $0x80, s23, s12, $0xb8;
	v63 =	vld [tilespmem:$0x0]  }
0x10f: {  	_ =	swait.ge [sflag:s17], $0x3C00  }
0x110: {  	[sflag:s17] =	ssyncset.done $0x0  }
0x111: {  	[sflag:s17] =	ssyncadd.s32 $0xFFFFC400  }
0x112: {  	[tilespmem:s13], [sflag:$0x1] =	stream.indirect.gather [hbm4b:s4+s12], $0x80, s24, s12, $0xb8;
	v63 =	vld [tilespmem:$0x0]  }
0x113: {  	_ =	swait.ge [sflag:s18], $0x3C00  }
0x114: {  	[sflag:s18] =	ssyncset.done $0x0  }
0x115: {  	[sflag:s18] =	ssyncadd.s32 $0xFFFFC400  }
0x116: {  	[spmem:s2] =	stream.indirect.scatter.add.f32 [tilespmem:s14], [sflag:$0x5], $0x80, s25, s12, $0xb8;
	v63 =	vld [tilespmem:$0x0]  }
0x117: {  	_ =	swait.ge [sflag:s19], $0x3C00  }
0x118: {  	[sflag:s19] =	ssyncset.done $0x0  }
0x119: {  	[sflag:s19] =	ssyncadd.s32 $0xFFFFC400  }
0x11a: {  	[tilespmem:s14], [sflag:$0x2] =	stream.indirect.gather [hbm4b:s4+s12], $0x80, s26, s12, $0xb8;
	v63 =	vld [tilespmem:$0x0]  }
0x11b: {  	_ =	swait.ge [sflag:s20], $0x3C00  }
0x11c: {  	[sflag:s20] =	ssyncset.done $0x0  }
0x11d: {  	[sflag:s20] =	ssyncadd.s32 $0xFFFFC400  }
0x11e: {  	[spmem:s2] =	stream.indirect.scatter.add.f32 [tilespmem:s15], [sflag:$0x6], $0x80, s28, s12, $0xb8;
	v63 =	vld [tilespmem:$0x0]  }
0x11f: {  	_ =	swait.ge [sflag:s21], $0x3C00  }
0x120: {  	[sflag:s21] =	ssyncset.done $0x0  }
0x121: {  	[sflag:s21] =	ssyncadd.s32 $0xFFFFC400  }
0x122: {  	[tilespmem:s15], [sflag:$0x3] =	stream.indirect.gather [hbm4b:s4+s12], $0x80, s29, s12, $0xb8;
	v63 =	vld [tilespmem:$0x0]  }
0x123: {  	_ =	swait.ge [sflag:s16], $0x3C00  }
0x124: {  	[sflag:s16] =	ssyncset.done $0x0  }
0x125: {  	[sflag:s16] =	ssyncadd.s32 $0xFFFFC400  }
0x126: {  	[spmem:s2] =	stream.indirect.scatter.add.f32 [tilespmem:s13], [sflag:$0x4], $0x80, s30, s12, $0xb8;
	v63 =	vld [tilespmem:$0x0]  }
0x127: {  	_ =	swait.ge [sflag:s17], $0x3C00  }
0x128: {  	[sflag:s17] =	ssyncset.done $0x0  }
0x129: {  	[sflag:s17] =	ssyncadd.s32 $0xFFFFC400  }
0x12a: {  	[tilespmem:s13], [sflag:$0x1] =	stream.indirect.gather [hbm4b:s4+s12], $0x80, s31, s12, $0xb8;
	v63 =	vld [tilespmem:$0x0]  }
0x12b: {  	_ =	swait.ge [sflag:s18], $0x3C00  }
0x12c: {  	[sflag:s18] =	ssyncset.done $0x0  }
0x12d: {  	[sflag:s18] =	ssyncadd.s32 $0xFFFFC400  }
0x12e: {  	[spmem:s2] =	stream.indirect.scatter.add.f32 [tilespmem:s14], [sflag:$0x5], $0x80, s1, s12, $0xb8;
	v63 =	vld [tilespmem:$0x0]  }
0x12f: {  	_ =	swait.ge [sflag:s20], $0x3C00  }
0x130: {  	[sflag:s20] =	ssyncset.done $0x0  }
0x131: {  	[sflag:s20] =	ssyncadd.s32 $0xFFFFC400  }
0x132: {  	[spmem:s2] =	stream.indirect.scatter.add.f32 [tilespmem:s15], [sflag:$0x6], $0x80, s0, s12, $0xb8;
	v63 =	vld [tilespmem:$0x0]  }
0x133: {  	_ =	swait.ge [sflag:s16], $0x3C00  }
0x134: {  	[sflag:s16] =	ssyncset.done $0x0  }
0x135: {  	[sflag:s16] =	ssyncadd.s32 $0xFFFFC400  }
0x136: {  	[spmem:s2] =	stream.indirect.scatter.add.f32 [tilespmem:s13], [sflag:$0x4], $0x80, s5, s12, $0xb8;
	v63 =	vld [tilespmem:$0x0]  }
0x137: {  	_ =	swait.ge [sflag:s17], $0x3C00  }
0x138: {  	[sflag:s17] =	ssyncset.done $0x0  }
0x139: {  	p0 =	sne.s32 s6, $0xA00;
	[sflag:s17] =	ssyncadd.s32 $0xFFFFC400  }
.Ltmp0:
0x13a: {  	_ =	swait.ge [sflag:s19], $0x3C00;
	(pc) =	sbr.rel @p0 .LBB2_2-.Ltmp0, $4  }
0x13b: {  	[sflag:s19] =	ssyncset.done $0x0  }
0x13c: {  	[sflag:s19] =	ssyncadd.s32 $0xFFFFC400  }
0x13d: {  	_ =	swait.ge [sflag:s21], $0x3C00  }
0x13e: {  	s6 =	sadd.s32 $0x100, s6;
	s9 =	rddreg [dreg:$0x4];
	[sflag:s21] =	ssyncset.done $0x0  }
0x13f: {  	[sflag:s21] =	ssyncadd.s32 $0xFFFFC400;
	s6 =	sadd.s32 s8, s9  }
0x140: {  	[tilespmem:s3], [sflag:$0x7] =	stream.linear.gather [hbm4b:s6+s3], $0x800, $0x38;
	v63 =	vld [tilespmem:$0x0]  }
0x141: {  	_ =	swait.ge [sflag:s10], $0x800  }
0x142: {  	s7 =	rddreg [dreg:$0x3];
	[sflag:s10] =	ssyncset.done $0x0  }
0x143: {  	[sflag:s10] =	ssyncadd.s32 $0xFFFFF800;
	s6 =	sadd.s32 s8, s7  }
0x144: {  	[tilespmem:s11], [sflag:$0x7] =	stream.linear.gather [hbm4b:s6+s3], $0x800, $0x38;
	v63 =	vld [tilespmem:$0x0]  }
0x145: {  	_ =	swait.ge [sflag:s10], $0x800  }
0x146: {  	[sflag:s10] =	ssyncset.done $0x0  }
0x147: {  	[sflag:s10] =	ssyncadd.s32 $0xFFFFF800  }
0x148: {  	[tilespmem:s13], [sflag:$0x1] =	stream.indirect.gather [hbm4b:s4+s12], $0x80, s3, s12, $0xb8;
	v63 =	vld [tilespmem:$0x0]  }
0x149: {  	s9 =	rddreg [dreg:$0x5]  }
0x14a: {  	[tilespmem:s14], [sflag:$0x2] =	stream.indirect.gather [hbm4b:s4+s12], $0x80, s9, s12, $0xb8;
	v63 =	vld [tilespmem:$0x0]  }
0x14b: {  	s7 =	rddreg [dreg:$0x6]  }
0x14c: {  	[tilespmem:s15], [sflag:$0x3] =	stream.indirect.gather [hbm4b:s4+s12], $0x80, s7, s12, $0xb8;
	v63 =	vld [tilespmem:$0x0]  }
0x14d: {  	_ =	swait.ge [sflag:s16], $0x3C00  }
0x14e: {  	[sflag:s16] =	ssyncset.done $0x0  }
0x14f: {  	[sflag:s16] =	ssyncadd.s32 $0xFFFFC400  }
0x150: {  	[spmem:s2] =	stream.indirect.scatter.add.f32 [tilespmem:s13], [sflag:$0x4], $0x80, s11, s12, $0xb8;
	v63 =	vld [tilespmem:$0x0]  }
0x151: {  	_ =	swait.ge [sflag:s17], $0x3C00  }
0x152: {  	[sflag:s17] =	ssyncset.done $0x0  }
0x153: {  	s8 =	rddreg [dreg:$0x7];
	[sflag:s17] =	ssyncadd.s32 $0xFFFFC400  }
0x154: {  	[tilespmem:s13], [sflag:$0x1] =	stream.indirect.gather [hbm4b:s4+s12], $0x80, s8, s12, $0xb8;
	v63 =	vld [tilespmem:$0x0]  }
0x155: {  	_ =	swait.ge [sflag:s18], $0x3C00  }
0x156: {  	[sflag:s18] =	ssyncset.done $0x0  }
0x157: {  	s9 =	rddreg [dreg:$0x8];
	[sflag:s18] =	ssyncadd.s32 $0xFFFFC400  }
0x158: {  	[spmem:s2] =	stream.indirect.scatter.add.f32 [tilespmem:s14], [sflag:$0x5], $0x80, s9, s12, $0xb8;
	v63 =	vld [tilespmem:$0x0]  }
0x159: {  	_ =	swait.ge [sflag:s19], $0x3C00  }
0x15a: {  	[sflag:s19] =	ssyncset.done $0x0  }
0x15b: {  	s7 =	rddreg [dreg:$0x9];
	[sflag:s19] =	ssyncadd.s32 $0xFFFFC400  }
0x15c: {  	[tilespmem:s14], [sflag:$0x2] =	stream.indirect.gather [hbm4b:s4+s12], $0x80, s7, s12, $0xb8;
	v63 =	vld [tilespmem:$0x0]  }
0x15d: {  	_ =	swait.ge [sflag:s20], $0x3C00  }
0x15e: {  	[sflag:s20] =	ssyncset.done $0x0  }
0x15f: {  	s8 =	rddreg [dreg:$0xa];
	[sflag:s20] =	ssyncadd.s32 $0xFFFFC400  }
0x160: {  	[spmem:s2] =	stream.indirect.scatter.add.f32 [tilespmem:s15], [sflag:$0x6], $0x80, s8, s12, $0xb8;
	v63 =	vld [tilespmem:$0x0]  }
0x161: {  	_ =	swait.ge [sflag:s21], $0x3C00  }
0x162: {  	[sflag:s21] =	ssyncset.done $0x0  }
0x163: {  	s9 =	rddreg [dreg:$0xb];
	[sflag:s21] =	ssyncadd.s32 $0xFFFFC400  }
0x164: {  	[tilespmem:s15], [sflag:$0x3] =	stream.indirect.gather [hbm4b:s4+s12], $0x80, s9, s12, $0xb8;
	v63 =	vld [tilespmem:$0x0]  }
0x165: {  	_ =	swait.ge [sflag:s16], $0x3C00  }
0x166: {  	[sflag:s16] =	ssyncset.done $0x0  }
0x167: {  	s7 =	rddreg [dreg:$0xc];
	[sflag:s16] =	ssyncadd.s32 $0xFFFFC400  }
0x168: {  	[spmem:s2] =	stream.indirect.scatter.add.f32 [tilespmem:s13], [sflag:$0x4], $0x80, s7, s12, $0xb8;
	v63 =	vld [tilespmem:$0x0]  }
0x169: {  	_ =	swait.ge [sflag:s17], $0x3C00  }
0x16a: {  	[sflag:s17] =	ssyncset.done $0x0  }
0x16b: {  	s8 =	rddreg [dreg:$0xd];
	[sflag:s17] =	ssyncadd.s32 $0xFFFFC400  }
0x16c: {  	[tilespmem:s13], [sflag:$0x1] =	stream.indirect.gather [hbm4b:s4+s12], $0x80, s8, s12, $0xb8;
	v63 =	vld [tilespmem:$0x0]  }
0x16d: {  	_ =	swait.ge [sflag:s18], $0x3C00  }
0x16e: {  	[sflag:s18] =	ssyncset.done $0x0  }
0x16f: {  	s9 =	rddreg [dreg:$0xe];
	[sflag:s18] =	ssyncadd.s32 $0xFFFFC400  }
0x170: {  	[spmem:s2] =	stream.indirect.scatter.add.f32 [tilespmem:s14], [sflag:$0x5], $0x80, s9, s12, $0xb8;
	v63 =	vld [tilespmem:$0x0]  }
0x171: {  	_ =	swait.ge [sflag:s19], $0x3C00  }
0x172: {  	[sflag:s19] =	ssyncset.done $0x0  }
0x173: {  	s7 =	rddreg [dreg:$0xf];
	[sflag:s19] =	ssyncadd.s32 $0xFFFFC400  }
0x174: {  	[tilespmem:s14], [sflag:$0x2] =	stream.indirect.gather [hbm4b:s4+s12], $0x80, s7, s12, $0xb8;
	v63 =	vld [tilespmem:$0x0]  }
0x175: {  	_ =	swait.ge [sflag:s20], $0x3C00  }
0x176: {  	[sflag:s20] =	ssyncset.done $0x0  }
0x177: {  	s8 =	rddreg [dreg:$0x10];
	[sflag:s20] =	ssyncadd.s32 $0xFFFFC400  }
0x178: {  	[spmem:s2] =	stream.indirect.scatter.add.f32 [tilespmem:s15], [sflag:$0x6], $0x80, s8, s12, $0xb8;
	v63 =	vld [tilespmem:$0x0]  }
0x179: {  	_ =	swait.ge [sflag:s21], $0x3C00  }
0x17a: {  	[sflag:s21] =	ssyncset.done $0x0  }
0x17b: {  	s9 =	rddreg [dreg:$0x11];
	[sflag:s21] =	ssyncadd.s32 $0xFFFFC400  }
0x17c: {  	[tilespmem:s15], [sflag:$0x3] =	stream.indirect.gather [hbm4b:s4+s12], $0x80, s9, s12, $0xb8;
	v63 =	vld [tilespmem:$0x0]  }
0x17d: {  	_ =	swait.ge [sflag:s16], $0x3C00  }
0x17e: {  	[sflag:s16] =	ssyncset.done $0x0  }
0x17f: {  	s7 =	rddreg [dreg:$0x12];
	[sflag:s16] =	ssyncadd.s32 $0xFFFFC400  }
0x180: {  	[spmem:s2] =	stream.indirect.scatter.add.f32 [tilespmem:s13], [sflag:$0x4], $0x80, s7, s12, $0xb8;
	v63 =	vld [tilespmem:$0x0]  }
0x181: {  	_ =	swait.ge [sflag:s17], $0x3C00  }
0x182: {  	[sflag:s17] =	ssyncset.done $0x0  }
0x183: {  	s8 =	rddreg [dreg:$0x13];
	[sflag:s17] =	ssyncadd.s32 $0xFFFFC400  }
0x184: {  	[tilespmem:s13], [sflag:$0x1] =	stream.indirect.gather [hbm4b:s4+s12], $0x80, s8, s12, $0xb8;
	v63 =	vld [tilespmem:$0x0]  }
0x185: {  	_ =	swait.ge [sflag:s18], $0x3C00  }
0x186: {  	[sflag:s18] =	ssyncset.done $0x0  }
0x187: {  	s9 =	rddreg [dreg:$0x14];
	[sflag:s18] =	ssyncadd.s32 $0xFFFFC400  }
0x188: {  	[spmem:s2] =	stream.indirect.scatter.add.f32 [tilespmem:s14], [sflag:$0x5], $0x80, s9, s12, $0xb8;
	v63 =	vld [tilespmem:$0x0]  }
0x189: {  	_ =	swait.ge [sflag:s19], $0x3C00  }
0x18a: {  	[sflag:s19] =	ssyncset.done $0x0  }
0x18b: {  	s7 =	rddreg [dreg:$0x15];
	[sflag:s19] =	ssyncadd.s32 $0xFFFFC400  }
0x18c: {  	[tilespmem:s14], [sflag:$0x2] =	stream.indirect.gather [hbm4b:s4+s12], $0x80, s7, s12, $0xb8;
	v63 =	vld [tilespmem:$0x0]  }
0x18d: {  	_ =	swait.ge [sflag:s20], $0x3C00  }
0x18e: {  	[sflag:s20] =	ssyncset.done $0x0  }
0x18f: {  	s8 =	rddreg [dreg:$0x16];
	[sflag:s20] =	ssyncadd.s32 $0xFFFFC400  }
0x190: {  	[spmem:s2] =	stream.indirect.scatter.add.f32 [tilespmem:s15], [sflag:$0x6], $0x80, s8, s12, $0xb8;
	v63 =	vld [tilespmem:$0x0]  }
0x191: {  	_ =	swait.ge [sflag:s21], $0x3C00  }
0x192: {  	[sflag:s21] =	ssyncset.done $0x0  }
0x193: {  	[sflag:s21] =	ssyncadd.s32 $0xFFFFC400  }
0x194: {  	[tilespmem:s15], [sflag:$0x3] =	stream.indirect.gather [hbm4b:s4+s12], $0x80, s22, s12, $0xb8;
	v63 =	vld [tilespmem:$0x0]  }
0x195: {  	_ =	swait.ge [sflag:s16], $0x3C00  }
0x196: {  	[sflag:s16] =	ssyncset.done $0x0  }
0x197: {  	[sflag:s16] =	ssyncadd.s32 $0xFFFFC400  }
0x198: {  	[spmem:s2] =	stream.indirect.scatter.add.f32 [tilespmem:s13], [sflag:$0x4], $0x80, s23, s12, $0xb8;
	v63 =	vld [tilespmem:$0x0]  }
0x199: {  	_ =	swait.ge [sflag:s17], $0x3C00  }
0x19a: {  	[sflag:s17] =	ssyncset.done $0x0  }
0x19b: {  	[sflag:s17] =	ssyncadd.s32 $0xFFFFC400  }
0x19c: {  	[tilespmem:s13], [sflag:$0x1] =	stream.indirect.gather [hbm4b:s4+s12], $0x80, s24, s12, $0xb8;
	v63 =	vld [tilespmem:$0x0]  }
0x19d: {  	_ =	swait.ge [sflag:s18], $0x3C00  }
0x19e: {  	[sflag:s18] =	ssyncset.done $0x0  }
0x19f: {  	[sflag:s18] =	ssyncadd.s32 $0xFFFFC400  }
0x1a0: {  	[spmem:s2] =	stream.indirect.scatter.add.f32 [tilespmem:s14], [sflag:$0x5], $0x80, s25, s12, $0xb8;
	v63 =	vld [tilespmem:$0x0]  }
0x1a1: {  	_ =	swait.ge [sflag:s19], $0x3C00  }
0x1a2: {  	[sflag:s19] =	ssyncset.done $0x0  }
0x1a3: {  	[sflag:s19] =	ssyncadd.s32 $0xFFFFC400  }
0x1a4: {  	[tilespmem:s14], [sflag:$0x2] =	stream.indirect.gather [hbm4b:s4+s12], $0x80, s26, s12, $0xb8;
	v63 =	vld [tilespmem:$0x0]  }
0x1a5: {  	_ =	swait.ge [sflag:s20], $0x3C00  }
0x1a6: {  	[sflag:s20] =	ssyncset.done $0x0  }
0x1a7: {  	[sflag:s20] =	ssyncadd.s32 $0xFFFFC400  }
0x1a8: {  	[spmem:s2] =	stream.indirect.scatter.add.f32 [tilespmem:s15], [sflag:$0x6], $0x80, s28, s12, $0xb8;
	v63 =	vld [tilespmem:$0x0]  }
0x1a9: {  	_ =	swait.ge [sflag:s21], $0x3C00  }
0x1aa: {  	[sflag:s21] =	ssyncset.done $0x0  }
0x1ab: {  	[sflag:s21] =	ssyncadd.s32 $0xFFFFC400  }
0x1ac: {  	[tilespmem:s15], [sflag:$0x3] =	stream.indirect.gather [hbm4b:s4+s12], $0x80, s29, s12, $0xb8;
	v63 =	vld [tilespmem:$0x0]  }
0x1ad: {  	_ =	swait.ge [sflag:s16], $0x3C00  }
0x1ae: {  	[sflag:s16] =	ssyncset.done $0x0  }
0x1af: {  	[sflag:s16] =	ssyncadd.s32 $0xFFFFC400  }
0x1b0: {  	[spmem:s2] =	stream.indirect.scatter.add.f32 [tilespmem:s13], [sflag:$0x4], $0x80, s30, s12, $0xb8;
	v63 =	vld [tilespmem:$0x0]  }
0x1b1: {  	_ =	swait.ge [sflag:s17], $0x3C00  }
0x1b2: {  	[sflag:s17] =	ssyncset.done $0x0  }
0x1b3: {  	[sflag:s17] =	ssyncadd.s32 $0xFFFFC400  }
0x1b4: {  	[tilespmem:s13], [sflag:$0x1] =	stream.indirect.gather [hbm4b:s4+s12], $0x80, s31, s12, $0xb8;
	v63 =	vld [tilespmem:$0x0]  }
0x1b5: {  	_ =	swait.ge [sflag:s18], $0x3C00  }
0x1b6: {  	[sflag:s18] =	ssyncset.done $0x0  }
0x1b7: {  	[sflag:s18] =	ssyncadd.s32 $0xFFFFC400  }
0x1b8: {  	[spmem:s2] =	stream.indirect.scatter.add.f32 [tilespmem:s14], [sflag:$0x5], $0x80, s1, s12, $0xb8;
	v63 =	vld [tilespmem:$0x0]  }
0x1b9: {  	_ =	swait.ge [sflag:s20], $0x3C00  }
0x1ba: {  	[sflag:s20] =	ssyncset.done $0x0  }
0x1bb: {  	[sflag:s20] =	ssyncadd.s32 $0xFFFFC400  }
0x1bc: {  	[spmem:s2] =	stream.indirect.scatter.add.f32 [tilespmem:s15], [sflag:$0x6], $0x80, s0, s12, $0xb8;
	v63 =	vld [tilespmem:$0x0]  }
0x1bd: {  	_ =	swait.ge [sflag:s16], $0x3C00  }
0x1be: {  	[sflag:s16] =	ssyncset.done $0x0  }
0x1bf: {  	[sflag:s16] =	ssyncadd.s32 $0xFFFFC400  }
0x1c0: {  	[spmem:s2] =	stream.indirect.scatter.add.f32 [tilespmem:s13], [sflag:$0x4], $0x80, s5, s12, $0xb8;
	v63 =	vld [tilespmem:$0x0]  }
0x1c1: {  	_ =	swait.ge [sflag:s17], $0x3C00  }
0x1c2: {  	[sflag:s17] =	ssyncset.done $0x0  }
0x1c3: {  	[sflag:s17] =	ssyncadd.s32 $0xFFFFC400  }
0x1c4: {  	_ =	swait.ge [sflag:s19], $0x3C00  }
0x1c5: {  	[sflag:s19] =	ssyncset.done $0x0  }
0x1c6: {  	[sflag:s19] =	ssyncadd.s32 $0xFFFFC400  }
0x1c7: {  	_ =	swait.ge [sflag:s21], $0x3C00  }
0x1c8: {  	[sflag:s21] =	ssyncset.done $0x0  }
0x1c9: {  	[sflag:s21] =	ssyncadd.s32 $0xFFFFC400  }
0x1ca: {  	[bflag:$0x0] =	sbarrier.arrive $0xFFFF  }
0x1cb: {  	s7 =	rddreg [dreg:$0x18]  }
0x1cc: {  	s9 =	rddreg [dreg:$0x19]  }
0x1cd: {  	s8 =	rddreg [dreg:$0x1b]  }
0x1ce: {  	[hbm:s9], [sflag:s7] =	dma.local [spmem:s8], $0x2780  }
0x1cf: {  	_ =	swait.ge [sflag:s10], $0x2780  }
0x1d0: {  	s6 =	rddreg [dreg:$0x1c]  }
0x1d1: {  	s9 =	sadd.s32 $0x1, s6;
	s6 =	rddreg [dreg:$0x1a]  }
0x1d2: {  	p0 =	sne.s32 s9, s6  }
.Ltmp1:
0x1d3: {  	_ = 	snop;
	(pc) =	sbr.rel @p0 .LBB2_1-.Ltmp1, $3  }
0x1d4: {  	_ =	sdelay $0x1  }
0x1d5: {  	[sflag:s10] =	ssyncset.done $0x0  }
0x1d6: {  	[sflag:s10] =	ssyncadd.s32 $0xFFFFD880  }
0x1d7: {  	_ =	sfence.sel $0x180000  }
0x1d8: {  	[bflag:$0x0] =	sbarrier.arrive $0xFFFF  }
0x1d9: {  	_ =	strace $0x9000004A  }
0x1da: {  	s0 =	stileid.u32;
	[bflag:$0x2] =	sbarrier.arrive $0xFFFF  }
0x1db: {  	p0 =	sne.s32 s0, $0x0;
	s0 =	rddreg [dreg:$0x2]  }
0x1dc: {  	s0 =	sadd.s32 @!p0 $0x100000, s0  }
0x1dd: {  	[sflag:s0] =	ssyncadd.tile.s32 @!p0 $0x1;
	_ =	shalt  }
.Lfunc_end2:
_tile_overlayer_lowered:
.L_overlay_start_2:
0x1de: {  	(tag) =	ssettag $0x2  }
0x1df: {  	s0 =	rddreg [dreg:$0x0];
	s2 =	stileid.u32  }
0x1e0: {  	s1 =	rddreg [dreg:$0x1];
	p0 =	sne.s32 s2, $0x0  }
0x1e1: {  	s3 =	rddreg [dreg:$0x2];
	[bflag:$0x3] =	sbarrier.arrive $0xFFFF;
	s2 =	simm.s32 @!p0 $0x1C07  }
0x1e2: {  	[timem:s3], [sflag:s2] =	dma.local @!p0 [hbm:s0], s1  }
0x1e3: {  	s0 =	simm.s32 @!p0 $0x7  }
0x1e4: {  	_ =	swait.ge @!p0 [sflag:s0], s1  }
0x1e5: {  	s1 =	ssub.s32 @!p0 $0x0, s1;
	[sflag:s0] =	ssyncset.done @!p0 $0x0  }
0x1e6: {  	[sflag:s0] =	ssyncadd.s32 @!p0 s1  }
0x1e7: {  	[bflag:$0x3] =	sbarrier.arrive $0xFFFF  }
0x1e8: {  	_ =	shalt  }

// kernel: kernel.17.cloned.1.call-start
scs
__scs_entry_jumppad:
0x0: {  	(pc) =	sbr.rel $0x88, $3  }
0x1: {  	(tag) =	ssettag $0x0;
	lr =	simm.s32 $0x1  }
0x2: {  	[smem:$0x3F77] =	sst lr;
	_ =	strace $0xD0000000  }
0x3: {  	_ = 	snop  }
0x4: {  	_ = 	snop  }
0x5: {  	_ = 	snop  }
0x6: {  	_ = 	snop  }
0x7: {  	_ = 	snop  }
__scs_overlays_trampoline_lowered:
0x8: {  	[smem:$0x3F86] =	sst s0  }
0x9: {  	[smem:$0x3F87] =	sst s1  }
0xa: {  	[smem:$0x3F88] =	sst s2  }
0xb: {  	[smem:$0x3F89] =	sst s3  }
0xc: {  	[smem:$0x3F8A] =	sst s4  }
0xd: {  	[smem:$0x3F8B] =	sst s5  }
0xe: {  	[smem:$0x3F8C] =	sst s6  }
0xf: {  	[smem:$0x3F8D] =	sst s7  }
0x10: {  	[smem:$0x3F8E] =	sst s8  }
0x11: {  	[smem:$0x3F8F] =	sst s9;
	s0 =	simm.s32 @!p0 $0x0  }
0x12: {  	s1 =	sld [smem:$0x3F75];
	s0 =	simm.s32 @p0 $0x1  }
0x13: {  	[smem:$0x3F90] =	sst s0;
	s0 =	simm.s32 @!p1 $0x0  }
0x14: {  	s2 =	sld [smem:$0x3F74];
	s0 =	simm.s32 @p1 $0x1  }
0x15: {  	[smem:$0x3F91] =	sst s0;
	s0 =	simm.s32 @!p2 $0x0  }
0x16: {  	s3 =	sld [smem:$0x3FDB];
	s0 =	simm.s32 @p2 $0x1  }
0x17: {  	s4 =	simm.s32 $0x1BF5;
	[smem:$0x3F93] =	sst s0  }
0x18: {  	s0 =	sld [smem:$0x3F76];
	_ =	swait.ge [sflag:s4], $0x0  }
0x19: {  	s7 =	sld [smem:$0x3F77]  }
0x1a: {  	s8 =	sadd.s32 $0xFFFFE003, lr  }
0x1b: {  	s9 =	sadd.s32 $0xFFFFFEF7, lr;
	s5 =	simm.s32 $0xFFFFFFFF;
	p2 =	slt.u32 s8, $0xFFFFF086  }
0x1c: {  	p1 =	slt.u32 s9, $0xF7A;
	s5 =	simm.s32 @!p2 $0x0  }
0x1d: {  	s5 =	simm.s32 @p1 $0x1;
	p0 =	seq.s32 s7, s2  }
0x1e: {  	s7 =	smul.u32 @!p0 $0xF7A, s2;
	p2 =	seq.s32 @!p0 s5, $0x0  }
0x1f: {  	s9 =	smul.u32 $0xF7A, s1;
	s8 =	simm.s32 @!p0 $0x1BF5;
	p2 =	por !p2, p0  }
0x20: {  	[sflag:s8] =	ssyncset.s32 @!p0 $0xFFFFF086;
	s6 =	sadd.s32 @!p0 s3, s7;
	s7 =	simm.s32 @!p0 $0x108  }
0x21: {  	s3 =	sadd.s32 s3, s9;
	s6 =	sadd.s32 @!p0 $0x88, s6;
	s7 =	simm.s32 @p2 $0x1082  }
0x22: {  	[simem:s7], [sflag:s8] =	dma.local @!p0 [hbm:s6], $0xF7A  }
0x23: {  	s9 =	sor.u32 $0xD0000000, s2;
	s6 =	simm.s32 $0x108;
	_ =	swait.ge @!p0 [sflag:s8], $0x0  }
0x24: {  	s3 =	sadd.s32 $0x88, s3;
	s6 =	simm.s32 @!p1 $0x1082;
	[sflag:s4] =	ssyncset.s32 $0xFFFFF086  }
0x25: {  	[simem:s6], [sflag:s4] =	dma.local [hbm:s3], $0xF7A  }
0x26: {  	[smem:$0x3F77] =	sst s1;
	(tag) =	ssettag s2;
	_ =	strace s9  }
0x27: {  	s1 =	sld [smem:$0x3F87]  }
0x28: {  	s2 =	sld [smem:$0x3F88]  }
0x29: {  	s4 =	sld [smem:$0x3F8A]  }
0x2a: {  	p0 =	seq.s32 s5, $0x0;
	s5 =	sld [smem:$0x3F8B]  }
0x2b: {  	s6 =	sld [smem:$0x3F8C]  }
0x2c: {  	s7 =	sld [smem:$0x3F8D]  }
0x2d: {  	s3 =	simm.s32 $0x108;
	s8 =	sld [smem:$0x3F8E]  }
0x2e: {  	s3 =	simm.s32 @!p0 $0x1082;
	s9 =	sld [smem:$0x3F8F]  }
0x2f: {  	lr =	sadd.s32 s0, s3;
	s0 =	sld [smem:$0x3F86]  }
0x30: {  	s3 =	sld [smem:$0x3F89]  }
0x31: {  	[smem:$0x3F92] =	sst s10  }
0x32: {  	s10 =	sld [smem:$0x3F90];
	_ =	sdelay $0x3  }
0x33: {  	p0 =	seq.s32 s10, $0x1;
	s10 =	sld [smem:$0x3F92];
	_ =	sdelay $0x3  }
0x34: {  	[smem:$0x3F92] =	sst s10  }
0x35: {  	s10 =	sld [smem:$0x3F91];
	_ =	sdelay $0x3  }
0x36: {  	p1 =	seq.s32 s10, $0x1;
	s10 =	sld [smem:$0x3F92];
	_ =	sdelay $0x3  }
0x37: {  	[smem:$0x3F92] =	sst s10  }
0x38: {  	s10 =	sld [smem:$0x3F93]  }
0x39: {  	_ = 	snop;
	(pc) =	sbr.ind lr, $3  }
0x3a: {  	_ = 	snop  }
0x3b: {  	_ = 	snop  }
0x3c: {  	p2 =	seq.s32 s10, $0x1;
	s10 =	sld [smem:$0x3F92]  }
0x3d: {  	_ =	shalt  }
0x3e: {  	_ =	shalt  }
0x3f: {  	_ =	shalt  }
0x40: {  	_ =	shalt  }
0x41: {  	_ =	shalt  }
0x42: {  	_ =	shalt  }
0x43: {  	_ =	shalt  }
0x44: {  	_ =	shalt  }
0x45: {  	_ =	shalt  }
0x46: {  	_ =	shalt  }
0x47: {  	_ =	shalt  }
0x48: {  	_ =	shalt  }
0x49: {  	_ =	shalt  }
0x4a: {  	_ =	shalt  }
0x4b: {  	_ =	shalt  }
0x4c: {  	_ =	shalt  }
0x4d: {  	_ =	shalt  }
0x4e: {  	_ =	shalt  }
0x4f: {  	_ =	shalt  }
0x50: {  	_ =	shalt  }
0x51: {  	_ =	shalt  }
0x52: {  	_ =	shalt  }
0x53: {  	_ =	shalt  }
0x54: {  	_ =	shalt  }
0x55: {  	_ =	shalt  }
0x56: {  	_ =	shalt  }
0x57: {  	_ =	shalt  }
0x58: {  	_ =	shalt  }
0x59: {  	_ =	shalt  }
0x5a: {  	_ =	shalt  }
0x5b: {  	_ =	shalt  }
0x5c: {  	_ =	shalt  }
0x5d: {  	_ =	shalt  }
0x5e: {  	_ =	shalt  }
0x5f: {  	_ =	shalt  }
0x60: {  	_ =	shalt  }
0x61: {  	_ =	shalt  }
0x62: {  	_ =	shalt  }
0x63: {  	_ =	shalt  }
0x64: {  	_ =	shalt  }
0x65: {  	_ =	shalt  }
0x66: {  	_ =	shalt  }
0x67: {  	_ =	shalt  }
0x68: {  	_ =	shalt  }
0x69: {  	_ =	shalt  }
0x6a: {  	_ =	shalt  }
0x6b: {  	_ =	shalt  }
0x6c: {  	_ =	shalt  }
0x6d: {  	_ =	shalt  }
0x6e: {  	_ =	shalt  }
0x6f: {  	_ =	shalt  }
0x70: {  	_ =	shalt  }
0x71: {  	_ =	shalt  }
0x72: {  	_ =	shalt  }
0x73: {  	_ =	shalt  }
0x74: {  	_ =	shalt  }
0x75: {  	_ =	shalt  }
0x76: {  	_ =	shalt  }
0x77: {  	_ =	shalt  }
0x78: {  	_ =	shalt  }
0x79: {  	_ =	shalt  }
0x7a: {  	_ =	shalt  }
0x7b: {  	_ =	shalt  }
0x7c: {  	_ =	shalt  }
0x7d: {  	_ =	shalt  }
0x7e: {  	_ =	shalt  }
0x7f: {  	_ =	shalt  }
0x80: {  	_ =	shalt  }
0x81: {  	_ =	shalt  }
0x82: {  	_ =	shalt  }
0x83: {  	_ =	shalt  }
0x84: {  	_ =	shalt  }
0x85: {  	_ =	shalt  }
0x86: {  	_ =	shalt  }
0x87: {  	_ =	shalt  }
.Lfunc_end0:
.L_simem_size_0:
called_computation.2_lowered:
.L_overlay_start_0:
0x88: {  	s2 =	sld [smem:$0x3FD9]  }
0x89: {  	s3 =	sld [smem:$0x3FFE];
	_ =	sdelay $0x1  }
0x8a: {  	s1 =	srdreg.scid  }
0x8b: {  	s0 =	sand.u32 $0x1, s1  }
0x8c: {  	s16 =	sshll.u32 s0, $0xA;
	s2 =	sadd.s32 s3, s2  }
0x8d: {  	s2 =	sadd.s32 s2, s16  }
0x8e: {  	[smem:$0x3F9E] =	sst s2  }
0x8f: {  	_ = 	snop  }
0x90: {  	(tm) =	ssettm $0x1  }
0x91: {  	s17 =	sld [smem:$0x3FFB];
	_ =	sdelay $0x3  }
0x92: {  	_ =	strace s17  }
0x93: {  	s2 =	sld [smem:$0x3FFC];
	_ =	sdelay $0x3  }
0x94: {  	_ =	strace s2  }
0x95: {  	s2 =	sld [smem:$0x3FFD];
	_ =	sdelay $0x3  }
0x96: {  	_ =	strace s2  }
0x97: {  	_ =	strace $0x8FFFFFFF  }
0x98: {  	s18 =	sld [smem:$0x3FDB];
	_ =	sdelay $0x1  }
0x99: {  	s19 =	simm.s32 $_scs_section_size  }
0x9a: {  	s4 =	simm.s32 $_size__tile_overlayer_lowered;
	s5 =	simm.s32 $_tile_overlayer_lowered  }
0x9b: {  	s22 =	simm.s32 $0x1BFF;
	s21 =	sshll.u32 s5, $0x1;
	s2 =	sadd.s32 s19, s18  }
0x9c: {  	s6 =	simm.s32 $0x0;
	s20 =	sshll.u32 s4, $0x1;
	s4 =	sadd.s32 s21, s2  }
0x9d: {  	[timem:s6], [sflag:s22] =	dma.local [hbm:s4], s20  }
0x9e: {  	_ =	swait.ge [sflag:s22], s20  }
0x9f: {  	s3 =	ssub.s32 $0x0, s20;
	[sflag:s22] =	ssyncset.done $0x0  }
0xa0: {  	[sflag:s22] =	ssyncadd.s32 s3;
	_ =	sdelay $0x1  }
0xa1: {  	s23 =	simm.s32 $0x1B8B  }
0xa2: {  	_ =	swait.ge [sflag:s23], $0x1  }
0xa3: {  	[sflag:s23] =	ssyncset.done $0x0  }
0xa4: {  	s25 =	simm.s32 $0x1B8E;
	s24 =	sld [smem:$0x3FFE];
	[sflag:s23] =	ssyncadd.s32 $0xFFFFFFFF  }
0xa5: {  	s26 =	simm.s32 $execute0_lowered;
	[smem:$0x3FD2] =	sst s25  }
0xa6: {  	s4 =	sshll.u32 s26, $0x1;
	_ =	strace $0x8000004C;
	[dreg:$0x1] =	wrdreg $0xFFFFFFFF  }
0xa7: {  	s28 =	simm.s32 $_size_execute0_lowered;
	s2 =	sadd.s32 s2, s4;
	[dreg:$0x0] =	wrdreg $0x0  }
0xa8: {  	s4 =	sshll.u32 s28, $0x1;
	[dreg:$0x2] =	wrdreg s2  }
0xa9: {  	[dreg:$0x3] =	wrdreg s4  }
0xaa: {  	[dreg:$0x4] =	wrdreg $0xC0  }
0xab: {  	_ =	task [dreg:s6], $0x5FFFF  }
0xac: {  	[dreg:$0x1] =	wrdreg $0xFFFFFFFF  }
0xad: {  	[dreg:$0x0] =	wrdreg $0x60  }
0xae: {  	[dreg:$0x2] =	wrdreg s24  }
0xaf: {  	[dreg:$0x3] =	wrdreg $0xC4000  }
0xb0: {  	[dreg:$0x4] =	wrdreg $0x9  }
0xb1: {  	_ =	task.clear_ibuf [dreg:s6], $0x5FFFF;
	_ =	strace $0x9000004C  }
0xb2: {  	s29 =	simm.s32 $0x9;
	_ =	strace $0x8000004E  }
0xb3: {  	_ =	swait.ge [sflag:s29], $0x1  }
0xb4: {  	[sflag:s29] =	ssyncadd.s32 $0xFFFFFFFF  }
0xb5: {  	_ =	strace $0x9000004E  }
0xb6: {  	_ =	sfence  }
0xb7: {  	s30 =	sld [smem:$0x0];
	_ =	sdelay $0x2  }
0xb8: {  	s31 =	sshll.u32 s1, $0xD;
	s1 =	sshrl.u32 s1, $0x2  }
0xb9: {  	s3 =	sand.u32 $0x4000, s31;
	s1 =	sadd.s32 s1, s30  }
0xba: {  	s0 =	sor.u32 s3, s0;
	s1 =	sshll.u32 s1, $0x11  }
0xbb: {  	s0 =	sor.u32 s1, s0  }
0xbc: {  	s0 =	sadd.s32 $0x8F2B, s0  }
0xbd: {  	[sflag:s0] =	ssyncadd.remote.s32 $0x1  }
0xbe: {  	_ =	sfence.sel $0xFFFF  }
0xbf: {  	[dreg:$0x0] =	wrdreg $0xFFFFFFFF;
	(pc) =	sbr.abs _section_cstart, $3  }
0xc0: {  	[dreg:$0x1] =	wrdreg $0xFFFFFFFF  }
0xc1: {  	_ =	task.clear_ibuf [dreg:s6], $0x2FFFF;
	_ =	strace $0x9FFFFFFF  }
0xc2: {  	(tm) =	ssettm $0x7FFFFFFF  }
0xc3: {  	_ =	shalt  }
tec
execute0_lowered:
.L_overlay_start_1:
0x0: {  	(tag) =	ssettag $0x1  }
0x1: {  	s0 =	srdreg.scid;
	s5 =	rddreg [dreg:$0x0]  }
0x2: {  	s9 =	stileid.u32;
	s2 =	rddreg [dreg:$0x1];
	s3 =	simm.s32 $0x0  }
0x3: {  	s11 =	simm.s32 $0x180;
	s12 =	simm.s32 $0x880;
	s13 =	simm.s32 $0x200  }
0x4: {  	s14 =	simm.s32 $0x900;
	s15 =	simm.s32 $0x280;
	s16 =	simm.s32 $0x980  }
0x5: {  	s17 =	simm.s32 $0x300;
	[smem:$0x7FF] =	sst s3;
	s23 =	sadd.s32 $0x82400, s5  }
0x6: {  	s18 =	simm.s32 $0xA00;
	_ =	strace $0x8000004D;
	[dreg:$0x17] =	wrdreg s23  }
0x7: {  	s19 =	simm.s32 $0x380;
	s20 =	simm.s32 $0xA80;
	[dreg:$0x7] =	wrdreg s11  }
0x8: {  	s21 =	simm.s32 $0x400;
	s22 =	simm.s32 $0xB00;
	[dreg:$0x8] =	wrdreg s12  }
0x9: {  	s28 =	simm.s32 $0xD80;
	s29 =	simm.s32 $0x700;
	[dreg:$0x9] =	wrdreg s13  }
0xa: {  	s30 =	simm.s32 $0xE00;
	s4 =	smul.u32 $0x5800, s9;
	[dreg:$0xa] =	wrdreg s14  }
0xb: {  	s31 =	simm.s32 $0x780;
	s7 =	smul.u32 $0x13C00, s9;
	[dreg:$0xb] =	wrdreg s15  }
0xc: {  	s0 =	sand.u32 $0x1, s0;
	s25 =	smul.u32 $0x4F000, s9;
	[dreg:$0xc] =	wrdreg s16  }
0xd: {  	s10 =	sshll.u32 s9, $0x6;
	s1 =	smul.u32 $0x58000, s0;
	[dreg:$0xd] =	wrdreg s17  }
0xe: {  	s9 =	simm.s32 $0x0;
	s6 =	smul.u32 $0x13C000, s0;
	[dreg:$0xe] =	wrdreg s18  }
0xf: {  	s0 =	ssub.s32 $0x2, s0;
	s11 =	simm.s32 $0x800;
	[dreg:$0xf] =	wrdreg s19  }
0x10: {  	s12 =	simm.s32 $0x78;
	s13 =	simm.s32 $0x1000;
	[dreg:$0x10] =	wrdreg s20  }
0x11: {  	s14 =	simm.s32 $0x4C00;
	s15 =	simm.s32 $0x8800;
	[dreg:$0x11] =	wrdreg s21  }
0x12: {  	s16 =	simm.s32 $0x1;
	s17 =	simm.s32 $0x4;
	[dreg:$0x12] =	wrdreg s22  }
0x13: {  	s23 =	simm.s32 $0x480;
	s18 =	simm.s32 $0x2;
	s19 =	simm.s32 $0x5  }
0x14: {  	s20 =	simm.s32 $0x3;
	s21 =	simm.s32 $0x6;
	s22 =	simm.s32 $0x580  }
0x15: {  	s24 =	sshrl.u32 s0, $0x1;
	s26 =	sshrl.u32 s25, $0x2;
	[dreg:$0x13] =	wrdreg s23  }
0x16: {  	s25 =	simm.s32 $0x500;
	s23 =	simm.s32 $0xC80;
	s1 =	sadd.s32 s4, s1  }
0x17: {  	s6 =	sadd.s32 s7, s6;
	s4 =	sadd.s32 $0x8200, s5;
	s0 =	ssub.s32 s0, s24  }
0x18: {  	s7 =	simm.s32 $0x80;
	s24 =	simm.s32 $0xB80;
	[dreg:$0x15] =	wrdreg s25  }
0x19: {  	s1 =	sshrl.u32 s1, $0x3;
	s6 =	sshrl.u32 s6, $0x3;
	[dreg:$0x5] =	wrdreg s7  }
0x1a: {  	s7 =	sor.u32 $0x1C07, s10;
	s0 =	smax.u32 s0, $0x1;
	[dreg:$0x14] =	wrdreg s24  }
0x1b: {  	s1 =	sadd.s32 s1, s5;
	s5 =	sadd.s32 s6, s5;
	[dreg:$0x1a] =	wrdreg s0  }
0x1c: {  	s6 =	sadd.s32 s26, s2;
	s26 =	simm.s32 $0xC00;
	[dreg:$0x18] =	wrdreg s7  }
0x1d: {  	s25 =	simm.s32 $0xD00;
	s8 =	sadd.s32 $0x6C400, s1;
	[dreg:$0x16] =	wrdreg s26  }
0x1e: {  	s10 =	simm.s32 $0x7;
	s1 =	sadd.s32 $0x56400, s1;
	[dreg:$0x3] =	wrdreg s8  }
0x1f: {  	s24 =	simm.s32 $0x600;
	s5 =	sadd.s32 $0x84C00, s5;
	[dreg:$0x4] =	wrdreg s1  }
0x20: {  	s0 =	simm.s32 $0xF00;
	s8 =	simm.s32 $0x100;
	[dreg:$0x19] =	wrdreg s5  }
0x21: {  	s26 =	simm.s32 $0x680;
	[dreg:$0x6] =	wrdreg s8;
	s8 =	sshrl.u32 s6, $0x3  }
0x22: {  	s1 =	simm.s32 $0xE80;
	s5 =	simm.s32 $0xF80;
	[dreg:$0x1b] =	wrdreg s8  }
.LBB2_1:
0x23: {  	[dreg:$0x1c] =	wrdreg s9  }
0x24: {  	s6 =	rddreg [dreg:$0x17]  }
0x25: {  	[spmem:s8], [sflag:s7] =	dma.local [hbm:s6], $0x2780  }
0x26: {  	_ =	swait.ge [sflag:s10], $0x2780  }
0x27: {  	[sflag:s10] =	ssyncset.done $0x0  }
0x28: {  	[sflag:s10] =	ssyncadd.s32 $0xFFFFD880  }
0x29: {  	[bflag:$0x0] =	sbarrier.arrive $0xFFFF  }
0x2a: {  	s7 =	rddreg [dreg:$0x4]  }
0x2b: {  	s6 =	sadd.s32 $0x0, s7  }
0x2c: {  	[tilespmem:s3], [sflag:$0x7] =	stream.linear.gather [hbm4b:s6+s3], $0x800, $0x38;
	v63 =	vld [tilespmem:$0x0]  }
0x2d: {  	_ =	swait.ge [sflag:s10], $0x800  }
0x2e: {  	s8 =	rddreg [dreg:$0x3];
	[sflag:s10] =	ssyncset.done $0x0  }
0x2f: {  	[sflag:s10] =	ssyncadd.s32 $0xFFFFF800;
	s6 =	sadd.s32 $0x0, s8  }
0x30: {  	[tilespmem:s11], [sflag:$0x7] =	stream.linear.gather [hbm4b:s6+s3], $0x800, $0x38;
	v63 =	vld [tilespmem:$0x0]  }
0x31: {  	_ =	swait.ge [sflag:s10], $0x800  }
0x32: {  	[sflag:s10] =	ssyncset.done $0x0  }
0x33: {  	[sflag:s10] =	ssyncadd.s32 $0xFFFFF800  }
0x34: {  	[tilespmem:s13], [sflag:$0x1] =	stream.indirect.gather [hbm4b:s4+s12], $0x80, s3, s12, $0xb8;
	v63 =	vld [tilespmem:$0x0]  }
0x35: {  	s9 =	rddreg [dreg:$0x5]  }
0x36: {  	[tilespmem:s14], [sflag:$0x2] =	stream.indirect.gather [hbm4b:s4+s12], $0x80, s9, s12, $0xb8;
	v63 =	vld [tilespmem:$0x0]  }
0x37: {  	s7 =	rddreg [dreg:$0x6]  }
0x38: {  	[tilespmem:s15], [sflag:$0x3] =	stream.indirect.gather [hbm4b:s4+s12], $0x80, s7, s12, $0xb8;
	v63 =	vld [tilespmem:$0x0]  }
0x39: {  	_ =	swait.ge [sflag:s16], $0x3C00  }
0x3a: {  	[sflag:s16] =	ssyncset.done $0x0  }
0x3b: {  	[sflag:s16] =	ssyncadd.s32 $0xFFFFC400  }
0x3c: {  	[spmem:s2] =	stream.indirect.scatter.add.f32 [tilespmem:s13], [sflag:$0x4], $0x80, s11, s12, $0xb8;
	v63 =	vld [tilespmem:$0x0]  }
0x3d: {  	_ =	swait.ge [sflag:s17], $0x3C00  }
0x3e: {  	[sflag:s17] =	ssyncset.done $0x0  }
0x3f: {  	s9 =	rddreg [dreg:$0x7];
	[sflag:s17] =	ssyncadd.s32 $0xFFFFC400  }
0x40: {  	[tilespmem:s13], [sflag:$0x1] =	stream.indirect.gather [hbm4b:s4+s12], $0x80, s9, s12, $0xb8;
	v63 =	vld [tilespmem:$0x0]  }
0x41: {  	_ =	swait.ge [sflag:s18], $0x3C00  }
0x42: {  	[sflag:s18] =	ssyncset.done $0x0  }
0x43: {  	s7 =	rddreg [dreg:$0x8];
	[sflag:s18] =	ssyncadd.s32 $0xFFFFC400  }
0x44: {  	[spmem:s2] =	stream.indirect.scatter.add.f32 [tilespmem:s14], [sflag:$0x5], $0x80, s7, s12, $0xb8;
	v63 =	vld [tilespmem:$0x0]  }
0x45: {  	_ =	swait.ge [sflag:s19], $0x3C00  }
0x46: {  	[sflag:s19] =	ssyncset.done $0x0  }
0x47: {  	s8 =	rddreg [dreg:$0x9];
	[sflag:s19] =	ssyncadd.s32 $0xFFFFC400  }
0x48: {  	[tilespmem:s14], [sflag:$0x2] =	stream.indirect.gather [hbm4b:s4+s12], $0x80, s8, s12, $0xb8;
	v63 =	vld [tilespmem:$0x0]  }
0x49: {  	_ =	swait.ge [sflag:s20], $0x3C00  }
0x4a: {  	[sflag:s20] =	ssyncset.done $0x0  }
0x4b: {  	s9 =	rddreg [dreg:$0xa];
	[sflag:s20] =	ssyncadd.s32 $0xFFFFC400  }
0x4c: {  	[spmem:s2] =	stream.indirect.scatter.add.f32 [tilespmem:s15], [sflag:$0x6], $0x80, s9, s12, $0xb8;
	v63 =	vld [tilespmem:$0x0]  }
0x4d: {  	_ =	swait.ge [sflag:s21], $0x3C00  }
0x4e: {  	[sflag:s21] =	ssyncset.done $0x0  }
0x4f: {  	s7 =	rddreg [dreg:$0xb];
	[sflag:s21] =	ssyncadd.s32 $0xFFFFC400  }
0x50: {  	[tilespmem:s15], [sflag:$0x3] =	stream.indirect.gather [hbm4b:s4+s12], $0x80, s7, s12, $0xb8;
	v63 =	vld [tilespmem:$0x0]  }
0x51: {  	_ =	swait.ge [sflag:s16], $0x3C00  }
0x52: {  	[sflag:s16] =	ssyncset.done $0x0  }
0x53: {  	s8 =	rddreg [dreg:$0xc];
	[sflag:s16] =	ssyncadd.s32 $0xFFFFC400  }
0x54: {  	[spmem:s2] =	stream.indirect.scatter.add.f32 [tilespmem:s13], [sflag:$0x4], $0x80, s8, s12, $0xb8;
	v63 =	vld [tilespmem:$0x0]  }
0x55: {  	_ =	swait.ge [sflag:s17], $0x3C00  }
0x56: {  	[sflag:s17] =	ssyncset.done $0x0  }
0x57: {  	s9 =	rddreg [dreg:$0xd];
	[sflag:s17] =	ssyncadd.s32 $0xFFFFC400  }
0x58: {  	[tilespmem:s13], [sflag:$0x1] =	stream.indirect.gather [hbm4b:s4+s12], $0x80, s9, s12, $0xb8;
	v63 =	vld [tilespmem:$0x0]  }
0x59: {  	_ =	swait.ge [sflag:s18], $0x3C00  }
0x5a: {  	[sflag:s18] =	ssyncset.done $0x0  }
0x5b: {  	s7 =	rddreg [dreg:$0xe];
	[sflag:s18] =	ssyncadd.s32 $0xFFFFC400  }
0x5c: {  	[spmem:s2] =	stream.indirect.scatter.add.f32 [tilespmem:s14], [sflag:$0x5], $0x80, s7, s12, $0xb8;
	v63 =	vld [tilespmem:$0x0]  }
0x5d: {  	_ =	swait.ge [sflag:s19], $0x3C00  }
0x5e: {  	[sflag:s19] =	ssyncset.done $0x0  }
0x5f: {  	s8 =	rddreg [dreg:$0xf];
	[sflag:s19] =	ssyncadd.s32 $0xFFFFC400  }
0x60: {  	[tilespmem:s14], [sflag:$0x2] =	stream.indirect.gather [hbm4b:s4+s12], $0x80, s8, s12, $0xb8;
	v63 =	vld [tilespmem:$0x0]  }
0x61: {  	_ =	swait.ge [sflag:s20], $0x3C00  }
0x62: {  	[sflag:s20] =	ssyncset.done $0x0  }
0x63: {  	s9 =	rddreg [dreg:$0x10];
	[sflag:s20] =	ssyncadd.s32 $0xFFFFC400  }
0x64: {  	[spmem:s2] =	stream.indirect.scatter.add.f32 [tilespmem:s15], [sflag:$0x6], $0x80, s9, s12, $0xb8;
	v63 =	vld [tilespmem:$0x0]  }
0x65: {  	_ =	swait.ge [sflag:s21], $0x3C00  }
0x66: {  	[sflag:s21] =	ssyncset.done $0x0  }
0x67: {  	s7 =	rddreg [dreg:$0x11];
	[sflag:s21] =	ssyncadd.s32 $0xFFFFC400  }
0x68: {  	[tilespmem:s15], [sflag:$0x3] =	stream.indirect.gather [hbm4b:s4+s12], $0x80, s7, s12, $0xb8;
	v63 =	vld [tilespmem:$0x0]  }
0x69: {  	_ =	swait.ge [sflag:s16], $0x3C00  }
0x6a: {  	[sflag:s16] =	ssyncset.done $0x0  }
0x6b: {  	s8 =	rddreg [dreg:$0x12];
	[sflag:s16] =	ssyncadd.s32 $0xFFFFC400  }
0x6c: {  	[spmem:s2] =	stream.indirect.scatter.add.f32 [tilespmem:s13], [sflag:$0x4], $0x80, s8, s12, $0xb8;
	v63 =	vld [tilespmem:$0x0]  }
0x6d: {  	_ =	swait.ge [sflag:s17], $0x3C00  }
0x6e: {  	[sflag:s17] =	ssyncset.done $0x0  }
0x6f: {  	s9 =	rddreg [dreg:$0x13];
	[sflag:s17] =	ssyncadd.s32 $0xFFFFC400  }
0x70: {  	[tilespmem:s13], [sflag:$0x1] =	stream.indirect.gather [hbm4b:s4+s12], $0x80, s9, s12, $0xb8;
	v63 =	vld [tilespmem:$0x0]  }
0x71: {  	_ =	swait.ge [sflag:s18], $0x3C00  }
0x72: {  	[sflag:s18] =	ssyncset.done $0x0  }
0x73: {  	s7 =	rddreg [dreg:$0x14];
	[sflag:s18] =	ssyncadd.s32 $0xFFFFC400  }
0x74: {  	[spmem:s2] =	stream.indirect.scatter.add.f32 [tilespmem:s14], [sflag:$0x5], $0x80, s7, s12, $0xb8;
	v63 =	vld [tilespmem:$0x0]  }
0x75: {  	_ =	swait.ge [sflag:s19], $0x3C00  }
0x76: {  	[sflag:s19] =	ssyncset.done $0x0  }
0x77: {  	s8 =	rddreg [dreg:$0x15];
	[sflag:s19] =	ssyncadd.s32 $0xFFFFC400  }
0x78: {  	[tilespmem:s14], [sflag:$0x2] =	stream.indirect.gather [hbm4b:s4+s12], $0x80, s8, s12, $0xb8;
	v63 =	vld [tilespmem:$0x0]  }
0x79: {  	_ =	swait.ge [sflag:s20], $0x3C00  }
0x7a: {  	[sflag:s20] =	ssyncset.done $0x0  }
0x7b: {  	s9 =	rddreg [dreg:$0x16];
	[sflag:s20] =	ssyncadd.s32 $0xFFFFC400  }
0x7c: {  	[spmem:s2] =	stream.indirect.scatter.add.f32 [tilespmem:s15], [sflag:$0x6], $0x80, s9, s12, $0xb8;
	v63 =	vld [tilespmem:$0x0]  }
0x7d: {  	_ =	swait.ge [sflag:s21], $0x3C00  }
0x7e: {  	[sflag:s21] =	ssyncset.done $0x0  }
0x7f: {  	[sflag:s21] =	ssyncadd.s32 $0xFFFFC400  }
0x80: {  	[tilespmem:s15], [sflag:$0x3] =	stream.indirect.gather [hbm4b:s4+s12], $0x80, s22, s12, $0xb8;
	v63 =	vld [tilespmem:$0x0]  }
0x81: {  	_ =	swait.ge [sflag:s16], $0x3C00  }
0x82: {  	[sflag:s16] =	ssyncset.done $0x0  }
0x83: {  	[sflag:s16] =	ssyncadd.s32 $0xFFFFC400  }
0x84: {  	[spmem:s2] =	stream.indirect.scatter.add.f32 [tilespmem:s13], [sflag:$0x4], $0x80, s23, s12, $0xb8;
	v63 =	vld [tilespmem:$0x0]  }
0x85: {  	_ =	swait.ge [sflag:s17], $0x3C00  }
0x86: {  	[sflag:s17] =	ssyncset.done $0x0  }
0x87: {  	[sflag:s17] =	ssyncadd.s32 $0xFFFFC400  }
0x88: {  	[tilespmem:s13], [sflag:$0x1] =	stream.indirect.gather [hbm4b:s4+s12], $0x80, s24, s12, $0xb8;
	v63 =	vld [tilespmem:$0x0]  }
0x89: {  	_ =	swait.ge [sflag:s18], $0x3C00  }
0x8a: {  	[sflag:s18] =	ssyncset.done $0x0  }
0x8b: {  	[sflag:s18] =	ssyncadd.s32 $0xFFFFC400  }
0x8c: {  	[spmem:s2] =	stream.indirect.scatter.add.f32 [tilespmem:s14], [sflag:$0x5], $0x80, s25, s12, $0xb8;
	v63 =	vld [tilespmem:$0x0]  }
0x8d: {  	_ =	swait.ge [sflag:s19], $0x3C00  }
0x8e: {  	[sflag:s19] =	ssyncset.done $0x0  }
0x8f: {  	[sflag:s19] =	ssyncadd.s32 $0xFFFFC400  }
0x90: {  	[tilespmem:s14], [sflag:$0x2] =	stream.indirect.gather [hbm4b:s4+s12], $0x80, s26, s12, $0xb8;
	v63 =	vld [tilespmem:$0x0]  }
0x91: {  	_ =	swait.ge [sflag:s20], $0x3C00  }
0x92: {  	[sflag:s20] =	ssyncset.done $0x0  }
0x93: {  	[sflag:s20] =	ssyncadd.s32 $0xFFFFC400  }
0x94: {  	[spmem:s2] =	stream.indirect.scatter.add.f32 [tilespmem:s15], [sflag:$0x6], $0x80, s28, s12, $0xb8;
	v63 =	vld [tilespmem:$0x0]  }
0x95: {  	_ =	swait.ge [sflag:s21], $0x3C00  }
0x96: {  	[sflag:s21] =	ssyncset.done $0x0  }
0x97: {  	[sflag:s21] =	ssyncadd.s32 $0xFFFFC400  }
0x98: {  	[tilespmem:s15], [sflag:$0x3] =	stream.indirect.gather [hbm4b:s4+s12], $0x80, s29, s12, $0xb8;
	v63 =	vld [tilespmem:$0x0]  }
0x99: {  	_ =	swait.ge [sflag:s16], $0x3C00  }
0x9a: {  	[sflag:s16] =	ssyncset.done $0x0  }
0x9b: {  	[sflag:s16] =	ssyncadd.s32 $0xFFFFC400  }
0x9c: {  	[spmem:s2] =	stream.indirect.scatter.add.f32 [tilespmem:s13], [sflag:$0x4], $0x80, s30, s12, $0xb8;
	v63 =	vld [tilespmem:$0x0]  }
0x9d: {  	_ =	swait.ge [sflag:s17], $0x3C00  }
0x9e: {  	[sflag:s17] =	ssyncset.done $0x0  }
0x9f: {  	[sflag:s17] =	ssyncadd.s32 $0xFFFFC400  }
0xa0: {  	[tilespmem:s13], [sflag:$0x1] =	stream.indirect.gather [hbm4b:s4+s12], $0x80, s31, s12, $0xb8;
	v63 =	vld [tilespmem:$0x0]  }
0xa1: {  	_ =	swait.ge [sflag:s18], $0x3C00  }
0xa2: {  	[sflag:s18] =	ssyncset.done $0x0  }
0xa3: {  	[sflag:s18] =	ssyncadd.s32 $0xFFFFC400  }
0xa4: {  	[spmem:s2] =	stream.indirect.scatter.add.f32 [tilespmem:s14], [sflag:$0x5], $0x80, s1, s12, $0xb8;
	v63 =	vld [tilespmem:$0x0]  }
0xa5: {  	_ =	swait.ge [sflag:s20], $0x3C00  }
0xa6: {  	[sflag:s20] =	ssyncset.done $0x0  }
0xa7: {  	[sflag:s20] =	ssyncadd.s32 $0xFFFFC400  }
0xa8: {  	[spmem:s2] =	stream.indirect.scatter.add.f32 [tilespmem:s15], [sflag:$0x6], $0x80, s0, s12, $0xb8;
	v63 =	vld [tilespmem:$0x0]  }
0xa9: {  	_ =	swait.ge [sflag:s16], $0x3C00  }
0xaa: {  	[sflag:s16] =	ssyncset.done $0x0  }
0xab: {  	[sflag:s16] =	ssyncadd.s32 $0xFFFFC400  }
0xac: {  	[spmem:s2] =	stream.indirect.scatter.add.f32 [tilespmem:s13], [sflag:$0x4], $0x80, s5, s12, $0xb8;
	v63 =	vld [tilespmem:$0x0]  }
0xad: {  	_ =	swait.ge [sflag:s17], $0x3C00  }
0xae: {  	[sflag:s17] =	ssyncset.done $0x0  }
0xaf: {  	[sflag:s17] =	ssyncadd.s32 $0xFFFFC400  }
0xb0: {  	_ =	swait.ge [sflag:s19], $0x3C00  }
0xb1: {  	[sflag:s19] =	ssyncset.done $0x0  }
0xb2: {  	[sflag:s19] =	ssyncadd.s32 $0xFFFFC400  }
0xb3: {  	s6 =	simm.s32 $0x200;
	_ =	swait.ge [sflag:s21], $0x3C00  }
0xb4: {  	s8 =	simm.s32 $0x100;
	s9 =	rddreg [dreg:$0x4];
	[sflag:s21] =	ssyncset.done $0x0  }
.LBB2_2:
0xb5: {  	[sflag:s21] =	ssyncadd.s32 $0xFFFFC400;
	s9 =	sadd.s32 s8, s9  }
0xb6: {  	[tilespmem:s3], [sflag:$0x7] =	stream.linear.gather [hbm4b:s9+s3], $0x800, $0x38;
	v63 =	vld [tilespmem:$0x0]  }
0xb7: {  	_ =	swait.ge [sflag:s10], $0x800  }
0xb8: {  	s9 =	rddreg [dreg:$0x3];
	[sflag:s10] =	ssyncset.done $0x0  }
0xb9: {  	[sflag:s10] =	ssyncadd.s32 $0xFFFFF800;
	s9 =	sadd.s32 s8, s9  }
0xba: {  	[tilespmem:s11], [sflag:$0x7] =	stream.linear.gather [hbm4b:s9+s3], $0x800, $0x38;
	v63 =	vld [tilespmem:$0x0]  }
0xbb: {  	_ =	swait.ge [sflag:s10], $0x800  }
0xbc: {  	[sflag:s10] =	ssyncset.done $0x0  }
0xbd: {  	s7 =	smov.u32 s6;
	[sflag:s10] =	ssyncadd.s32 $0xFFFFF800  }
0xbe: {  	[tilespmem:s13], [sflag:$0x1] =	stream.indirect.gather [hbm4b:s4+s12], $0x80, s3, s12, $0xb8;
	v63 =	vld [tilespmem:$0x0]  }
0xbf: {  	s8 =	smov.u32 s7;
	s7 =	rddreg [dreg:$0x5]  }
0xc0: {  	[tilespmem:s14], [sflag:$0x2] =	stream.indirect.gather [hbm4b:s4+s12], $0x80, s7, s12, $0xb8;
	v63 =	vld [tilespmem:$0x0]  }
0xc1: {  	s9 =	rddreg [dreg:$0x6]  }
0xc2: {  	[tilespmem:s15], [sflag:$0x3] =	stream.indirect.gather [hbm4b:s4+s12], $0x80, s9, s12, $0xb8;
	v63 =	vld [tilespmem:$0x0]  }
0xc3: {  	_ =	swait.ge [sflag:s16], $0x3C00  }
0xc4: {  	[sflag:s16] =	ssyncset.done $0x0  }
0xc5: {  	[sflag:s16] =	ssyncadd.s32 $0xFFFFC400  }
0xc6: {  	[spmem:s2] =	stream.indirect.scatter.add.f32 [tilespmem:s13], [sflag:$0x4], $0x80, s11, s12, $0xb8;
	v63 =	vld [tilespmem:$0x0]  }
0xc7: {  	_ =	swait.ge [sflag:s17], $0x3C00  }
0xc8: {  	[sflag:s17] =	ssyncset.done $0x0  }
0xc9: {  	s9 =	rddreg [dreg:$0x7];
	[sflag:s17] =	ssyncadd.s32 $0xFFFFC400  }
0xca: {  	[tilespmem:s13], [sflag:$0x1] =	stream.indirect.gather [hbm4b:s4+s12], $0x80, s9, s12, $0xb8;
	v63 =	vld [tilespmem:$0x0]  }
0xcb: {  	_ =	swait.ge [sflag:s18], $0x3C00  }
0xcc: {  	[sflag:s18] =	ssyncset.done $0x0  }
0xcd: {  	s9 =	rddreg [dreg:$0x8];
	[sflag:s18] =	ssyncadd.s32 $0xFFFFC400  }
0xce: {  	[spmem:s2] =	stream.indirect.scatter.add.f32 [tilespmem:s14], [sflag:$0x5], $0x80, s9, s12, $0xb8;
	v63 =	vld [tilespmem:$0x0]  }
0xcf: {  	_ =	swait.ge [sflag:s19], $0x3C00  }
0xd0: {  	[sflag:s19] =	ssyncset.done $0x0  }
0xd1: {  	s9 =	rddreg [dreg:$0x9];
	[sflag:s19] =	ssyncadd.s32 $0xFFFFC400  }
0xd2: {  	[tilespmem:s14], [sflag:$0x2] =	stream.indirect.gather [hbm4b:s4+s12], $0x80, s9, s12, $0xb8;
	v63 =	vld [tilespmem:$0x0]  }
0xd3: {  	_ =	swait.ge [sflag:s20], $0x3C00  }
0xd4: {  	[sflag:s20] =	ssyncset.done $0x0  }
0xd5: {  	s9 =	rddreg [dreg:$0xa];
	[sflag:s20] =	ssyncadd.s32 $0xFFFFC400  }
0xd6: {  	[spmem:s2] =	stream.indirect.scatter.add.f32 [tilespmem:s15], [sflag:$0x6], $0x80, s9, s12, $0xb8;
	v63 =	vld [tilespmem:$0x0]  }
0xd7: {  	_ =	swait.ge [sflag:s21], $0x3C00  }
0xd8: {  	[sflag:s21] =	ssyncset.done $0x0  }
0xd9: {  	s9 =	rddreg [dreg:$0xb];
	[sflag:s21] =	ssyncadd.s32 $0xFFFFC400  }
0xda: {  	[tilespmem:s15], [sflag:$0x3] =	stream.indirect.gather [hbm4b:s4+s12], $0x80, s9, s12, $0xb8;
	v63 =	vld [tilespmem:$0x0]  }
0xdb: {  	_ =	swait.ge [sflag:s16], $0x3C00  }
0xdc: {  	[sflag:s16] =	ssyncset.done $0x0  }
0xdd: {  	s9 =	rddreg [dreg:$0xc];
	[sflag:s16] =	ssyncadd.s32 $0xFFFFC400  }
0xde: {  	[spmem:s2] =	stream.indirect.scatter.add.f32 [tilespmem:s13], [sflag:$0x4], $0x80, s9, s12, $0xb8;
	v63 =	vld [tilespmem:$0x0]  }
0xdf: {  	_ =	swait.ge [sflag:s17], $0x3C00  }
0xe0: {  	[sflag:s17] =	ssyncset.done $0x0  }
0xe1: {  	s9 =	rddreg [dreg:$0xd];
	[sflag:s17] =	ssyncadd.s32 $0xFFFFC400  }
0xe2: {  	[tilespmem:s13], [sflag:$0x1] =	stream.indirect.gather [hbm4b:s4+s12], $0x80, s9, s12, $0xb8;
	v63 =	vld [tilespmem:$0x0]  }
0xe3: {  	_ =	swait.ge [sflag:s18], $0x3C00  }
0xe4: {  	[sflag:s18] =	ssyncset.done $0x0  }
0xe5: {  	s9 =	rddreg [dreg:$0xe];
	[sflag:s18] =	ssyncadd.s32 $0xFFFFC400  }
0xe6: {  	[spmem:s2] =	stream.indirect.scatter.add.f32 [tilespmem:s14], [sflag:$0x5], $0x80, s9, s12, $0xb8;
	v63 =	vld [tilespmem:$0x0]  }
0xe7: {  	_ =	swait.ge [sflag:s19], $0x3C00  }
0xe8: {  	[sflag:s19] =	ssyncset.done $0x0  }
0xe9: {  	s9 =	rddreg [dreg:$0xf];
	[sflag:s19] =	ssyncadd.s32 $0xFFFFC400  }
0xea: {  	[tilespmem:s14], [sflag:$0x2] =	stream.indirect.gather [hbm4b:s4+s12], $0x80, s9, s12, $0xb8;
	v63 =	vld [tilespmem:$0x0]  }
0xeb: {  	_ =	swait.ge [sflag:s20], $0x3C00  }
0xec: {  	[sflag:s20] =	ssyncset.done $0x0  }
0xed: {  	s9 =	rddreg [dreg:$0x10];
	[sflag:s20] =	ssyncadd.s32 $0xFFFFC400  }
0xee: {  	[spmem:s2] =	stream.indirect.scatter.add.f32 [tilespmem:s15], [sflag:$0x6], $0x80, s9, s12, $0xb8;
	v63 =	vld [tilespmem:$0x0]  }
0xef: {  	_ =	swait.ge [sflag:s21], $0x3C00  }
0xf0: {  	[sflag:s21] =	ssyncset.done $0x0  }
0xf1: {  	s9 =	rddreg [dreg:$0x11];
	[sflag:s21] =	ssyncadd.s32 $0xFFFFC400  }
0xf2: {  	[tilespmem:s15], [sflag:$0x3] =	stream.indirect.gather [hbm4b:s4+s12], $0x80, s9, s12, $0xb8;
	v63 =	vld [tilespmem:$0x0]  }
0xf3: {  	_ =	swait.ge [sflag:s16], $0x3C00  }
0xf4: {  	[sflag:s16] =	ssyncset.done $0x0  }
0xf5: {  	s9 =	rddreg [dreg:$0x12];
	[sflag:s16] =	ssyncadd.s32 $0xFFFFC400  }
0xf6: {  	[spmem:s2] =	stream.indirect.scatter.add.f32 [tilespmem:s13], [sflag:$0x4], $0x80, s9, s12, $0xb8;
	v63 =	vld [tilespmem:$0x0]  }
0xf7: {  	_ =	swait.ge [sflag:s17], $0x3C00  }
0xf8: {  	[sflag:s17] =	ssyncset.done $0x0  }
0xf9: {  	s9 =	rddreg [dreg:$0x13];
	[sflag:s17] =	ssyncadd.s32 $0xFFFFC400  }
0xfa: {  	[tilespmem:s13], [sflag:$0x1] =	stream.indirect.gather [hbm4b:s4+s12], $0x80, s9, s12, $0xb8;
	v63 =	vld [tilespmem:$0x0]  }
0xfb: {  	_ =	swait.ge [sflag:s18], $0x3C00  }
0xfc: {  	[sflag:s18] =	ssyncset.done $0x0  }
0xfd: {  	s9 =	rddreg [dreg:$0x14];
	[sflag:s18] =	ssyncadd.s32 $0xFFFFC400  }
0xfe: {  	[spmem:s2] =	stream.indirect.scatter.add.f32 [tilespmem:s14], [sflag:$0x5], $0x80, s9, s12, $0xb8;
	v63 =	vld [tilespmem:$0x0]  }
0xff: {  	_ =	swait.ge [sflag:s19], $0x3C00  }
0x100: {  	[sflag:s19] =	ssyncset.done $0x0  }
0x101: {  	s9 =	rddreg [dreg:$0x15];
	[sflag:s19] =	ssyncadd.s32 $0xFFFFC400  }
0x102: {  	[tilespmem:s14], [sflag:$0x2] =	stream.indirect.gather [hbm4b:s4+s12], $0x80, s9, s12, $0xb8;
	v63 =	vld [tilespmem:$0x0]  }
0x103: {  	_ =	swait.ge [sflag:s20], $0x3C00  }
0x104: {  	[sflag:s20] =	ssyncset.done $0x0  }
0x105: {  	s9 =	rddreg [dreg:$0x16];
	[sflag:s20] =	ssyncadd.s32 $0xFFFFC400  }
0x106: {  	[spmem:s2] =	stream.indirect.scatter.add.f32 [tilespmem:s15], [sflag:$0x6], $0x80, s9, s12, $0xb8;
	v63 =	vld [tilespmem:$0x0]  }
0x107: {  	_ =	swait.ge [sflag:s21], $0x3C00  }
0x108: {  	[sflag:s21] =	ssyncset.done $0x0  }
0x109: {  	[sflag:s21] =	ssyncadd.s32 $0xFFFFC400  }
0x10a: {  	[tilespmem:s15], [sflag:$0x3] =	stream.indirect.gather [hbm4b:s4+s12], $0x80, s22, s12, $0xb8;
	v63 =	vld [tilespmem:$0x0]  }
0x10b: {  	_ =	swait.ge [sflag:s16], $0x3C00  }
0x10c: {  	[sflag:s16] =	ssyncset.done $0x0  }
0x10d: {  	[sflag:s16] =	ssyncadd.s32 $0xFFFFC400  }
0x10e: {  	[spmem:s2] =	stream.indirect.scatter.add.f32 [tilespmem:s13], [sflag:$0x4], $0x80, s23, s12, $0xb8;
	v63 =	vld [tilespmem:$0x0]  }
0x10f: {  	_ =	swait.ge [sflag:s17], $0x3C00  }
0x110: {  	[sflag:s17] =	ssyncset.done $0x0  }
0x111: {  	[sflag:s17] =	ssyncadd.s32 $0xFFFFC400  }
0x112: {  	[tilespmem:s13], [sflag:$0x1] =	stream.indirect.gather [hbm4b:s4+s12], $0x80, s24, s12, $0xb8;
	v63 =	vld [tilespmem:$0x0]  }
0x113: {  	_ =	swait.ge [sflag:s18], $0x3C00  }
0x114: {  	[sflag:s18] =	ssyncset.done $0x0  }
0x115: {  	[sflag:s18] =	ssyncadd.s32 $0xFFFFC400  }
0x116: {  	[spmem:s2] =	stream.indirect.scatter.add.f32 [tilespmem:s14], [sflag:$0x5], $0x80, s25, s12, $0xb8;
	v63 =	vld [tilespmem:$0x0]  }
0x117: {  	_ =	swait.ge [sflag:s19], $0x3C00  }
0x118: {  	[sflag:s19] =	ssyncset.done $0x0  }
0x119: {  	[sflag:s19] =	ssyncadd.s32 $0xFFFFC400  }
0x11a: {  	[tilespmem:s14], [sflag:$0x2] =	stream.indirect.gather [hbm4b:s4+s12], $0x80, s26, s12, $0xb8;
	v63 =	vld [tilespmem:$0x0]  }
0x11b: {  	_ =	swait.ge [sflag:s20], $0x3C00  }
0x11c: {  	[sflag:s20] =	ssyncset.done $0x0  }
0x11d: {  	[sflag:s20] =	ssyncadd.s32 $0xFFFFC400  }
0x11e: {  	[spmem:s2] =	stream.indirect.scatter.add.f32 [tilespmem:s15], [sflag:$0x6], $0x80, s28, s12, $0xb8;
	v63 =	vld [tilespmem:$0x0]  }
0x11f: {  	_ =	swait.ge [sflag:s21], $0x3C00  }
0x120: {  	[sflag:s21] =	ssyncset.done $0x0  }
0x121: {  	[sflag:s21] =	ssyncadd.s32 $0xFFFFC400  }
0x122: {  	[tilespmem:s15], [sflag:$0x3] =	stream.indirect.gather [hbm4b:s4+s12], $0x80, s29, s12, $0xb8;
	v63 =	vld [tilespmem:$0x0]  }
0x123: {  	_ =	swait.ge [sflag:s16], $0x3C00  }
0x124: {  	[sflag:s16] =	ssyncset.done $0x0  }
0x125: {  	[sflag:s16] =	ssyncadd.s32 $0xFFFFC400  }
0x126: {  	[spmem:s2] =	stream.indirect.scatter.add.f32 [tilespmem:s13], [sflag:$0x4], $0x80, s30, s12, $0xb8;
	v63 =	vld [tilespmem:$0x0]  }
0x127: {  	_ =	swait.ge [sflag:s17], $0x3C00  }
0x128: {  	[sflag:s17] =	ssyncset.done $0x0  }
0x129: {  	[sflag:s17] =	ssyncadd.s32 $0xFFFFC400  }
0x12a: {  	[tilespmem:s13], [sflag:$0x1] =	stream.indirect.gather [hbm4b:s4+s12], $0x80, s31, s12, $0xb8;
	v63 =	vld [tilespmem:$0x0]  }
0x12b: {  	_ =	swait.ge [sflag:s18], $0x3C00  }
0x12c: {  	[sflag:s18] =	ssyncset.done $0x0  }
0x12d: {  	[sflag:s18] =	ssyncadd.s32 $0xFFFFC400  }
0x12e: {  	[spmem:s2] =	stream.indirect.scatter.add.f32 [tilespmem:s14], [sflag:$0x5], $0x80, s1, s12, $0xb8;
	v63 =	vld [tilespmem:$0x0]  }
0x12f: {  	_ =	swait.ge [sflag:s20], $0x3C00  }
0x130: {  	[sflag:s20] =	ssyncset.done $0x0  }
0x131: {  	[sflag:s20] =	ssyncadd.s32 $0xFFFFC400  }
0x132: {  	[spmem:s2] =	stream.indirect.scatter.add.f32 [tilespmem:s15], [sflag:$0x6], $0x80, s0, s12, $0xb8;
	v63 =	vld [tilespmem:$0x0]  }
0x133: {  	_ =	swait.ge [sflag:s16], $0x3C00  }
0x134: {  	[sflag:s16] =	ssyncset.done $0x0  }
0x135: {  	[sflag:s16] =	ssyncadd.s32 $0xFFFFC400  }
0x136: {  	[spmem:s2] =	stream.indirect.scatter.add.f32 [tilespmem:s13], [sflag:$0x4], $0x80, s5, s12, $0xb8;
	v63 =	vld [tilespmem:$0x0]  }
0x137: {  	_ =	swait.ge [sflag:s17], $0x3C00  }
0x138: {  	[sflag:s17] =	ssyncset.done $0x0  }
0x139: {  	p0 =	sne.s32 s6, $0xA00;
	[sflag:s17] =	ssyncadd.s32 $0xFFFFC400  }
.Ltmp0:
0x13a: {  	_ =	swait.ge [sflag:s19], $0x3C00;
	(pc) =	sbr.rel @p0 .LBB2_2-.Ltmp0, $4  }
0x13b: {  	[sflag:s19] =	ssyncset.done $0x0  }
0x13c: {  	[sflag:s19] =	ssyncadd.s32 $0xFFFFC400  }
0x13d: {  	_ =	swait.ge [sflag:s21], $0x3C00  }
0x13e: {  	s6 =	sadd.s32 $0x100, s6;
	s9 =	rddreg [dreg:$0x4];
	[sflag:s21] =	ssyncset.done $0x0  }
0x13f: {  	[sflag:s21] =	ssyncadd.s32 $0xFFFFC400;
	s6 =	sadd.s32 s8, s9  }
0x140: {  	[tilespmem:s3], [sflag:$0x7] =	stream.linear.gather [hbm4b:s6+s3], $0x800, $0x38;
	v63 =	vld [tilespmem:$0x0]  }
0x141: {  	_ =	swait.ge [sflag:s10], $0x800  }
0x142: {  	s7 =	rddreg [dreg:$0x3];
	[sflag:s10] =	ssyncset.done $0x0  }
0x143: {  	[sflag:s10] =	ssyncadd.s32 $0xFFFFF800;
	s6 =	sadd.s32 s8, s7  }
0x144: {  	[tilespmem:s11], [sflag:$0x7] =	stream.linear.gather [hbm4b:s6+s3], $0x800, $0x38;
	v63 =	vld [tilespmem:$0x0]  }
0x145: {  	_ =	swait.ge [sflag:s10], $0x800  }
0x146: {  	[sflag:s10] =	ssyncset.done $0x0  }
0x147: {  	[sflag:s10] =	ssyncadd.s32 $0xFFFFF800  }
0x148: {  	[tilespmem:s13], [sflag:$0x1] =	stream.indirect.gather [hbm4b:s4+s12], $0x80, s3, s12, $0xb8;
	v63 =	vld [tilespmem:$0x0]  }
0x149: {  	s9 =	rddreg [dreg:$0x5]  }
0x14a: {  	[tilespmem:s14], [sflag:$0x2] =	stream.indirect.gather [hbm4b:s4+s12], $0x80, s9, s12, $0xb8;
	v63 =	vld [tilespmem:$0x0]  }
0x14b: {  	s7 =	rddreg [dreg:$0x6]  }
0x14c: {  	[tilespmem:s15], [sflag:$0x3] =	stream.indirect.gather [hbm4b:s4+s12], $0x80, s7, s12, $0xb8;
	v63 =	vld [tilespmem:$0x0]  }
0x14d: {  	_ =	swait.ge [sflag:s16], $0x3C00  }
0x14e: {  	[sflag:s16] =	ssyncset.done $0x0  }
0x14f: {  	[sflag:s16] =	ssyncadd.s32 $0xFFFFC400  }
0x150: {  	[spmem:s2] =	stream.indirect.scatter.add.f32 [tilespmem:s13], [sflag:$0x4], $0x80, s11, s12, $0xb8;
	v63 =	vld [tilespmem:$0x0]  }
0x151: {  	_ =	swait.ge [sflag:s17], $0x3C00  }
0x152: {  	[sflag:s17] =	ssyncset.done $0x0  }
0x153: {  	s8 =	rddreg [dreg:$0x7];
	[sflag:s17] =	ssyncadd.s32 $0xFFFFC400  }
0x154: {  	[tilespmem:s13], [sflag:$0x1] =	stream.indirect.gather [hbm4b:s4+s12], $0x80, s8, s12, $0xb8;
	v63 =	vld [tilespmem:$0x0]  }
0x155: {  	_ =	swait.ge [sflag:s18], $0x3C00  }
0x156: {  	[sflag:s18] =	ssyncset.done $0x0  }
0x157: {  	s9 =	rddreg [dreg:$0x8];
	[sflag:s18] =	ssyncadd.s32 $0xFFFFC400  }
0x158: {  	[spmem:s2] =	stream.indirect.scatter.add.f32 [tilespmem:s14], [sflag:$0x5], $0x80, s9, s12, $0xb8;
	v63 =	vld [tilespmem:$0x0]  }
0x159: {  	_ =	swait.ge [sflag:s19], $0x3C00  }
0x15a: {  	[sflag:s19] =	ssyncset.done $0x0  }
0x15b: {  	s7 =	rddreg [dreg:$0x9];
	[sflag:s19] =	ssyncadd.s32 $0xFFFFC400  }
0x15c: {  	[tilespmem:s14], [sflag:$0x2] =	stream.indirect.gather [hbm4b:s4+s12], $0x80, s7, s12, $0xb8;
	v63 =	vld [tilespmem:$0x0]  }
0x15d: {  	_ =	swait.ge [sflag:s20], $0x3C00  }
0x15e: {  	[sflag:s20] =	ssyncset.done $0x0  }
0x15f: {  	s8 =	rddreg [dreg:$0xa];
	[sflag:s20] =	ssyncadd.s32 $0xFFFFC400  }
0x160: {  	[spmem:s2] =	stream.indirect.scatter.add.f32 [tilespmem:s15], [sflag:$0x6], $0x80, s8, s12, $0xb8;
	v63 =	vld [tilespmem:$0x0]  }
0x161: {  	_ =	swait.ge [sflag:s21], $0x3C00  }
0x162: {  	[sflag:s21] =	ssyncset.done $0x0  }
0x163: {  	s9 =	rddreg [dreg:$0xb];
	[sflag:s21] =	ssyncadd.s32 $0xFFFFC400  }
0x164: {  	[tilespmem:s15], [sflag:$0x3] =	stream.indirect.gather [hbm4b:s4+s12], $0x80, s9, s12, $0xb8;
	v63 =	vld [tilespmem:$0x0]  }
0x165: {  	_ =	swait.ge [sflag:s16], $0x3C00  }
0x166: {  	[sflag:s16] =	ssyncset.done $0x0  }
0x167: {  	s7 =	rddreg [dreg:$0xc];
	[sflag:s16] =	ssyncadd.s32 $0xFFFFC400  }
0x168: {  	[spmem:s2] =	stream.indirect.scatter.add.f32 [tilespmem:s13], [sflag:$0x4], $0x80, s7, s12, $0xb8;
	v63 =	vld [tilespmem:$0x0]  }
0x169: {  	_ =	swait.ge [sflag:s17], $0x3C00  }
0x16a: {  	[sflag:s17] =	ssyncset.done $0x0  }
0x16b: {  	s8 =	rddreg [dreg:$0xd];
	[sflag:s17] =	ssyncadd.s32 $0xFFFFC400  }
0x16c: {  	[tilespmem:s13], [sflag:$0x1] =	stream.indirect.gather [hbm4b:s4+s12], $0x80, s8, s12, $0xb8;
	v63 =	vld [tilespmem:$0x0]  }
0x16d: {  	_ =	swait.ge [sflag:s18], $0x3C00  }
0x16e: {  	[sflag:s18] =	ssyncset.done $0x0  }
0x16f: {  	s9 =	rddreg [dreg:$0xe];
	[sflag:s18] =	ssyncadd.s32 $0xFFFFC400  }
0x170: {  	[spmem:s2] =	stream.indirect.scatter.add.f32 [tilespmem:s14], [sflag:$0x5], $0x80, s9, s12, $0xb8;
	v63 =	vld [tilespmem:$0x0]  }
0x171: {  	_ =	swait.ge [sflag:s19], $0x3C00  }
0x172: {  	[sflag:s19] =	ssyncset.done $0x0  }
0x173: {  	s7 =	rddreg [dreg:$0xf];
	[sflag:s19] =	ssyncadd.s32 $0xFFFFC400  }
0x174: {  	[tilespmem:s14], [sflag:$0x2] =	stream.indirect.gather [hbm4b:s4+s12], $0x80, s7, s12, $0xb8;
	v63 =	vld [tilespmem:$0x0]  }
0x175: {  	_ =	swait.ge [sflag:s20], $0x3C00  }
0x176: {  	[sflag:s20] =	ssyncset.done $0x0  }
0x177: {  	s8 =	rddreg [dreg:$0x10];
	[sflag:s20] =	ssyncadd.s32 $0xFFFFC400  }
0x178: {  	[spmem:s2] =	stream.indirect.scatter.add.f32 [tilespmem:s15], [sflag:$0x6], $0x80, s8, s12, $0xb8;
	v63 =	vld [tilespmem:$0x0]  }
0x179: {  	_ =	swait.ge [sflag:s21], $0x3C00  }
0x17a: {  	[sflag:s21] =	ssyncset.done $0x0  }
0x17b: {  	s9 =	rddreg [dreg:$0x11];
	[sflag:s21] =	ssyncadd.s32 $0xFFFFC400  }
0x17c: {  	[tilespmem:s15], [sflag:$0x3] =	stream.indirect.gather [hbm4b:s4+s12], $0x80, s9, s12, $0xb8;
	v63 =	vld [tilespmem:$0x0]  }
0x17d: {  	_ =	swait.ge [sflag:s16], $0x3C00  }
0x17e: {  	[sflag:s16] =	ssyncset.done $0x0  }
0x17f: {  	s7 =	rddreg [dreg:$0x12];
	[sflag:s16] =	ssyncadd.s32 $0xFFFFC400  }
0x180: {  	[spmem:s2] =	stream.indirect.scatter.add.f32 [tilespmem:s13], [sflag:$0x4], $0x80, s7, s12, $0xb8;
	v63 =	vld [tilespmem:$0x0]  }
0x181: {  	_ =	swait.ge [sflag:s17], $0x3C00  }
0x182: {  	[sflag:s17] =	ssyncset.done $0x0  }
0x183: {  	s8 =	rddreg [dreg:$0x13];
	[sflag:s17] =	ssyncadd.s32 $0xFFFFC400  }
0x184: {  	[tilespmem:s13], [sflag:$0x1] =	stream.indirect.gather [hbm4b:s4+s12], $0x80, s8, s12, $0xb8;
	v63 =	vld [tilespmem:$0x0]  }
0x185: {  	_ =	swait.ge [sflag:s18], $0x3C00  }
0x186: {  	[sflag:s18] =	ssyncset.done $0x0  }
0x187: {  	s9 =	rddreg [dreg:$0x14];
	[sflag:s18] =	ssyncadd.s32 $0xFFFFC400  }
0x188: {  	[spmem:s2] =	stream.indirect.scatter.add.f32 [tilespmem:s14], [sflag:$0x5], $0x80, s9, s12, $0xb8;
	v63 =	vld [tilespmem:$0x0]  }
0x189: {  	_ =	swait.ge [sflag:s19], $0x3C00  }
0x18a: {  	[sflag:s19] =	ssyncset.done $0x0  }
0x18b: {  	s7 =	rddreg [dreg:$0x15];
	[sflag:s19] =	ssyncadd.s32 $0xFFFFC400  }
0x18c: {  	[tilespmem:s14], [sflag:$0x2] =	stream.indirect.gather [hbm4b:s4+s12], $0x80, s7, s12, $0xb8;
	v63 =	vld [tilespmem:$0x0]  }
0x18d: {  	_ =	swait.ge [sflag:s20], $0x3C00  }
0x18e: {  	[sflag:s20] =	ssyncset.done $0x0  }
0x18f: {  	s8 =	rddreg [dreg:$0x16];
	[sflag:s20] =	ssyncadd.s32 $0xFFFFC400  }
0x190: {  	[spmem:s2] =	stream.indirect.scatter.add.f32 [tilespmem:s15], [sflag:$0x6], $0x80, s8, s12, $0xb8;
	v63 =	vld [tilespmem:$0x0]  }
0x191: {  	_ =	swait.ge [sflag:s21], $0x3C00  }
0x192: {  	[sflag:s21] =	ssyncset.done $0x0  }
0x193: {  	[sflag:s21] =	ssyncadd.s32 $0xFFFFC400  }
0x194: {  	[tilespmem:s15], [sflag:$0x3] =	stream.indirect.gather [hbm4b:s4+s12], $0x80, s22, s12, $0xb8;
	v63 =	vld [tilespmem:$0x0]  }
0x195: {  	_ =	swait.ge [sflag:s16], $0x3C00  }
0x196: {  	[sflag:s16] =	ssyncset.done $0x0  }
0x197: {  	[sflag:s16] =	ssyncadd.s32 $0xFFFFC400  }
0x198: {  	[spmem:s2] =	stream.indirect.scatter.add.f32 [tilespmem:s13], [sflag:$0x4], $0x80, s23, s12, $0xb8;
	v63 =	vld [tilespmem:$0x0]  }
0x199: {  	_ =	swait.ge [sflag:s17], $0x3C00  }
0x19a: {  	[sflag:s17] =	ssyncset.done $0x0  }
0x19b: {  	[sflag:s17] =	ssyncadd.s32 $0xFFFFC400  }
0x19c: {  	[tilespmem:s13], [sflag:$0x1] =	stream.indirect.gather [hbm4b:s4+s12], $0x80, s24, s12, $0xb8;
	v63 =	vld [tilespmem:$0x0]  }
0x19d: {  	_ =	swait.ge [sflag:s18], $0x3C00  }
0x19e: {  	[sflag:s18] =	ssyncset.done $0x0  }
0x19f: {  	[sflag:s18] =	ssyncadd.s32 $0xFFFFC400  }
0x1a0: {  	[spmem:s2] =	stream.indirect.scatter.add.f32 [tilespmem:s14], [sflag:$0x5], $0x80, s25, s12, $0xb8;
	v63 =	vld [tilespmem:$0x0]  }
0x1a1: {  	_ =	swait.ge [sflag:s19], $0x3C00  }
0x1a2: {  	[sflag:s19] =	ssyncset.done $0x0  }
0x1a3: {  	[sflag:s19] =	ssyncadd.s32 $0xFFFFC400  }
0x1a4: {  	[tilespmem:s14], [sflag:$0x2] =	stream.indirect.gather [hbm4b:s4+s12], $0x80, s26, s12, $0xb8;
	v63 =	vld [tilespmem:$0x0]  }
0x1a5: {  	_ =	swait.ge [sflag:s20], $0x3C00  }
0x1a6: {  	[sflag:s20] =	ssyncset.done $0x0  }
0x1a7: {  	[sflag:s20] =	ssyncadd.s32 $0xFFFFC400  }
0x1a8: {  	[spmem:s2] =	stream.indirect.scatter.add.f32 [tilespmem:s15], [sflag:$0x6], $0x80, s28, s12, $0xb8;
	v63 =	vld [tilespmem:$0x0]  }
0x1a9: {  	_ =	swait.ge [sflag:s21], $0x3C00  }
0x1aa: {  	[sflag:s21] =	ssyncset.done $0x0  }
0x1ab: {  	[sflag:s21] =	ssyncadd.s32 $0xFFFFC400  }
0x1ac: {  	[tilespmem:s15], [sflag:$0x3] =	stream.indirect.gather [hbm4b:s4+s12], $0x80, s29, s12, $0xb8;
	v63 =	vld [tilespmem:$0x0]  }
0x1ad: {  	_ =	swait.ge [sflag:s16], $0x3C00  }
0x1ae: {  	[sflag:s16] =	ssyncset.done $0x0  }
0x1af: {  	[sflag:s16] =	ssyncadd.s32 $0xFFFFC400  }
0x1b0: {  	[spmem:s2] =	stream.indirect.scatter.add.f32 [tilespmem:s13], [sflag:$0x4], $0x80, s30, s12, $0xb8;
	v63 =	vld [tilespmem:$0x0]  }
0x1b1: {  	_ =	swait.ge [sflag:s17], $0x3C00  }
0x1b2: {  	[sflag:s17] =	ssyncset.done $0x0  }
0x1b3: {  	[sflag:s17] =	ssyncadd.s32 $0xFFFFC400  }
0x1b4: {  	[tilespmem:s13], [sflag:$0x1] =	stream.indirect.gather [hbm4b:s4+s12], $0x80, s31, s12, $0xb8;
	v63 =	vld [tilespmem:$0x0]  }
0x1b5: {  	_ =	swait.ge [sflag:s18], $0x3C00  }
0x1b6: {  	[sflag:s18] =	ssyncset.done $0x0  }
0x1b7: {  	[sflag:s18] =	ssyncadd.s32 $0xFFFFC400  }
0x1b8: {  	[spmem:s2] =	stream.indirect.scatter.add.f32 [tilespmem:s14], [sflag:$0x5], $0x80, s1, s12, $0xb8;
	v63 =	vld [tilespmem:$0x0]  }
0x1b9: {  	_ =	swait.ge [sflag:s20], $0x3C00  }
0x1ba: {  	[sflag:s20] =	ssyncset.done $0x0  }
0x1bb: {  	[sflag:s20] =	ssyncadd.s32 $0xFFFFC400  }
0x1bc: {  	[spmem:s2] =	stream.indirect.scatter.add.f32 [tilespmem:s15], [sflag:$0x6], $0x80, s0, s12, $0xb8;
	v63 =	vld [tilespmem:$0x0]  }
0x1bd: {  	_ =	swait.ge [sflag:s16], $0x3C00  }
0x1be: {  	[sflag:s16] =	ssyncset.done $0x0  }
0x1bf: {  	[sflag:s16] =	ssyncadd.s32 $0xFFFFC400  }
0x1c0: {  	[spmem:s2] =	stream.indirect.scatter.add.f32 [tilespmem:s13], [sflag:$0x4], $0x80, s5, s12, $0xb8;
	v63 =	vld [tilespmem:$0x0]  }
0x1c1: {  	_ =	swait.ge [sflag:s17], $0x3C00  }
0x1c2: {  	[sflag:s17] =	ssyncset.done $0x0  }
0x1c3: {  	[sflag:s17] =	ssyncadd.s32 $0xFFFFC400  }
0x1c4: {  	_ =	swait.ge [sflag:s19], $0x3C00  }
0x1c5: {  	[sflag:s19] =	ssyncset.done $0x0  }
0x1c6: {  	[sflag:s19] =	ssyncadd.s32 $0xFFFFC400  }
0x1c7: {  	_ =	swait.ge [sflag:s21], $0x3C00  }
0x1c8: {  	[sflag:s21] =	ssyncset.done $0x0  }
0x1c9: {  	[sflag:s21] =	ssyncadd.s32 $0xFFFFC400  }
0x1ca: {  	[bflag:$0x0] =	sbarrier.arrive $0xFFFF  }
0x1cb: {  	s7 =	rddreg [dreg:$0x18]  }
0x1cc: {  	s9 =	rddreg [dreg:$0x19]  }
0x1cd: {  	s8 =	rddreg [dreg:$0x1b]  }
0x1ce: {  	[hbm:s9], [sflag:s7] =	dma.local [spmem:s8], $0x2780  }
0x1cf: {  	_ =	swait.ge [sflag:s10], $0x2780  }
0x1d0: {  	s6 =	rddreg [dreg:$0x1c]  }
0x1d1: {  	s9 =	sadd.s32 $0x1, s6;
	s6 =	rddreg [dreg:$0x1a]  }
0x1d2: {  	p0 =	sne.s32 s9, s6  }
.Ltmp1:
0x1d3: {  	_ = 	snop;
	(pc) =	sbr.rel @p0 .LBB2_1-.Ltmp1, $3  }
0x1d4: {  	_ =	sdelay $0x1  }
0x1d5: {  	[sflag:s10] =	ssyncset.done $0x0  }
0x1d6: {  	[sflag:s10] =	ssyncadd.s32 $0xFFFFD880  }
0x1d7: {  	_ =	sfence.sel $0x180000  }
0x1d8: {  	[bflag:$0x0] =	sbarrier.arrive $0xFFFF  }
0x1d9: {  	_ =	strace $0x9000004D  }
0x1da: {  	s0 =	stileid.u32;
	[bflag:$0x2] =	sbarrier.arrive $0xFFFF  }
0x1db: {  	p0 =	sne.s32 s0, $0x0;
	s0 =	rddreg [dreg:$0x2]  }
0x1dc: {  	s0 =	sadd.s32 @!p0 $0x100000, s0  }
0x1dd: {  	[sflag:s0] =	ssyncadd.tile.s32 @!p0 $0x1;
	_ =	shalt  }
.Lfunc_end2:
_tile_overlayer_lowered:
.L_overlay_start_2:
0x1de: {  	(tag) =	ssettag $0x2  }
0x1df: {  	s0 =	rddreg [dreg:$0x0];
	s2 =	stileid.u32  }
0x1e0: {  	s1 =	rddreg [dreg:$0x1];
	p0 =	sne.s32 s2, $0x0  }
0x1e1: {  	s3 =	rddreg [dreg:$0x2];
	[bflag:$0x3] =	sbarrier.arrive $0xFFFF;
	s2 =	simm.s32 @!p0 $0x1C07  }
0x1e2: {  	[timem:s3], [sflag:s2] =	dma.local @!p0 [hbm:s0], s1  }
0x1e3: {  	s0 =	simm.s32 @!p0 $0x7  }
0x1e4: {  	_ =	swait.ge @!p0 [sflag:s0], s1  }
0x1e5: {  	s1 =	ssub.s32 @!p0 $0x0, s1;
	[sflag:s0] =	ssyncset.done @!p0 $0x0  }
0x1e6: {  	[sflag:s0] =	ssyncadd.s32 @!p0 s1  }
0x1e7: {  	[bflag:$0x3] =	sbarrier.arrive $0xFFFF  }
0x1e8: {  	_ =	shalt  }

</sc_bundles>
